<compile_context>
chip_gen: v7x
topology: tpu7x:2x2x1
jax: 0.10.2.dev20260603
libtpu: 0.0.44.dev20260713+nightly
codegen_flags: <defaults>
</compile_context>

<pallas_src>
import jax
import jax.numpy as jnp
from jax import lax
from jax.experimental import pallas as pl
from jax.experimental.pallas import tpu as pltpu
from jax.experimental.pallas import tpu_sc as plsc

NUM_NODES = 10000
MEM_DIM = 128
MSG_DIM = 128
EDGE_DIM = 16
ALPHA = 0.1
BATCH = 200
L = 16
NTILES = 16
ROW = MEM_DIM + L
ELEMS_PER_TILE = NUM_NODES * ROW // NTILES
EV = 3 * L
NSTAGE = 8
STAGE = 5624
NROUND = 16
TAIL = ELEMS_PER_TILE - NROUND * STAGE


def _sigmoid(x):
    return 1.0 / (1.0 + jnp.exp(-x))


def _tanh(x):
    return 2.0 / (1.0 + jnp.exp(-2.0 * x)) - 1.0


def _sc_body(ev_hbm, mem_hbm,
             w1s_hbm, w1d_hbm, w1e_hbm, b1_hbm,
             wih_hbm, bih_hbm, whh_hbm, bhh_hbm,
             mem_out,
             mem_sh, ev_sh, hx_sh,
             w1_loc, w1e_loc, bias_loc, wih_loc, whh_loc,
             row_loc, prev_loc, xch_loc, out_loc, t_loc, ev_loc, stage_loc,
             sem_a, sem_b):
    cid = lax.axis_index("c")
    sid = lax.axis_index("s")

    @pl.when(cid == 0)
    def _core0():
        side = sid // 8
        cgrp = sid % 8
        slot = 8 * side + cgrp

        @pl.when(sid == 0)
        def _():
            pltpu.sync_copy(ev_hbm, stage_loc.at[pl.ds(0, BATCH * EV)])
            pltpu.sync_copy(stage_loc.at[pl.ds(0, BATCH * EV)], ev_sh)

        base0 = sid * ELEMS_PER_TILE
        bufs = [stage_loc.at[pl.ds(0, STAGE)], stage_loc.at[pl.ds(STAGE, STAGE)]]
        sems = [sem_a, sem_b]
        pltpu.async_copy(mem_hbm.at[pl.ds(base0, STAGE)], bufs[0], sems[0])
        for r in range(NROUND):
            nxt = (r + 1) % 2
            if r + 1 < NROUND:
                noff = base0 + (r + 1) * STAGE
                pltpu.async_copy(mem_hbm.at[pl.ds(noff, STAGE)], bufs[nxt],
                                 sems[nxt])
            pltpu.make_async_copy(mem_hbm.at[pl.ds(base0 + r * STAGE, STAGE)],
                                  bufs[r % 2], sems[r % 2]).wait()
            pltpu.sync_copy(bufs[r % 2], mem_sh.at[pl.ds(base0 + r * STAGE, STAGE)])
        toff = base0 + NROUND * STAGE
        pltpu.sync_copy(mem_hbm.at[pl.ds(toff, TAIL)], stage_loc.at[pl.ds(0, TAIL)])
        pltpu.sync_copy(stage_loc.at[pl.ds(0, TAIL)], mem_sh.at[pl.ds(toff, TAIL)])

        @pl.when(side == 0)
        def _():
            pltpu.sync_copy(w1s_hbm.at[pl.ds(2048 * cgrp, 2048)], w1_loc)

        @pl.when(side == 1)
        def _():
            pltpu.sync_copy(w1d_hbm.at[pl.ds(2048 * cgrp, 2048)], w1_loc)

        pltpu.sync_copy(w1e_hbm.at[pl.ds(256 * cgrp, 256)], w1e_loc)
        pltpu.sync_copy(b1_hbm.at[pl.ds(L * cgrp, L)], bias_loc.at[pl.ds(0, L)])
        for m in range(3):
            pltpu.sync_copy(wih_hbm.at[pl.ds(2048 * (cgrp + 8 * m), 2048)],
                            wih_loc.at[pl.ds(2048 * m, 2048)])
            pltpu.sync_copy(whh_hbm.at[pl.ds(2048 * (cgrp + 8 * m), 2048)],
                            whh_loc.at[pl.ds(2048 * m, 2048)])
            pltpu.sync_copy(bih_hbm.at[pl.ds(L * (cgrp + 8 * m), L)],
                            bias_loc.at[pl.ds(L * (2 + m), L)])
            pltpu.sync_copy(bhh_hbm.at[pl.ds(L * (cgrp + 8 * m), L)],
                            bias_loc.at[pl.ds(L * (5 + m), L)])
        plsc.subcore_barrier()

        zero = jnp.zeros((L,), jnp.float32)

        def step(i, carry):
            pltpu.sync_copy(ev_sh.at[pl.ds(EV * i, EV)], ev_loc)
            sd = ev_loc[pl.ds(0, L)]
            tv = ev_loc[pl.ds(L, L)]
            s_sc = sd[0].astype(jnp.int32)
            d_sc = sd[1].astype(jnp.int32)
            n_sc = jnp.where(side == 0, s_sc, d_sc)

            pltpu.sync_copy(mem_sh.at[pl.ds(n_sc * ROW, ROW)], row_loc)
            luv = row_loc[pl.ds(MEM_DIM, L)]
            decay = jnp.exp(-ALPHA * jnp.maximum(tv - luv, 0.0))

            def pass1(j, car):
                gh0, gh1, gh2, hp = car
                xv = row_loc[pl.ds(L * j, L)] * decay
                prev_loc[pl.ds(L * j, L)] = xv
                for kk in range(L):
                    b = xv[kk]
                    off = L * (L * j + kk)
                    gh0 = gh0 + b * whh_loc[pl.ds(off, L)]
                    gh1 = gh1 + b * whh_loc[pl.ds(2048 + off, L)]
                    gh2 = gh2 + b * whh_loc[pl.ds(4096 + off, L)]
                    hp = hp + b * w1_loc[pl.ds(off, L)]
                return (gh0, gh1, gh2, hp)

            gh0, gh1, gh2, hp = lax.fori_loop(
                0, 8, pass1,
                (bias_loc[pl.ds(5 * L, L)], bias_loc[pl.ds(6 * L, L)],
                 bias_loc[pl.ds(7 * L, L)],
                 jnp.where(side == 0, bias_loc[pl.ds(0, L)], zero)))
            gh = [gh0, gh1, gh2]
            efv = ev_loc[pl.ds(2 * L, L)]
            efa = zero
            for kk in range(EDGE_DIM):
                efa = efa + efv[kk] * w1e_loc[pl.ds(L * kk, L)]
            hp = hp + jnp.where(side == 0, efa, zero)
            out_loc[...] = hp
            pltpu.sync_copy(out_loc, hx_sh.at[pl.ds(L * slot, L)])
            plsc.subcore_barrier()

            pltpu.sync_copy(hx_sh, xch_loc)

            def pass3(j, car):
                gi0, gi1, gi2 = car
                xv = jnp.maximum(xch_loc[pl.ds(L * j, L)]
                                 + xch_loc[pl.ds(MSG_DIM + L * j, L)], 0.0)
                for kk in range(L):
                    b = xv[kk]
                    off = L * (L * j + kk)
                    gi0 = gi0 + b * wih_loc[pl.ds(off, L)]
                    gi1 = gi1 + b * wih_loc[pl.ds(2048 + off, L)]
                    gi2 = gi2 + b * wih_loc[pl.ds(4096 + off, L)]
                return (gi0, gi1, gi2)

            gi = list(lax.fori_loop(
                0, 8, pass3,
                (bias_loc[pl.ds(2 * L, L)], bias_loc[pl.ds(3 * L, L)],
                 bias_loc[pl.ds(4 * L, L)])))
            r = _sigmoid(gi[0] + gh[0])
            z = _sigmoid(gi[1] + gh[1])
            n = _tanh(gi[2] + r * gh[2])
            pv = prev_loc[pl.ds(L * cgrp, L)]
            out_loc[...] = (1.0 - z) * n + z * pv
            t_loc[...] = tv

            @pl.when((side == 1) | (s_sc != d_sc))
            def _():
                pltpu.sync_copy(out_loc,
                                mem_sh.at[pl.ds(n_sc * ROW + L * cgrp, L)])

                @pl.when(cgrp == 0)
                def _():
                    pltpu.sync_copy(t_loc,
                                    mem_sh.at[pl.ds(n_sc * ROW + MEM_DIM, L)])

            plsc.subcore_barrier()
            return carry

        lax.fori_loop(0, BATCH, step, 0)

        base0 = sid * ELEMS_PER_TILE
        bufs = [stage_loc.at[pl.ds(0, STAGE)], stage_loc.at[pl.ds(STAGE, STAGE)]]
        sems = [sem_a, sem_b]
        pltpu.sync_copy(mem_sh.at[pl.ds(base0, STAGE)], bufs[0])
        pltpu.async_copy(bufs[0], mem_out.at[pl.ds(base0, STAGE)], sems[0])
        for r in range(1, NROUND):
            pltpu.sync_copy(mem_sh.at[pl.ds(base0 + r * STAGE, STAGE)],
                            bufs[r % 2])
            pltpu.make_async_copy(bufs[(r + 1) % 2],
                                  mem_out.at[pl.ds(base0 + (r - 1) * STAGE, STAGE)],
                                  sems[(r + 1) % 2]).wait()
            pltpu.async_copy(bufs[r % 2],
                             mem_out.at[pl.ds(base0 + r * STAGE, STAGE)],
                             sems[r % 2])
        pltpu.make_async_copy(bufs[(NROUND - 1) % 2],
                              mem_out.at[pl.ds(base0 + (NROUND - 1) * STAGE, STAGE)],
                              sems[(NROUND - 1) % 2]).wait()
        toff = base0 + NROUND * STAGE
        pltpu.sync_copy(mem_sh.at[pl.ds(toff, TAIL)], stage_loc.at[pl.ds(0, TAIL)])
        pltpu.sync_copy(stage_loc.at[pl.ds(0, TAIL)], mem_out.at[pl.ds(toff, TAIL)])


def _chunk_t(w, nch):
    return w.T.reshape(w.shape[1], nch, L).transpose(1, 0, 2).reshape(-1)


def kernel(src_nodes, dst_nodes, edge_feat, timestamps, memory, last_update,
           W_ih, W_hh, b_ih, b_hh, W1, b1, W2, b2):
    sd = jnp.zeros((BATCH, L), jnp.float32)
    sd = sd.at[:, 0].set(src_nodes.astype(jnp.float32))
    sd = sd.at[:, 1].set(dst_nodes.astype(jnp.float32))
    ev = jnp.concatenate(
        [sd, jnp.broadcast_to(timestamps[:, None], (BATCH, L)),
         edge_feat], axis=1).reshape(-1)
    mem_ext = jnp.concatenate(
        [memory, jnp.broadcast_to(last_update[:, None], (NUM_NODES, L))],
        axis=1).reshape(-1)

    mesh = plsc.VectorSubcoreMesh(core_axis_name="c", subcore_axis_name="s",
                                  num_cores=2, num_subcores=16)
    f32 = jnp.float32
    run = pl.kernel(
        _sc_body,
        out_type=jax.ShapeDtypeStruct((NUM_NODES * ROW,), f32),
        mesh=mesh,
        scratch_types=[
            pltpu.VMEM_SHARED((NUM_NODES * ROW,), f32),
            pltpu.VMEM_SHARED((BATCH * EV,), f32),
            pltpu.VMEM_SHARED((2 * MSG_DIM,), f32),
            pltpu.VMEM((MEM_DIM * L,), f32),
            pltpu.VMEM((EDGE_DIM * L,), f32),
            pltpu.VMEM((8 * L,), f32),
            pltpu.VMEM((3 * MSG_DIM * L,), f32),
            pltpu.VMEM((3 * MEM_DIM * L,), f32),
            pltpu.VMEM((ROW,), f32),
            pltpu.VMEM((MEM_DIM,), f32),
            pltpu.VMEM((2 * MSG_DIM,), f32),
            pltpu.VMEM((L,), f32),
            pltpu.VMEM((L,), f32),
            pltpu.VMEM((EV,), f32),
            pltpu.VMEM((2 * STAGE,), f32),
            pltpu.SemaphoreType.DMA,
            pltpu.SemaphoreType.DMA,
        ],
    )
    ext = run(
        ev, mem_ext,
        _chunk_t(W1[:, :MEM_DIM], 8), _chunk_t(W1[:, MEM_DIM:2 * MEM_DIM], 8),
        _chunk_t(W1[:, 2 * MEM_DIM:], 8), b1,
        _chunk_t(W_ih @ W2, 24), W_ih @ b2 + b_ih,
        _chunk_t(W_hh, 24), b_hh,
    ).reshape(NUM_NODES, ROW)
    return ext[:, :MEM_DIM], ext[:, MEM_DIM]

# --- scband reference (transcript-rebuilt; emitter-appended) ---
"""Pipeline reference for scband-source-based-tgnmemory-34565896798992 (READ-ONLY COPY).

The authoritative reference and input builder live on the scoring server;
editing this copy changes nothing except your own understanding.
"""

import jax, jax.numpy as jnp
import numpy as np

NUM_NODES = 10000
MEM_DIM = 128
MSG_DIM = 128
EDGE_DIM = 16
ALPHA = 0.1
BATCH = 200


def setup_inputs(seed: int = 0) -> dict:
    key = jax.random.key(seed)
    ks = jax.random.split(key, 12)
    src_nodes = jax.random.randint(ks[0], (BATCH,), 0, NUM_NODES)
    dst_nodes = jax.random.randint(ks[1], (BATCH,), 0, NUM_NODES)
    edge_feat = jax.random.normal(ks[2], (BATCH, EDGE_DIM), dtype=jnp.float32)
    timestamps = jnp.arange(BATCH, dtype=jnp.float32)
    memory = jax.random.normal(ks[3], (NUM_NODES, MEM_DIM), dtype=jnp.float32) * 0.1
    last_update = jnp.zeros((NUM_NODES,), dtype=jnp.float32)
    s = 1.0 / np.sqrt(MEM_DIM)
    W_ih = jax.random.uniform(ks[4], (3 * MEM_DIM, MSG_DIM), minval=-s, maxval=s, dtype=jnp.float32)
    W_hh = jax.random.uniform(ks[5], (3 * MEM_DIM, MEM_DIM), minval=-s, maxval=s, dtype=jnp.float32)
    b_ih = jax.random.uniform(ks[6], (3 * MEM_DIM,), minval=-s, maxval=s, dtype=jnp.float32)
    b_hh = jax.random.uniform(ks[7], (3 * MEM_DIM,), minval=-s, maxval=s, dtype=jnp.float32)
    in_dim = 2 * MEM_DIM + EDGE_DIM
    s1 = 1.0 / np.sqrt(in_dim)
    W1 = jax.random.uniform(ks[8], (MSG_DIM, in_dim), minval=-s1, maxval=s1, dtype=jnp.float32)
    b1 = jax.random.uniform(ks[9], (MSG_DIM,), minval=-s1, maxval=s1, dtype=jnp.float32)
    s2 = 1.0 / np.sqrt(MSG_DIM)
    W2 = jax.random.uniform(ks[10], (MSG_DIM, MSG_DIM), minval=-s2, maxval=s2, dtype=jnp.float32)
    b2 = jax.random.uniform(ks[11], (MSG_DIM,), minval=-s2, maxval=s2, dtype=jnp.float32)
    return {"src_nodes": src_nodes, "dst_nodes": dst_nodes, "edge_feat": edge_feat,
            "timestamps": timestamps, "memory": memory, "last_update": last_update,
            "W_ih": W_ih, "W_hh": W_hh, "b_ih": b_ih, "b_hh": b_hh,
            "W1": W1, "b1": b1, "W2": W2, "b2": b2}


def reference(src_nodes, dst_nodes, edge_feat, timestamps, memory, last_update,
              W_ih, W_hh, b_ih, b_hh, W1, b1, W2, b2):
    def gru_cell(x, h):
        gi = x @ W_ih.T + b_ih
        gh = h @ W_hh.T + b_hh
        i_r, i_z, i_n = jnp.split(gi, 3, axis=-1)
        h_r, h_z, h_n = jnp.split(gh, 3, axis=-1)
        r = jax.nn.sigmoid(i_r + h_r)
        z = jax.nn.sigmoid(i_z + h_z)
        n = jnp.tanh(i_n + r * h_n)
        return (1.0 - z) * n + z * h

    def step(carry, inp):
        mem, lu = carry
        s, d, ef, t = inp
        dt_s = jnp.maximum(t - lu[s], 0.0)
        dt_d = jnp.maximum(t - lu[d], 0.0)
        prev_s = mem[s] * jnp.exp(-ALPHA * dt_s)
        prev_d = mem[d] * jnp.exp(-ALPHA * dt_d)
        msg_in = jnp.concatenate([prev_s, prev_d, ef])
        h = jax.nn.relu(msg_in @ W1.T + b1)
        message = h @ W2.T + b2
        upd_s = gru_cell(message, prev_s)
        upd_d = gru_cell(message, prev_d)
        mem = mem.at[s].set(upd_s).at[d].set(upd_d)
        lu = lu.at[s].set(t).at[d].set(t)
        return (mem, lu), None

    (mem, lu), _ = jax.lax.scan(step, (memory, last_update),
                                (src_nodes, dst_nodes, edge_feat, timestamps))
    return mem, lu

if __name__ == "__main__":
    import jax
    _d = setup_inputs()
    print(jax.jit(kernel)(*tuple(_d.values())))

</pallas_src>

<mosaic_0001>
#map = affine_map<(d0, d1) -> (0)>
module attributes {stable_mosaic.version = 14 : i64} {
  func.func @_sc_body(%arg0: i32, %arg1: i32, %arg2: memref<9600xf32, #tpu.memory_space<hbm>>, %arg3: memref<1440000xf32, #tpu.memory_space<hbm>>, %arg4: memref<16384xf32, #tpu.memory_space<hbm>>, %arg5: memref<16384xf32, #tpu.memory_space<hbm>>, %arg6: memref<2048xf32, #tpu.memory_space<hbm>>, %arg7: memref<128xf32, #tpu.memory_space<hbm>>, %arg8: memref<49152xf32, #tpu.memory_space<hbm>>, %arg9: memref<384xf32, #tpu.memory_space<hbm>>, %arg10: memref<49152xf32, #tpu.memory_space<hbm>>, %arg11: memref<384xf32, #tpu.memory_space<hbm>>, %arg12: memref<1440000xf32, #tpu.memory_space<hbm>>, %arg13: memref<1440000xf32, #tpu.memory_space<vmem_shared>>, %arg14: memref<9600xf32, #tpu.memory_space<vmem_shared>>, %arg15: memref<256xf32, #tpu.memory_space<vmem_shared>>, %arg16: memref<2048xf32, #tpu.memory_space<vmem>>, %arg17: memref<256xf32, #tpu.memory_space<vmem>>, %arg18: memref<128xf32, #tpu.memory_space<vmem>>, %arg19: memref<6144xf32, #tpu.memory_space<vmem>>, %arg20: memref<6144xf32, #tpu.memory_space<vmem>>, %arg21: memref<144xf32, #tpu.memory_space<vmem>>, %arg22: memref<128xf32, #tpu.memory_space<vmem>>, %arg23: memref<256xf32, #tpu.memory_space<vmem>>, %arg24: memref<16xf32, #tpu.memory_space<vmem>>, %arg25: memref<16xf32, #tpu.memory_space<vmem>>, %arg26: memref<48xf32, #tpu.memory_space<vmem>>, %arg27: memref<11248xf32, #tpu.memory_space<vmem>>, %arg28: memref<!tpu.dma_semaphore, #tpu.memory_space<semaphore_mem>>, %arg29: memref<!tpu.dma_semaphore, #tpu.memory_space<semaphore_mem>>) attributes {dimension_semantics = [#tpu.dimension_semantics<core_parallel>, #tpu.dimension_semantics<subcore_parallel>], iteration_bounds = array<i64: 2, 16>, scalar_prefetch = 0 : i64, scratch_operands = 17 : i64, tpu.core_type = #tpu.core_type<sc_vector_subcore>, window_params = [{transform_indices = #map}, {transform_indices = #map}, {transform_indices = #map}, {transform_indices = #map}, {transform_indices = #map}, {transform_indices = #map}, {transform_indices = #map}, {transform_indices = #map}, {transform_indices = #map}, {transform_indices = #map}, {transform_indices = #map}]} {
    %eq3A = arith.constant 0 : i32
    %eq3A_0 = arith.cmpi eq, %arg0, %eq3A : i32
    %convert_element_type3A = arith.extui %eq3A_0 : i1 to i32
    %cond3A = arith.constant 0 : i32
    %cond3A_1 = arith.cmpi ne, %convert_element_type3A, %cond3A : i32
    scf.if %cond3A_1 {
      %jit3A = arith.constant 8 : i32
      %div3A = arith.divsi %arg1, %jit3A : i32
      %sign3A = arith.constant 0 : i32
      %sign3A_2 = arith.cmpi sgt, %arg1, %sign3A : i32
      %sign3A_3 = arith.extui %sign3A_2 : i1 to i32
      %sign3A_4 = arith.constant 0 : i32
      %sign3A_5 = arith.cmpi slt, %arg1, %sign3A_4 : i32
      %sign3A_6 = arith.extui %sign3A_5 : i1 to i32
      %sign3A_7 = arith.subi %sign3A_3, %sign3A_6 : i32
      %sign3A_8 = arith.constant 0 : i32
      %sign3A_9 = arith.cmpi sgt, %jit3A, %sign3A_8 : i32
      %sign3A_10 = arith.extui %sign3A_9 : i1 to i32
      %sign3A_11 = arith.constant 0 : i32
      %sign3A_12 = arith.cmpi slt, %jit3A, %sign3A_11 : i32
      %sign3A_13 = arith.extui %sign3A_12 : i1 to i32
      %sign3A_14 = arith.subi %sign3A_10, %sign3A_13 : i32
      %ne3A = arith.cmpi ne, %sign3A_7, %sign3A_14 : i32
      %rem3A = arith.remsi %arg1, %jit3A : i32
      %ne3A_15 = arith.constant 0 : i32
      %ne3A_16 = arith.cmpi ne, %rem3A, %ne3A_15 : i32
      %and3A = arith.andi %ne3A, %ne3A_16 : i1
      %sub3A = arith.constant 1 : i32
      %sub3A_17 = arith.subi %div3A, %sub3A : i32
      %select_n3A = arith.select %and3A, %sub3A_17, %div3A : i32
      %jit3A_18 = arith.constant 8 : i32
      %eq3A_19 = arith.constant 0 : i32
      %eq3A_20 = arith.cmpi eq, %jit3A_18, %eq3A_19 : i32
      %jit3A_21 = arith.constant 1 : i32
      %select_n3A_22 = arith.select %eq3A_20, %jit3A_21, %jit3A_18 : i32
      %rem3A_23 = arith.remsi %arg1, %select_n3A_22 : i32
      %ne3A_24 = arith.constant 0 : i32
      %ne3A_25 = arith.cmpi ne, %rem3A_23, %ne3A_24 : i32
      %lt3A = arith.constant 0 : i32
      %lt3A_26 = arith.cmpi slt, %rem3A_23, %lt3A : i32
      %lt3A_27 = arith.constant 0 : i32
      %lt3A_28 = arith.cmpi slt, %select_n3A_22, %lt3A_27 : i32
      %ne3A_29 = arith.xori %lt3A_26, %lt3A_28 : i1
      %and3A_30 = arith.andi %ne3A_29, %ne3A_25 : i1
      %add3A = arith.addi %rem3A_23, %select_n3A_22 : i32
      %select_n3A_31 = arith.select %and3A_30, %add3A, %rem3A_23 : i32
      %mul3A = arith.constant 8 : i32
      %mul3A_32 = arith.muli %mul3A, %select_n3A : i32
      %add3A_33 = arith.addi %mul3A_32, %select_n3A_31 : i32
      %eq3A_34 = arith.constant 0 : i32
      %eq3A_35 = arith.cmpi eq, %arg1, %eq3A_34 : i32
      %convert_element_type3A_36 = arith.extui %eq3A_35 : i1 to i32
      %cond3A_37 = arith.constant 0 : i32
      %cond3A_38 = arith.cmpi ne, %convert_element_type3A_36, %cond3A_37 : i32
      scf.if %cond3A_38 {
        "tpu.region"() ({
          %run_scoped3A = tpu.sem_alloc : memref<!tpu.dma_semaphore, #tpu.memory_space<semaphore_mem>>
          %dma_start3A_683 = arith.constant 0 : i32
          %dma_start3A_684 = tpu.memref_slice %arg27[%dma_start3A_683] : memref<11248xf32, #tpu.memory_space<vmem>> -> memref<9600xf32, #tpu.memory_space<vmem>>
          %dma_start3A_685 = arith.constant 0 : i32
          %dma_start3A_686 = tpu.memref_slice %arg27[%dma_start3A_685] : memref<11248xf32, #tpu.memory_space<vmem>> -> memref<9600xf32, #tpu.memory_space<vmem>>
          tpu.enqueue_dma source(%arg2 : memref<9600xf32, #tpu.memory_space<hbm>>) target(%dma_start3A_686 : memref<9600xf32, #tpu.memory_space<vmem>>) target_semaphore(%run_scoped3A : memref<!tpu.dma_semaphore, #tpu.memory_space<semaphore_mem>>)
          %dma_wait3A_687 = arith.constant 0 : i32
          %dma_wait3A_688 = tpu.memref_slice %arg27[%dma_wait3A_687] : memref<11248xf32, #tpu.memory_space<vmem>> -> memref<9600xf32, #tpu.memory_space<vmem>>
          %dma_wait3A_689 = arith.constant 0 : i32
          %dma_wait3A_690 = tpu.memref_slice %arg27[%dma_wait3A_689] : memref<11248xf32, #tpu.memory_space<vmem>> -> memref<9600xf32, #tpu.memory_space<vmem>>
          tpu.wait_dma2 semaphore(%run_scoped3A : memref<!tpu.dma_semaphore, #tpu.memory_space<semaphore_mem>>) src(%arg2 : memref<9600xf32, #tpu.memory_space<hbm>>) dst(%dma_wait3A_690 : memref<9600xf32, #tpu.memory_space<vmem>>)
          tpu.yield
        }) : () -> ()
        "tpu.region"() ({
          %run_scoped3A = tpu.sem_alloc : memref<!tpu.dma_semaphore, #tpu.memory_space<semaphore_mem>>
          %dma_start3A_683 = arith.constant 0 : i32
          %dma_start3A_684 = tpu.memref_slice %arg27[%dma_start3A_683] : memref<11248xf32, #tpu.memory_space<vmem>> -> memref<9600xf32, #tpu.memory_space<vmem>>
          %dma_start3A_685 = arith.constant 0 : i32
          %dma_start3A_686 = tpu.memref_slice %arg27[%dma_start3A_685] : memref<11248xf32, #tpu.memory_space<vmem>> -> memref<9600xf32, #tpu.memory_space<vmem>>
          tpu.enqueue_dma source(%dma_start3A_686 : memref<9600xf32, #tpu.memory_space<vmem>>) target(%arg14 : memref<9600xf32, #tpu.memory_space<vmem_shared>>) target_semaphore(%run_scoped3A : memref<!tpu.dma_semaphore, #tpu.memory_space<semaphore_mem>>)
          %dma_wait3A_687 = arith.constant 0 : i32
          %dma_wait3A_688 = tpu.memref_slice %arg27[%dma_wait3A_687] : memref<11248xf32, #tpu.memory_space<vmem>> -> memref<9600xf32, #tpu.memory_space<vmem>>
          %dma_wait3A_689 = arith.constant 0 : i32
          %dma_wait3A_690 = tpu.memref_slice %arg27[%dma_wait3A_689] : memref<11248xf32, #tpu.memory_space<vmem>> -> memref<9600xf32, #tpu.memory_space<vmem>>
          tpu.wait_dma2 semaphore(%run_scoped3A : memref<!tpu.dma_semaphore, #tpu.memory_space<semaphore_mem>>) src(%dma_wait3A_690 : memref<9600xf32, #tpu.memory_space<vmem>>) dst(%arg14 : memref<9600xf32, #tpu.memory_space<vmem_shared>>)
          tpu.yield
        }) : () -> ()
      } else {
      }
      %mul3A_39 = arith.constant 90000 : i32
      %mul3A_40 = arith.muli %arg1, %mul3A_39 : i32
      %dma_start3A = arith.constant 0 : i32
      %dma_start3A_41 = tpu.memref_slice %arg27[%dma_start3A] : memref<11248xf32, #tpu.memory_space<vmem>> -> memref<5624xf32, #tpu.memory_space<vmem>>
      %dma_start3A_42 = tpu.memref_slice %arg3[%mul3A_40] : memref<1440000xf32, #tpu.memory_space<hbm>> -> memref<5624xf32, #tpu.memory_space<hbm>>
      %dma_start3A_43 = arith.constant 0 : i32
      %dma_start3A_44 = tpu.memref_slice %arg27[%dma_start3A_43] : memref<11248xf32, #tpu.memory_space<vmem>> -> memref<5624xf32, #tpu.memory_space<vmem>>
      %dma_start3A_45 = tpu.memref_slice %arg3[%mul3A_40] : memref<1440000xf32, #tpu.memory_space<hbm>> -> memref<5624xf32, #tpu.memory_space<hbm>>
      tpu.enqueue_dma source(%dma_start3A_45 : memref<5624xf32, #tpu.memory_space<hbm>>) target(%dma_start3A_44 : memref<5624xf32, #tpu.memory_space<vmem>>) target_semaphore(%arg28 : memref<!tpu.dma_semaphore, #tpu.memory_space<semaphore_mem>>)
      %add3A_46 = arith.constant 5624 : i32
      %add3A_47 = arith.addi %mul3A_40, %add3A_46 : i32
      %dma_start3A_48 = arith.constant 5624 : i32
      %dma_start3A_49 = tpu.memref_slice %arg27[%dma_start3A_48] : memref<11248xf32, #tpu.memory_space<vmem>> -> memref<5624xf32, #tpu.memory_space<vmem>>
      %dma_start3A_50 = tpu.memref_slice %arg3[%add3A_47] : memref<1440000xf32, #tpu.memory_space<hbm>> -> memref<5624xf32, #tpu.memory_space<hbm>>
      %dma_start3A_51 = arith.constant 5624 : i32
      %dma_start3A_52 = tpu.memref_slice %arg27[%dma_start3A_51] : memref<11248xf32, #tpu.memory_space<vmem>> -> memref<5624xf32, #tpu.memory_space<vmem>>
      %dma_start3A_53 = tpu.memref_slice %arg3[%add3A_47] : memref<1440000xf32, #tpu.memory_space<hbm>> -> memref<5624xf32, #tpu.memory_space<hbm>>
      tpu.enqueue_dma source(%dma_start3A_53 : memref<5624xf32, #tpu.memory_space<hbm>>) target(%dma_start3A_52 : memref<5624xf32, #tpu.memory_space<vmem>>) target_semaphore(%arg29 : memref<!tpu.dma_semaphore, #tpu.memory_space<semaphore_mem>>)
      %add3A_54 = arith.constant 0 : i32
      %add3A_55 = arith.addi %mul3A_40, %add3A_54 : i32
      %dma_wait3A = arith.constant 0 : i32
      %dma_wait3A_56 = tpu.memref_slice %arg27[%dma_wait3A] : memref<11248xf32, #tpu.memory_space<vmem>> -> memref<5624xf32, #tpu.memory_space<vmem>>
      %dma_wait3A_57 = tpu.memref_slice %arg3[%add3A_55] : memref<1440000xf32, #tpu.memory_space<hbm>> -> memref<5624xf32, #tpu.memory_space<hbm>>
      %dma_wait3A_58 = arith.constant 0 : i32
      %dma_wait3A_59 = tpu.memref_slice %arg27[%dma_wait3A_58] : memref<11248xf32, #tpu.memory_space<vmem>> -> memref<5624xf32, #tpu.memory_space<vmem>>
      %dma_wait3A_60 = tpu.memref_slice %arg3[%add3A_55] : memref<1440000xf32, #tpu.memory_space<hbm>> -> memref<5624xf32, #tpu.memory_space<hbm>>
      tpu.wait_dma2 semaphore(%arg28 : memref<!tpu.dma_semaphore, #tpu.memory_space<semaphore_mem>>) src(%dma_wait3A_60 : memref<5624xf32, #tpu.memory_space<hbm>>) dst(%dma_wait3A_59 : memref<5624xf32, #tpu.memory_space<vmem>>)
      %add3A_61 = arith.constant 0 : i32
      %add3A_62 = arith.addi %mul3A_40, %add3A_61 : i32
      "tpu.region"() ({
        %run_scoped3A = tpu.sem_alloc : memref<!tpu.dma_semaphore, #tpu.memory_space<semaphore_mem>>
        %dma_start3A_683 = arith.constant 0 : i32
        %dma_start3A_684 = tpu.memref_slice %arg27[%dma_start3A_683] : memref<11248xf32, #tpu.memory_space<vmem>> -> memref<5624xf32, #tpu.memory_space<vmem>>
        %dma_start3A_685 = tpu.memref_slice %arg13[%add3A_62] : memref<1440000xf32, #tpu.memory_space<vmem_shared>> -> memref<5624xf32, #tpu.memory_space<vmem_shared>>
        %dma_start3A_686 = tpu.memref_slice %arg13[%add3A_62] : memref<1440000xf32, #tpu.memory_space<vmem_shared>> -> memref<5624xf32, #tpu.memory_space<vmem_shared>>
        %dma_start3A_687 = arith.constant 0 : i32
        %dma_start3A_688 = tpu.memref_slice %arg27[%dma_start3A_687] : memref<11248xf32, #tpu.memory_space<vmem>> -> memref<5624xf32, #tpu.memory_space<vmem>>
        tpu.enqueue_dma source(%dma_start3A_688 : memref<5624xf32, #tpu.memory_space<vmem>>) target(%dma_start3A_686 : memref<5624xf32, #tpu.memory_space<vmem_shared>>) target_semaphore(%run_scoped3A : memref<!tpu.dma_semaphore, #tpu.memory_space<semaphore_mem>>)
        %dma_wait3A_689 = arith.constant 0 : i32
        %dma_wait3A_690 = tpu.memref_slice %arg27[%dma_wait3A_689] : memref<11248xf32, #tpu.memory_space<vmem>> -> memref<5624xf32, #tpu.memory_space<vmem>>
        %dma_wait3A_691 = tpu.memref_slice %arg13[%add3A_62] : memref<1440000xf32, #tpu.memory_space<vmem_shared>> -> memref<5624xf32, #tpu.memory_space<vmem_shared>>
        %dma_wait3A_692 = tpu.memref_slice %arg13[%add3A_62] : memref<1440000xf32, #tpu.memory_space<vmem_shared>> -> memref<5624xf32, #tpu.memory_space<vmem_shared>>
        %dma_wait3A_693 = arith.constant 0 : i32
        %dma_wait3A_694 = tpu.memref_slice %arg27[%dma_wait3A_693] : memref<11248xf32, #tpu.memory_space<vmem>> -> memref<5624xf32, #tpu.memory_space<vmem>>
        tpu.wait_dma2 semaphore(%run_scoped3A : memref<!tpu.dma_semaphore, #tpu.memory_space<semaphore_mem>>) src(%dma_wait3A_694 : memref<5624xf32, #tpu.memory_space<vmem>>) dst(%dma_wait3A_692 : memref<5624xf32, #tpu.memory_space<vmem_shared>>)
        tpu.yield
      }) : () -> ()
      %add3A_63 = arith.constant 11248 : i32
      %add3A_64 = arith.addi %mul3A_40, %add3A_63 : i32
      %dma_start3A_65 = arith.constant 0 : i32
      %dma_start3A_66 = tpu.memref_slice %arg27[%dma_start3A_65] : memref<11248xf32, #tpu.memory_space<vmem>> -> memref<5624xf32, #tpu.memory_space<vmem>>
      %dma_start3A_67 = tpu.memref_slice %arg3[%add3A_64] : memref<1440000xf32, #tpu.memory_space<hbm>> -> memref<5624xf32, #tpu.memory_space<hbm>>
      %dma_start3A_68 = arith.constant 0 : i32
      %dma_start3A_69 = tpu.memref_slice %arg27[%dma_start3A_68] : memref<11248xf32, #tpu.memory_space<vmem>> -> memref<5624xf32, #tpu.memory_space<vmem>>
      %dma_start3A_70 = tpu.memref_slice %arg3[%add3A_64] : memref<1440000xf32, #tpu.memory_space<hbm>> -> memref<5624xf32, #tpu.memory_space<hbm>>
      tpu.enqueue_dma source(%dma_start3A_70 : memref<5624xf32, #tpu.memory_space<hbm>>) target(%dma_start3A_69 : memref<5624xf32, #tpu.memory_space<vmem>>) target_semaphore(%arg28 : memref<!tpu.dma_semaphore, #tpu.memory_space<semaphore_mem>>)
      %add3A_71 = arith.constant 5624 : i32
      %add3A_72 = arith.addi %mul3A_40, %add3A_71 : i32
      %dma_wait3A_73 = arith.constant 5624 : i32
      %dma_wait3A_74 = tpu.memref_slice %arg27[%dma_wait3A_73] : memref<11248xf32, #tpu.memory_space<vmem>> -> memref<5624xf32, #tpu.memory_space<vmem>>
      %dma_wait3A_75 = tpu.memref_slice %arg3[%add3A_72] : memref<1440000xf32, #tpu.memory_space<hbm>> -> memref<5624xf32, #tpu.memory_space<hbm>>
      %dma_wait3A_76 = arith.constant 5624 : i32
      %dma_wait3A_77 = tpu.memref_slice %arg27[%dma_wait3A_76] : memref<11248xf32, #tpu.memory_space<vmem>> -> memref<5624xf32, #tpu.memory_space<vmem>>
      %dma_wait3A_78 = tpu.memref_slice %arg3[%add3A_72] : memref<1440000xf32, #tpu.memory_space<hbm>> -> memref<5624xf32, #tpu.memory_space<hbm>>
      tpu.wait_dma2 semaphore(%arg29 : memref<!tpu.dma_semaphore, #tpu.memory_space<semaphore_mem>>) src(%dma_wait3A_78 : memref<5624xf32, #tpu.memory_space<hbm>>) dst(%dma_wait3A_77 : memref<5624xf32, #tpu.memory_space<vmem>>)
      %add3A_79 = arith.constant 5624 : i32
      %add3A_80 = arith.addi %mul3A_40, %add3A_79 : i32
      "tpu.region"() ({
        %run_scoped3A = tpu.sem_alloc : memref<!tpu.dma_semaphore, #tpu.memory_space<semaphore_mem>>
        %dma_start3A_683 = arith.constant 5624 : i32
        %dma_start3A_684 = tpu.memref_slice %arg27[%dma_start3A_683] : memref<11248xf32, #tpu.memory_space<vmem>> -> memref<5624xf32, #tpu.memory_space<vmem>>
        %dma_start3A_685 = tpu.memref_slice %arg13[%add3A_80] : memref<1440000xf32, #tpu.memory_space<vmem_shared>> -> memref<5624xf32, #tpu.memory_space<vmem_shared>>
        %dma_start3A_686 = tpu.memref_slice %arg13[%add3A_80] : memref<1440000xf32, #tpu.memory_space<vmem_shared>> -> memref<5624xf32, #tpu.memory_space<vmem_shared>>
        %dma_start3A_687 = arith.constant 5624 : i32
        %dma_start3A_688 = tpu.memref_slice %arg27[%dma_start3A_687] : memref<11248xf32, #tpu.memory_space<vmem>> -> memref<5624xf32, #tpu.memory_space<vmem>>
        tpu.enqueue_dma source(%dma_start3A_688 : memref<5624xf32, #tpu.memory_space<vmem>>) target(%dma_start3A_686 : memref<5624xf32, #tpu.memory_space<vmem_shared>>) target_semaphore(%run_scoped3A : memref<!tpu.dma_semaphore, #tpu.memory_space<semaphore_mem>>)
        %dma_wait3A_689 = arith.constant 5624 : i32
        %dma_wait3A_690 = tpu.memref_slice %arg27[%dma_wait3A_689] : memref<11248xf32, #tpu.memory_space<vmem>> -> memref<5624xf32, #tpu.memory_space<vmem>>
        %dma_wait3A_691 = tpu.memref_slice %arg13[%add3A_80] : memref<1440000xf32, #tpu.memory_space<vmem_shared>> -> memref<5624xf32, #tpu.memory_space<vmem_shared>>
        %dma_wait3A_692 = tpu.memref_slice %arg13[%add3A_80] : memref<1440000xf32, #tpu.memory_space<vmem_shared>> -> memref<5624xf32, #tpu.memory_space<vmem_shared>>
        %dma_wait3A_693 = arith.constant 5624 : i32
        %dma_wait3A_694 = tpu.memref_slice %arg27[%dma_wait3A_693] : memref<11248xf32, #tpu.memory_space<vmem>> -> memref<5624xf32, #tpu.memory_space<vmem>>
        tpu.wait_dma2 semaphore(%run_scoped3A : memref<!tpu.dma_semaphore, #tpu.memory_space<semaphore_mem>>) src(%dma_wait3A_694 : memref<5624xf32, #tpu.memory_space<vmem>>) dst(%dma_wait3A_692 : memref<5624xf32, #tpu.memory_space<vmem_shared>>)
        tpu.yield
      }) : () -> ()
      %add3A_81 = arith.constant 16872 : i32
      %add3A_82 = arith.addi %mul3A_40, %add3A_81 : i32
      %dma_start3A_83 = arith.constant 5624 : i32
      %dma_start3A_84 = tpu.memref_slice %arg27[%dma_start3A_83] : memref<11248xf32, #tpu.memory_space<vmem>> -> memref<5624xf32, #tpu.memory_space<vmem>>
      %dma_start3A_85 = tpu.memref_slice %arg3[%add3A_82] : memref<1440000xf32, #tpu.memory_space<hbm>> -> memref<5624xf32, #tpu.memory_space<hbm>>
      %dma_start3A_86 = arith.constant 5624 : i32
      %dma_start3A_87 = tpu.memref_slice %arg27[%dma_start3A_86] : memref<11248xf32, #tpu.memory_space<vmem>> -> memref<5624xf32, #tpu.memory_space<vmem>>
      %dma_start3A_88 = tpu.memref_slice %arg3[%add3A_82] : memref<1440000xf32, #tpu.memory_space<hbm>> -> memref<5624xf32, #tpu.memory_space<hbm>>
      tpu.enqueue_dma source(%dma_start3A_88 : memref<5624xf32, #tpu.memory_space<hbm>>) target(%dma_start3A_87 : memref<5624xf32, #tpu.memory_space<vmem>>) target_semaphore(%arg29 : memref<!tpu.dma_semaphore, #tpu.memory_space<semaphore_mem>>)
      %add3A_89 = arith.constant 11248 : i32
      %add3A_90 = arith.addi %mul3A_40, %add3A_89 : i32
      %dma_wait3A_91 = arith.constant 0 : i32
      %dma_wait3A_92 = tpu.memref_slice %arg27[%dma_wait3A_91] : memref<11248xf32, #tpu.memory_space<vmem>> -> memref<5624xf32, #tpu.memory_space<vmem>>
      %dma_wait3A_93 = tpu.memref_slice %arg3[%add3A_90] : memref<1440000xf32, #tpu.memory_space<hbm>> -> memref<5624xf32, #tpu.memory_space<hbm>>
      %dma_wait3A_94 = arith.constant 0 : i32
      %dma_wait3A_95 = tpu.memref_slice %arg27[%dma_wait3A_94] : memref<11248xf32, #tpu.memory_space<vmem>> -> memref<5624xf32, #tpu.memory_space<vmem>>
      %dma_wait3A_96 = tpu.memref_slice %arg3[%add3A_90] : memref<1440000xf32, #tpu.memory_space<hbm>> -> memref<5624xf32, #tpu.memory_space<hbm>>
      tpu.wait_dma2 semaphore(%arg28 : memref<!tpu.dma_semaphore, #tpu.memory_space<semaphore_mem>>) src(%dma_wait3A_96 : memref<5624xf32, #tpu.memory_space<hbm>>) dst(%dma_wait3A_95 : memref<5624xf32, #tpu.memory_space<vmem>>)
      %add3A_97 = arith.constant 11248 : i32
      %add3A_98 = arith.addi %mul3A_40, %add3A_97 : i32
      "tpu.region"() ({
        %run_scoped3A = tpu.sem_alloc : memref<!tpu.dma_semaphore, #tpu.memory_space<semaphore_mem>>
        %dma_start3A_683 = arith.constant 0 : i32
        %dma_start3A_684 = tpu.memref_slice %arg27[%dma_start3A_683] : memref<11248xf32, #tpu.memory_space<vmem>> -> memref<5624xf32, #tpu.memory_space<vmem>>
        %dma_start3A_685 = tpu.memref_slice %arg13[%add3A_98] : memref<1440000xf32, #tpu.memory_space<vmem_shared>> -> memref<5624xf32, #tpu.memory_space<vmem_shared>>
        %dma_start3A_686 = tpu.memref_slice %arg13[%add3A_98] : memref<1440000xf32, #tpu.memory_space<vmem_shared>> -> memref<5624xf32, #tpu.memory_space<vmem_shared>>
        %dma_start3A_687 = arith.constant 0 : i32
        %dma_start3A_688 = tpu.memref_slice %arg27[%dma_start3A_687] : memref<11248xf32, #tpu.memory_space<vmem>> -> memref<5624xf32, #tpu.memory_space<vmem>>
        tpu.enqueue_dma source(%dma_start3A_688 : memref<5624xf32, #tpu.memory_space<vmem>>) target(%dma_start3A_686 : memref<5624xf32, #tpu.memory_space<vmem_shared>>) target_semaphore(%run_scoped3A : memref<!tpu.dma_semaphore, #tpu.memory_space<semaphore_mem>>)
        %dma_wait3A_689 = arith.constant 0 : i32
        %dma_wait3A_690 = tpu.memref_slice %arg27[%dma_wait3A_689] : memref<11248xf32, #tpu.memory_space<vmem>> -> memref<5624xf32, #tpu.memory_space<vmem>>
        %dma_wait3A_691 = tpu.memref_slice %arg13[%add3A_98] : memref<1440000xf32, #tpu.memory_space<vmem_shared>> -> memref<5624xf32, #tpu.memory_space<vmem_shared>>
        %dma_wait3A_692 = tpu.memref_slice %arg13[%add3A_98] : memref<1440000xf32, #tpu.memory_space<vmem_shared>> -> memref<5624xf32, #tpu.memory_space<vmem_shared>>
        %dma_wait3A_693 = arith.constant 0 : i32
        %dma_wait3A_694 = tpu.memref_slice %arg27[%dma_wait3A_693] : memref<11248xf32, #tpu.memory_space<vmem>> -> memref<5624xf32, #tpu.memory_space<vmem>>
        tpu.wait_dma2 semaphore(%run_scoped3A : memref<!tpu.dma_semaphore, #tpu.memory_space<semaphore_mem>>) src(%dma_wait3A_694 : memref<5624xf32, #tpu.memory_space<vmem>>) dst(%dma_wait3A_692 : memref<5624xf32, #tpu.memory_space<vmem_shared>>)
        tpu.yield
      }) : () -> ()
      %add3A_99 = arith.constant 22496 : i32
      %add3A_100 = arith.addi %mul3A_40, %add3A_99 : i32
      %dma_start3A_101 = arith.constant 0 : i32
      %dma_start3A_102 = tpu.memref_slice %arg27[%dma_start3A_101] : memref<11248xf32, #tpu.memory_space<vmem>> -> memref<5624xf32, #tpu.memory_space<vmem>>
      %dma_start3A_103 = tpu.memref_slice %arg3[%add3A_100] : memref<1440000xf32, #tpu.memory_space<hbm>> -> memref<5624xf32, #tpu.memory_space<hbm>>
      %dma_start3A_104 = arith.constant 0 : i32
      %dma_start3A_105 = tpu.memref_slice %arg27[%dma_start3A_104] : memref<11248xf32, #tpu.memory_space<vmem>> -> memref<5624xf32, #tpu.memory_space<vmem>>
      %dma_start3A_106 = tpu.memref_slice %arg3[%add3A_100] : memref<1440000xf32, #tpu.memory_space<hbm>> -> memref<5624xf32, #tpu.memory_space<hbm>>
      tpu.enqueue_dma source(%dma_start3A_106 : memref<5624xf32, #tpu.memory_space<hbm>>) target(%dma_start3A_105 : memref<5624xf32, #tpu.memory_space<vmem>>) target_semaphore(%arg28 : memref<!tpu.dma_semaphore, #tpu.memory_space<semaphore_mem>>)
      %add3A_107 = arith.constant 16872 : i32
      %add3A_108 = arith.addi %mul3A_40, %add3A_107 : i32
      %dma_wait3A_109 = arith.constant 5624 : i32
      %dma_wait3A_110 = tpu.memref_slice %arg27[%dma_wait3A_109] : memref<11248xf32, #tpu.memory_space<vmem>> -> memref<5624xf32, #tpu.memory_space<vmem>>
      %dma_wait3A_111 = tpu.memref_slice %arg3[%add3A_108] : memref<1440000xf32, #tpu.memory_space<hbm>> -> memref<5624xf32, #tpu.memory_space<hbm>>
      %dma_wait3A_112 = arith.constant 5624 : i32
      %dma_wait3A_113 = tpu.memref_slice %arg27[%dma_wait3A_112] : memref<11248xf32, #tpu.memory_space<vmem>> -> memref<5624xf32, #tpu.memory_space<vmem>>
      %dma_wait3A_114 = tpu.memref_slice %arg3[%add3A_108] : memref<1440000xf32, #tpu.memory_space<hbm>> -> memref<5624xf32, #tpu.memory_space<hbm>>
      tpu.wait_dma2 semaphore(%arg29 : memref<!tpu.dma_semaphore, #tpu.memory_space<semaphore_mem>>) src(%dma_wait3A_114 : memref<5624xf32, #tpu.memory_space<hbm>>) dst(%dma_wait3A_113 : memref<5624xf32, #tpu.memory_space<vmem>>)
      %add3A_115 = arith.constant 16872 : i32
      %add3A_116 = arith.addi %mul3A_40, %add3A_115 : i32
      "tpu.region"() ({
        %run_scoped3A = tpu.sem_alloc : memref<!tpu.dma_semaphore, #tpu.memory_space<semaphore_mem>>
        %dma_start3A_683 = arith.constant 5624 : i32
        %dma_start3A_684 = tpu.memref_slice %arg27[%dma_start3A_683] : memref<11248xf32, #tpu.memory_space<vmem>> -> memref<5624xf32, #tpu.memory_space<vmem>>
        %dma_start3A_685 = tpu.memref_slice %arg13[%add3A_116] : memref<1440000xf32, #tpu.memory_space<vmem_shared>> -> memref<5624xf32, #tpu.memory_space<vmem_shared>>
        %dma_start3A_686 = tpu.memref_slice %arg13[%add3A_116] : memref<1440000xf32, #tpu.memory_space<vmem_shared>> -> memref<5624xf32, #tpu.memory_space<vmem_shared>>
        %dma_start3A_687 = arith.constant 5624 : i32
        %dma_start3A_688 = tpu.memref_slice %arg27[%dma_start3A_687] : memref<11248xf32, #tpu.memory_space<vmem>> -> memref<5624xf32, #tpu.memory_space<vmem>>
        tpu.enqueue_dma source(%dma_start3A_688 : memref<5624xf32, #tpu.memory_space<vmem>>) target(%dma_start3A_686 : memref<5624xf32, #tpu.memory_space<vmem_shared>>) target_semaphore(%run_scoped3A : memref<!tpu.dma_semaphore, #tpu.memory_space<semaphore_mem>>)
        %dma_wait3A_689 = arith.constant 5624 : i32
        %dma_wait3A_690 = tpu.memref_slice %arg27[%dma_wait3A_689] : memref<11248xf32, #tpu.memory_space<vmem>> -> memref<5624xf32, #tpu.memory_space<vmem>>
        %dma_wait3A_691 = tpu.memref_slice %arg13[%add3A_116] : memref<1440000xf32, #tpu.memory_space<vmem_shared>> -> memref<5624xf32, #tpu.memory_space<vmem_shared>>
        %dma_wait3A_692 = tpu.memref_slice %arg13[%add3A_116] : memref<1440000xf32, #tpu.memory_space<vmem_shared>> -> memref<5624xf32, #tpu.memory_space<vmem_shared>>
        %dma_wait3A_693 = arith.constant 5624 : i32
        %dma_wait3A_694 = tpu.memref_slice %arg27[%dma_wait3A_693] : memref<11248xf32, #tpu.memory_space<vmem>> -> memref<5624xf32, #tpu.memory_space<vmem>>
        tpu.wait_dma2 semaphore(%run_scoped3A : memref<!tpu.dma_semaphore, #tpu.memory_space<semaphore_mem>>) src(%dma_wait3A_694 : memref<5624xf32, #tpu.memory_space<vmem>>) dst(%dma_wait3A_692 : memref<5624xf32, #tpu.memory_space<vmem_shared>>)
        tpu.yield
      }) : () -> ()
      %add3A_117 = arith.constant 28120 : i32
      %add3A_118 = arith.addi %mul3A_40, %add3A_117 : i32
      %dma_start3A_119 = arith.constant 5624 : i32
      %dma_start3A_120 = tpu.memref_slice %arg27[%dma_start3A_119] : memref<11248xf32, #tpu.memory_space<vmem>> -> memref<5624xf32, #tpu.memory_space<vmem>>
      %dma_start3A_121 = tpu.memref_slice %arg3[%add3A_118] : memref<1440000xf32, #tpu.memory_space<hbm>> -> memref<5624xf32, #tpu.memory_space<hbm>>
      %dma_start3A_122 = arith.constant 5624 : i32
      %dma_start3A_123 = tpu.memref_slice %arg27[%dma_start3A_122] : memref<11248xf32, #tpu.memory_space<vmem>> -> memref<5624xf32, #tpu.memory_space<vmem>>
      %dma_start3A_124 = tpu.memref_slice %arg3[%add3A_118] : memref<1440000xf32, #tpu.memory_space<hbm>> -> memref<5624xf32, #tpu.memory_space<hbm>>
      tpu.enqueue_dma source(%dma_start3A_124 : memref<5624xf32, #tpu.memory_space<hbm>>) target(%dma_start3A_123 : memref<5624xf32, #tpu.memory_space<vmem>>) target_semaphore(%arg29 : memref<!tpu.dma_semaphore, #tpu.memory_space<semaphore_mem>>)
      %add3A_125 = arith.constant 22496 : i32
      %add3A_126 = arith.addi %mul3A_40, %add3A_125 : i32
      %dma_wait3A_127 = arith.constant 0 : i32
      %dma_wait3A_128 = tpu.memref_slice %arg27[%dma_wait3A_127] : memref<11248xf32, #tpu.memory_space<vmem>> -> memref<5624xf32, #tpu.memory_space<vmem>>
      %dma_wait3A_129 = tpu.memref_slice %arg3[%add3A_126] : memref<1440000xf32, #tpu.memory_space<hbm>> -> memref<5624xf32, #tpu.memory_space<hbm>>
      %dma_wait3A_130 = arith.constant 0 : i32
      %dma_wait3A_131 = tpu.memref_slice %arg27[%dma_wait3A_130] : memref<11248xf32, #tpu.memory_space<vmem>> -> memref<5624xf32, #tpu.memory_space<vmem>>
      %dma_wait3A_132 = tpu.memref_slice %arg3[%add3A_126] : memref<1440000xf32, #tpu.memory_space<hbm>> -> memref<5624xf32, #tpu.memory_space<hbm>>
      tpu.wait_dma2 semaphore(%arg28 : memref<!tpu.dma_semaphore, #tpu.memory_space<semaphore_mem>>) src(%dma_wait3A_132 : memref<5624xf32, #tpu.memory_space<hbm>>) dst(%dma_wait3A_131 : memref<5624xf32, #tpu.memory_space<vmem>>)
      %add3A_133 = arith.constant 22496 : i32
      %add3A_134 = arith.addi %mul3A_40, %add3A_133 : i32
      "tpu.region"() ({
        %run_scoped3A = tpu.sem_alloc : memref<!tpu.dma_semaphore, #tpu.memory_space<semaphore_mem>>
        %dma_start3A_683 = arith.constant 0 : i32
        %dma_start3A_684 = tpu.memref_slice %arg27[%dma_start3A_683] : memref<11248xf32, #tpu.memory_space<vmem>> -> memref<5624xf32, #tpu.memory_space<vmem>>
        %dma_start3A_685 = tpu.memref_slice %arg13[%add3A_134] : memref<1440000xf32, #tpu.memory_space<vmem_shared>> -> memref<5624xf32, #tpu.memory_space<vmem_shared>>
        %dma_start3A_686 = tpu.memref_slice %arg13[%add3A_134] : memref<1440000xf32, #tpu.memory_space<vmem_shared>> -> memref<5624xf32, #tpu.memory_space<vmem_shared>>
        %dma_start3A_687 = arith.constant 0 : i32
        %dma_start3A_688 = tpu.memref_slice %arg27[%dma_start3A_687] : memref<11248xf32, #tpu.memory_space<vmem>> -> memref<5624xf32, #tpu.memory_space<vmem>>
        tpu.enqueue_dma source(%dma_start3A_688 : memref<5624xf32, #tpu.memory_space<vmem>>) target(%dma_start3A_686 : memref<5624xf32, #tpu.memory_space<vmem_shared>>) target_semaphore(%run_scoped3A : memref<!tpu.dma_semaphore, #tpu.memory_space<semaphore_mem>>)
        %dma_wait3A_689 = arith.constant 0 : i32
        %dma_wait3A_690 = tpu.memref_slice %arg27[%dma_wait3A_689] : memref<11248xf32, #tpu.memory_space<vmem>> -> memref<5624xf32, #tpu.memory_space<vmem>>
        %dma_wait3A_691 = tpu.memref_slice %arg13[%add3A_134] : memref<1440000xf32, #tpu.memory_space<vmem_shared>> -> memref<5624xf32, #tpu.memory_space<vmem_shared>>
        %dma_wait3A_692 = tpu.memref_slice %arg13[%add3A_134] : memref<1440000xf32, #tpu.memory_space<vmem_shared>> -> memref<5624xf32, #tpu.memory_space<vmem_shared>>
        %dma_wait3A_693 = arith.constant 0 : i32
        %dma_wait3A_694 = tpu.memref_slice %arg27[%dma_wait3A_693] : memref<11248xf32, #tpu.memory_space<vmem>> -> memref<5624xf32, #tpu.memory_space<vmem>>
        tpu.wait_dma2 semaphore(%run_scoped3A : memref<!tpu.dma_semaphore, #tpu.memory_space<semaphore_mem>>) src(%dma_wait3A_694 : memref<5624xf32, #tpu.memory_space<vmem>>) dst(%dma_wait3A_692 : memref<5624xf32, #tpu.memory_space<vmem_shared>>)
        tpu.yield
      }) : () -> ()
      %add3A_135 = arith.constant 33744 : i32
      %add3A_136 = arith.addi %mul3A_40, %add3A_135 : i32
      %dma_start3A_137 = arith.constant 0 : i32
      %dma_start3A_138 = tpu.memref_slice %arg27[%dma_start3A_137] : memref<11248xf32, #tpu.memory_space<vmem>> -> memref<5624xf32, #tpu.memory_space<vmem>>
      %dma_start3A_139 = tpu.memref_slice %arg3[%add3A_136] : memref<1440000xf32, #tpu.memory_space<hbm>> -> memref<5624xf32, #tpu.memory_space<hbm>>
      %dma_start3A_140 = arith.constant 0 : i32
      %dma_start3A_141 = tpu.memref_slice %arg27[%dma_start3A_140] : memref<11248xf32, #tpu.memory_space<vmem>> -> memref<5624xf32, #tpu.memory_space<vmem>>
      %dma_start3A_142 = tpu.memref_slice %arg3[%add3A_136] : memref<1440000xf32, #tpu.memory_space<hbm>> -> memref<5624xf32, #tpu.memory_space<hbm>>
      tpu.enqueue_dma source(%dma_start3A_142 : memref<5624xf32, #tpu.memory_space<hbm>>) target(%dma_start3A_141 : memref<5624xf32, #tpu.memory_space<vmem>>) target_semaphore(%arg28 : memref<!tpu.dma_semaphore, #tpu.memory_space<semaphore_mem>>)
      %add3A_143 = arith.constant 28120 : i32
      %add3A_144 = arith.addi %mul3A_40, %add3A_143 : i32
      %dma_wait3A_145 = arith.constant 5624 : i32
      %dma_wait3A_146 = tpu.memref_slice %arg27[%dma_wait3A_145] : memref<11248xf32, #tpu.memory_space<vmem>> -> memref<5624xf32, #tpu.memory_space<vmem>>
      %dma_wait3A_147 = tpu.memref_slice %arg3[%add3A_144] : memref<1440000xf32, #tpu.memory_space<hbm>> -> memref<5624xf32, #tpu.memory_space<hbm>>
      %dma_wait3A_148 = arith.constant 5624 : i32
      %dma_wait3A_149 = tpu.memref_slice %arg27[%dma_wait3A_148] : memref<11248xf32, #tpu.memory_space<vmem>> -> memref<5624xf32, #tpu.memory_space<vmem>>
      %dma_wait3A_150 = tpu.memref_slice %arg3[%add3A_144] : memref<1440000xf32, #tpu.memory_space<hbm>> -> memref<5624xf32, #tpu.memory_space<hbm>>
      tpu.wait_dma2 semaphore(%arg29 : memref<!tpu.dma_semaphore, #tpu.memory_space<semaphore_mem>>) src(%dma_wait3A_150 : memref<5624xf32, #tpu.memory_space<hbm>>) dst(%dma_wait3A_149 : memref<5624xf32, #tpu.memory_space<vmem>>)
      %add3A_151 = arith.constant 28120 : i32
      %add3A_152 = arith.addi %mul3A_40, %add3A_151 : i32
      "tpu.region"() ({
        %run_scoped3A = tpu.sem_alloc : memref<!tpu.dma_semaphore, #tpu.memory_space<semaphore_mem>>
        %dma_start3A_683 = arith.constant 5624 : i32
        %dma_start3A_684 = tpu.memref_slice %arg27[%dma_start3A_683] : memref<11248xf32, #tpu.memory_space<vmem>> -> memref<5624xf32, #tpu.memory_space<vmem>>
        %dma_start3A_685 = tpu.memref_slice %arg13[%add3A_152] : memref<1440000xf32, #tpu.memory_space<vmem_shared>> -> memref<5624xf32, #tpu.memory_space<vmem_shared>>
        %dma_start3A_686 = tpu.memref_slice %arg13[%add3A_152] : memref<1440000xf32, #tpu.memory_space<vmem_shared>> -> memref<5624xf32, #tpu.memory_space<vmem_shared>>
        %dma_start3A_687 = arith.constant 5624 : i32
        %dma_start3A_688 = tpu.memref_slice %arg27[%dma_start3A_687] : memref<11248xf32, #tpu.memory_space<vmem>> -> memref<5624xf32, #tpu.memory_space<vmem>>
        tpu.enqueue_dma source(%dma_start3A_688 : memref<5624xf32, #tpu.memory_space<vmem>>) target(%dma_start3A_686 : memref<5624xf32, #tpu.memory_space<vmem_shared>>) target_semaphore(%run_scoped3A : memref<!tpu.dma_semaphore, #tpu.memory_space<semaphore_mem>>)
        %dma_wait3A_689 = arith.constant 5624 : i32
        %dma_wait3A_690 = tpu.memref_slice %arg27[%dma_wait3A_689] : memref<11248xf32, #tpu.memory_space<vmem>> -> memref<5624xf32, #tpu.memory_space<vmem>>
        %dma_wait3A_691 = tpu.memref_slice %arg13[%add3A_152] : memref<1440000xf32, #tpu.memory_space<vmem_shared>> -> memref<5624xf32, #tpu.memory_space<vmem_shared>>
        %dma_wait3A_692 = tpu.memref_slice %arg13[%add3A_152] : memref<1440000xf32, #tpu.memory_space<vmem_shared>> -> memref<5624xf32, #tpu.memory_space<vmem_shared>>
        %dma_wait3A_693 = arith.constant 5624 : i32
        %dma_wait3A_694 = tpu.memref_slice %arg27[%dma_wait3A_693] : memref<11248xf32, #tpu.memory_space<vmem>> -> memref<5624xf32, #tpu.memory_space<vmem>>
        tpu.wait_dma2 semaphore(%run_scoped3A : memref<!tpu.dma_semaphore, #tpu.memory_space<semaphore_mem>>) src(%dma_wait3A_694 : memref<5624xf32, #tpu.memory_space<vmem>>) dst(%dma_wait3A_692 : memref<5624xf32, #tpu.memory_space<vmem_shared>>)
        tpu.yield
      }) : () -> ()
      %add3A_153 = arith.constant 39368 : i32
      %add3A_154 = arith.addi %mul3A_40, %add3A_153 : i32
      %dma_start3A_155 = arith.constant 5624 : i32
      %dma_start3A_156 = tpu.memref_slice %arg27[%dma_start3A_155] : memref<11248xf32, #tpu.memory_space<vmem>> -> memref<5624xf32, #tpu.memory_space<vmem>>
      %dma_start3A_157 = tpu.memref_slice %arg3[%add3A_154] : memref<1440000xf32, #tpu.memory_space<hbm>> -> memref<5624xf32, #tpu.memory_space<hbm>>
      %dma_start3A_158 = arith.constant 5624 : i32
      %dma_start3A_159 = tpu.memref_slice %arg27[%dma_start3A_158] : memref<11248xf32, #tpu.memory_space<vmem>> -> memref<5624xf32, #tpu.memory_space<vmem>>
      %dma_start3A_160 = tpu.memref_slice %arg3[%add3A_154] : memref<1440000xf32, #tpu.memory_space<hbm>> -> memref<5624xf32, #tpu.memory_space<hbm>>
      tpu.enqueue_dma source(%dma_start3A_160 : memref<5624xf32, #tpu.memory_space<hbm>>) target(%dma_start3A_159 : memref<5624xf32, #tpu.memory_space<vmem>>) target_semaphore(%arg29 : memref<!tpu.dma_semaphore, #tpu.memory_space<semaphore_mem>>)
      %add3A_161 = arith.constant 33744 : i32
      %add3A_162 = arith.addi %mul3A_40, %add3A_161 : i32
      %dma_wait3A_163 = arith.constant 0 : i32
      %dma_wait3A_164 = tpu.memref_slice %arg27[%dma_wait3A_163] : memref<11248xf32, #tpu.memory_space<vmem>> -> memref<5624xf32, #tpu.memory_space<vmem>>
      %dma_wait3A_165 = tpu.memref_slice %arg3[%add3A_162] : memref<1440000xf32, #tpu.memory_space<hbm>> -> memref<5624xf32, #tpu.memory_space<hbm>>
      %dma_wait3A_166 = arith.constant 0 : i32
      %dma_wait3A_167 = tpu.memref_slice %arg27[%dma_wait3A_166] : memref<11248xf32, #tpu.memory_space<vmem>> -> memref<5624xf32, #tpu.memory_space<vmem>>
      %dma_wait3A_168 = tpu.memref_slice %arg3[%add3A_162] : memref<1440000xf32, #tpu.memory_space<hbm>> -> memref<5624xf32, #tpu.memory_space<hbm>>
      tpu.wait_dma2 semaphore(%arg28 : memref<!tpu.dma_semaphore, #tpu.memory_space<semaphore_mem>>) src(%dma_wait3A_168 : memref<5624xf32, #tpu.memory_space<hbm>>) dst(%dma_wait3A_167 : memref<5624xf32, #tpu.memory_space<vmem>>)
      %add3A_169 = arith.constant 33744 : i32
      %add3A_170 = arith.addi %mul3A_40, %add3A_169 : i32
      "tpu.region"() ({
        %run_scoped3A = tpu.sem_alloc : memref<!tpu.dma_semaphore, #tpu.memory_space<semaphore_mem>>
        %dma_start3A_683 = arith.constant 0 : i32
        %dma_start3A_684 = tpu.memref_slice %arg27[%dma_start3A_683] : memref<11248xf32, #tpu.memory_space<vmem>> -> memref<5624xf32, #tpu.memory_space<vmem>>
        %dma_start3A_685 = tpu.memref_slice %arg13[%add3A_170] : memref<1440000xf32, #tpu.memory_space<vmem_shared>> -> memref<5624xf32, #tpu.memory_space<vmem_shared>>
        %dma_start3A_686 = tpu.memref_slice %arg13[%add3A_170] : memref<1440000xf32, #tpu.memory_space<vmem_shared>> -> memref<5624xf32, #tpu.memory_space<vmem_shared>>
        %dma_start3A_687 = arith.constant 0 : i32
        %dma_start3A_688 = tpu.memref_slice %arg27[%dma_start3A_687] : memref<11248xf32, #tpu.memory_space<vmem>> -> memref<5624xf32, #tpu.memory_space<vmem>>
        tpu.enqueue_dma source(%dma_start3A_688 : memref<5624xf32, #tpu.memory_space<vmem>>) target(%dma_start3A_686 : memref<5624xf32, #tpu.memory_space<vmem_shared>>) target_semaphore(%run_scoped3A : memref<!tpu.dma_semaphore, #tpu.memory_space<semaphore_mem>>)
        %dma_wait3A_689 = arith.constant 0 : i32
        %dma_wait3A_690 = tpu.memref_slice %arg27[%dma_wait3A_689] : memref<11248xf32, #tpu.memory_space<vmem>> -> memref<5624xf32, #tpu.memory_space<vmem>>
        %dma_wait3A_691 = tpu.memref_slice %arg13[%add3A_170] : memref<1440000xf32, #tpu.memory_space<vmem_shared>> -> memref<5624xf32, #tpu.memory_space<vmem_shared>>
        %dma_wait3A_692 = tpu.memref_slice %arg13[%add3A_170] : memref<1440000xf32, #tpu.memory_space<vmem_shared>> -> memref<5624xf32, #tpu.memory_space<vmem_shared>>
        %dma_wait3A_693 = arith.constant 0 : i32
        %dma_wait3A_694 = tpu.memref_slice %arg27[%dma_wait3A_693] : memref<11248xf32, #tpu.memory_space<vmem>> -> memref<5624xf32, #tpu.memory_space<vmem>>
        tpu.wait_dma2 semaphore(%run_scoped3A : memref<!tpu.dma_semaphore, #tpu.memory_space<semaphore_mem>>) src(%dma_wait3A_694 : memref<5624xf32, #tpu.memory_space<vmem>>) dst(%dma_wait3A_692 : memref<5624xf32, #tpu.memory_space<vmem_shared>>)
        tpu.yield
      }) : () -> ()
      %add3A_171 = arith.constant 44992 : i32
      %add3A_172 = arith.addi %mul3A_40, %add3A_171 : i32
      %dma_start3A_173 = arith.constant 0 : i32
      %dma_start3A_174 = tpu.memref_slice %arg27[%dma_start3A_173] : memref<11248xf32, #tpu.memory_space<vmem>> -> memref<5624xf32, #tpu.memory_space<vmem>>
      %dma_start3A_175 = tpu.memref_slice %arg3[%add3A_172] : memref<1440000xf32, #tpu.memory_space<hbm>> -> memref<5624xf32, #tpu.memory_space<hbm>>
      %dma_start3A_176 = arith.constant 0 : i32
      %dma_start3A_177 = tpu.memref_slice %arg27[%dma_start3A_176] : memref<11248xf32, #tpu.memory_space<vmem>> -> memref<5624xf32, #tpu.memory_space<vmem>>
      %dma_start3A_178 = tpu.memref_slice %arg3[%add3A_172] : memref<1440000xf32, #tpu.memory_space<hbm>> -> memref<5624xf32, #tpu.memory_space<hbm>>
      tpu.enqueue_dma source(%dma_start3A_178 : memref<5624xf32, #tpu.memory_space<hbm>>) target(%dma_start3A_177 : memref<5624xf32, #tpu.memory_space<vmem>>) target_semaphore(%arg28 : memref<!tpu.dma_semaphore, #tpu.memory_space<semaphore_mem>>)
      %add3A_179 = arith.constant 39368 : i32
      %add3A_180 = arith.addi %mul3A_40, %add3A_179 : i32
      %dma_wait3A_181 = arith.constant 5624 : i32
      %dma_wait3A_182 = tpu.memref_slice %arg27[%dma_wait3A_181] : memref<11248xf32, #tpu.memory_space<vmem>> -> memref<5624xf32, #tpu.memory_space<vmem>>
      %dma_wait3A_183 = tpu.memref_slice %arg3[%add3A_180] : memref<1440000xf32, #tpu.memory_space<hbm>> -> memref<5624xf32, #tpu.memory_space<hbm>>
      %dma_wait3A_184 = arith.constant 5624 : i32
      %dma_wait3A_185 = tpu.memref_slice %arg27[%dma_wait3A_184] : memref<11248xf32, #tpu.memory_space<vmem>> -> memref<5624xf32, #tpu.memory_space<vmem>>
      %dma_wait3A_186 = tpu.memref_slice %arg3[%add3A_180] : memref<1440000xf32, #tpu.memory_space<hbm>> -> memref<5624xf32, #tpu.memory_space<hbm>>
      tpu.wait_dma2 semaphore(%arg29 : memref<!tpu.dma_semaphore, #tpu.memory_space<semaphore_mem>>) src(%dma_wait3A_186 : memref<5624xf32, #tpu.memory_space<hbm>>) dst(%dma_wait3A_185 : memref<5624xf32, #tpu.memory_space<vmem>>)
      %add3A_187 = arith.constant 39368 : i32
      %add3A_188 = arith.addi %mul3A_40, %add3A_187 : i32
      "tpu.region"() ({
        %run_scoped3A = tpu.sem_alloc : memref<!tpu.dma_semaphore, #tpu.memory_space<semaphore_mem>>
        %dma_start3A_683 = arith.constant 5624 : i32
        %dma_start3A_684 = tpu.memref_slice %arg27[%dma_start3A_683] : memref<11248xf32, #tpu.memory_space<vmem>> -> memref<5624xf32, #tpu.memory_space<vmem>>
        %dma_start3A_685 = tpu.memref_slice %arg13[%add3A_188] : memref<1440000xf32, #tpu.memory_space<vmem_shared>> -> memref<5624xf32, #tpu.memory_space<vmem_shared>>
        %dma_start3A_686 = tpu.memref_slice %arg13[%add3A_188] : memref<1440000xf32, #tpu.memory_space<vmem_shared>> -> memref<5624xf32, #tpu.memory_space<vmem_shared>>
        %dma_start3A_687 = arith.constant 5624 : i32
        %dma_start3A_688 = tpu.memref_slice %arg27[%dma_start3A_687] : memref<11248xf32, #tpu.memory_space<vmem>> -> memref<5624xf32, #tpu.memory_space<vmem>>
        tpu.enqueue_dma source(%dma_start3A_688 : memref<5624xf32, #tpu.memory_space<vmem>>) target(%dma_start3A_686 : memref<5624xf32, #tpu.memory_space<vmem_shared>>) target_semaphore(%run_scoped3A : memref<!tpu.dma_semaphore, #tpu.memory_space<semaphore_mem>>)
        %dma_wait3A_689 = arith.constant 5624 : i32
        %dma_wait3A_690 = tpu.memref_slice %arg27[%dma_wait3A_689] : memref<11248xf32, #tpu.memory_space<vmem>> -> memref<5624xf32, #tpu.memory_space<vmem>>
        %dma_wait3A_691 = tpu.memref_slice %arg13[%add3A_188] : memref<1440000xf32, #tpu.memory_space<vmem_shared>> -> memref<5624xf32, #tpu.memory_space<vmem_shared>>
        %dma_wait3A_692 = tpu.memref_slice %arg13[%add3A_188] : memref<1440000xf32, #tpu.memory_space<vmem_shared>> -> memref<5624xf32, #tpu.memory_space<vmem_shared>>
        %dma_wait3A_693 = arith.constant 5624 : i32
        %dma_wait3A_694 = tpu.memref_slice %arg27[%dma_wait3A_693] : memref<11248xf32, #tpu.memory_space<vmem>> -> memref<5624xf32, #tpu.memory_space<vmem>>
        tpu.wait_dma2 semaphore(%run_scoped3A : memref<!tpu.dma_semaphore, #tpu.memory_space<semaphore_mem>>) src(%dma_wait3A_694 : memref<5624xf32, #tpu.memory_space<vmem>>) dst(%dma_wait3A_692 : memref<5624xf32, #tpu.memory_space<vmem_shared>>)
        tpu.yield
      }) : () -> ()
      %add3A_189 = arith.constant 50616 : i32
      %add3A_190 = arith.addi %mul3A_40, %add3A_189 : i32
      %dma_start3A_191 = arith.constant 5624 : i32
      %dma_start3A_192 = tpu.memref_slice %arg27[%dma_start3A_191] : memref<11248xf32, #tpu.memory_space<vmem>> -> memref<5624xf32, #tpu.memory_space<vmem>>
      %dma_start3A_193 = tpu.memref_slice %arg3[%add3A_190] : memref<1440000xf32, #tpu.memory_space<hbm>> -> memref<5624xf32, #tpu.memory_space<hbm>>
      %dma_start3A_194 = arith.constant 5624 : i32
      %dma_start3A_195 = tpu.memref_slice %arg27[%dma_start3A_194] : memref<11248xf32, #tpu.memory_space<vmem>> -> memref<5624xf32, #tpu.memory_space<vmem>>
      %dma_start3A_196 = tpu.memref_slice %arg3[%add3A_190] : memref<1440000xf32, #tpu.memory_space<hbm>> -> memref<5624xf32, #tpu.memory_space<hbm>>
      tpu.enqueue_dma source(%dma_start3A_196 : memref<5624xf32, #tpu.memory_space<hbm>>) target(%dma_start3A_195 : memref<5624xf32, #tpu.memory_space<vmem>>) target_semaphore(%arg29 : memref<!tpu.dma_semaphore, #tpu.memory_space<semaphore_mem>>)
      %add3A_197 = arith.constant 44992 : i32
      %add3A_198 = arith.addi %mul3A_40, %add3A_197 : i32
      %dma_wait3A_199 = arith.constant 0 : i32
      %dma_wait3A_200 = tpu.memref_slice %arg27[%dma_wait3A_199] : memref<11248xf32, #tpu.memory_space<vmem>> -> memref<5624xf32, #tpu.memory_space<vmem>>
      %dma_wait3A_201 = tpu.memref_slice %arg3[%add3A_198] : memref<1440000xf32, #tpu.memory_space<hbm>> -> memref<5624xf32, #tpu.memory_space<hbm>>
      %dma_wait3A_202 = arith.constant 0 : i32
      %dma_wait3A_203 = tpu.memref_slice %arg27[%dma_wait3A_202] : memref<11248xf32, #tpu.memory_space<vmem>> -> memref<5624xf32, #tpu.memory_space<vmem>>
      %dma_wait3A_204 = tpu.memref_slice %arg3[%add3A_198] : memref<1440000xf32, #tpu.memory_space<hbm>> -> memref<5624xf32, #tpu.memory_space<hbm>>
      tpu.wait_dma2 semaphore(%arg28 : memref<!tpu.dma_semaphore, #tpu.memory_space<semaphore_mem>>) src(%dma_wait3A_204 : memref<5624xf32, #tpu.memory_space<hbm>>) dst(%dma_wait3A_203 : memref<5624xf32, #tpu.memory_space<vmem>>)
      %add3A_205 = arith.constant 44992 : i32
      %add3A_206 = arith.addi %mul3A_40, %add3A_205 : i32
      "tpu.region"() ({
        %run_scoped3A = tpu.sem_alloc : memref<!tpu.dma_semaphore, #tpu.memory_space<semaphore_mem>>
        %dma_start3A_683 = arith.constant 0 : i32
        %dma_start3A_684 = tpu.memref_slice %arg27[%dma_start3A_683] : memref<11248xf32, #tpu.memory_space<vmem>> -> memref<5624xf32, #tpu.memory_space<vmem>>
        %dma_start3A_685 = tpu.memref_slice %arg13[%add3A_206] : memref<1440000xf32, #tpu.memory_space<vmem_shared>> -> memref<5624xf32, #tpu.memory_space<vmem_shared>>
        %dma_start3A_686 = tpu.memref_slice %arg13[%add3A_206] : memref<1440000xf32, #tpu.memory_space<vmem_shared>> -> memref<5624xf32, #tpu.memory_space<vmem_shared>>
        %dma_start3A_687 = arith.constant 0 : i32
        %dma_start3A_688 = tpu.memref_slice %arg27[%dma_start3A_687] : memref<11248xf32, #tpu.memory_space<vmem>> -> memref<5624xf32, #tpu.memory_space<vmem>>
        tpu.enqueue_dma source(%dma_start3A_688 : memref<5624xf32, #tpu.memory_space<vmem>>) target(%dma_start3A_686 : memref<5624xf32, #tpu.memory_space<vmem_shared>>) target_semaphore(%run_scoped3A : memref<!tpu.dma_semaphore, #tpu.memory_space<semaphore_mem>>)
        %dma_wait3A_689 = arith.constant 0 : i32
        %dma_wait3A_690 = tpu.memref_slice %arg27[%dma_wait3A_689] : memref<11248xf32, #tpu.memory_space<vmem>> -> memref<5624xf32, #tpu.memory_space<vmem>>
        %dma_wait3A_691 = tpu.memref_slice %arg13[%add3A_206] : memref<1440000xf32, #tpu.memory_space<vmem_shared>> -> memref<5624xf32, #tpu.memory_space<vmem_shared>>
        %dma_wait3A_692 = tpu.memref_slice %arg13[%add3A_206] : memref<1440000xf32, #tpu.memory_space<vmem_shared>> -> memref<5624xf32, #tpu.memory_space<vmem_shared>>
        %dma_wait3A_693 = arith.constant 0 : i32
        %dma_wait3A_694 = tpu.memref_slice %arg27[%dma_wait3A_693] : memref<11248xf32, #tpu.memory_space<vmem>> -> memref<5624xf32, #tpu.memory_space<vmem>>
        tpu.wait_dma2 semaphore(%run_scoped3A : memref<!tpu.dma_semaphore, #tpu.memory_space<semaphore_mem>>) src(%dma_wait3A_694 : memref<5624xf32, #tpu.memory_space<vmem>>) dst(%dma_wait3A_692 : memref<5624xf32, #tpu.memory_space<vmem_shared>>)
        tpu.yield
      }) : () -> ()
      %add3A_207 = arith.constant 56240 : i32
      %add3A_208 = arith.addi %mul3A_40, %add3A_207 : i32
      %dma_start3A_209 = arith.constant 0 : i32
      %dma_start3A_210 = tpu.memref_slice %arg27[%dma_start3A_209] : memref<11248xf32, #tpu.memory_space<vmem>> -> memref<5624xf32, #tpu.memory_space<vmem>>
      %dma_start3A_211 = tpu.memref_slice %arg3[%add3A_208] : memref<1440000xf32, #tpu.memory_space<hbm>> -> memref<5624xf32, #tpu.memory_space<hbm>>
      %dma_start3A_212 = arith.constant 0 : i32
      %dma_start3A_213 = tpu.memref_slice %arg27[%dma_start3A_212] : memref<11248xf32, #tpu.memory_space<vmem>> -> memref<5624xf32, #tpu.memory_space<vmem>>
      %dma_start3A_214 = tpu.memref_slice %arg3[%add3A_208] : memref<1440000xf32, #tpu.memory_space<hbm>> -> memref<5624xf32, #tpu.memory_space<hbm>>
      tpu.enqueue_dma source(%dma_start3A_214 : memref<5624xf32, #tpu.memory_space<hbm>>) target(%dma_start3A_213 : memref<5624xf32, #tpu.memory_space<vmem>>) target_semaphore(%arg28 : memref<!tpu.dma_semaphore, #tpu.memory_space<semaphore_mem>>)
      %add3A_215 = arith.constant 50616 : i32
      %add3A_216 = arith.addi %mul3A_40, %add3A_215 : i32
      %dma_wait3A_217 = arith.constant 5624 : i32
      %dma_wait3A_218 = tpu.memref_slice %arg27[%dma_wait3A_217] : memref<11248xf32, #tpu.memory_space<vmem>> -> memref<5624xf32, #tpu.memory_space<vmem>>
      %dma_wait3A_219 = tpu.memref_slice %arg3[%add3A_216] : memref<1440000xf32, #tpu.memory_space<hbm>> -> memref<5624xf32, #tpu.memory_space<hbm>>
      %dma_wait3A_220 = arith.constant 5624 : i32
      %dma_wait3A_221 = tpu.memref_slice %arg27[%dma_wait3A_220] : memref<11248xf32, #tpu.memory_space<vmem>> -> memref<5624xf32, #tpu.memory_space<vmem>>
      %dma_wait3A_222 = tpu.memref_slice %arg3[%add3A_216] : memref<1440000xf32, #tpu.memory_space<hbm>> -> memref<5624xf32, #tpu.memory_space<hbm>>
      tpu.wait_dma2 semaphore(%arg29 : memref<!tpu.dma_semaphore, #tpu.memory_space<semaphore_mem>>) src(%dma_wait3A_222 : memref<5624xf32, #tpu.memory_space<hbm>>) dst(%dma_wait3A_221 : memref<5624xf32, #tpu.memory_space<vmem>>)
      %add3A_223 = arith.constant 50616 : i32
      %add3A_224 = arith.addi %mul3A_40, %add3A_223 : i32
      "tpu.region"() ({
        %run_scoped3A = tpu.sem_alloc : memref<!tpu.dma_semaphore, #tpu.memory_space<semaphore_mem>>
        %dma_start3A_683 = arith.constant 5624 : i32
        %dma_start3A_684 = tpu.memref_slice %arg27[%dma_start3A_683] : memref<11248xf32, #tpu.memory_space<vmem>> -> memref<5624xf32, #tpu.memory_space<vmem>>
        %dma_start3A_685 = tpu.memref_slice %arg13[%add3A_224] : memref<1440000xf32, #tpu.memory_space<vmem_shared>> -> memref<5624xf32, #tpu.memory_space<vmem_shared>>
        %dma_start3A_686 = tpu.memref_slice %arg13[%add3A_224] : memref<1440000xf32, #tpu.memory_space<vmem_shared>> -> memref<5624xf32, #tpu.memory_space<vmem_shared>>
        %dma_start3A_687 = arith.constant 5624 : i32
        %dma_start3A_688 = tpu.memref_slice %arg27[%dma_start3A_687] : memref<11248xf32, #tpu.memory_space<vmem>> -> memref<5624xf32, #tpu.memory_space<vmem>>
        tpu.enqueue_dma source(%dma_start3A_688 : memref<5624xf32, #tpu.memory_space<vmem>>) target(%dma_start3A_686 : memref<5624xf32, #tpu.memory_space<vmem_shared>>) target_semaphore(%run_scoped3A : memref<!tpu.dma_semaphore, #tpu.memory_space<semaphore_mem>>)
        %dma_wait3A_689 = arith.constant 5624 : i32
        %dma_wait3A_690 = tpu.memref_slice %arg27[%dma_wait3A_689] : memref<11248xf32, #tpu.memory_space<vmem>> -> memref<5624xf32, #tpu.memory_space<vmem>>
        %dma_wait3A_691 = tpu.memref_slice %arg13[%add3A_224] : memref<1440000xf32, #tpu.memory_space<vmem_shared>> -> memref<5624xf32, #tpu.memory_space<vmem_shared>>
        %dma_wait3A_692 = tpu.memref_slice %arg13[%add3A_224] : memref<1440000xf32, #tpu.memory_space<vmem_shared>> -> memref<5624xf32, #tpu.memory_space<vmem_shared>>
        %dma_wait3A_693 = arith.constant 5624 : i32
        %dma_wait3A_694 = tpu.memref_slice %arg27[%dma_wait3A_693] : memref<11248xf32, #tpu.memory_space<vmem>> -> memref<5624xf32, #tpu.memory_space<vmem>>
        tpu.wait_dma2 semaphore(%run_scoped3A : memref<!tpu.dma_semaphore, #tpu.memory_space<semaphore_mem>>) src(%dma_wait3A_694 : memref<5624xf32, #tpu.memory_space<vmem>>) dst(%dma_wait3A_692 : memref<5624xf32, #tpu.memory_space<vmem_shared>>)
        tpu.yield
      }) : () -> ()
      %add3A_225 = arith.constant 61864 : i32
      %add3A_226 = arith.addi %mul3A_40, %add3A_225 : i32
      %dma_start3A_227 = arith.constant 5624 : i32
      %dma_start3A_228 = tpu.memref_slice %arg27[%dma_start3A_227] : memref<11248xf32, #tpu.memory_space<vmem>> -> memref<5624xf32, #tpu.memory_space<vmem>>
      %dma_start3A_229 = tpu.memref_slice %arg3[%add3A_226] : memref<1440000xf32, #tpu.memory_space<hbm>> -> memref<5624xf32, #tpu.memory_space<hbm>>
      %dma_start3A_230 = arith.constant 5624 : i32
      %dma_start3A_231 = tpu.memref_slice %arg27[%dma_start3A_230] : memref<11248xf32, #tpu.memory_space<vmem>> -> memref<5624xf32, #tpu.memory_space<vmem>>
      %dma_start3A_232 = tpu.memref_slice %arg3[%add3A_226] : memref<1440000xf32, #tpu.memory_space<hbm>> -> memref<5624xf32, #tpu.memory_space<hbm>>
      tpu.enqueue_dma source(%dma_start3A_232 : memref<5624xf32, #tpu.memory_space<hbm>>) target(%dma_start3A_231 : memref<5624xf32, #tpu.memory_space<vmem>>) target_semaphore(%arg29 : memref<!tpu.dma_semaphore, #tpu.memory_space<semaphore_mem>>)
      %add3A_233 = arith.constant 56240 : i32
      %add3A_234 = arith.addi %mul3A_40, %add3A_233 : i32
      %dma_wait3A_235 = arith.constant 0 : i32
      %dma_wait3A_236 = tpu.memref_slice %arg27[%dma_wait3A_235] : memref<11248xf32, #tpu.memory_space<vmem>> -> memref<5624xf32, #tpu.memory_space<vmem>>
      %dma_wait3A_237 = tpu.memref_slice %arg3[%add3A_234] : memref<1440000xf32, #tpu.memory_space<hbm>> -> memref<5624xf32, #tpu.memory_space<hbm>>
      %dma_wait3A_238 = arith.constant 0 : i32
      %dma_wait3A_239 = tpu.memref_slice %arg27[%dma_wait3A_238] : memref<11248xf32, #tpu.memory_space<vmem>> -> memref<5624xf32, #tpu.memory_space<vmem>>
      %dma_wait3A_240 = tpu.memref_slice %arg3[%add3A_234] : memref<1440000xf32, #tpu.memory_space<hbm>> -> memref<5624xf32, #tpu.memory_space<hbm>>
      tpu.wait_dma2 semaphore(%arg28 : memref<!tpu.dma_semaphore, #tpu.memory_space<semaphore_mem>>) src(%dma_wait3A_240 : memref<5624xf32, #tpu.memory_space<hbm>>) dst(%dma_wait3A_239 : memref<5624xf32, #tpu.memory_space<vmem>>)
      %add3A_241 = arith.constant 56240 : i32
      %add3A_242 = arith.addi %mul3A_40, %add3A_241 : i32
      "tpu.region"() ({
        %run_scoped3A = tpu.sem_alloc : memref<!tpu.dma_semaphore, #tpu.memory_space<semaphore_mem>>
        %dma_start3A_683 = arith.constant 0 : i32
        %dma_start3A_684 = tpu.memref_slice %arg27[%dma_start3A_683] : memref<11248xf32, #tpu.memory_space<vmem>> -> memref<5624xf32, #tpu.memory_space<vmem>>
        %dma_start3A_685 = tpu.memref_slice %arg13[%add3A_242] : memref<1440000xf32, #tpu.memory_space<vmem_shared>> -> memref<5624xf32, #tpu.memory_space<vmem_shared>>
        %dma_start3A_686 = tpu.memref_slice %arg13[%add3A_242] : memref<1440000xf32, #tpu.memory_space<vmem_shared>> -> memref<5624xf32, #tpu.memory_space<vmem_shared>>
        %dma_start3A_687 = arith.constant 0 : i32
        %dma_start3A_688 = tpu.memref_slice %arg27[%dma_start3A_687] : memref<11248xf32, #tpu.memory_space<vmem>> -> memref<5624xf32, #tpu.memory_space<vmem>>
        tpu.enqueue_dma source(%dma_start3A_688 : memref<5624xf32, #tpu.memory_space<vmem>>) target(%dma_start3A_686 : memref<5624xf32, #tpu.memory_space<vmem_shared>>) target_semaphore(%run_scoped3A : memref<!tpu.dma_semaphore, #tpu.memory_space<semaphore_mem>>)
        %dma_wait3A_689 = arith.constant 0 : i32
        %dma_wait3A_690 = tpu.memref_slice %arg27[%dma_wait3A_689] : memref<11248xf32, #tpu.memory_space<vmem>> -> memref<5624xf32, #tpu.memory_space<vmem>>
        %dma_wait3A_691 = tpu.memref_slice %arg13[%add3A_242] : memref<1440000xf32, #tpu.memory_space<vmem_shared>> -> memref<5624xf32, #tpu.memory_space<vmem_shared>>
        %dma_wait3A_692 = tpu.memref_slice %arg13[%add3A_242] : memref<1440000xf32, #tpu.memory_space<vmem_shared>> -> memref<5624xf32, #tpu.memory_space<vmem_shared>>
        %dma_wait3A_693 = arith.constant 0 : i32
        %dma_wait3A_694 = tpu.memref_slice %arg27[%dma_wait3A_693] : memref<11248xf32, #tpu.memory_space<vmem>> -> memref<5624xf32, #tpu.memory_space<vmem>>
        tpu.wait_dma2 semaphore(%run_scoped3A : memref<!tpu.dma_semaphore, #tpu.memory_space<semaphore_mem>>) src(%dma_wait3A_694 : memref<5624xf32, #tpu.memory_space<vmem>>) dst(%dma_wait3A_692 : memref<5624xf32, #tpu.memory_space<vmem_shared>>)
        tpu.yield
      }) : () -> ()
      %add3A_243 = arith.constant 67488 : i32
      %add3A_244 = arith.addi %mul3A_40, %add3A_243 : i32
      %dma_start3A_245 = arith.constant 0 : i32
      %dma_start3A_246 = tpu.memref_slice %arg27[%dma_start3A_245] : memref<11248xf32, #tpu.memory_space<vmem>> -> memref<5624xf32, #tpu.memory_space<vmem>>
      %dma_start3A_247 = tpu.memref_slice %arg3[%add3A_244] : memref<1440000xf32, #tpu.memory_space<hbm>> -> memref<5624xf32, #tpu.memory_space<hbm>>
      %dma_start3A_248 = arith.constant 0 : i32
      %dma_start3A_249 = tpu.memref_slice %arg27[%dma_start3A_248] : memref<11248xf32, #tpu.memory_space<vmem>> -> memref<5624xf32, #tpu.memory_space<vmem>>
      %dma_start3A_250 = tpu.memref_slice %arg3[%add3A_244] : memref<1440000xf32, #tpu.memory_space<hbm>> -> memref<5624xf32, #tpu.memory_space<hbm>>
      tpu.enqueue_dma source(%dma_start3A_250 : memref<5624xf32, #tpu.memory_space<hbm>>) target(%dma_start3A_249 : memref<5624xf32, #tpu.memory_space<vmem>>) target_semaphore(%arg28 : memref<!tpu.dma_semaphore, #tpu.memory_space<semaphore_mem>>)
      %add3A_251 = arith.constant 61864 : i32
      %add3A_252 = arith.addi %mul3A_40, %add3A_251 : i32
      %dma_wait3A_253 = arith.constant 5624 : i32
      %dma_wait3A_254 = tpu.memref_slice %arg27[%dma_wait3A_253] : memref<11248xf32, #tpu.memory_space<vmem>> -> memref<5624xf32, #tpu.memory_space<vmem>>
      %dma_wait3A_255 = tpu.memref_slice %arg3[%add3A_252] : memref<1440000xf32, #tpu.memory_space<hbm>> -> memref<5624xf32, #tpu.memory_space<hbm>>
      %dma_wait3A_256 = arith.constant 5624 : i32
      %dma_wait3A_257 = tpu.memref_slice %arg27[%dma_wait3A_256] : memref<11248xf32, #tpu.memory_space<vmem>> -> memref<5624xf32, #tpu.memory_space<vmem>>
      %dma_wait3A_258 = tpu.memref_slice %arg3[%add3A_252] : memref<1440000xf32, #tpu.memory_space<hbm>> -> memref<5624xf32, #tpu.memory_space<hbm>>
      tpu.wait_dma2 semaphore(%arg29 : memref<!tpu.dma_semaphore, #tpu.memory_space<semaphore_mem>>) src(%dma_wait3A_258 : memref<5624xf32, #tpu.memory_space<hbm>>) dst(%dma_wait3A_257 : memref<5624xf32, #tpu.memory_space<vmem>>)
      %add3A_259 = arith.constant 61864 : i32
      %add3A_260 = arith.addi %mul3A_40, %add3A_259 : i32
      "tpu.region"() ({
        %run_scoped3A = tpu.sem_alloc : memref<!tpu.dma_semaphore, #tpu.memory_space<semaphore_mem>>
        %dma_start3A_683 = arith.constant 5624 : i32
        %dma_start3A_684 = tpu.memref_slice %arg27[%dma_start3A_683] : memref<11248xf32, #tpu.memory_space<vmem>> -> memref<5624xf32, #tpu.memory_space<vmem>>
        %dma_start3A_685 = tpu.memref_slice %arg13[%add3A_260] : memref<1440000xf32, #tpu.memory_space<vmem_shared>> -> memref<5624xf32, #tpu.memory_space<vmem_shared>>
        %dma_start3A_686 = tpu.memref_slice %arg13[%add3A_260] : memref<1440000xf32, #tpu.memory_space<vmem_shared>> -> memref<5624xf32, #tpu.memory_space<vmem_shared>>
        %dma_start3A_687 = arith.constant 5624 : i32
        %dma_start3A_688 = tpu.memref_slice %arg27[%dma_start3A_687] : memref<11248xf32, #tpu.memory_space<vmem>> -> memref<5624xf32, #tpu.memory_space<vmem>>
        tpu.enqueue_dma source(%dma_start3A_688 : memref<5624xf32, #tpu.memory_space<vmem>>) target(%dma_start3A_686 : memref<5624xf32, #tpu.memory_space<vmem_shared>>) target_semaphore(%run_scoped3A : memref<!tpu.dma_semaphore, #tpu.memory_space<semaphore_mem>>)
        %dma_wait3A_689 = arith.constant 5624 : i32
        %dma_wait3A_690 = tpu.memref_slice %arg27[%dma_wait3A_689] : memref<11248xf32, #tpu.memory_space<vmem>> -> memref<5624xf32, #tpu.memory_space<vmem>>
        %dma_wait3A_691 = tpu.memref_slice %arg13[%add3A_260] : memref<1440000xf32, #tpu.memory_space<vmem_shared>> -> memref<5624xf32, #tpu.memory_space<vmem_shared>>
        %dma_wait3A_692 = tpu.memref_slice %arg13[%add3A_260] : memref<1440000xf32, #tpu.memory_space<vmem_shared>> -> memref<5624xf32, #tpu.memory_space<vmem_shared>>
        %dma_wait3A_693 = arith.constant 5624 : i32
        %dma_wait3A_694 = tpu.memref_slice %arg27[%dma_wait3A_693] : memref<11248xf32, #tpu.memory_space<vmem>> -> memref<5624xf32, #tpu.memory_space<vmem>>
        tpu.wait_dma2 semaphore(%run_scoped3A : memref<!tpu.dma_semaphore, #tpu.memory_space<semaphore_mem>>) src(%dma_wait3A_694 : memref<5624xf32, #tpu.memory_space<vmem>>) dst(%dma_wait3A_692 : memref<5624xf32, #tpu.memory_space<vmem_shared>>)
        tpu.yield
      }) : () -> ()
      %add3A_261 = arith.constant 73112 : i32
      %add3A_262 = arith.addi %mul3A_40, %add3A_261 : i32
      %dma_start3A_263 = arith.constant 5624 : i32
      %dma_start3A_264 = tpu.memref_slice %arg27[%dma_start3A_263] : memref<11248xf32, #tpu.memory_space<vmem>> -> memref<5624xf32, #tpu.memory_space<vmem>>
      %dma_start3A_265 = tpu.memref_slice %arg3[%add3A_262] : memref<1440000xf32, #tpu.memory_space<hbm>> -> memref<5624xf32, #tpu.memory_space<hbm>>
      %dma_start3A_266 = arith.constant 5624 : i32
      %dma_start3A_267 = tpu.memref_slice %arg27[%dma_start3A_266] : memref<11248xf32, #tpu.memory_space<vmem>> -> memref<5624xf32, #tpu.memory_space<vmem>>
      %dma_start3A_268 = tpu.memref_slice %arg3[%add3A_262] : memref<1440000xf32, #tpu.memory_space<hbm>> -> memref<5624xf32, #tpu.memory_space<hbm>>
      tpu.enqueue_dma source(%dma_start3A_268 : memref<5624xf32, #tpu.memory_space<hbm>>) target(%dma_start3A_267 : memref<5624xf32, #tpu.memory_space<vmem>>) target_semaphore(%arg29 : memref<!tpu.dma_semaphore, #tpu.memory_space<semaphore_mem>>)
      %add3A_269 = arith.constant 67488 : i32
      %add3A_270 = arith.addi %mul3A_40, %add3A_269 : i32
      %dma_wait3A_271 = arith.constant 0 : i32
      %dma_wait3A_272 = tpu.memref_slice %arg27[%dma_wait3A_271] : memref<11248xf32, #tpu.memory_space<vmem>> -> memref<5624xf32, #tpu.memory_space<vmem>>
      %dma_wait3A_273 = tpu.memref_slice %arg3[%add3A_270] : memref<1440000xf32, #tpu.memory_space<hbm>> -> memref<5624xf32, #tpu.memory_space<hbm>>
      %dma_wait3A_274 = arith.constant 0 : i32
      %dma_wait3A_275 = tpu.memref_slice %arg27[%dma_wait3A_274] : memref<11248xf32, #tpu.memory_space<vmem>> -> memref<5624xf32, #tpu.memory_space<vmem>>
      %dma_wait3A_276 = tpu.memref_slice %arg3[%add3A_270] : memref<1440000xf32, #tpu.memory_space<hbm>> -> memref<5624xf32, #tpu.memory_space<hbm>>
      tpu.wait_dma2 semaphore(%arg28 : memref<!tpu.dma_semaphore, #tpu.memory_space<semaphore_mem>>) src(%dma_wait3A_276 : memref<5624xf32, #tpu.memory_space<hbm>>) dst(%dma_wait3A_275 : memref<5624xf32, #tpu.memory_space<vmem>>)
      %add3A_277 = arith.constant 67488 : i32
      %add3A_278 = arith.addi %mul3A_40, %add3A_277 : i32
      "tpu.region"() ({
        %run_scoped3A = tpu.sem_alloc : memref<!tpu.dma_semaphore, #tpu.memory_space<semaphore_mem>>
        %dma_start3A_683 = arith.constant 0 : i32
        %dma_start3A_684 = tpu.memref_slice %arg27[%dma_start3A_683] : memref<11248xf32, #tpu.memory_space<vmem>> -> memref<5624xf32, #tpu.memory_space<vmem>>
        %dma_start3A_685 = tpu.memref_slice %arg13[%add3A_278] : memref<1440000xf32, #tpu.memory_space<vmem_shared>> -> memref<5624xf32, #tpu.memory_space<vmem_shared>>
        %dma_start3A_686 = tpu.memref_slice %arg13[%add3A_278] : memref<1440000xf32, #tpu.memory_space<vmem_shared>> -> memref<5624xf32, #tpu.memory_space<vmem_shared>>
        %dma_start3A_687 = arith.constant 0 : i32
        %dma_start3A_688 = tpu.memref_slice %arg27[%dma_start3A_687] : memref<11248xf32, #tpu.memory_space<vmem>> -> memref<5624xf32, #tpu.memory_space<vmem>>
        tpu.enqueue_dma source(%dma_start3A_688 : memref<5624xf32, #tpu.memory_space<vmem>>) target(%dma_start3A_686 : memref<5624xf32, #tpu.memory_space<vmem_shared>>) target_semaphore(%run_scoped3A : memref<!tpu.dma_semaphore, #tpu.memory_space<semaphore_mem>>)
        %dma_wait3A_689 = arith.constant 0 : i32
        %dma_wait3A_690 = tpu.memref_slice %arg27[%dma_wait3A_689] : memref<11248xf32, #tpu.memory_space<vmem>> -> memref<5624xf32, #tpu.memory_space<vmem>>
        %dma_wait3A_691 = tpu.memref_slice %arg13[%add3A_278] : memref<1440000xf32, #tpu.memory_space<vmem_shared>> -> memref<5624xf32, #tpu.memory_space<vmem_shared>>
        %dma_wait3A_692 = tpu.memref_slice %arg13[%add3A_278] : memref<1440000xf32, #tpu.memory_space<vmem_shared>> -> memref<5624xf32, #tpu.memory_space<vmem_shared>>
        %dma_wait3A_693 = arith.constant 0 : i32
        %dma_wait3A_694 = tpu.memref_slice %arg27[%dma_wait3A_693] : memref<11248xf32, #tpu.memory_space<vmem>> -> memref<5624xf32, #tpu.memory_space<vmem>>
        tpu.wait_dma2 semaphore(%run_scoped3A : memref<!tpu.dma_semaphore, #tpu.memory_space<semaphore_mem>>) src(%dma_wait3A_694 : memref<5624xf32, #tpu.memory_space<vmem>>) dst(%dma_wait3A_692 : memref<5624xf32, #tpu.memory_space<vmem_shared>>)
        tpu.yield
      }) : () -> ()
      %add3A_279 = arith.constant 78736 : i32
      %add3A_280 = arith.addi %mul3A_40, %add3A_279 : i32
      %dma_start3A_281 = arith.constant 0 : i32
      %dma_start3A_282 = tpu.memref_slice %arg27[%dma_start3A_281] : memref<11248xf32, #tpu.memory_space<vmem>> -> memref<5624xf32, #tpu.memory_space<vmem>>
      %dma_start3A_283 = tpu.memref_slice %arg3[%add3A_280] : memref<1440000xf32, #tpu.memory_space<hbm>> -> memref<5624xf32, #tpu.memory_space<hbm>>
      %dma_start3A_284 = arith.constant 0 : i32
      %dma_start3A_285 = tpu.memref_slice %arg27[%dma_start3A_284] : memref<11248xf32, #tpu.memory_space<vmem>> -> memref<5624xf32, #tpu.memory_space<vmem>>
      %dma_start3A_286 = tpu.memref_slice %arg3[%add3A_280] : memref<1440000xf32, #tpu.memory_space<hbm>> -> memref<5624xf32, #tpu.memory_space<hbm>>
      tpu.enqueue_dma source(%dma_start3A_286 : memref<5624xf32, #tpu.memory_space<hbm>>) target(%dma_start3A_285 : memref<5624xf32, #tpu.memory_space<vmem>>) target_semaphore(%arg28 : memref<!tpu.dma_semaphore, #tpu.memory_space<semaphore_mem>>)
      %add3A_287 = arith.constant 73112 : i32
      %add3A_288 = arith.addi %mul3A_40, %add3A_287 : i32
      %dma_wait3A_289 = arith.constant 5624 : i32
      %dma_wait3A_290 = tpu.memref_slice %arg27[%dma_wait3A_289] : memref<11248xf32, #tpu.memory_space<vmem>> -> memref<5624xf32, #tpu.memory_space<vmem>>
      %dma_wait3A_291 = tpu.memref_slice %arg3[%add3A_288] : memref<1440000xf32, #tpu.memory_space<hbm>> -> memref<5624xf32, #tpu.memory_space<hbm>>
      %dma_wait3A_292 = arith.constant 5624 : i32
      %dma_wait3A_293 = tpu.memref_slice %arg27[%dma_wait3A_292] : memref<11248xf32, #tpu.memory_space<vmem>> -> memref<5624xf32, #tpu.memory_space<vmem>>
      %dma_wait3A_294 = tpu.memref_slice %arg3[%add3A_288] : memref<1440000xf32, #tpu.memory_space<hbm>> -> memref<5624xf32, #tpu.memory_space<hbm>>
      tpu.wait_dma2 semaphore(%arg29 : memref<!tpu.dma_semaphore, #tpu.memory_space<semaphore_mem>>) src(%dma_wait3A_294 : memref<5624xf32, #tpu.memory_space<hbm>>) dst(%dma_wait3A_293 : memref<5624xf32, #tpu.memory_space<vmem>>)
      %add3A_295 = arith.constant 73112 : i32
      %add3A_296 = arith.addi %mul3A_40, %add3A_295 : i32
      "tpu.region"() ({
        %run_scoped3A = tpu.sem_alloc : memref<!tpu.dma_semaphore, #tpu.memory_space<semaphore_mem>>
        %dma_start3A_683 = arith.constant 5624 : i32
        %dma_start3A_684 = tpu.memref_slice %arg27[%dma_start3A_683] : memref<11248xf32, #tpu.memory_space<vmem>> -> memref<5624xf32, #tpu.memory_space<vmem>>
        %dma_start3A_685 = tpu.memref_slice %arg13[%add3A_296] : memref<1440000xf32, #tpu.memory_space<vmem_shared>> -> memref<5624xf32, #tpu.memory_space<vmem_shared>>
        %dma_start3A_686 = tpu.memref_slice %arg13[%add3A_296] : memref<1440000xf32, #tpu.memory_space<vmem_shared>> -> memref<5624xf32, #tpu.memory_space<vmem_shared>>
        %dma_start3A_687 = arith.constant 5624 : i32
        %dma_start3A_688 = tpu.memref_slice %arg27[%dma_start3A_687] : memref<11248xf32, #tpu.memory_space<vmem>> -> memref<5624xf32, #tpu.memory_space<vmem>>
        tpu.enqueue_dma source(%dma_start3A_688 : memref<5624xf32, #tpu.memory_space<vmem>>) target(%dma_start3A_686 : memref<5624xf32, #tpu.memory_space<vmem_shared>>) target_semaphore(%run_scoped3A : memref<!tpu.dma_semaphore, #tpu.memory_space<semaphore_mem>>)
        %dma_wait3A_689 = arith.constant 5624 : i32
        %dma_wait3A_690 = tpu.memref_slice %arg27[%dma_wait3A_689] : memref<11248xf32, #tpu.memory_space<vmem>> -> memref<5624xf32, #tpu.memory_space<vmem>>
        %dma_wait3A_691 = tpu.memref_slice %arg13[%add3A_296] : memref<1440000xf32, #tpu.memory_space<vmem_shared>> -> memref<5624xf32, #tpu.memory_space<vmem_shared>>
        %dma_wait3A_692 = tpu.memref_slice %arg13[%add3A_296] : memref<1440000xf32, #tpu.memory_space<vmem_shared>> -> memref<5624xf32, #tpu.memory_space<vmem_shared>>
        %dma_wait3A_693 = arith.constant 5624 : i32
        %dma_wait3A_694 = tpu.memref_slice %arg27[%dma_wait3A_693] : memref<11248xf32, #tpu.memory_space<vmem>> -> memref<5624xf32, #tpu.memory_space<vmem>>
        tpu.wait_dma2 semaphore(%run_scoped3A : memref<!tpu.dma_semaphore, #tpu.memory_space<semaphore_mem>>) src(%dma_wait3A_694 : memref<5624xf32, #tpu.memory_space<vmem>>) dst(%dma_wait3A_692 : memref<5624xf32, #tpu.memory_space<vmem_shared>>)
        tpu.yield
      }) : () -> ()
      %add3A_297 = arith.constant 84360 : i32
      %add3A_298 = arith.addi %mul3A_40, %add3A_297 : i32
      %dma_start3A_299 = arith.constant 5624 : i32
      %dma_start3A_300 = tpu.memref_slice %arg27[%dma_start3A_299] : memref<11248xf32, #tpu.memory_space<vmem>> -> memref<5624xf32, #tpu.memory_space<vmem>>
      %dma_start3A_301 = tpu.memref_slice %arg3[%add3A_298] : memref<1440000xf32, #tpu.memory_space<hbm>> -> memref<5624xf32, #tpu.memory_space<hbm>>
      %dma_start3A_302 = arith.constant 5624 : i32
      %dma_start3A_303 = tpu.memref_slice %arg27[%dma_start3A_302] : memref<11248xf32, #tpu.memory_space<vmem>> -> memref<5624xf32, #tpu.memory_space<vmem>>
      %dma_start3A_304 = tpu.memref_slice %arg3[%add3A_298] : memref<1440000xf32, #tpu.memory_space<hbm>> -> memref<5624xf32, #tpu.memory_space<hbm>>
      tpu.enqueue_dma source(%dma_start3A_304 : memref<5624xf32, #tpu.memory_space<hbm>>) target(%dma_start3A_303 : memref<5624xf32, #tpu.memory_space<vmem>>) target_semaphore(%arg29 : memref<!tpu.dma_semaphore, #tpu.memory_space<semaphore_mem>>)
      %add3A_305 = arith.constant 78736 : i32
      %add3A_306 = arith.addi %mul3A_40, %add3A_305 : i32
      %dma_wait3A_307 = arith.constant 0 : i32
      %dma_wait3A_308 = tpu.memref_slice %arg27[%dma_wait3A_307] : memref<11248xf32, #tpu.memory_space<vmem>> -> memref<5624xf32, #tpu.memory_space<vmem>>
      %dma_wait3A_309 = tpu.memref_slice %arg3[%add3A_306] : memref<1440000xf32, #tpu.memory_space<hbm>> -> memref<5624xf32, #tpu.memory_space<hbm>>
      %dma_wait3A_310 = arith.constant 0 : i32
      %dma_wait3A_311 = tpu.memref_slice %arg27[%dma_wait3A_310] : memref<11248xf32, #tpu.memory_space<vmem>> -> memref<5624xf32, #tpu.memory_space<vmem>>
      %dma_wait3A_312 = tpu.memref_slice %arg3[%add3A_306] : memref<1440000xf32, #tpu.memory_space<hbm>> -> memref<5624xf32, #tpu.memory_space<hbm>>
      tpu.wait_dma2 semaphore(%arg28 : memref<!tpu.dma_semaphore, #tpu.memory_space<semaphore_mem>>) src(%dma_wait3A_312 : memref<5624xf32, #tpu.memory_space<hbm>>) dst(%dma_wait3A_311 : memref<5624xf32, #tpu.memory_space<vmem>>)
      %add3A_313 = arith.constant 78736 : i32
      %add3A_314 = arith.addi %mul3A_40, %add3A_313 : i32
      "tpu.region"() ({
        %run_scoped3A = tpu.sem_alloc : memref<!tpu.dma_semaphore, #tpu.memory_space<semaphore_mem>>
        %dma_start3A_683 = arith.constant 0 : i32
        %dma_start3A_684 = tpu.memref_slice %arg27[%dma_start3A_683] : memref<11248xf32, #tpu.memory_space<vmem>> -> memref<5624xf32, #tpu.memory_space<vmem>>
        %dma_start3A_685 = tpu.memref_slice %arg13[%add3A_314] : memref<1440000xf32, #tpu.memory_space<vmem_shared>> -> memref<5624xf32, #tpu.memory_space<vmem_shared>>
        %dma_start3A_686 = tpu.memref_slice %arg13[%add3A_314] : memref<1440000xf32, #tpu.memory_space<vmem_shared>> -> memref<5624xf32, #tpu.memory_space<vmem_shared>>
        %dma_start3A_687 = arith.constant 0 : i32
        %dma_start3A_688 = tpu.memref_slice %arg27[%dma_start3A_687] : memref<11248xf32, #tpu.memory_space<vmem>> -> memref<5624xf32, #tpu.memory_space<vmem>>
        tpu.enqueue_dma source(%dma_start3A_688 : memref<5624xf32, #tpu.memory_space<vmem>>) target(%dma_start3A_686 : memref<5624xf32, #tpu.memory_space<vmem_shared>>) target_semaphore(%run_scoped3A : memref<!tpu.dma_semaphore, #tpu.memory_space<semaphore_mem>>)
        %dma_wait3A_689 = arith.constant 0 : i32
        %dma_wait3A_690 = tpu.memref_slice %arg27[%dma_wait3A_689] : memref<11248xf32, #tpu.memory_space<vmem>> -> memref<5624xf32, #tpu.memory_space<vmem>>
        %dma_wait3A_691 = tpu.memref_slice %arg13[%add3A_314] : memref<1440000xf32, #tpu.memory_space<vmem_shared>> -> memref<5624xf32, #tpu.memory_space<vmem_shared>>
        %dma_wait3A_692 = tpu.memref_slice %arg13[%add3A_314] : memref<1440000xf32, #tpu.memory_space<vmem_shared>> -> memref<5624xf32, #tpu.memory_space<vmem_shared>>
        %dma_wait3A_693 = arith.constant 0 : i32
        %dma_wait3A_694 = tpu.memref_slice %arg27[%dma_wait3A_693] : memref<11248xf32, #tpu.memory_space<vmem>> -> memref<5624xf32, #tpu.memory_space<vmem>>
        tpu.wait_dma2 semaphore(%run_scoped3A : memref<!tpu.dma_semaphore, #tpu.memory_space<semaphore_mem>>) src(%dma_wait3A_694 : memref<5624xf32, #tpu.memory_space<vmem>>) dst(%dma_wait3A_692 : memref<5624xf32, #tpu.memory_space<vmem_shared>>)
        tpu.yield
      }) : () -> ()
      %add3A_315 = arith.constant 84360 : i32
      %add3A_316 = arith.addi %mul3A_40, %add3A_315 : i32
      %dma_wait3A_317 = arith.constant 5624 : i32
      %dma_wait3A_318 = tpu.memref_slice %arg27[%dma_wait3A_317] : memref<11248xf32, #tpu.memory_space<vmem>> -> memref<5624xf32, #tpu.memory_space<vmem>>
      %dma_wait3A_319 = tpu.memref_slice %arg3[%add3A_316] : memref<1440000xf32, #tpu.memory_space<hbm>> -> memref<5624xf32, #tpu.memory_space<hbm>>
      %dma_wait3A_320 = arith.constant 5624 : i32
      %dma_wait3A_321 = tpu.memref_slice %arg27[%dma_wait3A_320] : memref<11248xf32, #tpu.memory_space<vmem>> -> memref<5624xf32, #tpu.memory_space<vmem>>
      %dma_wait3A_322 = tpu.memref_slice %arg3[%add3A_316] : memref<1440000xf32, #tpu.memory_space<hbm>> -> memref<5624xf32, #tpu.memory_space<hbm>>
      tpu.wait_dma2 semaphore(%arg29 : memref<!tpu.dma_semaphore, #tpu.memory_space<semaphore_mem>>) src(%dma_wait3A_322 : memref<5624xf32, #tpu.memory_space<hbm>>) dst(%dma_wait3A_321 : memref<5624xf32, #tpu.memory_space<vmem>>)
      %add3A_323 = arith.constant 84360 : i32
      %add3A_324 = arith.addi %mul3A_40, %add3A_323 : i32
      "tpu.region"() ({
        %run_scoped3A = tpu.sem_alloc : memref<!tpu.dma_semaphore, #tpu.memory_space<semaphore_mem>>
        %dma_start3A_683 = arith.constant 5624 : i32
        %dma_start3A_684 = tpu.memref_slice %arg27[%dma_start3A_683] : memref<11248xf32, #tpu.memory_space<vmem>> -> memref<5624xf32, #tpu.memory_space<vmem>>
        %dma_start3A_685 = tpu.memref_slice %arg13[%add3A_324] : memref<1440000xf32, #tpu.memory_space<vmem_shared>> -> memref<5624xf32, #tpu.memory_space<vmem_shared>>
        %dma_start3A_686 = tpu.memref_slice %arg13[%add3A_324] : memref<1440000xf32, #tpu.memory_space<vmem_shared>> -> memref<5624xf32, #tpu.memory_space<vmem_shared>>
        %dma_start3A_687 = arith.constant 5624 : i32
        %dma_start3A_688 = tpu.memref_slice %arg27[%dma_start3A_687] : memref<11248xf32, #tpu.memory_space<vmem>> -> memref<5624xf32, #tpu.memory_space<vmem>>
        tpu.enqueue_dma source(%dma_start3A_688 : memref<5624xf32, #tpu.memory_space<vmem>>) target(%dma_start3A_686 : memref<5624xf32, #tpu.memory_space<vmem_shared>>) target_semaphore(%run_scoped3A : memref<!tpu.dma_semaphore, #tpu.memory_space<semaphore_mem>>)
        %dma_wait3A_689 = arith.constant 5624 : i32
        %dma_wait3A_690 = tpu.memref_slice %arg27[%dma_wait3A_689] : memref<11248xf32, #tpu.memory_space<vmem>> -> memref<5624xf32, #tpu.memory_space<vmem>>
        %dma_wait3A_691 = tpu.memref_slice %arg13[%add3A_324] : memref<1440000xf32, #tpu.memory_space<vmem_shared>> -> memref<5624xf32, #tpu.memory_space<vmem_shared>>
        %dma_wait3A_692 = tpu.memref_slice %arg13[%add3A_324] : memref<1440000xf32, #tpu.memory_space<vmem_shared>> -> memref<5624xf32, #tpu.memory_space<vmem_shared>>
        %dma_wait3A_693 = arith.constant 5624 : i32
        %dma_wait3A_694 = tpu.memref_slice %arg27[%dma_wait3A_693] : memref<11248xf32, #tpu.memory_space<vmem>> -> memref<5624xf32, #tpu.memory_space<vmem>>
        tpu.wait_dma2 semaphore(%run_scoped3A : memref<!tpu.dma_semaphore, #tpu.memory_space<semaphore_mem>>) src(%dma_wait3A_694 : memref<5624xf32, #tpu.memory_space<vmem>>) dst(%dma_wait3A_692 : memref<5624xf32, #tpu.memory_space<vmem_shared>>)
        tpu.yield
      }) : () -> ()
      %add3A_325 = arith.constant 89984 : i32
      %add3A_326 = arith.addi %mul3A_40, %add3A_325 : i32
      "tpu.region"() ({
        %run_scoped3A = tpu.sem_alloc : memref<!tpu.dma_semaphore, #tpu.memory_space<semaphore_mem>>
        %dma_start3A_683 = arith.constant 0 : i32
        %dma_start3A_684 = tpu.memref_slice %arg27[%dma_start3A_683] : memref<11248xf32, #tpu.memory_space<vmem>> -> memref<16xf32, #tpu.memory_space<vmem>>
        %dma_start3A_685 = tpu.memref_slice %arg3[%add3A_326] : memref<1440000xf32, #tpu.memory_space<hbm>> -> memref<16xf32, #tpu.memory_space<hbm>>
        %dma_start3A_686 = arith.constant 0 : i32
        %dma_start3A_687 = tpu.memref_slice %arg27[%dma_start3A_686] : memref<11248xf32, #tpu.memory_space<vmem>> -> memref<16xf32, #tpu.memory_space<vmem>>
        %dma_start3A_688 = tpu.memref_slice %arg3[%add3A_326] : memref<1440000xf32, #tpu.memory_space<hbm>> -> memref<16xf32, #tpu.memory_space<hbm>>
        tpu.enqueue_dma source(%dma_start3A_688 : memref<16xf32, #tpu.memory_space<hbm>>) target(%dma_start3A_687 : memref<16xf32, #tpu.memory_space<vmem>>) target_semaphore(%run_scoped3A : memref<!tpu.dma_semaphore, #tpu.memory_space<semaphore_mem>>)
        %dma_wait3A_689 = arith.constant 0 : i32
        %dma_wait3A_690 = tpu.memref_slice %arg27[%dma_wait3A_689] : memref<11248xf32, #tpu.memory_space<vmem>> -> memref<16xf32, #tpu.memory_space<vmem>>
        %dma_wait3A_691 = tpu.memref_slice %arg3[%add3A_326] : memref<1440000xf32, #tpu.memory_space<hbm>> -> memref<16xf32, #tpu.memory_space<hbm>>
        %dma_wait3A_692 = arith.constant 0 : i32
        %dma_wait3A_693 = tpu.memref_slice %arg27[%dma_wait3A_692] : memref<11248xf32, #tpu.memory_space<vmem>> -> memref<16xf32, #tpu.memory_space<vmem>>
        %dma_wait3A_694 = tpu.memref_slice %arg3[%add3A_326] : memref<1440000xf32, #tpu.memory_space<hbm>> -> memref<16xf32, #tpu.memory_space<hbm>>
        tpu.wait_dma2 semaphore(%run_scoped3A : memref<!tpu.dma_semaphore, #tpu.memory_space<semaphore_mem>>) src(%dma_wait3A_694 : memref<16xf32, #tpu.memory_space<hbm>>) dst(%dma_wait3A_693 : memref<16xf32, #tpu.memory_space<vmem>>)
        tpu.yield
      }) : () -> ()
      "tpu.region"() ({
        %run_scoped3A = tpu.sem_alloc : memref<!tpu.dma_semaphore, #tpu.memory_space<semaphore_mem>>
        %dma_start3A_683 = arith.constant 0 : i32
        %dma_start3A_684 = tpu.memref_slice %arg27[%dma_start3A_683] : memref<11248xf32, #tpu.memory_space<vmem>> -> memref<16xf32, #tpu.memory_space<vmem>>
        %dma_start3A_685 = tpu.memref_slice %arg13[%add3A_326] : memref<1440000xf32, #tpu.memory_space<vmem_shared>> -> memref<16xf32, #tpu.memory_space<vmem_shared>>
        %dma_start3A_686 = tpu.memref_slice %arg13[%add3A_326] : memref<1440000xf32, #tpu.memory_space<vmem_shared>> -> memref<16xf32, #tpu.memory_space<vmem_shared>>
        %dma_start3A_687 = arith.constant 0 : i32
        %dma_start3A_688 = tpu.memref_slice %arg27[%dma_start3A_687] : memref<11248xf32, #tpu.memory_space<vmem>> -> memref<16xf32, #tpu.memory_space<vmem>>
        tpu.enqueue_dma source(%dma_start3A_688 : memref<16xf32, #tpu.memory_space<vmem>>) target(%dma_start3A_686 : memref<16xf32, #tpu.memory_space<vmem_shared>>) target_semaphore(%run_scoped3A : memref<!tpu.dma_semaphore, #tpu.memory_space<semaphore_mem>>)
        %dma_wait3A_689 = arith.constant 0 : i32
        %dma_wait3A_690 = tpu.memref_slice %arg27[%dma_wait3A_689] : memref<11248xf32, #tpu.memory_space<vmem>> -> memref<16xf32, #tpu.memory_space<vmem>>
        %dma_wait3A_691 = tpu.memref_slice %arg13[%add3A_326] : memref<1440000xf32, #tpu.memory_space<vmem_shared>> -> memref<16xf32, #tpu.memory_space<vmem_shared>>
        %dma_wait3A_692 = tpu.memref_slice %arg13[%add3A_326] : memref<1440000xf32, #tpu.memory_space<vmem_shared>> -> memref<16xf32, #tpu.memory_space<vmem_shared>>
        %dma_wait3A_693 = arith.constant 0 : i32
        %dma_wait3A_694 = tpu.memref_slice %arg27[%dma_wait3A_693] : memref<11248xf32, #tpu.memory_space<vmem>> -> memref<16xf32, #tpu.memory_space<vmem>>
        tpu.wait_dma2 semaphore(%run_scoped3A : memref<!tpu.dma_semaphore, #tpu.memory_space<semaphore_mem>>) src(%dma_wait3A_694 : memref<16xf32, #tpu.memory_space<vmem>>) dst(%dma_wait3A_692 : memref<16xf32, #tpu.memory_space<vmem_shared>>)
        tpu.yield
      }) : () -> ()
      %eq3A_327 = arith.constant 0 : i32
      %eq3A_328 = arith.cmpi eq, %select_n3A, %eq3A_327 : i32
      %convert_element_type3A_329 = arith.extui %eq3A_328 : i1 to i32
      %cond3A_330 = arith.constant 0 : i32
      %cond3A_331 = arith.cmpi ne, %convert_element_type3A_329, %cond3A_330 : i32
      scf.if %cond3A_331 {
        %mul3A_683 = arith.constant 2048 : i32
        %mul3A_684 = arith.muli %mul3A_683, %select_n3A_31 : i32
        "tpu.region"() ({
          %run_scoped3A = tpu.sem_alloc : memref<!tpu.dma_semaphore, #tpu.memory_space<semaphore_mem>>
          %dma_start3A_685 = tpu.memref_slice %arg4[%mul3A_684] : memref<16384xf32, #tpu.memory_space<hbm>> -> memref<2048xf32, #tpu.memory_space<hbm>>
          %dma_start3A_686 = tpu.memref_slice %arg4[%mul3A_684] : memref<16384xf32, #tpu.memory_space<hbm>> -> memref<2048xf32, #tpu.memory_space<hbm>>
          tpu.enqueue_dma source(%dma_start3A_686 : memref<2048xf32, #tpu.memory_space<hbm>>) target(%arg16 : memref<2048xf32, #tpu.memory_space<vmem>>) target_semaphore(%run_scoped3A : memref<!tpu.dma_semaphore, #tpu.memory_space<semaphore_mem>>)
          %dma_wait3A_687 = tpu.memref_slice %arg4[%mul3A_684] : memref<16384xf32, #tpu.memory_space<hbm>> -> memref<2048xf32, #tpu.memory_space<hbm>>
          %dma_wait3A_688 = tpu.memref_slice %arg4[%mul3A_684] : memref<16384xf32, #tpu.memory_space<hbm>> -> memref<2048xf32, #tpu.memory_space<hbm>>
          tpu.wait_dma2 semaphore(%run_scoped3A : memref<!tpu.dma_semaphore, #tpu.memory_space<semaphore_mem>>) src(%dma_wait3A_688 : memref<2048xf32, #tpu.memory_space<hbm>>) dst(%arg16 : memref<2048xf32, #tpu.memory_space<vmem>>)
          tpu.yield
        }) : () -> ()
      } else {
      }
      %eq3A_332 = arith.constant 1 : i32
      %eq3A_333 = arith.cmpi eq, %select_n3A, %eq3A_332 : i32
      %convert_element_type3A_334 = arith.extui %eq3A_333 : i1 to i32
      %cond3A_335 = arith.constant 0 : i32
      %cond3A_336 = arith.cmpi ne, %convert_element_type3A_334, %cond3A_335 : i32
      scf.if %cond3A_336 {
        %mul3A_683 = arith.constant 2048 : i32
        %mul3A_684 = arith.muli %mul3A_683, %select_n3A_31 : i32
        "tpu.region"() ({
          %run_scoped3A = tpu.sem_alloc : memref<!tpu.dma_semaphore, #tpu.memory_space<semaphore_mem>>
          %dma_start3A_685 = tpu.memref_slice %arg5[%mul3A_684] : memref<16384xf32, #tpu.memory_space<hbm>> -> memref<2048xf32, #tpu.memory_space<hbm>>
          %dma_start3A_686 = tpu.memref_slice %arg5[%mul3A_684] : memref<16384xf32, #tpu.memory_space<hbm>> -> memref<2048xf32, #tpu.memory_space<hbm>>
          tpu.enqueue_dma source(%dma_start3A_686 : memref<2048xf32, #tpu.memory_space<hbm>>) target(%arg16 : memref<2048xf32, #tpu.memory_space<vmem>>) target_semaphore(%run_scoped3A : memref<!tpu.dma_semaphore, #tpu.memory_space<semaphore_mem>>)
          %dma_wait3A_687 = tpu.memref_slice %arg5[%mul3A_684] : memref<16384xf32, #tpu.memory_space<hbm>> -> memref<2048xf32, #tpu.memory_space<hbm>>
          %dma_wait3A_688 = tpu.memref_slice %arg5[%mul3A_684] : memref<16384xf32, #tpu.memory_space<hbm>> -> memref<2048xf32, #tpu.memory_space<hbm>>
          tpu.wait_dma2 semaphore(%run_scoped3A : memref<!tpu.dma_semaphore, #tpu.memory_space<semaphore_mem>>) src(%dma_wait3A_688 : memref<2048xf32, #tpu.memory_space<hbm>>) dst(%arg16 : memref<2048xf32, #tpu.memory_space<vmem>>)
          tpu.yield
        }) : () -> ()
      } else {
      }
      %mul3A_337 = arith.constant 256 : i32
      %mul3A_338 = arith.muli %mul3A_337, %select_n3A_31 : i32
      "tpu.region"() ({
        %run_scoped3A = tpu.sem_alloc : memref<!tpu.dma_semaphore, #tpu.memory_space<semaphore_mem>>
        %dma_start3A_683 = tpu.memref_slice %arg6[%mul3A_338] : memref<2048xf32, #tpu.memory_space<hbm>> -> memref<256xf32, #tpu.memory_space<hbm>>
        %dma_start3A_684 = tpu.memref_slice %arg6[%mul3A_338] : memref<2048xf32, #tpu.memory_space<hbm>> -> memref<256xf32, #tpu.memory_space<hbm>>
        tpu.enqueue_dma source(%dma_start3A_684 : memref<256xf32, #tpu.memory_space<hbm>>) target(%arg17 : memref<256xf32, #tpu.memory_space<vmem>>) target_semaphore(%run_scoped3A : memref<!tpu.dma_semaphore, #tpu.memory_space<semaphore_mem>>)
        %dma_wait3A_685 = tpu.memref_slice %arg6[%mul3A_338] : memref<2048xf32, #tpu.memory_space<hbm>> -> memref<256xf32, #tpu.memory_space<hbm>>
        %dma_wait3A_686 = tpu.memref_slice %arg6[%mul3A_338] : memref<2048xf32, #tpu.memory_space<hbm>> -> memref<256xf32, #tpu.memory_space<hbm>>
        tpu.wait_dma2 semaphore(%run_scoped3A : memref<!tpu.dma_semaphore, #tpu.memory_space<semaphore_mem>>) src(%dma_wait3A_686 : memref<256xf32, #tpu.memory_space<hbm>>) dst(%arg17 : memref<256xf32, #tpu.memory_space<vmem>>)
        tpu.yield
      }) : () -> ()
      %mul3A_339 = arith.constant 16 : i32
      %mul3A_340 = arith.muli %mul3A_339, %select_n3A_31 : i32
      "tpu.region"() ({
        %run_scoped3A = tpu.sem_alloc : memref<!tpu.dma_semaphore, #tpu.memory_space<semaphore_mem>>
        %dma_start3A_683 = arith.constant 0 : i32
        %dma_start3A_684 = tpu.memref_slice %arg18[%dma_start3A_683] : memref<128xf32, #tpu.memory_space<vmem>> -> memref<16xf32, #tpu.memory_space<vmem>>
        %dma_start3A_685 = tpu.memref_slice %arg7[%mul3A_340] : memref<128xf32, #tpu.memory_space<hbm>> -> memref<16xf32, #tpu.memory_space<hbm>>
        %dma_start3A_686 = arith.constant 0 : i32
        %dma_start3A_687 = tpu.memref_slice %arg18[%dma_start3A_686] : memref<128xf32, #tpu.memory_space<vmem>> -> memref<16xf32, #tpu.memory_space<vmem>>
        %dma_start3A_688 = tpu.memref_slice %arg7[%mul3A_340] : memref<128xf32, #tpu.memory_space<hbm>> -> memref<16xf32, #tpu.memory_space<hbm>>
        tpu.enqueue_dma source(%dma_start3A_688 : memref<16xf32, #tpu.memory_space<hbm>>) target(%dma_start3A_687 : memref<16xf32, #tpu.memory_space<vmem>>) target_semaphore(%run_scoped3A : memref<!tpu.dma_semaphore, #tpu.memory_space<semaphore_mem>>)
        %dma_wait3A_689 = arith.constant 0 : i32
        %dma_wait3A_690 = tpu.memref_slice %arg18[%dma_wait3A_689] : memref<128xf32, #tpu.memory_space<vmem>> -> memref<16xf32, #tpu.memory_space<vmem>>
        %dma_wait3A_691 = tpu.memref_slice %arg7[%mul3A_340] : memref<128xf32, #tpu.memory_space<hbm>> -> memref<16xf32, #tpu.memory_space<hbm>>
        %dma_wait3A_692 = arith.constant 0 : i32
        %dma_wait3A_693 = tpu.memref_slice %arg18[%dma_wait3A_692] : memref<128xf32, #tpu.memory_space<vmem>> -> memref<16xf32, #tpu.memory_space<vmem>>
        %dma_wait3A_694 = tpu.memref_slice %arg7[%mul3A_340] : memref<128xf32, #tpu.memory_space<hbm>> -> memref<16xf32, #tpu.memory_space<hbm>>
        tpu.wait_dma2 semaphore(%run_scoped3A : memref<!tpu.dma_semaphore, #tpu.memory_space<semaphore_mem>>) src(%dma_wait3A_694 : memref<16xf32, #tpu.memory_space<hbm>>) dst(%dma_wait3A_693 : memref<16xf32, #tpu.memory_space<vmem>>)
        tpu.yield
      }) : () -> ()
      %add3A_341 = arith.constant 0 : i32
      %add3A_342 = arith.addi %select_n3A_31, %add3A_341 : i32
      %mul3A_343 = arith.constant 2048 : i32
      %mul3A_344 = arith.muli %mul3A_343, %add3A_342 : i32
      "tpu.region"() ({
        %run_scoped3A = tpu.sem_alloc : memref<!tpu.dma_semaphore, #tpu.memory_space<semaphore_mem>>
        %dma_start3A_683 = arith.constant 0 : i32
        %dma_start3A_684 = tpu.memref_slice %arg19[%dma_start3A_683] : memref<6144xf32, #tpu.memory_space<vmem>> -> memref<2048xf32, #tpu.memory_space<vmem>>
        %dma_start3A_685 = tpu.memref_slice %arg8[%mul3A_344] : memref<49152xf32, #tpu.memory_space<hbm>> -> memref<2048xf32, #tpu.memory_space<hbm>>
        %dma_start3A_686 = arith.constant 0 : i32
        %dma_start3A_687 = tpu.memref_slice %arg19[%dma_start3A_686] : memref<6144xf32, #tpu.memory_space<vmem>> -> memref<2048xf32, #tpu.memory_space<vmem>>
        %dma_start3A_688 = tpu.memref_slice %arg8[%mul3A_344] : memref<49152xf32, #tpu.memory_space<hbm>> -> memref<2048xf32, #tpu.memory_space<hbm>>
        tpu.enqueue_dma source(%dma_start3A_688 : memref<2048xf32, #tpu.memory_space<hbm>>) target(%dma_start3A_687 : memref<2048xf32, #tpu.memory_space<vmem>>) target_semaphore(%run_scoped3A : memref<!tpu.dma_semaphore, #tpu.memory_space<semaphore_mem>>)
        %dma_wait3A_689 = arith.constant 0 : i32
        %dma_wait3A_690 = tpu.memref_slice %arg19[%dma_wait3A_689] : memref<6144xf32, #tpu.memory_space<vmem>> -> memref<2048xf32, #tpu.memory_space<vmem>>
        %dma_wait3A_691 = tpu.memref_slice %arg8[%mul3A_344] : memref<49152xf32, #tpu.memory_space<hbm>> -> memref<2048xf32, #tpu.memory_space<hbm>>
        %dma_wait3A_692 = arith.constant 0 : i32
        %dma_wait3A_693 = tpu.memref_slice %arg19[%dma_wait3A_692] : memref<6144xf32, #tpu.memory_space<vmem>> -> memref<2048xf32, #tpu.memory_space<vmem>>
        %dma_wait3A_694 = tpu.memref_slice %arg8[%mul3A_344] : memref<49152xf32, #tpu.memory_space<hbm>> -> memref<2048xf32, #tpu.memory_space<hbm>>
        tpu.wait_dma2 semaphore(%run_scoped3A : memref<!tpu.dma_semaphore, #tpu.memory_space<semaphore_mem>>) src(%dma_wait3A_694 : memref<2048xf32, #tpu.memory_space<hbm>>) dst(%dma_wait3A_693 : memref<2048xf32, #tpu.memory_space<vmem>>)
        tpu.yield
      }) : () -> ()
      %add3A_345 = arith.constant 0 : i32
      %add3A_346 = arith.addi %select_n3A_31, %add3A_345 : i32
      %mul3A_347 = arith.constant 2048 : i32
      %mul3A_348 = arith.muli %mul3A_347, %add3A_346 : i32
      "tpu.region"() ({
        %run_scoped3A = tpu.sem_alloc : memref<!tpu.dma_semaphore, #tpu.memory_space<semaphore_mem>>
        %dma_start3A_683 = arith.constant 0 : i32
        %dma_start3A_684 = tpu.memref_slice %arg20[%dma_start3A_683] : memref<6144xf32, #tpu.memory_space<vmem>> -> memref<2048xf32, #tpu.memory_space<vmem>>
        %dma_start3A_685 = tpu.memref_slice %arg10[%mul3A_348] : memref<49152xf32, #tpu.memory_space<hbm>> -> memref<2048xf32, #tpu.memory_space<hbm>>
        %dma_start3A_686 = arith.constant 0 : i32
        %dma_start3A_687 = tpu.memref_slice %arg20[%dma_start3A_686] : memref<6144xf32, #tpu.memory_space<vmem>> -> memref<2048xf32, #tpu.memory_space<vmem>>
        %dma_start3A_688 = tpu.memref_slice %arg10[%mul3A_348] : memref<49152xf32, #tpu.memory_space<hbm>> -> memref<2048xf32, #tpu.memory_space<hbm>>
        tpu.enqueue_dma source(%dma_start3A_688 : memref<2048xf32, #tpu.memory_space<hbm>>) target(%dma_start3A_687 : memref<2048xf32, #tpu.memory_space<vmem>>) target_semaphore(%run_scoped3A : memref<!tpu.dma_semaphore, #tpu.memory_space<semaphore_mem>>)
        %dma_wait3A_689 = arith.constant 0 : i32
        %dma_wait3A_690 = tpu.memref_slice %arg20[%dma_wait3A_689] : memref<6144xf32, #tpu.memory_space<vmem>> -> memref<2048xf32, #tpu.memory_space<vmem>>
        %dma_wait3A_691 = tpu.memref_slice %arg10[%mul3A_348] : memref<49152xf32, #tpu.memory_space<hbm>> -> memref<2048xf32, #tpu.memory_space<hbm>>
        %dma_wait3A_692 = arith.constant 0 : i32
        %dma_wait3A_693 = tpu.memref_slice %arg20[%dma_wait3A_692] : memref<6144xf32, #tpu.memory_space<vmem>> -> memref<2048xf32, #tpu.memory_space<vmem>>
        %dma_wait3A_694 = tpu.memref_slice %arg10[%mul3A_348] : memref<49152xf32, #tpu.memory_space<hbm>> -> memref<2048xf32, #tpu.memory_space<hbm>>
        tpu.wait_dma2 semaphore(%run_scoped3A : memref<!tpu.dma_semaphore, #tpu.memory_space<semaphore_mem>>) src(%dma_wait3A_694 : memref<2048xf32, #tpu.memory_space<hbm>>) dst(%dma_wait3A_693 : memref<2048xf32, #tpu.memory_space<vmem>>)
        tpu.yield
      }) : () -> ()
      %add3A_349 = arith.constant 0 : i32
      %add3A_350 = arith.addi %select_n3A_31, %add3A_349 : i32
      %mul3A_351 = arith.constant 16 : i32
      %mul3A_352 = arith.muli %mul3A_351, %add3A_350 : i32
      "tpu.region"() ({
        %run_scoped3A = tpu.sem_alloc : memref<!tpu.dma_semaphore, #tpu.memory_space<semaphore_mem>>
        %dma_start3A_683 = arith.constant 32 : i32
        %dma_start3A_684 = tpu.memref_slice %arg18[%dma_start3A_683] : memref<128xf32, #tpu.memory_space<vmem>> -> memref<16xf32, #tpu.memory_space<vmem>>
        %dma_start3A_685 = tpu.memref_slice %arg9[%mul3A_352] : memref<384xf32, #tpu.memory_space<hbm>> -> memref<16xf32, #tpu.memory_space<hbm>>
        %dma_start3A_686 = arith.constant 32 : i32
        %dma_start3A_687 = tpu.memref_slice %arg18[%dma_start3A_686] : memref<128xf32, #tpu.memory_space<vmem>> -> memref<16xf32, #tpu.memory_space<vmem>>
        %dma_start3A_688 = tpu.memref_slice %arg9[%mul3A_352] : memref<384xf32, #tpu.memory_space<hbm>> -> memref<16xf32, #tpu.memory_space<hbm>>
        tpu.enqueue_dma source(%dma_start3A_688 : memref<16xf32, #tpu.memory_space<hbm>>) target(%dma_start3A_687 : memref<16xf32, #tpu.memory_space<vmem>>) target_semaphore(%run_scoped3A : memref<!tpu.dma_semaphore, #tpu.memory_space<semaphore_mem>>)
        %dma_wait3A_689 = arith.constant 32 : i32
        %dma_wait3A_690 = tpu.memref_slice %arg18[%dma_wait3A_689] : memref<128xf32, #tpu.memory_space<vmem>> -> memref<16xf32, #tpu.memory_space<vmem>>
        %dma_wait3A_691 = tpu.memref_slice %arg9[%mul3A_352] : memref<384xf32, #tpu.memory_space<hbm>> -> memref<16xf32, #tpu.memory_space<hbm>>
        %dma_wait3A_692 = arith.constant 32 : i32
        %dma_wait3A_693 = tpu.memref_slice %arg18[%dma_wait3A_692] : memref<128xf32, #tpu.memory_space<vmem>> -> memref<16xf32, #tpu.memory_space<vmem>>
        %dma_wait3A_694 = tpu.memref_slice %arg9[%mul3A_352] : memref<384xf32, #tpu.memory_space<hbm>> -> memref<16xf32, #tpu.memory_space<hbm>>
        tpu.wait_dma2 semaphore(%run_scoped3A : memref<!tpu.dma_semaphore, #tpu.memory_space<semaphore_mem>>) src(%dma_wait3A_694 : memref<16xf32, #tpu.memory_space<hbm>>) dst(%dma_wait3A_693 : memref<16xf32, #tpu.memory_space<vmem>>)
        tpu.yield
      }) : () -> ()
      %add3A_353 = arith.constant 0 : i32
      %add3A_354 = arith.addi %select_n3A_31, %add3A_353 : i32
      %mul3A_355 = arith.constant 16 : i32
      %mul3A_356 = arith.muli %mul3A_355, %add3A_354 : i32
      "tpu.region"() ({
        %run_scoped3A = tpu.sem_alloc : memref<!tpu.dma_semaphore, #tpu.memory_space<semaphore_mem>>
        %dma_start3A_683 = arith.constant 80 : i32
        %dma_start3A_684 = tpu.memref_slice %arg18[%dma_start3A_683] : memref<128xf32, #tpu.memory_space<vmem>> -> memref<16xf32, #tpu.memory_space<vmem>>
        %dma_start3A_685 = tpu.memref_slice %arg11[%mul3A_356] : memref<384xf32, #tpu.memory_space<hbm>> -> memref<16xf32, #tpu.memory_space<hbm>>
        %dma_start3A_686 = arith.constant 80 : i32
        %dma_start3A_687 = tpu.memref_slice %arg18[%dma_start3A_686] : memref<128xf32, #tpu.memory_space<vmem>> -> memref<16xf32, #tpu.memory_space<vmem>>
        %dma_start3A_688 = tpu.memref_slice %arg11[%mul3A_356] : memref<384xf32, #tpu.memory_space<hbm>> -> memref<16xf32, #tpu.memory_space<hbm>>
        tpu.enqueue_dma source(%dma_start3A_688 : memref<16xf32, #tpu.memory_space<hbm>>) target(%dma_start3A_687 : memref<16xf32, #tpu.memory_space<vmem>>) target_semaphore(%run_scoped3A : memref<!tpu.dma_semaphore, #tpu.memory_space<semaphore_mem>>)
        %dma_wait3A_689 = arith.constant 80 : i32
        %dma_wait3A_690 = tpu.memref_slice %arg18[%dma_wait3A_689] : memref<128xf32, #tpu.memory_space<vmem>> -> memref<16xf32, #tpu.memory_space<vmem>>
        %dma_wait3A_691 = tpu.memref_slice %arg11[%mul3A_356] : memref<384xf32, #tpu.memory_space<hbm>> -> memref<16xf32, #tpu.memory_space<hbm>>
        %dma_wait3A_692 = arith.constant 80 : i32
        %dma_wait3A_693 = tpu.memref_slice %arg18[%dma_wait3A_692] : memref<128xf32, #tpu.memory_space<vmem>> -> memref<16xf32, #tpu.memory_space<vmem>>
        %dma_wait3A_694 = tpu.memref_slice %arg11[%mul3A_356] : memref<384xf32, #tpu.memory_space<hbm>> -> memref<16xf32, #tpu.memory_space<hbm>>
        tpu.wait_dma2 semaphore(%run_scoped3A : memref<!tpu.dma_semaphore, #tpu.memory_space<semaphore_mem>>) src(%dma_wait3A_694 : memref<16xf32, #tpu.memory_space<hbm>>) dst(%dma_wait3A_693 : memref<16xf32, #tpu.memory_space<vmem>>)
        tpu.yield
      }) : () -> ()
      %add3A_357 = arith.constant 8 : i32
      %add3A_358 = arith.addi %select_n3A_31, %add3A_357 : i32
      %mul3A_359 = arith.constant 2048 : i32
      %mul3A_360 = arith.muli %mul3A_359, %add3A_358 : i32
      "tpu.region"() ({
        %run_scoped3A = tpu.sem_alloc : memref<!tpu.dma_semaphore, #tpu.memory_space<semaphore_mem>>
        %dma_start3A_683 = arith.constant 2048 : i32
        %dma_start3A_684 = tpu.memref_slice %arg19[%dma_start3A_683] : memref<6144xf32, #tpu.memory_space<vmem>> -> memref<2048xf32, #tpu.memory_space<vmem>>
        %dma_start3A_685 = tpu.memref_slice %arg8[%mul3A_360] : memref<49152xf32, #tpu.memory_space<hbm>> -> memref<2048xf32, #tpu.memory_space<hbm>>
        %dma_start3A_686 = arith.constant 2048 : i32
        %dma_start3A_687 = tpu.memref_slice %arg19[%dma_start3A_686] : memref<6144xf32, #tpu.memory_space<vmem>> -> memref<2048xf32, #tpu.memory_space<vmem>>
        %dma_start3A_688 = tpu.memref_slice %arg8[%mul3A_360] : memref<49152xf32, #tpu.memory_space<hbm>> -> memref<2048xf32, #tpu.memory_space<hbm>>
        tpu.enqueue_dma source(%dma_start3A_688 : memref<2048xf32, #tpu.memory_space<hbm>>) target(%dma_start3A_687 : memref<2048xf32, #tpu.memory_space<vmem>>) target_semaphore(%run_scoped3A : memref<!tpu.dma_semaphore, #tpu.memory_space<semaphore_mem>>)
        %dma_wait3A_689 = arith.constant 2048 : i32
        %dma_wait3A_690 = tpu.memref_slice %arg19[%dma_wait3A_689] : memref<6144xf32, #tpu.memory_space<vmem>> -> memref<2048xf32, #tpu.memory_space<vmem>>
        %dma_wait3A_691 = tpu.memref_slice %arg8[%mul3A_360] : memref<49152xf32, #tpu.memory_space<hbm>> -> memref<2048xf32, #tpu.memory_space<hbm>>
        %dma_wait3A_692 = arith.constant 2048 : i32
        %dma_wait3A_693 = tpu.memref_slice %arg19[%dma_wait3A_692] : memref<6144xf32, #tpu.memory_space<vmem>> -> memref<2048xf32, #tpu.memory_space<vmem>>
        %dma_wait3A_694 = tpu.memref_slice %arg8[%mul3A_360] : memref<49152xf32, #tpu.memory_space<hbm>> -> memref<2048xf32, #tpu.memory_space<hbm>>
        tpu.wait_dma2 semaphore(%run_scoped3A : memref<!tpu.dma_semaphore, #tpu.memory_space<semaphore_mem>>) src(%dma_wait3A_694 : memref<2048xf32, #tpu.memory_space<hbm>>) dst(%dma_wait3A_693 : memref<2048xf32, #tpu.memory_space<vmem>>)
        tpu.yield
      }) : () -> ()
      %add3A_361 = arith.constant 8 : i32
      %add3A_362 = arith.addi %select_n3A_31, %add3A_361 : i32
      %mul3A_363 = arith.constant 2048 : i32
      %mul3A_364 = arith.muli %mul3A_363, %add3A_362 : i32
      "tpu.region"() ({
        %run_scoped3A = tpu.sem_alloc : memref<!tpu.dma_semaphore, #tpu.memory_space<semaphore_mem>>
        %dma_start3A_683 = arith.constant 2048 : i32
        %dma_start3A_684 = tpu.memref_slice %arg20[%dma_start3A_683] : memref<6144xf32, #tpu.memory_space<vmem>> -> memref<2048xf32, #tpu.memory_space<vmem>>
        %dma_start3A_685 = tpu.memref_slice %arg10[%mul3A_364] : memref<49152xf32, #tpu.memory_space<hbm>> -> memref<2048xf32, #tpu.memory_space<hbm>>
        %dma_start3A_686 = arith.constant 2048 : i32
        %dma_start3A_687 = tpu.memref_slice %arg20[%dma_start3A_686] : memref<6144xf32, #tpu.memory_space<vmem>> -> memref<2048xf32, #tpu.memory_space<vmem>>
        %dma_start3A_688 = tpu.memref_slice %arg10[%mul3A_364] : memref<49152xf32, #tpu.memory_space<hbm>> -> memref<2048xf32, #tpu.memory_space<hbm>>
        tpu.enqueue_dma source(%dma_start3A_688 : memref<2048xf32, #tpu.memory_space<hbm>>) target(%dma_start3A_687 : memref<2048xf32, #tpu.memory_space<vmem>>) target_semaphore(%run_scoped3A : memref<!tpu.dma_semaphore, #tpu.memory_space<semaphore_mem>>)
        %dma_wait3A_689 = arith.constant 2048 : i32
        %dma_wait3A_690 = tpu.memref_slice %arg20[%dma_wait3A_689] : memref<6144xf32, #tpu.memory_space<vmem>> -> memref<2048xf32, #tpu.memory_space<vmem>>
        %dma_wait3A_691 = tpu.memref_slice %arg10[%mul3A_364] : memref<49152xf32, #tpu.memory_space<hbm>> -> memref<2048xf32, #tpu.memory_space<hbm>>
        %dma_wait3A_692 = arith.constant 2048 : i32
        %dma_wait3A_693 = tpu.memref_slice %arg20[%dma_wait3A_692] : memref<6144xf32, #tpu.memory_space<vmem>> -> memref<2048xf32, #tpu.memory_space<vmem>>
        %dma_wait3A_694 = tpu.memref_slice %arg10[%mul3A_364] : memref<49152xf32, #tpu.memory_space<hbm>> -> memref<2048xf32, #tpu.memory_space<hbm>>
        tpu.wait_dma2 semaphore(%run_scoped3A : memref<!tpu.dma_semaphore, #tpu.memory_space<semaphore_mem>>) src(%dma_wait3A_694 : memref<2048xf32, #tpu.memory_space<hbm>>) dst(%dma_wait3A_693 : memref<2048xf32, #tpu.memory_space<vmem>>)
        tpu.yield
      }) : () -> ()
      %add3A_365 = arith.constant 8 : i32
      %add3A_366 = arith.addi %select_n3A_31, %add3A_365 : i32
      %mul3A_367 = arith.constant 16 : i32
      %mul3A_368 = arith.muli %mul3A_367, %add3A_366 : i32
      "tpu.region"() ({
        %run_scoped3A = tpu.sem_alloc : memref<!tpu.dma_semaphore, #tpu.memory_space<semaphore_mem>>
        %dma_start3A_683 = arith.constant 48 : i32
        %dma_start3A_684 = tpu.memref_slice %arg18[%dma_start3A_683] : memref<128xf32, #tpu.memory_space<vmem>> -> memref<16xf32, #tpu.memory_space<vmem>>
        %dma_start3A_685 = tpu.memref_slice %arg9[%mul3A_368] : memref<384xf32, #tpu.memory_space<hbm>> -> memref<16xf32, #tpu.memory_space<hbm>>
        %dma_start3A_686 = arith.constant 48 : i32
        %dma_start3A_687 = tpu.memref_slice %arg18[%dma_start3A_686] : memref<128xf32, #tpu.memory_space<vmem>> -> memref<16xf32, #tpu.memory_space<vmem>>
        %dma_start3A_688 = tpu.memref_slice %arg9[%mul3A_368] : memref<384xf32, #tpu.memory_space<hbm>> -> memref<16xf32, #tpu.memory_space<hbm>>
        tpu.enqueue_dma source(%dma_start3A_688 : memref<16xf32, #tpu.memory_space<hbm>>) target(%dma_start3A_687 : memref<16xf32, #tpu.memory_space<vmem>>) target_semaphore(%run_scoped3A : memref<!tpu.dma_semaphore, #tpu.memory_space<semaphore_mem>>)
        %dma_wait3A_689 = arith.constant 48 : i32
        %dma_wait3A_690 = tpu.memref_slice %arg18[%dma_wait3A_689] : memref<128xf32, #tpu.memory_space<vmem>> -> memref<16xf32, #tpu.memory_space<vmem>>
        %dma_wait3A_691 = tpu.memref_slice %arg9[%mul3A_368] : memref<384xf32, #tpu.memory_space<hbm>> -> memref<16xf32, #tpu.memory_space<hbm>>
        %dma_wait3A_692 = arith.constant 48 : i32
        %dma_wait3A_693 = tpu.memref_slice %arg18[%dma_wait3A_692] : memref<128xf32, #tpu.memory_space<vmem>> -> memref<16xf32, #tpu.memory_space<vmem>>
        %dma_wait3A_694 = tpu.memref_slice %arg9[%mul3A_368] : memref<384xf32, #tpu.memory_space<hbm>> -> memref<16xf32, #tpu.memory_space<hbm>>
        tpu.wait_dma2 semaphore(%run_scoped3A : memref<!tpu.dma_semaphore, #tpu.memory_space<semaphore_mem>>) src(%dma_wait3A_694 : memref<16xf32, #tpu.memory_space<hbm>>) dst(%dma_wait3A_693 : memref<16xf32, #tpu.memory_space<vmem>>)
        tpu.yield
      }) : () -> ()
      %add3A_369 = arith.constant 8 : i32
      %add3A_370 = arith.addi %select_n3A_31, %add3A_369 : i32
      %mul3A_371 = arith.constant 16 : i32
      %mul3A_372 = arith.muli %mul3A_371, %add3A_370 : i32
      "tpu.region"() ({
        %run_scoped3A = tpu.sem_alloc : memref<!tpu.dma_semaphore, #tpu.memory_space<semaphore_mem>>
        %dma_start3A_683 = arith.constant 96 : i32
        %dma_start3A_684 = tpu.memref_slice %arg18[%dma_start3A_683] : memref<128xf32, #tpu.memory_space<vmem>> -> memref<16xf32, #tpu.memory_space<vmem>>
        %dma_start3A_685 = tpu.memref_slice %arg11[%mul3A_372] : memref<384xf32, #tpu.memory_space<hbm>> -> memref<16xf32, #tpu.memory_space<hbm>>
        %dma_start3A_686 = arith.constant 96 : i32
        %dma_start3A_687 = tpu.memref_slice %arg18[%dma_start3A_686] : memref<128xf32, #tpu.memory_space<vmem>> -> memref<16xf32, #tpu.memory_space<vmem>>
        %dma_start3A_688 = tpu.memref_slice %arg11[%mul3A_372] : memref<384xf32, #tpu.memory_space<hbm>> -> memref<16xf32, #tpu.memory_space<hbm>>
        tpu.enqueue_dma source(%dma_start3A_688 : memref<16xf32, #tpu.memory_space<hbm>>) target(%dma_start3A_687 : memref<16xf32, #tpu.memory_space<vmem>>) target_semaphore(%run_scoped3A : memref<!tpu.dma_semaphore, #tpu.memory_space<semaphore_mem>>)
        %dma_wait3A_689 = arith.constant 96 : i32
        %dma_wait3A_690 = tpu.memref_slice %arg18[%dma_wait3A_689] : memref<128xf32, #tpu.memory_space<vmem>> -> memref<16xf32, #tpu.memory_space<vmem>>
        %dma_wait3A_691 = tpu.memref_slice %arg11[%mul3A_372] : memref<384xf32, #tpu.memory_space<hbm>> -> memref<16xf32, #tpu.memory_space<hbm>>
        %dma_wait3A_692 = arith.constant 96 : i32
        %dma_wait3A_693 = tpu.memref_slice %arg18[%dma_wait3A_692] : memref<128xf32, #tpu.memory_space<vmem>> -> memref<16xf32, #tpu.memory_space<vmem>>
        %dma_wait3A_694 = tpu.memref_slice %arg11[%mul3A_372] : memref<384xf32, #tpu.memory_space<hbm>> -> memref<16xf32, #tpu.memory_space<hbm>>
        tpu.wait_dma2 semaphore(%run_scoped3A : memref<!tpu.dma_semaphore, #tpu.memory_space<semaphore_mem>>) src(%dma_wait3A_694 : memref<16xf32, #tpu.memory_space<hbm>>) dst(%dma_wait3A_693 : memref<16xf32, #tpu.memory_space<vmem>>)
        tpu.yield
      }) : () -> ()
      %add3A_373 = arith.constant 16 : i32
      %add3A_374 = arith.addi %select_n3A_31, %add3A_373 : i32
      %mul3A_375 = arith.constant 2048 : i32
      %mul3A_376 = arith.muli %mul3A_375, %add3A_374 : i32
      "tpu.region"() ({
        %run_scoped3A = tpu.sem_alloc : memref<!tpu.dma_semaphore, #tpu.memory_space<semaphore_mem>>
        %dma_start3A_683 = arith.constant 4096 : i32
        %dma_start3A_684 = tpu.memref_slice %arg19[%dma_start3A_683] : memref<6144xf32, #tpu.memory_space<vmem>> -> memref<2048xf32, #tpu.memory_space<vmem>>
        %dma_start3A_685 = tpu.memref_slice %arg8[%mul3A_376] : memref<49152xf32, #tpu.memory_space<hbm>> -> memref<2048xf32, #tpu.memory_space<hbm>>
        %dma_start3A_686 = arith.constant 4096 : i32
        %dma_start3A_687 = tpu.memref_slice %arg19[%dma_start3A_686] : memref<6144xf32, #tpu.memory_space<vmem>> -> memref<2048xf32, #tpu.memory_space<vmem>>
        %dma_start3A_688 = tpu.memref_slice %arg8[%mul3A_376] : memref<49152xf32, #tpu.memory_space<hbm>> -> memref<2048xf32, #tpu.memory_space<hbm>>
        tpu.enqueue_dma source(%dma_start3A_688 : memref<2048xf32, #tpu.memory_space<hbm>>) target(%dma_start3A_687 : memref<2048xf32, #tpu.memory_space<vmem>>) target_semaphore(%run_scoped3A : memref<!tpu.dma_semaphore, #tpu.memory_space<semaphore_mem>>)
        %dma_wait3A_689 = arith.constant 4096 : i32
        %dma_wait3A_690 = tpu.memref_slice %arg19[%dma_wait3A_689] : memref<6144xf32, #tpu.memory_space<vmem>> -> memref<2048xf32, #tpu.memory_space<vmem>>
        %dma_wait3A_691 = tpu.memref_slice %arg8[%mul3A_376] : memref<49152xf32, #tpu.memory_space<hbm>> -> memref<2048xf32, #tpu.memory_space<hbm>>
        %dma_wait3A_692 = arith.constant 4096 : i32
        %dma_wait3A_693 = tpu.memref_slice %arg19[%dma_wait3A_692] : memref<6144xf32, #tpu.memory_space<vmem>> -> memref<2048xf32, #tpu.memory_space<vmem>>
        %dma_wait3A_694 = tpu.memref_slice %arg8[%mul3A_376] : memref<49152xf32, #tpu.memory_space<hbm>> -> memref<2048xf32, #tpu.memory_space<hbm>>
        tpu.wait_dma2 semaphore(%run_scoped3A : memref<!tpu.dma_semaphore, #tpu.memory_space<semaphore_mem>>) src(%dma_wait3A_694 : memref<2048xf32, #tpu.memory_space<hbm>>) dst(%dma_wait3A_693 : memref<2048xf32, #tpu.memory_space<vmem>>)
        tpu.yield
      }) : () -> ()
      %add3A_377 = arith.constant 16 : i32
      %add3A_378 = arith.addi %select_n3A_31, %add3A_377 : i32
      %mul3A_379 = arith.constant 2048 : i32
      %mul3A_380 = arith.muli %mul3A_379, %add3A_378 : i32
      "tpu.region"() ({
        %run_scoped3A = tpu.sem_alloc : memref<!tpu.dma_semaphore, #tpu.memory_space<semaphore_mem>>
        %dma_start3A_683 = arith.constant 4096 : i32
        %dma_start3A_684 = tpu.memref_slice %arg20[%dma_start3A_683] : memref<6144xf32, #tpu.memory_space<vmem>> -> memref<2048xf32, #tpu.memory_space<vmem>>
        %dma_start3A_685 = tpu.memref_slice %arg10[%mul3A_380] : memref<49152xf32, #tpu.memory_space<hbm>> -> memref<2048xf32, #tpu.memory_space<hbm>>
        %dma_start3A_686 = arith.constant 4096 : i32
        %dma_start3A_687 = tpu.memref_slice %arg20[%dma_start3A_686] : memref<6144xf32, #tpu.memory_space<vmem>> -> memref<2048xf32, #tpu.memory_space<vmem>>
        %dma_start3A_688 = tpu.memref_slice %arg10[%mul3A_380] : memref<49152xf32, #tpu.memory_space<hbm>> -> memref<2048xf32, #tpu.memory_space<hbm>>
        tpu.enqueue_dma source(%dma_start3A_688 : memref<2048xf32, #tpu.memory_space<hbm>>) target(%dma_start3A_687 : memref<2048xf32, #tpu.memory_space<vmem>>) target_semaphore(%run_scoped3A : memref<!tpu.dma_semaphore, #tpu.memory_space<semaphore_mem>>)
        %dma_wait3A_689 = arith.constant 4096 : i32
        %dma_wait3A_690 = tpu.memref_slice %arg20[%dma_wait3A_689] : memref<6144xf32, #tpu.memory_space<vmem>> -> memref<2048xf32, #tpu.memory_space<vmem>>
        %dma_wait3A_691 = tpu.memref_slice %arg10[%mul3A_380] : memref<49152xf32, #tpu.memory_space<hbm>> -> memref<2048xf32, #tpu.memory_space<hbm>>
        %dma_wait3A_692 = arith.constant 4096 : i32
        %dma_wait3A_693 = tpu.memref_slice %arg20[%dma_wait3A_692] : memref<6144xf32, #tpu.memory_space<vmem>> -> memref<2048xf32, #tpu.memory_space<vmem>>
        %dma_wait3A_694 = tpu.memref_slice %arg10[%mul3A_380] : memref<49152xf32, #tpu.memory_space<hbm>> -> memref<2048xf32, #tpu.memory_space<hbm>>
        tpu.wait_dma2 semaphore(%run_scoped3A : memref<!tpu.dma_semaphore, #tpu.memory_space<semaphore_mem>>) src(%dma_wait3A_694 : memref<2048xf32, #tpu.memory_space<hbm>>) dst(%dma_wait3A_693 : memref<2048xf32, #tpu.memory_space<vmem>>)
        tpu.yield
      }) : () -> ()
      %add3A_381 = arith.constant 16 : i32
      %add3A_382 = arith.addi %select_n3A_31, %add3A_381 : i32
      %mul3A_383 = arith.constant 16 : i32
      %mul3A_384 = arith.muli %mul3A_383, %add3A_382 : i32
      "tpu.region"() ({
        %run_scoped3A = tpu.sem_alloc : memref<!tpu.dma_semaphore, #tpu.memory_space<semaphore_mem>>
        %dma_start3A_683 = arith.constant 64 : i32
        %dma_start3A_684 = tpu.memref_slice %arg18[%dma_start3A_683] : memref<128xf32, #tpu.memory_space<vmem>> -> memref<16xf32, #tpu.memory_space<vmem>>
        %dma_start3A_685 = tpu.memref_slice %arg9[%mul3A_384] : memref<384xf32, #tpu.memory_space<hbm>> -> memref<16xf32, #tpu.memory_space<hbm>>
        %dma_start3A_686 = arith.constant 64 : i32
        %dma_start3A_687 = tpu.memref_slice %arg18[%dma_start3A_686] : memref<128xf32, #tpu.memory_space<vmem>> -> memref<16xf32, #tpu.memory_space<vmem>>
        %dma_start3A_688 = tpu.memref_slice %arg9[%mul3A_384] : memref<384xf32, #tpu.memory_space<hbm>> -> memref<16xf32, #tpu.memory_space<hbm>>
        tpu.enqueue_dma source(%dma_start3A_688 : memref<16xf32, #tpu.memory_space<hbm>>) target(%dma_start3A_687 : memref<16xf32, #tpu.memory_space<vmem>>) target_semaphore(%run_scoped3A : memref<!tpu.dma_semaphore, #tpu.memory_space<semaphore_mem>>)
        %dma_wait3A_689 = arith.constant 64 : i32
        %dma_wait3A_690 = tpu.memref_slice %arg18[%dma_wait3A_689] : memref<128xf32, #tpu.memory_space<vmem>> -> memref<16xf32, #tpu.memory_space<vmem>>
        %dma_wait3A_691 = tpu.memref_slice %arg9[%mul3A_384] : memref<384xf32, #tpu.memory_space<hbm>> -> memref<16xf32, #tpu.memory_space<hbm>>
        %dma_wait3A_692 = arith.constant 64 : i32
        %dma_wait3A_693 = tpu.memref_slice %arg18[%dma_wait3A_692] : memref<128xf32, #tpu.memory_space<vmem>> -> memref<16xf32, #tpu.memory_space<vmem>>
        %dma_wait3A_694 = tpu.memref_slice %arg9[%mul3A_384] : memref<384xf32, #tpu.memory_space<hbm>> -> memref<16xf32, #tpu.memory_space<hbm>>
        tpu.wait_dma2 semaphore(%run_scoped3A : memref<!tpu.dma_semaphore, #tpu.memory_space<semaphore_mem>>) src(%dma_wait3A_694 : memref<16xf32, #tpu.memory_space<hbm>>) dst(%dma_wait3A_693 : memref<16xf32, #tpu.memory_space<vmem>>)
        tpu.yield
      }) : () -> ()
      %add3A_385 = arith.constant 16 : i32
      %add3A_386 = arith.addi %select_n3A_31, %add3A_385 : i32
      %mul3A_387 = arith.constant 16 : i32
      %mul3A_388 = arith.muli %mul3A_387, %add3A_386 : i32
      "tpu.region"() ({
        %run_scoped3A = tpu.sem_alloc : memref<!tpu.dma_semaphore, #tpu.memory_space<semaphore_mem>>
        %dma_start3A_683 = arith.constant 112 : i32
        %dma_start3A_684 = tpu.memref_slice %arg18[%dma_start3A_683] : memref<128xf32, #tpu.memory_space<vmem>> -> memref<16xf32, #tpu.memory_space<vmem>>
        %dma_start3A_685 = tpu.memref_slice %arg11[%mul3A_388] : memref<384xf32, #tpu.memory_space<hbm>> -> memref<16xf32, #tpu.memory_space<hbm>>
        %dma_start3A_686 = arith.constant 112 : i32
        %dma_start3A_687 = tpu.memref_slice %arg18[%dma_start3A_686] : memref<128xf32, #tpu.memory_space<vmem>> -> memref<16xf32, #tpu.memory_space<vmem>>
        %dma_start3A_688 = tpu.memref_slice %arg11[%mul3A_388] : memref<384xf32, #tpu.memory_space<hbm>> -> memref<16xf32, #tpu.memory_space<hbm>>
        tpu.enqueue_dma source(%dma_start3A_688 : memref<16xf32, #tpu.memory_space<hbm>>) target(%dma_start3A_687 : memref<16xf32, #tpu.memory_space<vmem>>) target_semaphore(%run_scoped3A : memref<!tpu.dma_semaphore, #tpu.memory_space<semaphore_mem>>)
        %dma_wait3A_689 = arith.constant 112 : i32
        %dma_wait3A_690 = tpu.memref_slice %arg18[%dma_wait3A_689] : memref<128xf32, #tpu.memory_space<vmem>> -> memref<16xf32, #tpu.memory_space<vmem>>
        %dma_wait3A_691 = tpu.memref_slice %arg11[%mul3A_388] : memref<384xf32, #tpu.memory_space<hbm>> -> memref<16xf32, #tpu.memory_space<hbm>>
        %dma_wait3A_692 = arith.constant 112 : i32
        %dma_wait3A_693 = tpu.memref_slice %arg18[%dma_wait3A_692] : memref<128xf32, #tpu.memory_space<vmem>> -> memref<16xf32, #tpu.memory_space<vmem>>
        %dma_wait3A_694 = tpu.memref_slice %arg11[%mul3A_388] : memref<384xf32, #tpu.memory_space<hbm>> -> memref<16xf32, #tpu.memory_space<hbm>>
        tpu.wait_dma2 semaphore(%run_scoped3A : memref<!tpu.dma_semaphore, #tpu.memory_space<semaphore_mem>>) src(%dma_wait3A_694 : memref<16xf32, #tpu.memory_space<hbm>>) dst(%dma_wait3A_693 : memref<16xf32, #tpu.memory_space<vmem>>)
        tpu.yield
      }) : () -> ()
      %barrier3A = arith.constant 0 : index
      tpu.barrier barrier_id(%barrier3A)
      %broadcast_in_dim3A = arith.constant 0.000000e+00 : f32
      %broadcast_in_dim3A_389 = vector.broadcast %broadcast_in_dim3A : f32 to vector<16xf32>
      %scan3A = arith.constant 0 : i32
      %scan3A_390 = arith.constant 0 : i32
      %scan3A_391 = arith.constant 200 : i32
      %scan3A_392 = arith.addi %scan3A_390, %scan3A_391 : i32
      %scan3A_393 = arith.constant 1 : i32
      scf.for %scan3A_683 = %scan3A_390 to %scan3A_392 step %scan3A_393  : i32 {
        %mul3A_684 = arith.constant 48 : i32
        %mul3A_685 = arith.muli %mul3A_684, %scan3A_683 : i32
        "tpu.region"() ({
          %run_scoped3A = tpu.sem_alloc : memref<!tpu.dma_semaphore, #tpu.memory_space<semaphore_mem>>
          %dma_start3A_948 = tpu.memref_slice %arg14[%mul3A_685] : memref<9600xf32, #tpu.memory_space<vmem_shared>> -> memref<48xf32, #tpu.memory_space<vmem_shared>>
          %dma_start3A_949 = tpu.memref_slice %arg14[%mul3A_685] : memref<9600xf32, #tpu.memory_space<vmem_shared>> -> memref<48xf32, #tpu.memory_space<vmem_shared>>
          tpu.enqueue_dma source(%dma_start3A_949 : memref<48xf32, #tpu.memory_space<vmem_shared>>) target(%arg26 : memref<48xf32, #tpu.memory_space<vmem>>) target_semaphore(%run_scoped3A : memref<!tpu.dma_semaphore, #tpu.memory_space<semaphore_mem>>)
          %dma_wait3A_950 = tpu.memref_slice %arg14[%mul3A_685] : memref<9600xf32, #tpu.memory_space<vmem_shared>> -> memref<48xf32, #tpu.memory_space<vmem_shared>>
          %dma_wait3A_951 = tpu.memref_slice %arg14[%mul3A_685] : memref<9600xf32, #tpu.memory_space<vmem_shared>> -> memref<48xf32, #tpu.memory_space<vmem_shared>>
          tpu.wait_dma2 semaphore(%run_scoped3A : memref<!tpu.dma_semaphore, #tpu.memory_space<semaphore_mem>>) src(%dma_wait3A_951 : memref<48xf32, #tpu.memory_space<vmem_shared>>) dst(%arg26 : memref<48xf32, #tpu.memory_space<vmem>>)
          tpu.yield
        }) : () -> ()
        %get3A = arith.constant 0 : index
        %get3A_686 = tpu.vector_load %arg26[%get3A] {strides = array<i32>} : memref<48xf32, #tpu.memory_space<vmem>>, vector<16xf32>,
        %get3A_687 = vector.shape_cast %get3A_686 : vector<16xf32> to vector<16xf32>
        %get3A_688 = arith.constant 16 : index
        %get3A_689 = tpu.vector_load %arg26[%get3A_688] {strides = array<i32>} : memref<48xf32, #tpu.memory_space<vmem>>, vector<16xf32>,
        %get3A_690 = vector.shape_cast %get3A_689 : vector<16xf32> to vector<16xf32>
        %slice3A = vector.extract_strided_slice %get3A_687 {offsets = [0], sizes = [1], strides = [1]} : vector<16xf32> to vector<1xf32>
        %squeeze3A = vector.extract %slice3A[0] : f32 from vector<1xf32>
        %convert_element_type3A_691 = arith.fptosi %squeeze3A : f32 to i32
        %slice3A_692 = vector.extract_strided_slice %get3A_687 {offsets = [1], sizes = [1], strides = [1]} : vector<16xf32> to vector<1xf32>
        %squeeze3A_693 = vector.extract %slice3A_692[0] : f32 from vector<1xf32>
        %convert_element_type3A_694 = arith.fptosi %squeeze3A_693 : f32 to i32
        %eq3A_695 = arith.constant 0 : i32
        %eq3A_696 = arith.cmpi eq, %select_n3A, %eq3A_695 : i32
        %select_n3A_697 = arith.select %eq3A_696, %convert_element_type3A_691, %convert_element_type3A_694 : i32
        %mul3A_698 = arith.constant 144 : i32
        %mul3A_699 = arith.muli %select_n3A_697, %mul3A_698 : i32
        "tpu.region"() ({
          %run_scoped3A = tpu.sem_alloc : memref<!tpu.dma_semaphore, #tpu.memory_space<semaphore_mem>>
          %dma_start3A_948 = tpu.memref_slice %arg13[%mul3A_699] : memref<1440000xf32, #tpu.memory_space<vmem_shared>> -> memref<144xf32, #tpu.memory_space<vmem_shared>>
          %dma_start3A_949 = tpu.memref_slice %arg13[%mul3A_699] : memref<1440000xf32, #tpu.memory_space<vmem_shared>> -> memref<144xf32, #tpu.memory_space<vmem_shared>>
          tpu.enqueue_dma source(%dma_start3A_949 : memref<144xf32, #tpu.memory_space<vmem_shared>>) target(%arg21 : memref<144xf32, #tpu.memory_space<vmem>>) target_semaphore(%run_scoped3A : memref<!tpu.dma_semaphore, #tpu.memory_space<semaphore_mem>>)
          %dma_wait3A_950 = tpu.memref_slice %arg13[%mul3A_699] : memref<1440000xf32, #tpu.memory_space<vmem_shared>> -> memref<144xf32, #tpu.memory_space<vmem_shared>>
          %dma_wait3A_951 = tpu.memref_slice %arg13[%mul3A_699] : memref<1440000xf32, #tpu.memory_space<vmem_shared>> -> memref<144xf32, #tpu.memory_space<vmem_shared>>
          tpu.wait_dma2 semaphore(%run_scoped3A : memref<!tpu.dma_semaphore, #tpu.memory_space<semaphore_mem>>) src(%dma_wait3A_951 : memref<144xf32, #tpu.memory_space<vmem_shared>>) dst(%arg21 : memref<144xf32, #tpu.memory_space<vmem>>)
          tpu.yield
        }) : () -> ()
        %get3A_700 = arith.constant 128 : index
        %get3A_701 = tpu.vector_load %arg21[%get3A_700] {strides = array<i32>} : memref<144xf32, #tpu.memory_space<vmem>>, vector<16xf32>,
        %get3A_702 = vector.shape_cast %get3A_701 : vector<16xf32> to vector<16xf32>
        %sub3A_703 = arith.subf %get3A_690, %get3A_702 : vector<16xf32>
        %max3A = arith.constant 0.000000e+00 : f32
        %max3A_704 = vector.broadcast %max3A : f32 to vector<16xf32>
        %max3A_705 = arith.maximumf %sub3A_703, %max3A_704 : vector<16xf32>
        %mul3A_706 = arith.constant -1.000000e-01 : f32
        %mul3A_707 = vector.broadcast %mul3A_706 : f32 to vector<16xf32>
        %mul3A_708 = arith.mulf %mul3A_707, %max3A_705 : vector<16xf32>
        %exp3A = math.exp %mul3A_708 : vector<16xf32>
        %get3A_709 = arith.constant 80 : index
        %get3A_710 = tpu.vector_load %arg18[%get3A_709] {strides = array<i32>} : memref<128xf32, #tpu.memory_space<vmem>>, vector<16xf32>,
        %get3A_711 = vector.shape_cast %get3A_710 : vector<16xf32> to vector<16xf32>
        %get3A_712 = arith.constant 96 : index
        %get3A_713 = tpu.vector_load %arg18[%get3A_712] {strides = array<i32>} : memref<128xf32, #tpu.memory_space<vmem>>, vector<16xf32>,
        %get3A_714 = vector.shape_cast %get3A_713 : vector<16xf32> to vector<16xf32>
        %get3A_715 = arith.constant 112 : index
        %get3A_716 = tpu.vector_load %arg18[%get3A_715] {strides = array<i32>} : memref<128xf32, #tpu.memory_space<vmem>>, vector<16xf32>,
        %get3A_717 = vector.shape_cast %get3A_716 : vector<16xf32> to vector<16xf32>
        %eq3A_718 = arith.constant 0 : i32
        %eq3A_719 = arith.cmpi eq, %select_n3A, %eq3A_718 : i32
        %get3A_720 = arith.constant 0 : index
        %get3A_721 = tpu.vector_load %arg18[%get3A_720] {strides = array<i32>} : memref<128xf32, #tpu.memory_space<vmem>>, vector<16xf32>,
        %get3A_722 = vector.shape_cast %get3A_721 : vector<16xf32> to vector<16xf32>
        %select_n3A_723 = arith.select %eq3A_719, %get3A_722, %broadcast_in_dim3A_389 : vector<16xf32>
        %scan3A_724 = arith.constant 0 : i32
        %scan3A_725 = arith.constant 8 : i32
        %scan3A_726 = arith.addi %scan3A_724, %scan3A_725 : i32
        %scan3A_727 = arith.constant 1 : i32
        %scan3A_728:4 = scf.for %scan3A_948 = %scan3A_724 to %scan3A_726 step %scan3A_727 iter_args(%scan3A_949 = %get3A_711, %scan3A_950 = %get3A_714, %scan3A_951 = %get3A_717, %scan3A_952 = %select_n3A_723) -> (vector<16xf32>, vector<16xf32>, vector<16xf32>, vector<16xf32>)  : i32 {
          %mul3A_953 = arith.constant 16 : i32
          %mul3A_954 = arith.muli %mul3A_953, %scan3A_948 : i32
          %get3A_955 = arith.index_cast %mul3A_954 : i32 to index
          %get3A_956 = tpu.vector_load %arg21[%get3A_955] {strides = array<i32>} : memref<144xf32, #tpu.memory_space<vmem>>, vector<16xf32>,
          %get3A_957 = vector.shape_cast %get3A_956 : vector<16xf32> to vector<16xf32>
          %mul3A_958 = arith.mulf %get3A_957, %exp3A : vector<16xf32>
          %mul3A_959 = arith.constant 16 : i32
          %mul3A_960 = arith.muli %mul3A_959, %scan3A_948 : i32
          %swap3A_961 = arith.index_cast %mul3A_960 : i32 to index
          %swap3A_962 = tpu.vector_load %arg22[%swap3A_961] {strides = array<i32>} : memref<128xf32, #tpu.memory_space<vmem>>, vector<16xf32>,
          %swap3A_963 = vector.shape_cast %swap3A_962 : vector<16xf32> to vector<16xf32>
          %swap3A_964 = vector.shape_cast %mul3A_958 : vector<16xf32> to vector<16xf32>
          tpu.vector_store %arg22[%swap3A_961], %swap3A_964 {strides = array<i32>} : memref<128xf32, #tpu.memory_space<vmem>>, vector<16xf32>,
          %slice3A_965 = vector.extract_strided_slice %mul3A_958 {offsets = [0], sizes = [1], strides = [1]} : vector<16xf32> to vector<1xf32>
          %squeeze3A_966 = vector.extract %slice3A_965[0] : f32 from vector<1xf32>
          %mul3A_967 = arith.constant 16 : i32
          %mul3A_968 = arith.muli %mul3A_967, %scan3A_948 : i32
          %add3A_969 = arith.constant 0 : i32
          %add3A_970 = arith.addi %mul3A_968, %add3A_969 : i32
          %mul3A_971 = arith.constant 16 : i32
          %mul3A_972 = arith.muli %mul3A_971, %add3A_970 : i32
          %get3A_973 = arith.index_cast %mul3A_972 : i32 to index
          %get3A_974 = tpu.vector_load %arg20[%get3A_973] {strides = array<i32>} : memref<6144xf32, #tpu.memory_space<vmem>>, vector<16xf32>,
          %get3A_975 = vector.shape_cast %get3A_974 : vector<16xf32> to vector<16xf32>
          %mul3A_976 = vector.broadcast %squeeze3A_966 : f32 to vector<16xf32>
          %mul3A_977 = arith.mulf %mul3A_976, %get3A_975 : vector<16xf32>
          %add3A_978 = arith.addf %scan3A_949, %mul3A_977 : vector<16xf32>
          %add3A_979 = arith.constant 2048 : i32
          %add3A_980 = arith.addi %add3A_979, %mul3A_972 : i32
          %get3A_981 = arith.index_cast %add3A_980 : i32 to index
          %get3A_982 = tpu.vector_load %arg20[%get3A_981] {strides = array<i32>} : memref<6144xf32, #tpu.memory_space<vmem>>, vector<16xf32>,
          %get3A_983 = vector.shape_cast %get3A_982 : vector<16xf32> to vector<16xf32>
          %mul3A_984 = vector.broadcast %squeeze3A_966 : f32 to vector<16xf32>
          %mul3A_985 = arith.mulf %mul3A_984, %get3A_983 : vector<16xf32>
          %add3A_986 = arith.addf %scan3A_950, %mul3A_985 : vector<16xf32>
          %add3A_987 = arith.constant 4096 : i32
          %add3A_988 = arith.addi %add3A_987, %mul3A_972 : i32
          %get3A_989 = arith.index_cast %add3A_988 : i32 to index
          %get3A_990 = tpu.vector_load %arg20[%get3A_989] {strides = array<i32>} : memref<6144xf32, #tpu.memory_space<vmem>>, vector<16xf32>,
          %get3A_991 = vector.shape_cast %get3A_990 : vector<16xf32> to vector<16xf32>
          %mul3A_992 = vector.broadcast %squeeze3A_966 : f32 to vector<16xf32>
          %mul3A_993 = arith.mulf %mul3A_992, %get3A_991 : vector<16xf32>
          %add3A_994 = arith.addf %scan3A_951, %mul3A_993 : vector<16xf32>
          %get3A_995 = arith.index_cast %mul3A_972 : i32 to index
          %get3A_996 = tpu.vector_load %arg16[%get3A_995] {strides = array<i32>} : memref<2048xf32, #tpu.memory_space<vmem>>, vector<16xf32>,
          %get3A_997 = vector.shape_cast %get3A_996 : vector<16xf32> to vector<16xf32>
          %mul3A_998 = vector.broadcast %squeeze3A_966 : f32 to vector<16xf32>
          %mul3A_999 = arith.mulf %mul3A_998, %get3A_997 : vector<16xf32>
          %add3A_1000 = arith.addf %scan3A_952, %mul3A_999 : vector<16xf32>
          %slice3A_1001 = vector.extract_strided_slice %mul3A_958 {offsets = [1], sizes = [1], strides = [1]} : vector<16xf32> to vector<1xf32>
          %squeeze3A_1002 = vector.extract %slice3A_1001[0] : f32 from vector<1xf32>
          %mul3A_1003 = arith.constant 16 : i32
          %mul3A_1004 = arith.muli %mul3A_1003, %scan3A_948 : i32
          %add3A_1005 = arith.constant 1 : i32
          %add3A_1006 = arith.addi %mul3A_1004, %add3A_1005 : i32
          %mul3A_1007 = arith.constant 16 : i32
          %mul3A_1008 = arith.muli %mul3A_1007, %add3A_1006 : i32
          %get3A_1009 = arith.index_cast %mul3A_1008 : i32 to index
          %get3A_1010 = tpu.vector_load %arg20[%get3A_1009] {strides = array<i32>} : memref<6144xf32, #tpu.memory_space<vmem>>, vector<16xf32>,
          %get3A_1011 = vector.shape_cast %get3A_1010 : vector<16xf32> to vector<16xf32>
          %mul3A_1012 = vector.broadcast %squeeze3A_1002 : f32 to vector<16xf32>
          %mul3A_1013 = arith.mulf %mul3A_1012, %get3A_1011 : vector<16xf32>
          %add3A_1014 = arith.addf %add3A_978, %mul3A_1013 : vector<16xf32>
          %add3A_1015 = arith.constant 2048 : i32
          %add3A_1016 = arith.addi %add3A_1015, %mul3A_1008 : i32
          %get3A_1017 = arith.index_cast %add3A_1016 : i32 to index
          %get3A_1018 = tpu.vector_load %arg20[%get3A_1017] {strides = array<i32>} : memref<6144xf32, #tpu.memory_space<vmem>>, vector<16xf32>,
          %get3A_1019 = vector.shape_cast %get3A_1018 : vector<16xf32> to vector<16xf32>
          %mul3A_1020 = vector.broadcast %squeeze3A_1002 : f32 to vector<16xf32>
          %mul3A_1021 = arith.mulf %mul3A_1020, %get3A_1019 : vector<16xf32>
          %add3A_1022 = arith.addf %add3A_986, %mul3A_1021 : vector<16xf32>
          %add3A_1023 = arith.constant 4096 : i32
          %add3A_1024 = arith.addi %add3A_1023, %mul3A_1008 : i32
          %get3A_1025 = arith.index_cast %add3A_1024 : i32 to index
          %get3A_1026 = tpu.vector_load %arg20[%get3A_1025] {strides = array<i32>} : memref<6144xf32, #tpu.memory_space<vmem>>, vector<16xf32>,
          %get3A_1027 = vector.shape_cast %get3A_1026 : vector<16xf32> to vector<16xf32>
          %mul3A_1028 = vector.broadcast %squeeze3A_1002 : f32 to vector<16xf32>
          %mul3A_1029 = arith.mulf %mul3A_1028, %get3A_1027 : vector<16xf32>
          %add3A_1030 = arith.addf %add3A_994, %mul3A_1029 : vector<16xf32>
          %get3A_1031 = arith.index_cast %mul3A_1008 : i32 to index
          %get3A_1032 = tpu.vector_load %arg16[%get3A_1031] {strides = array<i32>} : memref<2048xf32, #tpu.memory_space<vmem>>, vector<16xf32>,
          %get3A_1033 = vector.shape_cast %get3A_1032 : vector<16xf32> to vector<16xf32>
          %mul3A_1034 = vector.broadcast %squeeze3A_1002 : f32 to vector<16xf32>
          %mul3A_1035 = arith.mulf %mul3A_1034, %get3A_1033 : vector<16xf32>
          %add3A_1036 = arith.addf %add3A_1000, %mul3A_1035 : vector<16xf32>
          %slice3A_1037 = vector.extract_strided_slice %mul3A_958 {offsets = [2], sizes = [1], strides = [1]} : vector<16xf32> to vector<1xf32>
          %squeeze3A_1038 = vector.extract %slice3A_1037[0] : f32 from vector<1xf32>
          %mul3A_1039 = arith.constant 16 : i32
          %mul3A_1040 = arith.muli %mul3A_1039, %scan3A_948 : i32
          %add3A_1041 = arith.constant 2 : i32
          %add3A_1042 = arith.addi %mul3A_1040, %add3A_1041 : i32
          %mul3A_1043 = arith.constant 16 : i32
          %mul3A_1044 = arith.muli %mul3A_1043, %add3A_1042 : i32
          %get3A_1045 = arith.index_cast %mul3A_1044 : i32 to index
          %get3A_1046 = tpu.vector_load %arg20[%get3A_1045] {strides = array<i32>} : memref<6144xf32, #tpu.memory_space<vmem>>, vector<16xf32>,
          %get3A_1047 = vector.shape_cast %get3A_1046 : vector<16xf32> to vector<16xf32>
          %mul3A_1048 = vector.broadcast %squeeze3A_1038 : f32 to vector<16xf32>
          %mul3A_1049 = arith.mulf %mul3A_1048, %get3A_1047 : vector<16xf32>
          %add3A_1050 = arith.addf %add3A_1014, %mul3A_1049 : vector<16xf32>
          %add3A_1051 = arith.constant 2048 : i32
          %add3A_1052 = arith.addi %add3A_1051, %mul3A_1044 : i32
          %get3A_1053 = arith.index_cast %add3A_1052 : i32 to index
          %get3A_1054 = tpu.vector_load %arg20[%get3A_1053] {strides = array<i32>} : memref<6144xf32, #tpu.memory_space<vmem>>, vector<16xf32>,
          %get3A_1055 = vector.shape_cast %get3A_1054 : vector<16xf32> to vector<16xf32>
          %mul3A_1056 = vector.broadcast %squeeze3A_1038 : f32 to vector<16xf32>
          %mul3A_1057 = arith.mulf %mul3A_1056, %get3A_1055 : vector<16xf32>
          %add3A_1058 = arith.addf %add3A_1022, %mul3A_1057 : vector<16xf32>
          %add3A_1059 = arith.constant 4096 : i32
          %add3A_1060 = arith.addi %add3A_1059, %mul3A_1044 : i32
          %get3A_1061 = arith.index_cast %add3A_1060 : i32 to index
          %get3A_1062 = tpu.vector_load %arg20[%get3A_1061] {strides = array<i32>} : memref<6144xf32, #tpu.memory_space<vmem>>, vector<16xf32>,
          %get3A_1063 = vector.shape_cast %get3A_1062 : vector<16xf32> to vector<16xf32>
          %mul3A_1064 = vector.broadcast %squeeze3A_1038 : f32 to vector<16xf32>
          %mul3A_1065 = arith.mulf %mul3A_1064, %get3A_1063 : vector<16xf32>
          %add3A_1066 = arith.addf %add3A_1030, %mul3A_1065 : vector<16xf32>
          %get3A_1067 = arith.index_cast %mul3A_1044 : i32 to index
          %get3A_1068 = tpu.vector_load %arg16[%get3A_1067] {strides = array<i32>} : memref<2048xf32, #tpu.memory_space<vmem>>, vector<16xf32>,
          %get3A_1069 = vector.shape_cast %get3A_1068 : vector<16xf32> to vector<16xf32>
          %mul3A_1070 = vector.broadcast %squeeze3A_1038 : f32 to vector<16xf32>
          %mul3A_1071 = arith.mulf %mul3A_1070, %get3A_1069 : vector<16xf32>
          %add3A_1072 = arith.addf %add3A_1036, %mul3A_1071 : vector<16xf32>
          %slice3A_1073 = vector.extract_strided_slice %mul3A_958 {offsets = [3], sizes = [1], strides = [1]} : vector<16xf32> to vector<1xf32>
          %squeeze3A_1074 = vector.extract %slice3A_1073[0] : f32 from vector<1xf32>
          %mul3A_1075 = arith.constant 16 : i32
          %mul3A_1076 = arith.muli %mul3A_1075, %scan3A_948 : i32
          %add3A_1077 = arith.constant 3 : i32
          %add3A_1078 = arith.addi %mul3A_1076, %add3A_1077 : i32
          %mul3A_1079 = arith.constant 16 : i32
          %mul3A_1080 = arith.muli %mul3A_1079, %add3A_1078 : i32
          %get3A_1081 = arith.index_cast %mul3A_1080 : i32 to index
          %get3A_1082 = tpu.vector_load %arg20[%get3A_1081] {strides = array<i32>} : memref<6144xf32, #tpu.memory_space<vmem>>, vector<16xf32>,
          %get3A_1083 = vector.shape_cast %get3A_1082 : vector<16xf32> to vector<16xf32>
          %mul3A_1084 = vector.broadcast %squeeze3A_1074 : f32 to vector<16xf32>
          %mul3A_1085 = arith.mulf %mul3A_1084, %get3A_1083 : vector<16xf32>
          %add3A_1086 = arith.addf %add3A_1050, %mul3A_1085 : vector<16xf32>
          %add3A_1087 = arith.constant 2048 : i32
          %add3A_1088 = arith.addi %add3A_1087, %mul3A_1080 : i32
          %get3A_1089 = arith.index_cast %add3A_1088 : i32 to index
          %get3A_1090 = tpu.vector_load %arg20[%get3A_1089] {strides = array<i32>} : memref<6144xf32, #tpu.memory_space<vmem>>, vector<16xf32>,
          %get3A_1091 = vector.shape_cast %get3A_1090 : vector<16xf32> to vector<16xf32>
          %mul3A_1092 = vector.broadcast %squeeze3A_1074 : f32 to vector<16xf32>
          %mul3A_1093 = arith.mulf %mul3A_1092, %get3A_1091 : vector<16xf32>
          %add3A_1094 = arith.addf %add3A_1058, %mul3A_1093 : vector<16xf32>
          %add3A_1095 = arith.constant 4096 : i32
          %add3A_1096 = arith.addi %add3A_1095, %mul3A_1080 : i32
          %get3A_1097 = arith.index_cast %add3A_1096 : i32 to index
          %get3A_1098 = tpu.vector_load %arg20[%get3A_1097] {strides = array<i32>} : memref<6144xf32, #tpu.memory_space<vmem>>, vector<16xf32>,
          %get3A_1099 = vector.shape_cast %get3A_1098 : vector<16xf32> to vector<16xf32>
          %mul3A_1100 = vector.broadcast %squeeze3A_1074 : f32 to vector<16xf32>
          %mul3A_1101 = arith.mulf %mul3A_1100, %get3A_1099 : vector<16xf32>
          %add3A_1102 = arith.addf %add3A_1066, %mul3A_1101 : vector<16xf32>
          %get3A_1103 = arith.index_cast %mul3A_1080 : i32 to index
          %get3A_1104 = tpu.vector_load %arg16[%get3A_1103] {strides = array<i32>} : memref<2048xf32, #tpu.memory_space<vmem>>, vector<16xf32>,
          %get3A_1105 = vector.shape_cast %get3A_1104 : vector<16xf32> to vector<16xf32>
          %mul3A_1106 = vector.broadcast %squeeze3A_1074 : f32 to vector<16xf32>
          %mul3A_1107 = arith.mulf %mul3A_1106, %get3A_1105 : vector<16xf32>
          %add3A_1108 = arith.addf %add3A_1072, %mul3A_1107 : vector<16xf32>
          %slice3A_1109 = vector.extract_strided_slice %mul3A_958 {offsets = [4], sizes = [1], strides = [1]} : vector<16xf32> to vector<1xf32>
          %squeeze3A_1110 = vector.extract %slice3A_1109[0] : f32 from vector<1xf32>
          %mul3A_1111 = arith.constant 16 : i32
          %mul3A_1112 = arith.muli %mul3A_1111, %scan3A_948 : i32
          %add3A_1113 = arith.constant 4 : i32
          %add3A_1114 = arith.addi %mul3A_1112, %add3A_1113 : i32
          %mul3A_1115 = arith.constant 16 : i32
          %mul3A_1116 = arith.muli %mul3A_1115, %add3A_1114 : i32
          %get3A_1117 = arith.index_cast %mul3A_1116 : i32 to index
          %get3A_1118 = tpu.vector_load %arg20[%get3A_1117] {strides = array<i32>} : memref<6144xf32, #tpu.memory_space<vmem>>, vector<16xf32>,
          %get3A_1119 = vector.shape_cast %get3A_1118 : vector<16xf32> to vector<16xf32>
          %mul3A_1120 = vector.broadcast %squeeze3A_1110 : f32 to vector<16xf32>
          %mul3A_1121 = arith.mulf %mul3A_1120, %get3A_1119 : vector<16xf32>
          %add3A_1122 = arith.addf %add3A_1086, %mul3A_1121 : vector<16xf32>
          %add3A_1123 = arith.constant 2048 : i32
          %add3A_1124 = arith.addi %add3A_1123, %mul3A_1116 : i32
          %get3A_1125 = arith.index_cast %add3A_1124 : i32 to index
          %get3A_1126 = tpu.vector_load %arg20[%get3A_1125] {strides = array<i32>} : memref<6144xf32, #tpu.memory_space<vmem>>, vector<16xf32>,
          %get3A_1127 = vector.shape_cast %get3A_1126 : vector<16xf32> to vector<16xf32>
          %mul3A_1128 = vector.broadcast %squeeze3A_1110 : f32 to vector<16xf32>
          %mul3A_1129 = arith.mulf %mul3A_1128, %get3A_1127 : vector<16xf32>
          %add3A_1130 = arith.addf %add3A_1094, %mul3A_1129 : vector<16xf32>
          %add3A_1131 = arith.constant 4096 : i32
          %add3A_1132 = arith.addi %add3A_1131, %mul3A_1116 : i32
          %get3A_1133 = arith.index_cast %add3A_1132 : i32 to index
          %get3A_1134 = tpu.vector_load %arg20[%get3A_1133] {strides = array<i32>} : memref<6144xf32, #tpu.memory_space<vmem>>, vector<16xf32>,
          %get3A_1135 = vector.shape_cast %get3A_1134 : vector<16xf32> to vector<16xf32>
          %mul3A_1136 = vector.broadcast %squeeze3A_1110 : f32 to vector<16xf32>
          %mul3A_1137 = arith.mulf %mul3A_1136, %get3A_1135 : vector<16xf32>
          %add3A_1138 = arith.addf %add3A_1102, %mul3A_1137 : vector<16xf32>
          %get3A_1139 = arith.index_cast %mul3A_1116 : i32 to index
          %get3A_1140 = tpu.vector_load %arg16[%get3A_1139] {strides = array<i32>} : memref<2048xf32, #tpu.memory_space<vmem>>, vector<16xf32>,
          %get3A_1141 = vector.shape_cast %get3A_1140 : vector<16xf32> to vector<16xf32>
          %mul3A_1142 = vector.broadcast %squeeze3A_1110 : f32 to vector<16xf32>
          %mul3A_1143 = arith.mulf %mul3A_1142, %get3A_1141 : vector<16xf32>
          %add3A_1144 = arith.addf %add3A_1108, %mul3A_1143 : vector<16xf32>
          %slice3A_1145 = vector.extract_strided_slice %mul3A_958 {offsets = [5], sizes = [1], strides = [1]} : vector<16xf32> to vector<1xf32>
          %squeeze3A_1146 = vector.extract %slice3A_1145[0] : f32 from vector<1xf32>
          %mul3A_1147 = arith.constant 16 : i32
          %mul3A_1148 = arith.muli %mul3A_1147, %scan3A_948 : i32
          %add3A_1149 = arith.constant 5 : i32
          %add3A_1150 = arith.addi %mul3A_1148, %add3A_1149 : i32
          %mul3A_1151 = arith.constant 16 : i32
          %mul3A_1152 = arith.muli %mul3A_1151, %add3A_1150 : i32
          %get3A_1153 = arith.index_cast %mul3A_1152 : i32 to index
          %get3A_1154 = tpu.vector_load %arg20[%get3A_1153] {strides = array<i32>} : memref<6144xf32, #tpu.memory_space<vmem>>, vector<16xf32>,
          %get3A_1155 = vector.shape_cast %get3A_1154 : vector<16xf32> to vector<16xf32>
          %mul3A_1156 = vector.broadcast %squeeze3A_1146 : f32 to vector<16xf32>
          %mul3A_1157 = arith.mulf %mul3A_1156, %get3A_1155 : vector<16xf32>
          %add3A_1158 = arith.addf %add3A_1122, %mul3A_1157 : vector<16xf32>
          %add3A_1159 = arith.constant 2048 : i32
          %add3A_1160 = arith.addi %add3A_1159, %mul3A_1152 : i32
          %get3A_1161 = arith.index_cast %add3A_1160 : i32 to index
          %get3A_1162 = tpu.vector_load %arg20[%get3A_1161] {strides = array<i32>} : memref<6144xf32, #tpu.memory_space<vmem>>, vector<16xf32>,
          %get3A_1163 = vector.shape_cast %get3A_1162 : vector<16xf32> to vector<16xf32>
          %mul3A_1164 = vector.broadcast %squeeze3A_1146 : f32 to vector<16xf32>
          %mul3A_1165 = arith.mulf %mul3A_1164, %get3A_1163 : vector<16xf32>
          %add3A_1166 = arith.addf %add3A_1130, %mul3A_1165 : vector<16xf32>
          %add3A_1167 = arith.constant 4096 : i32
          %add3A_1168 = arith.addi %add3A_1167, %mul3A_1152 : i32
          %get3A_1169 = arith.index_cast %add3A_1168 : i32 to index
          %get3A_1170 = tpu.vector_load %arg20[%get3A_1169] {strides = array<i32>} : memref<6144xf32, #tpu.memory_space<vmem>>, vector<16xf32>,
          %get3A_1171 = vector.shape_cast %get3A_1170 : vector<16xf32> to vector<16xf32>
          %mul3A_1172 = vector.broadcast %squeeze3A_1146 : f32 to vector<16xf32>
          %mul3A_1173 = arith.mulf %mul3A_1172, %get3A_1171 : vector<16xf32>
          %add3A_1174 = arith.addf %add3A_1138, %mul3A_1173 : vector<16xf32>
          %get3A_1175 = arith.index_cast %mul3A_1152 : i32 to index
          %get3A_1176 = tpu.vector_load %arg16[%get3A_1175] {strides = array<i32>} : memref<2048xf32, #tpu.memory_space<vmem>>, vector<16xf32>,
          %get3A_1177 = vector.shape_cast %get3A_1176 : vector<16xf32> to vector<16xf32>
          %mul3A_1178 = vector.broadcast %squeeze3A_1146 : f32 to vector<16xf32>
          %mul3A_1179 = arith.mulf %mul3A_1178, %get3A_1177 : vector<16xf32>
          %add3A_1180 = arith.addf %add3A_1144, %mul3A_1179 : vector<16xf32>
          %slice3A_1181 = vector.extract_strided_slice %mul3A_958 {offsets = [6], sizes = [1], strides = [1]} : vector<16xf32> to vector<1xf32>
          %squeeze3A_1182 = vector.extract %slice3A_1181[0] : f32 from vector<1xf32>
          %mul3A_1183 = arith.constant 16 : i32
          %mul3A_1184 = arith.muli %mul3A_1183, %scan3A_948 : i32
          %add3A_1185 = arith.constant 6 : i32
          %add3A_1186 = arith.addi %mul3A_1184, %add3A_1185 : i32
          %mul3A_1187 = arith.constant 16 : i32
          %mul3A_1188 = arith.muli %mul3A_1187, %add3A_1186 : i32
          %get3A_1189 = arith.index_cast %mul3A_1188 : i32 to index
          %get3A_1190 = tpu.vector_load %arg20[%get3A_1189] {strides = array<i32>} : memref<6144xf32, #tpu.memory_space<vmem>>, vector<16xf32>,
          %get3A_1191 = vector.shape_cast %get3A_1190 : vector<16xf32> to vector<16xf32>
          %mul3A_1192 = vector.broadcast %squeeze3A_1182 : f32 to vector<16xf32>
          %mul3A_1193 = arith.mulf %mul3A_1192, %get3A_1191 : vector<16xf32>
          %add3A_1194 = arith.addf %add3A_1158, %mul3A_1193 : vector<16xf32>
          %add3A_1195 = arith.constant 2048 : i32
          %add3A_1196 = arith.addi %add3A_1195, %mul3A_1188 : i32
          %get3A_1197 = arith.index_cast %add3A_1196 : i32 to index
          %get3A_1198 = tpu.vector_load %arg20[%get3A_1197] {strides = array<i32>} : memref<6144xf32, #tpu.memory_space<vmem>>, vector<16xf32>,
          %get3A_1199 = vector.shape_cast %get3A_1198 : vector<16xf32> to vector<16xf32>
          %mul3A_1200 = vector.broadcast %squeeze3A_1182 : f32 to vector<16xf32>
          %mul3A_1201 = arith.mulf %mul3A_1200, %get3A_1199 : vector<16xf32>
          %add3A_1202 = arith.addf %add3A_1166, %mul3A_1201 : vector<16xf32>
          %add3A_1203 = arith.constant 4096 : i32
          %add3A_1204 = arith.addi %add3A_1203, %mul3A_1188 : i32
          %get3A_1205 = arith.index_cast %add3A_1204 : i32 to index
          %get3A_1206 = tpu.vector_load %arg20[%get3A_1205] {strides = array<i32>} : memref<6144xf32, #tpu.memory_space<vmem>>, vector<16xf32>,
          %get3A_1207 = vector.shape_cast %get3A_1206 : vector<16xf32> to vector<16xf32>
          %mul3A_1208 = vector.broadcast %squeeze3A_1182 : f32 to vector<16xf32>
          %mul3A_1209 = arith.mulf %mul3A_1208, %get3A_1207 : vector<16xf32>
          %add3A_1210 = arith.addf %add3A_1174, %mul3A_1209 : vector<16xf32>
          %get3A_1211 = arith.index_cast %mul3A_1188 : i32 to index
          %get3A_1212 = tpu.vector_load %arg16[%get3A_1211] {strides = array<i32>} : memref<2048xf32, #tpu.memory_space<vmem>>, vector<16xf32>,
          %get3A_1213 = vector.shape_cast %get3A_1212 : vector<16xf32> to vector<16xf32>
          %mul3A_1214 = vector.broadcast %squeeze3A_1182 : f32 to vector<16xf32>
          %mul3A_1215 = arith.mulf %mul3A_1214, %get3A_1213 : vector<16xf32>
          %add3A_1216 = arith.addf %add3A_1180, %mul3A_1215 : vector<16xf32>
          %slice3A_1217 = vector.extract_strided_slice %mul3A_958 {offsets = [7], sizes = [1], strides = [1]} : vector<16xf32> to vector<1xf32>
          %squeeze3A_1218 = vector.extract %slice3A_1217[0] : f32 from vector<1xf32>
          %mul3A_1219 = arith.constant 16 : i32
          %mul3A_1220 = arith.muli %mul3A_1219, %scan3A_948 : i32
          %add3A_1221 = arith.constant 7 : i32
          %add3A_1222 = arith.addi %mul3A_1220, %add3A_1221 : i32
          %mul3A_1223 = arith.constant 16 : i32
          %mul3A_1224 = arith.muli %mul3A_1223, %add3A_1222 : i32
          %get3A_1225 = arith.index_cast %mul3A_1224 : i32 to index
          %get3A_1226 = tpu.vector_load %arg20[%get3A_1225] {strides = array<i32>} : memref<6144xf32, #tpu.memory_space<vmem>>, vector<16xf32>,
          %get3A_1227 = vector.shape_cast %get3A_1226 : vector<16xf32> to vector<16xf32>
          %mul3A_1228 = vector.broadcast %squeeze3A_1218 : f32 to vector<16xf32>
          %mul3A_1229 = arith.mulf %mul3A_1228, %get3A_1227 : vector<16xf32>
          %add3A_1230 = arith.addf %add3A_1194, %mul3A_1229 : vector<16xf32>
          %add3A_1231 = arith.constant 2048 : i32
          %add3A_1232 = arith.addi %add3A_1231, %mul3A_1224 : i32
          %get3A_1233 = arith.index_cast %add3A_1232 : i32 to index
          %get3A_1234 = tpu.vector_load %arg20[%get3A_1233] {strides = array<i32>} : memref<6144xf32, #tpu.memory_space<vmem>>, vector<16xf32>,
          %get3A_1235 = vector.shape_cast %get3A_1234 : vector<16xf32> to vector<16xf32>
          %mul3A_1236 = vector.broadcast %squeeze3A_1218 : f32 to vector<16xf32>
          %mul3A_1237 = arith.mulf %mul3A_1236, %get3A_1235 : vector<16xf32>
          %add3A_1238 = arith.addf %add3A_1202, %mul3A_1237 : vector<16xf32>
          %add3A_1239 = arith.constant 4096 : i32
          %add3A_1240 = arith.addi %add3A_1239, %mul3A_1224 : i32
          %get3A_1241 = arith.index_cast %add3A_1240 : i32 to index
          %get3A_1242 = tpu.vector_load %arg20[%get3A_1241] {strides = array<i32>} : memref<6144xf32, #tpu.memory_space<vmem>>, vector<16xf32>,
          %get3A_1243 = vector.shape_cast %get3A_1242 : vector<16xf32> to vector<16xf32>
          %mul3A_1244 = vector.broadcast %squeeze3A_1218 : f32 to vector<16xf32>
          %mul3A_1245 = arith.mulf %mul3A_1244, %get3A_1243 : vector<16xf32>
          %add3A_1246 = arith.addf %add3A_1210, %mul3A_1245 : vector<16xf32>
          %get3A_1247 = arith.index_cast %mul3A_1224 : i32 to index
          %get3A_1248 = tpu.vector_load %arg16[%get3A_1247] {strides = array<i32>} : memref<2048xf32, #tpu.memory_space<vmem>>, vector<16xf32>,
          %get3A_1249 = vector.shape_cast %get3A_1248 : vector<16xf32> to vector<16xf32>
          %mul3A_1250 = vector.broadcast %squeeze3A_1218 : f32 to vector<16xf32>
          %mul3A_1251 = arith.mulf %mul3A_1250, %get3A_1249 : vector<16xf32>
          %add3A_1252 = arith.addf %add3A_1216, %mul3A_1251 : vector<16xf32>
          %slice3A_1253 = vector.extract_strided_slice %mul3A_958 {offsets = [8], sizes = [1], strides = [1]} : vector<16xf32> to vector<1xf32>
          %squeeze3A_1254 = vector.extract %slice3A_1253[0] : f32 from vector<1xf32>
          %mul3A_1255 = arith.constant 16 : i32
          %mul3A_1256 = arith.muli %mul3A_1255, %scan3A_948 : i32
          %add3A_1257 = arith.constant 8 : i32
          %add3A_1258 = arith.addi %mul3A_1256, %add3A_1257 : i32
          %mul3A_1259 = arith.constant 16 : i32
          %mul3A_1260 = arith.muli %mul3A_1259, %add3A_1258 : i32
          %get3A_1261 = arith.index_cast %mul3A_1260 : i32 to index
          %get3A_1262 = tpu.vector_load %arg20[%get3A_1261] {strides = array<i32>} : memref<6144xf32, #tpu.memory_space<vmem>>, vector<16xf32>,
          %get3A_1263 = vector.shape_cast %get3A_1262 : vector<16xf32> to vector<16xf32>
          %mul3A_1264 = vector.broadcast %squeeze3A_1254 : f32 to vector<16xf32>
          %mul3A_1265 = arith.mulf %mul3A_1264, %get3A_1263 : vector<16xf32>
          %add3A_1266 = arith.addf %add3A_1230, %mul3A_1265 : vector<16xf32>
          %add3A_1267 = arith.constant 2048 : i32
          %add3A_1268 = arith.addi %add3A_1267, %mul3A_1260 : i32
          %get3A_1269 = arith.index_cast %add3A_1268 : i32 to index
          %get3A_1270 = tpu.vector_load %arg20[%get3A_1269] {strides = array<i32>} : memref<6144xf32, #tpu.memory_space<vmem>>, vector<16xf32>,
          %get3A_1271 = vector.shape_cast %get3A_1270 : vector<16xf32> to vector<16xf32>
          %mul3A_1272 = vector.broadcast %squeeze3A_1254 : f32 to vector<16xf32>
          %mul3A_1273 = arith.mulf %mul3A_1272, %get3A_1271 : vector<16xf32>
          %add3A_1274 = arith.addf %add3A_1238, %mul3A_1273 : vector<16xf32>
          %add3A_1275 = arith.constant 4096 : i32
          %add3A_1276 = arith.addi %add3A_1275, %mul3A_1260 : i32
          %get3A_1277 = arith.index_cast %add3A_1276 : i32 to index
          %get3A_1278 = tpu.vector_load %arg20[%get3A_1277] {strides = array<i32>} : memref<6144xf32, #tpu.memory_space<vmem>>, vector<16xf32>,
          %get3A_1279 = vector.shape_cast %get3A_1278 : vector<16xf32> to vector<16xf32>
          %mul3A_1280 = vector.broadcast %squeeze3A_1254 : f32 to vector<16xf32>
          %mul3A_1281 = arith.mulf %mul3A_1280, %get3A_1279 : vector<16xf32>
          %add3A_1282 = arith.addf %add3A_1246, %mul3A_1281 : vector<16xf32>
          %get3A_1283 = arith.index_cast %mul3A_1260 : i32 to index
          %get3A_1284 = tpu.vector_load %arg16[%get3A_1283] {strides = array<i32>} : memref<2048xf32, #tpu.memory_space<vmem>>, vector<16xf32>,
          %get3A_1285 = vector.shape_cast %get3A_1284 : vector<16xf32> to vector<16xf32>
          %mul3A_1286 = vector.broadcast %squeeze3A_1254 : f32 to vector<16xf32>
          %mul3A_1287 = arith.mulf %mul3A_1286, %get3A_1285 : vector<16xf32>
          %add3A_1288 = arith.addf %add3A_1252, %mul3A_1287 : vector<16xf32>
          %slice3A_1289 = vector.extract_strided_slice %mul3A_958 {offsets = [9], sizes = [1], strides = [1]} : vector<16xf32> to vector<1xf32>
          %squeeze3A_1290 = vector.extract %slice3A_1289[0] : f32 from vector<1xf32>
          %mul3A_1291 = arith.constant 16 : i32
          %mul3A_1292 = arith.muli %mul3A_1291, %scan3A_948 : i32
          %add3A_1293 = arith.constant 9 : i32
          %add3A_1294 = arith.addi %mul3A_1292, %add3A_1293 : i32
          %mul3A_1295 = arith.constant 16 : i32
          %mul3A_1296 = arith.muli %mul3A_1295, %add3A_1294 : i32
          %get3A_1297 = arith.index_cast %mul3A_1296 : i32 to index
          %get3A_1298 = tpu.vector_load %arg20[%get3A_1297] {strides = array<i32>} : memref<6144xf32, #tpu.memory_space<vmem>>, vector<16xf32>,
          %get3A_1299 = vector.shape_cast %get3A_1298 : vector<16xf32> to vector<16xf32>
          %mul3A_1300 = vector.broadcast %squeeze3A_1290 : f32 to vector<16xf32>
          %mul3A_1301 = arith.mulf %mul3A_1300, %get3A_1299 : vector<16xf32>
          %add3A_1302 = arith.addf %add3A_1266, %mul3A_1301 : vector<16xf32>
          %add3A_1303 = arith.constant 2048 : i32
          %add3A_1304 = arith.addi %add3A_1303, %mul3A_1296 : i32
          %get3A_1305 = arith.index_cast %add3A_1304 : i32 to index
          %get3A_1306 = tpu.vector_load %arg20[%get3A_1305] {strides = array<i32>} : memref<6144xf32, #tpu.memory_space<vmem>>, vector<16xf32>,
          %get3A_1307 = vector.shape_cast %get3A_1306 : vector<16xf32> to vector<16xf32>
          %mul3A_1308 = vector.broadcast %squeeze3A_1290 : f32 to vector<16xf32>
          %mul3A_1309 = arith.mulf %mul3A_1308, %get3A_1307 : vector<16xf32>
          %add3A_1310 = arith.addf %add3A_1274, %mul3A_1309 : vector<16xf32>
          %add3A_1311 = arith.constant 4096 : i32
          %add3A_1312 = arith.addi %add3A_1311, %mul3A_1296 : i32
          %get3A_1313 = arith.index_cast %add3A_1312 : i32 to index
          %get3A_1314 = tpu.vector_load %arg20[%get3A_1313] {strides = array<i32>} : memref<6144xf32, #tpu.memory_space<vmem>>, vector<16xf32>,
          %get3A_1315 = vector.shape_cast %get3A_1314 : vector<16xf32> to vector<16xf32>
          %mul3A_1316 = vector.broadcast %squeeze3A_1290 : f32 to vector<16xf32>
          %mul3A_1317 = arith.mulf %mul3A_1316, %get3A_1315 : vector<16xf32>
          %add3A_1318 = arith.addf %add3A_1282, %mul3A_1317 : vector<16xf32>
          %get3A_1319 = arith.index_cast %mul3A_1296 : i32 to index
          %get3A_1320 = tpu.vector_load %arg16[%get3A_1319] {strides = array<i32>} : memref<2048xf32, #tpu.memory_space<vmem>>, vector<16xf32>,
          %get3A_1321 = vector.shape_cast %get3A_1320 : vector<16xf32> to vector<16xf32>
          %mul3A_1322 = vector.broadcast %squeeze3A_1290 : f32 to vector<16xf32>
          %mul3A_1323 = arith.mulf %mul3A_1322, %get3A_1321 : vector<16xf32>
          %add3A_1324 = arith.addf %add3A_1288, %mul3A_1323 : vector<16xf32>
          %slice3A_1325 = vector.extract_strided_slice %mul3A_958 {offsets = [10], sizes = [1], strides = [1]} : vector<16xf32> to vector<1xf32>
          %squeeze3A_1326 = vector.extract %slice3A_1325[0] : f32 from vector<1xf32>
          %mul3A_1327 = arith.constant 16 : i32
          %mul3A_1328 = arith.muli %mul3A_1327, %scan3A_948 : i32
          %add3A_1329 = arith.constant 10 : i32
          %add3A_1330 = arith.addi %mul3A_1328, %add3A_1329 : i32
          %mul3A_1331 = arith.constant 16 : i32
          %mul3A_1332 = arith.muli %mul3A_1331, %add3A_1330 : i32
          %get3A_1333 = arith.index_cast %mul3A_1332 : i32 to index
          %get3A_1334 = tpu.vector_load %arg20[%get3A_1333] {strides = array<i32>} : memref<6144xf32, #tpu.memory_space<vmem>>, vector<16xf32>,
          %get3A_1335 = vector.shape_cast %get3A_1334 : vector<16xf32> to vector<16xf32>
          %mul3A_1336 = vector.broadcast %squeeze3A_1326 : f32 to vector<16xf32>
          %mul3A_1337 = arith.mulf %mul3A_1336, %get3A_1335 : vector<16xf32>
          %add3A_1338 = arith.addf %add3A_1302, %mul3A_1337 : vector<16xf32>
          %add3A_1339 = arith.constant 2048 : i32
          %add3A_1340 = arith.addi %add3A_1339, %mul3A_1332 : i32
          %get3A_1341 = arith.index_cast %add3A_1340 : i32 to index
          %get3A_1342 = tpu.vector_load %arg20[%get3A_1341] {strides = array<i32>} : memref<6144xf32, #tpu.memory_space<vmem>>, vector<16xf32>,
          %get3A_1343 = vector.shape_cast %get3A_1342 : vector<16xf32> to vector<16xf32>
          %mul3A_1344 = vector.broadcast %squeeze3A_1326 : f32 to vector<16xf32>
          %mul3A_1345 = arith.mulf %mul3A_1344, %get3A_1343 : vector<16xf32>
          %add3A_1346 = arith.addf %add3A_1310, %mul3A_1345 : vector<16xf32>
          %add3A_1347 = arith.constant 4096 : i32
          %add3A_1348 = arith.addi %add3A_1347, %mul3A_1332 : i32
          %get3A_1349 = arith.index_cast %add3A_1348 : i32 to index
          %get3A_1350 = tpu.vector_load %arg20[%get3A_1349] {strides = array<i32>} : memref<6144xf32, #tpu.memory_space<vmem>>, vector<16xf32>,
          %get3A_1351 = vector.shape_cast %get3A_1350 : vector<16xf32> to vector<16xf32>
          %mul3A_1352 = vector.broadcast %squeeze3A_1326 : f32 to vector<16xf32>
          %mul3A_1353 = arith.mulf %mul3A_1352, %get3A_1351 : vector<16xf32>
          %add3A_1354 = arith.addf %add3A_1318, %mul3A_1353 : vector<16xf32>
          %get3A_1355 = arith.index_cast %mul3A_1332 : i32 to index
          %get3A_1356 = tpu.vector_load %arg16[%get3A_1355] {strides = array<i32>} : memref<2048xf32, #tpu.memory_space<vmem>>, vector<16xf32>,
          %get3A_1357 = vector.shape_cast %get3A_1356 : vector<16xf32> to vector<16xf32>
          %mul3A_1358 = vector.broadcast %squeeze3A_1326 : f32 to vector<16xf32>
          %mul3A_1359 = arith.mulf %mul3A_1358, %get3A_1357 : vector<16xf32>
          %add3A_1360 = arith.addf %add3A_1324, %mul3A_1359 : vector<16xf32>
          %slice3A_1361 = vector.extract_strided_slice %mul3A_958 {offsets = [11], sizes = [1], strides = [1]} : vector<16xf32> to vector<1xf32>
          %squeeze3A_1362 = vector.extract %slice3A_1361[0] : f32 from vector<1xf32>
          %mul3A_1363 = arith.constant 16 : i32
          %mul3A_1364 = arith.muli %mul3A_1363, %scan3A_948 : i32
          %add3A_1365 = arith.constant 11 : i32
          %add3A_1366 = arith.addi %mul3A_1364, %add3A_1365 : i32
          %mul3A_1367 = arith.constant 16 : i32
          %mul3A_1368 = arith.muli %mul3A_1367, %add3A_1366 : i32
          %get3A_1369 = arith.index_cast %mul3A_1368 : i32 to index
          %get3A_1370 = tpu.vector_load %arg20[%get3A_1369] {strides = array<i32>} : memref<6144xf32, #tpu.memory_space<vmem>>, vector<16xf32>,
          %get3A_1371 = vector.shape_cast %get3A_1370 : vector<16xf32> to vector<16xf32>
          %mul3A_1372 = vector.broadcast %squeeze3A_1362 : f32 to vector<16xf32>
          %mul3A_1373 = arith.mulf %mul3A_1372, %get3A_1371 : vector<16xf32>
          %add3A_1374 = arith.addf %add3A_1338, %mul3A_1373 : vector<16xf32>
          %add3A_1375 = arith.constant 2048 : i32
          %add3A_1376 = arith.addi %add3A_1375, %mul3A_1368 : i32
          %get3A_1377 = arith.index_cast %add3A_1376 : i32 to index
          %get3A_1378 = tpu.vector_load %arg20[%get3A_1377] {strides = array<i32>} : memref<6144xf32, #tpu.memory_space<vmem>>, vector<16xf32>,
          %get3A_1379 = vector.shape_cast %get3A_1378 : vector<16xf32> to vector<16xf32>
          %mul3A_1380 = vector.broadcast %squeeze3A_1362 : f32 to vector<16xf32>
          %mul3A_1381 = arith.mulf %mul3A_1380, %get3A_1379 : vector<16xf32>
          %add3A_1382 = arith.addf %add3A_1346, %mul3A_1381 : vector<16xf32>
          %add3A_1383 = arith.constant 4096 : i32
          %add3A_1384 = arith.addi %add3A_1383, %mul3A_1368 : i32
          %get3A_1385 = arith.index_cast %add3A_1384 : i32 to index
          %get3A_1386 = tpu.vector_load %arg20[%get3A_1385] {strides = array<i32>} : memref<6144xf32, #tpu.memory_space<vmem>>, vector<16xf32>,
          %get3A_1387 = vector.shape_cast %get3A_1386 : vector<16xf32> to vector<16xf32>
          %mul3A_1388 = vector.broadcast %squeeze3A_1362 : f32 to vector<16xf32>
          %mul3A_1389 = arith.mulf %mul3A_1388, %get3A_1387 : vector<16xf32>
          %add3A_1390 = arith.addf %add3A_1354, %mul3A_1389 : vector<16xf32>
          %get3A_1391 = arith.index_cast %mul3A_1368 : i32 to index
          %get3A_1392 = tpu.vector_load %arg16[%get3A_1391] {strides = array<i32>} : memref<2048xf32, #tpu.memory_space<vmem>>, vector<16xf32>,
          %get3A_1393 = vector.shape_cast %get3A_1392 : vector<16xf32> to vector<16xf32>
          %mul3A_1394 = vector.broadcast %squeeze3A_1362 : f32 to vector<16xf32>
          %mul3A_1395 = arith.mulf %mul3A_1394, %get3A_1393 : vector<16xf32>
          %add3A_1396 = arith.addf %add3A_1360, %mul3A_1395 : vector<16xf32>
          %slice3A_1397 = vector.extract_strided_slice %mul3A_958 {offsets = [12], sizes = [1], strides = [1]} : vector<16xf32> to vector<1xf32>
          %squeeze3A_1398 = vector.extract %slice3A_1397[0] : f32 from vector<1xf32>
          %mul3A_1399 = arith.constant 16 : i32
          %mul3A_1400 = arith.muli %mul3A_1399, %scan3A_948 : i32
          %add3A_1401 = arith.constant 12 : i32
          %add3A_1402 = arith.addi %mul3A_1400, %add3A_1401 : i32
          %mul3A_1403 = arith.constant 16 : i32
          %mul3A_1404 = arith.muli %mul3A_1403, %add3A_1402 : i32
          %get3A_1405 = arith.index_cast %mul3A_1404 : i32 to index
          %get3A_1406 = tpu.vector_load %arg20[%get3A_1405] {strides = array<i32>} : memref<6144xf32, #tpu.memory_space<vmem>>, vector<16xf32>,
          %get3A_1407 = vector.shape_cast %get3A_1406 : vector<16xf32> to vector<16xf32>
          %mul3A_1408 = vector.broadcast %squeeze3A_1398 : f32 to vector<16xf32>
          %mul3A_1409 = arith.mulf %mul3A_1408, %get3A_1407 : vector<16xf32>
          %add3A_1410 = arith.addf %add3A_1374, %mul3A_1409 : vector<16xf32>
          %add3A_1411 = arith.constant 2048 : i32
          %add3A_1412 = arith.addi %add3A_1411, %mul3A_1404 : i32
          %get3A_1413 = arith.index_cast %add3A_1412 : i32 to index
          %get3A_1414 = tpu.vector_load %arg20[%get3A_1413] {strides = array<i32>} : memref<6144xf32, #tpu.memory_space<vmem>>, vector<16xf32>,
          %get3A_1415 = vector.shape_cast %get3A_1414 : vector<16xf32> to vector<16xf32>
          %mul3A_1416 = vector.broadcast %squeeze3A_1398 : f32 to vector<16xf32>
          %mul3A_1417 = arith.mulf %mul3A_1416, %get3A_1415 : vector<16xf32>
          %add3A_1418 = arith.addf %add3A_1382, %mul3A_1417 : vector<16xf32>
          %add3A_1419 = arith.constant 4096 : i32
          %add3A_1420 = arith.addi %add3A_1419, %mul3A_1404 : i32
          %get3A_1421 = arith.index_cast %add3A_1420 : i32 to index
          %get3A_1422 = tpu.vector_load %arg20[%get3A_1421] {strides = array<i32>} : memref<6144xf32, #tpu.memory_space<vmem>>, vector<16xf32>,
          %get3A_1423 = vector.shape_cast %get3A_1422 : vector<16xf32> to vector<16xf32>
          %mul3A_1424 = vector.broadcast %squeeze3A_1398 : f32 to vector<16xf32>
          %mul3A_1425 = arith.mulf %mul3A_1424, %get3A_1423 : vector<16xf32>
          %add3A_1426 = arith.addf %add3A_1390, %mul3A_1425 : vector<16xf32>
          %get3A_1427 = arith.index_cast %mul3A_1404 : i32 to index
          %get3A_1428 = tpu.vector_load %arg16[%get3A_1427] {strides = array<i32>} : memref<2048xf32, #tpu.memory_space<vmem>>, vector<16xf32>,
          %get3A_1429 = vector.shape_cast %get3A_1428 : vector<16xf32> to vector<16xf32>
          %mul3A_1430 = vector.broadcast %squeeze3A_1398 : f32 to vector<16xf32>
          %mul3A_1431 = arith.mulf %mul3A_1430, %get3A_1429 : vector<16xf32>
          %add3A_1432 = arith.addf %add3A_1396, %mul3A_1431 : vector<16xf32>
          %slice3A_1433 = vector.extract_strided_slice %mul3A_958 {offsets = [13], sizes = [1], strides = [1]} : vector<16xf32> to vector<1xf32>
          %squeeze3A_1434 = vector.extract %slice3A_1433[0] : f32 from vector<1xf32>
          %mul3A_1435 = arith.constant 16 : i32
          %mul3A_1436 = arith.muli %mul3A_1435, %scan3A_948 : i32
          %add3A_1437 = arith.constant 13 : i32
          %add3A_1438 = arith.addi %mul3A_1436, %add3A_1437 : i32
          %mul3A_1439 = arith.constant 16 : i32
          %mul3A_1440 = arith.muli %mul3A_1439, %add3A_1438 : i32
          %get3A_1441 = arith.index_cast %mul3A_1440 : i32 to index
          %get3A_1442 = tpu.vector_load %arg20[%get3A_1441] {strides = array<i32>} : memref<6144xf32, #tpu.memory_space<vmem>>, vector<16xf32>,
          %get3A_1443 = vector.shape_cast %get3A_1442 : vector<16xf32> to vector<16xf32>
          %mul3A_1444 = vector.broadcast %squeeze3A_1434 : f32 to vector<16xf32>
          %mul3A_1445 = arith.mulf %mul3A_1444, %get3A_1443 : vector<16xf32>
          %add3A_1446 = arith.addf %add3A_1410, %mul3A_1445 : vector<16xf32>
          %add3A_1447 = arith.constant 2048 : i32
          %add3A_1448 = arith.addi %add3A_1447, %mul3A_1440 : i32
          %get3A_1449 = arith.index_cast %add3A_1448 : i32 to index
          %get3A_1450 = tpu.vector_load %arg20[%get3A_1449] {strides = array<i32>} : memref<6144xf32, #tpu.memory_space<vmem>>, vector<16xf32>,
          %get3A_1451 = vector.shape_cast %get3A_1450 : vector<16xf32> to vector<16xf32>
          %mul3A_1452 = vector.broadcast %squeeze3A_1434 : f32 to vector<16xf32>
          %mul3A_1453 = arith.mulf %mul3A_1452, %get3A_1451 : vector<16xf32>
          %add3A_1454 = arith.addf %add3A_1418, %mul3A_1453 : vector<16xf32>
          %add3A_1455 = arith.constant 4096 : i32
          %add3A_1456 = arith.addi %add3A_1455, %mul3A_1440 : i32
          %get3A_1457 = arith.index_cast %add3A_1456 : i32 to index
          %get3A_1458 = tpu.vector_load %arg20[%get3A_1457] {strides = array<i32>} : memref<6144xf32, #tpu.memory_space<vmem>>, vector<16xf32>,
          %get3A_1459 = vector.shape_cast %get3A_1458 : vector<16xf32> to vector<16xf32>
          %mul3A_1460 = vector.broadcast %squeeze3A_1434 : f32 to vector<16xf32>
          %mul3A_1461 = arith.mulf %mul3A_1460, %get3A_1459 : vector<16xf32>
          %add3A_1462 = arith.addf %add3A_1426, %mul3A_1461 : vector<16xf32>
          %get3A_1463 = arith.index_cast %mul3A_1440 : i32 to index
          %get3A_1464 = tpu.vector_load %arg16[%get3A_1463] {strides = array<i32>} : memref<2048xf32, #tpu.memory_space<vmem>>, vector<16xf32>,
          %get3A_1465 = vector.shape_cast %get3A_1464 : vector<16xf32> to vector<16xf32>
          %mul3A_1466 = vector.broadcast %squeeze3A_1434 : f32 to vector<16xf32>
          %mul3A_1467 = arith.mulf %mul3A_1466, %get3A_1465 : vector<16xf32>
          %add3A_1468 = arith.addf %add3A_1432, %mul3A_1467 : vector<16xf32>
          %slice3A_1469 = vector.extract_strided_slice %mul3A_958 {offsets = [14], sizes = [1], strides = [1]} : vector<16xf32> to vector<1xf32>
          %squeeze3A_1470 = vector.extract %slice3A_1469[0] : f32 from vector<1xf32>
          %mul3A_1471 = arith.constant 16 : i32
          %mul3A_1472 = arith.muli %mul3A_1471, %scan3A_948 : i32
          %add3A_1473 = arith.constant 14 : i32
          %add3A_1474 = arith.addi %mul3A_1472, %add3A_1473 : i32
          %mul3A_1475 = arith.constant 16 : i32
          %mul3A_1476 = arith.muli %mul3A_1475, %add3A_1474 : i32
          %get3A_1477 = arith.index_cast %mul3A_1476 : i32 to index
          %get3A_1478 = tpu.vector_load %arg20[%get3A_1477] {strides = array<i32>} : memref<6144xf32, #tpu.memory_space<vmem>>, vector<16xf32>,
          %get3A_1479 = vector.shape_cast %get3A_1478 : vector<16xf32> to vector<16xf32>
          %mul3A_1480 = vector.broadcast %squeeze3A_1470 : f32 to vector<16xf32>
          %mul3A_1481 = arith.mulf %mul3A_1480, %get3A_1479 : vector<16xf32>
          %add3A_1482 = arith.addf %add3A_1446, %mul3A_1481 : vector<16xf32>
          %add3A_1483 = arith.constant 2048 : i32
          %add3A_1484 = arith.addi %add3A_1483, %mul3A_1476 : i32
          %get3A_1485 = arith.index_cast %add3A_1484 : i32 to index
          %get3A_1486 = tpu.vector_load %arg20[%get3A_1485] {strides = array<i32>} : memref<6144xf32, #tpu.memory_space<vmem>>, vector<16xf32>,
          %get3A_1487 = vector.shape_cast %get3A_1486 : vector<16xf32> to vector<16xf32>
          %mul3A_1488 = vector.broadcast %squeeze3A_1470 : f32 to vector<16xf32>
          %mul3A_1489 = arith.mulf %mul3A_1488, %get3A_1487 : vector<16xf32>
          %add3A_1490 = arith.addf %add3A_1454, %mul3A_1489 : vector<16xf32>
          %add3A_1491 = arith.constant 4096 : i32
          %add3A_1492 = arith.addi %add3A_1491, %mul3A_1476 : i32
          %get3A_1493 = arith.index_cast %add3A_1492 : i32 to index
          %get3A_1494 = tpu.vector_load %arg20[%get3A_1493] {strides = array<i32>} : memref<6144xf32, #tpu.memory_space<vmem>>, vector<16xf32>,
          %get3A_1495 = vector.shape_cast %get3A_1494 : vector<16xf32> to vector<16xf32>
          %mul3A_1496 = vector.broadcast %squeeze3A_1470 : f32 to vector<16xf32>
          %mul3A_1497 = arith.mulf %mul3A_1496, %get3A_1495 : vector<16xf32>
          %add3A_1498 = arith.addf %add3A_1462, %mul3A_1497 : vector<16xf32>
          %get3A_1499 = arith.index_cast %mul3A_1476 : i32 to index
          %get3A_1500 = tpu.vector_load %arg16[%get3A_1499] {strides = array<i32>} : memref<2048xf32, #tpu.memory_space<vmem>>, vector<16xf32>,
          %get3A_1501 = vector.shape_cast %get3A_1500 : vector<16xf32> to vector<16xf32>
          %mul3A_1502 = vector.broadcast %squeeze3A_1470 : f32 to vector<16xf32>
          %mul3A_1503 = arith.mulf %mul3A_1502, %get3A_1501 : vector<16xf32>
          %add3A_1504 = arith.addf %add3A_1468, %mul3A_1503 : vector<16xf32>
          %slice3A_1505 = vector.extract_strided_slice %mul3A_958 {offsets = [15], sizes = [1], strides = [1]} : vector<16xf32> to vector<1xf32>
          %squeeze3A_1506 = vector.extract %slice3A_1505[0] : f32 from vector<1xf32>
          %mul3A_1507 = arith.constant 16 : i32
          %mul3A_1508 = arith.muli %mul3A_1507, %scan3A_948 : i32
          %add3A_1509 = arith.constant 15 : i32
          %add3A_1510 = arith.addi %mul3A_1508, %add3A_1509 : i32
          %mul3A_1511 = arith.constant 16 : i32
          %mul3A_1512 = arith.muli %mul3A_1511, %add3A_1510 : i32
          %get3A_1513 = arith.index_cast %mul3A_1512 : i32 to index
          %get3A_1514 = tpu.vector_load %arg20[%get3A_1513] {strides = array<i32>} : memref<6144xf32, #tpu.memory_space<vmem>>, vector<16xf32>,
          %get3A_1515 = vector.shape_cast %get3A_1514 : vector<16xf32> to vector<16xf32>
          %mul3A_1516 = vector.broadcast %squeeze3A_1506 : f32 to vector<16xf32>
          %mul3A_1517 = arith.mulf %mul3A_1516, %get3A_1515 : vector<16xf32>
          %add3A_1518 = arith.addf %add3A_1482, %mul3A_1517 : vector<16xf32>
          %add3A_1519 = arith.constant 2048 : i32
          %add3A_1520 = arith.addi %add3A_1519, %mul3A_1512 : i32
          %get3A_1521 = arith.index_cast %add3A_1520 : i32 to index
          %get3A_1522 = tpu.vector_load %arg20[%get3A_1521] {strides = array<i32>} : memref<6144xf32, #tpu.memory_space<vmem>>, vector<16xf32>,
          %get3A_1523 = vector.shape_cast %get3A_1522 : vector<16xf32> to vector<16xf32>
          %mul3A_1524 = vector.broadcast %squeeze3A_1506 : f32 to vector<16xf32>
          %mul3A_1525 = arith.mulf %mul3A_1524, %get3A_1523 : vector<16xf32>
          %add3A_1526 = arith.addf %add3A_1490, %mul3A_1525 : vector<16xf32>
          %add3A_1527 = arith.constant 4096 : i32
          %add3A_1528 = arith.addi %add3A_1527, %mul3A_1512 : i32
          %get3A_1529 = arith.index_cast %add3A_1528 : i32 to index
          %get3A_1530 = tpu.vector_load %arg20[%get3A_1529] {strides = array<i32>} : memref<6144xf32, #tpu.memory_space<vmem>>, vector<16xf32>,
          %get3A_1531 = vector.shape_cast %get3A_1530 : vector<16xf32> to vector<16xf32>
          %mul3A_1532 = vector.broadcast %squeeze3A_1506 : f32 to vector<16xf32>
          %mul3A_1533 = arith.mulf %mul3A_1532, %get3A_1531 : vector<16xf32>
          %add3A_1534 = arith.addf %add3A_1498, %mul3A_1533 : vector<16xf32>
          %get3A_1535 = arith.index_cast %mul3A_1512 : i32 to index
          %get3A_1536 = tpu.vector_load %arg16[%get3A_1535] {strides = array<i32>} : memref<2048xf32, #tpu.memory_space<vmem>>, vector<16xf32>,
          %get3A_1537 = vector.shape_cast %get3A_1536 : vector<16xf32> to vector<16xf32>
          %mul3A_1538 = vector.broadcast %squeeze3A_1506 : f32 to vector<16xf32>
          %mul3A_1539 = arith.mulf %mul3A_1538, %get3A_1537 : vector<16xf32>
          %add3A_1540 = arith.addf %add3A_1504, %mul3A_1539 : vector<16xf32>
          scf.yield %add3A_1518, %add3A_1526, %add3A_1534, %add3A_1540 : vector<16xf32>, vector<16xf32>, vector<16xf32>, vector<16xf32>
        }
        %scan3A_729 = arith.constant 8 : i32
        %get3A_730 = arith.constant 32 : index
        %get3A_731 = tpu.vector_load %arg26[%get3A_730] {strides = array<i32>} : memref<48xf32, #tpu.memory_space<vmem>>, vector<16xf32>,
        %get3A_732 = vector.shape_cast %get3A_731 : vector<16xf32> to vector<16xf32>
        %slice3A_733 = vector.extract_strided_slice %get3A_732 {offsets = [0], sizes = [1], strides = [1]} : vector<16xf32> to vector<1xf32>
        %squeeze3A_734 = vector.extract %slice3A_733[0] : f32 from vector<1xf32>
        %get3A_735 = arith.constant 0 : index
        %get3A_736 = tpu.vector_load %arg17[%get3A_735] {strides = array<i32>} : memref<256xf32, #tpu.memory_space<vmem>>, vector<16xf32>,
        %get3A_737 = vector.shape_cast %get3A_736 : vector<16xf32> to vector<16xf32>
        %mul3A_738 = vector.broadcast %squeeze3A_734 : f32 to vector<16xf32>
        %mul3A_739 = arith.mulf %mul3A_738, %get3A_737 : vector<16xf32>
        %add3A_740 = arith.addf %broadcast_in_dim3A_389, %mul3A_739 : vector<16xf32>
        %slice3A_741 = vector.extract_strided_slice %get3A_732 {offsets = [1], sizes = [1], strides = [1]} : vector<16xf32> to vector<1xf32>
        %squeeze3A_742 = vector.extract %slice3A_741[0] : f32 from vector<1xf32>
        %get3A_743 = arith.constant 16 : index
        %get3A_744 = tpu.vector_load %arg17[%get3A_743] {strides = array<i32>} : memref<256xf32, #tpu.memory_space<vmem>>, vector<16xf32>,
        %get3A_745 = vector.shape_cast %get3A_744 : vector<16xf32> to vector<16xf32>
        %mul3A_746 = vector.broadcast %squeeze3A_742 : f32 to vector<16xf32>
        %mul3A_747 = arith.mulf %mul3A_746, %get3A_745 : vector<16xf32>
        %add3A_748 = arith.addf %add3A_740, %mul3A_747 : vector<16xf32>
        %slice3A_749 = vector.extract_strided_slice %get3A_732 {offsets = [2], sizes = [1], strides = [1]} : vector<16xf32> to vector<1xf32>
        %squeeze3A_750 = vector.extract %slice3A_749[0] : f32 from vector<1xf32>
        %get3A_751 = arith.constant 32 : index
        %get3A_752 = tpu.vector_load %arg17[%get3A_751] {strides = array<i32>} : memref<256xf32, #tpu.memory_space<vmem>>, vector<16xf32>,
        %get3A_753 = vector.shape_cast %get3A_752 : vector<16xf32> to vector<16xf32>
        %mul3A_754 = vector.broadcast %squeeze3A_750 : f32 to vector<16xf32>
        %mul3A_755 = arith.mulf %mul3A_754, %get3A_753 : vector<16xf32>
        %add3A_756 = arith.addf %add3A_748, %mul3A_755 : vector<16xf32>
        %slice3A_757 = vector.extract_strided_slice %get3A_732 {offsets = [3], sizes = [1], strides = [1]} : vector<16xf32> to vector<1xf32>
        %squeeze3A_758 = vector.extract %slice3A_757[0] : f32 from vector<1xf32>
        %get3A_759 = arith.constant 48 : index
        %get3A_760 = tpu.vector_load %arg17[%get3A_759] {strides = array<i32>} : memref<256xf32, #tpu.memory_space<vmem>>, vector<16xf32>,
        %get3A_761 = vector.shape_cast %get3A_760 : vector<16xf32> to vector<16xf32>
        %mul3A_762 = vector.broadcast %squeeze3A_758 : f32 to vector<16xf32>
        %mul3A_763 = arith.mulf %mul3A_762, %get3A_761 : vector<16xf32>
        %add3A_764 = arith.addf %add3A_756, %mul3A_763 : vector<16xf32>
        %slice3A_765 = vector.extract_strided_slice %get3A_732 {offsets = [4], sizes = [1], strides = [1]} : vector<16xf32> to vector<1xf32>
        %squeeze3A_766 = vector.extract %slice3A_765[0] : f32 from vector<1xf32>
        %get3A_767 = arith.constant 64 : index
        %get3A_768 = tpu.vector_load %arg17[%get3A_767] {strides = array<i32>} : memref<256xf32, #tpu.memory_space<vmem>>, vector<16xf32>,
        %get3A_769 = vector.shape_cast %get3A_768 : vector<16xf32> to vector<16xf32>
        %mul3A_770 = vector.broadcast %squeeze3A_766 : f32 to vector<16xf32>
        %mul3A_771 = arith.mulf %mul3A_770, %get3A_769 : vector<16xf32>
        %add3A_772 = arith.addf %add3A_764, %mul3A_771 : vector<16xf32>
        %slice3A_773 = vector.extract_strided_slice %get3A_732 {offsets = [5], sizes = [1], strides = [1]} : vector<16xf32> to vector<1xf32>
        %squeeze3A_774 = vector.extract %slice3A_773[0] : f32 from vector<1xf32>
        %get3A_775 = arith.constant 80 : index
        %get3A_776 = tpu.vector_load %arg17[%get3A_775] {strides = array<i32>} : memref<256xf32, #tpu.memory_space<vmem>>, vector<16xf32>,
        %get3A_777 = vector.shape_cast %get3A_776 : vector<16xf32> to vector<16xf32>
        %mul3A_778 = vector.broadcast %squeeze3A_774 : f32 to vector<16xf32>
        %mul3A_779 = arith.mulf %mul3A_778, %get3A_777 : vector<16xf32>
        %add3A_780 = arith.addf %add3A_772, %mul3A_779 : vector<16xf32>
        %slice3A_781 = vector.extract_strided_slice %get3A_732 {offsets = [6], sizes = [1], strides = [1]} : vector<16xf32> to vector<1xf32>
        %squeeze3A_782 = vector.extract %slice3A_781[0] : f32 from vector<1xf32>
        %get3A_783 = arith.constant 96 : index
        %get3A_784 = tpu.vector_load %arg17[%get3A_783] {strides = array<i32>} : memref<256xf32, #tpu.memory_space<vmem>>, vector<16xf32>,
        %get3A_785 = vector.shape_cast %get3A_784 : vector<16xf32> to vector<16xf32>
        %mul3A_786 = vector.broadcast %squeeze3A_782 : f32 to vector<16xf32>
        %mul3A_787 = arith.mulf %mul3A_786, %get3A_785 : vector<16xf32>
        %add3A_788 = arith.addf %add3A_780, %mul3A_787 : vector<16xf32>
        %slice3A_789 = vector.extract_strided_slice %get3A_732 {offsets = [7], sizes = [1], strides = [1]} : vector<16xf32> to vector<1xf32>
        %squeeze3A_790 = vector.extract %slice3A_789[0] : f32 from vector<1xf32>
        %get3A_791 = arith.constant 112 : index
        %get3A_792 = tpu.vector_load %arg17[%get3A_791] {strides = array<i32>} : memref<256xf32, #tpu.memory_space<vmem>>, vector<16xf32>,
        %get3A_793 = vector.shape_cast %get3A_792 : vector<16xf32> to vector<16xf32>
        %mul3A_794 = vector.broadcast %squeeze3A_790 : f32 to vector<16xf32>
        %mul3A_795 = arith.mulf %mul3A_794, %get3A_793 : vector<16xf32>
        %add3A_796 = arith.addf %add3A_788, %mul3A_795 : vector<16xf32>
        %slice3A_797 = vector.extract_strided_slice %get3A_732 {offsets = [8], sizes = [1], strides = [1]} : vector<16xf32> to vector<1xf32>
        %squeeze3A_798 = vector.extract %slice3A_797[0] : f32 from vector<1xf32>
        %get3A_799 = arith.constant 128 : index
        %get3A_800 = tpu.vector_load %arg17[%get3A_799] {strides = array<i32>} : memref<256xf32, #tpu.memory_space<vmem>>, vector<16xf32>,
        %get3A_801 = vector.shape_cast %get3A_800 : vector<16xf32> to vector<16xf32>
        %mul3A_802 = vector.broadcast %squeeze3A_798 : f32 to vector<16xf32>
        %mul3A_803 = arith.mulf %mul3A_802, %get3A_801 : vector<16xf32>
        %add3A_804 = arith.addf %add3A_796, %mul3A_803 : vector<16xf32>
        %slice3A_805 = vector.extract_strided_slice %get3A_732 {offsets = [9], sizes = [1], strides = [1]} : vector<16xf32> to vector<1xf32>
        %squeeze3A_806 = vector.extract %slice3A_805[0] : f32 from vector<1xf32>
        %get3A_807 = arith.constant 144 : index
        %get3A_808 = tpu.vector_load %arg17[%get3A_807] {strides = array<i32>} : memref<256xf32, #tpu.memory_space<vmem>>, vector<16xf32>,
        %get3A_809 = vector.shape_cast %get3A_808 : vector<16xf32> to vector<16xf32>
        %mul3A_810 = vector.broadcast %squeeze3A_806 : f32 to vector<16xf32>
        %mul3A_811 = arith.mulf %mul3A_810, %get3A_809 : vector<16xf32>
        %add3A_812 = arith.addf %add3A_804, %mul3A_811 : vector<16xf32>
        %slice3A_813 = vector.extract_strided_slice %get3A_732 {offsets = [10], sizes = [1], strides = [1]} : vector<16xf32> to vector<1xf32>
        %squeeze3A_814 = vector.extract %slice3A_813[0] : f32 from vector<1xf32>
        %get3A_815 = arith.constant 160 : index
        %get3A_816 = tpu.vector_load %arg17[%get3A_815] {strides = array<i32>} : memref<256xf32, #tpu.memory_space<vmem>>, vector<16xf32>,
        %get3A_817 = vector.shape_cast %get3A_816 : vector<16xf32> to vector<16xf32>
        %mul3A_818 = vector.broadcast %squeeze3A_814 : f32 to vector<16xf32>
        %mul3A_819 = arith.mulf %mul3A_818, %get3A_817 : vector<16xf32>
        %add3A_820 = arith.addf %add3A_812, %mul3A_819 : vector<16xf32>
        %slice3A_821 = vector.extract_strided_slice %get3A_732 {offsets = [11], sizes = [1], strides = [1]} : vector<16xf32> to vector<1xf32>
        %squeeze3A_822 = vector.extract %slice3A_821[0] : f32 from vector<1xf32>
        %get3A_823 = arith.constant 176 : index
        %get3A_824 = tpu.vector_load %arg17[%get3A_823] {strides = array<i32>} : memref<256xf32, #tpu.memory_space<vmem>>, vector<16xf32>,
        %get3A_825 = vector.shape_cast %get3A_824 : vector<16xf32> to vector<16xf32>
        %mul3A_826 = vector.broadcast %squeeze3A_822 : f32 to vector<16xf32>
        %mul3A_827 = arith.mulf %mul3A_826, %get3A_825 : vector<16xf32>
        %add3A_828 = arith.addf %add3A_820, %mul3A_827 : vector<16xf32>
        %slice3A_829 = vector.extract_strided_slice %get3A_732 {offsets = [12], sizes = [1], strides = [1]} : vector<16xf32> to vector<1xf32>
        %squeeze3A_830 = vector.extract %slice3A_829[0] : f32 from vector<1xf32>
        %get3A_831 = arith.constant 192 : index
        %get3A_832 = tpu.vector_load %arg17[%get3A_831] {strides = array<i32>} : memref<256xf32, #tpu.memory_space<vmem>>, vector<16xf32>,
        %get3A_833 = vector.shape_cast %get3A_832 : vector<16xf32> to vector<16xf32>
        %mul3A_834 = vector.broadcast %squeeze3A_830 : f32 to vector<16xf32>
        %mul3A_835 = arith.mulf %mul3A_834, %get3A_833 : vector<16xf32>
        %add3A_836 = arith.addf %add3A_828, %mul3A_835 : vector<16xf32>
        %slice3A_837 = vector.extract_strided_slice %get3A_732 {offsets = [13], sizes = [1], strides = [1]} : vector<16xf32> to vector<1xf32>
        %squeeze3A_838 = vector.extract %slice3A_837[0] : f32 from vector<1xf32>
        %get3A_839 = arith.constant 208 : index
        %get3A_840 = tpu.vector_load %arg17[%get3A_839] {strides = array<i32>} : memref<256xf32, #tpu.memory_space<vmem>>, vector<16xf32>,
        %get3A_841 = vector.shape_cast %get3A_840 : vector<16xf32> to vector<16xf32>
        %mul3A_842 = vector.broadcast %squeeze3A_838 : f32 to vector<16xf32>
        %mul3A_843 = arith.mulf %mul3A_842, %get3A_841 : vector<16xf32>
        %add3A_844 = arith.addf %add3A_836, %mul3A_843 : vector<16xf32>
        %slice3A_845 = vector.extract_strided_slice %get3A_732 {offsets = [14], sizes = [1], strides = [1]} : vector<16xf32> to vector<1xf32>
        %squeeze3A_846 = vector.extract %slice3A_845[0] : f32 from vector<1xf32>
        %get3A_847 = arith.constant 224 : index
        %get3A_848 = tpu.vector_load %arg17[%get3A_847] {strides = array<i32>} : memref<256xf32, #tpu.memory_space<vmem>>, vector<16xf32>,
        %get3A_849 = vector.shape_cast %get3A_848 : vector<16xf32> to vector<16xf32>
        %mul3A_850 = vector.broadcast %squeeze3A_846 : f32 to vector<16xf32>
        %mul3A_851 = arith.mulf %mul3A_850, %get3A_849 : vector<16xf32>
        %add3A_852 = arith.addf %add3A_844, %mul3A_851 : vector<16xf32>
        %slice3A_853 = vector.extract_strided_slice %get3A_732 {offsets = [15], sizes = [1], strides = [1]} : vector<16xf32> to vector<1xf32>
        %squeeze3A_854 = vector.extract %slice3A_853[0] : f32 from vector<1xf32>
        %get3A_855 = arith.constant 240 : index
        %get3A_856 = tpu.vector_load %arg17[%get3A_855] {strides = array<i32>} : memref<256xf32, #tpu.memory_space<vmem>>, vector<16xf32>,
        %get3A_857 = vector.shape_cast %get3A_856 : vector<16xf32> to vector<16xf32>
        %mul3A_858 = vector.broadcast %squeeze3A_854 : f32 to vector<16xf32>
        %mul3A_859 = arith.mulf %mul3A_858, %get3A_857 : vector<16xf32>
        %add3A_860 = arith.addf %add3A_852, %mul3A_859 : vector<16xf32>
        %eq3A_861 = arith.constant 0 : i32
        %eq3A_862 = arith.cmpi eq, %select_n3A, %eq3A_861 : i32
        %select_n3A_863 = arith.select %eq3A_862, %add3A_860, %broadcast_in_dim3A_389 : vector<16xf32>
        %add3A_864 = arith.addf %scan3A_728#3, %select_n3A_863 : vector<16xf32>
        %swap3A = arith.constant 0 : index
        %swap3A_865 = tpu.vector_load %arg24[%swap3A] {strides = array<i32>} : memref<16xf32, #tpu.memory_space<vmem>>, vector<16xf32>,
        %swap3A_866 = vector.shape_cast %swap3A_865 : vector<16xf32> to vector<16xf32>
        %swap3A_867 = vector.shape_cast %add3A_864 : vector<16xf32> to vector<16xf32>
        tpu.vector_store %arg24[%swap3A], %swap3A_867 {strides = array<i32>} : memref<16xf32, #tpu.memory_space<vmem>>, vector<16xf32>,
        %mul3A_868 = arith.constant 16 : i32
        %mul3A_869 = arith.muli %mul3A_868, %add3A_33 : i32
        "tpu.region"() ({
          %run_scoped3A = tpu.sem_alloc : memref<!tpu.dma_semaphore, #tpu.memory_space<semaphore_mem>>
          %dma_start3A_948 = tpu.memref_slice %arg15[%mul3A_869] : memref<256xf32, #tpu.memory_space<vmem_shared>> -> memref<16xf32, #tpu.memory_space<vmem_shared>>
          %dma_start3A_949 = tpu.memref_slice %arg15[%mul3A_869] : memref<256xf32, #tpu.memory_space<vmem_shared>> -> memref<16xf32, #tpu.memory_space<vmem_shared>>
          tpu.enqueue_dma source(%arg24 : memref<16xf32, #tpu.memory_space<vmem>>) target(%dma_start3A_949 : memref<16xf32, #tpu.memory_space<vmem_shared>>) target_semaphore(%run_scoped3A : memref<!tpu.dma_semaphore, #tpu.memory_space<semaphore_mem>>)
          %dma_wait3A_950 = tpu.memref_slice %arg15[%mul3A_869] : memref<256xf32, #tpu.memory_space<vmem_shared>> -> memref<16xf32, #tpu.memory_space<vmem_shared>>
          %dma_wait3A_951 = tpu.memref_slice %arg15[%mul3A_869] : memref<256xf32, #tpu.memory_space<vmem_shared>> -> memref<16xf32, #tpu.memory_space<vmem_shared>>
          tpu.wait_dma2 semaphore(%run_scoped3A : memref<!tpu.dma_semaphore, #tpu.memory_space<semaphore_mem>>) src(%arg24 : memref<16xf32, #tpu.memory_space<vmem>>) dst(%dma_wait3A_951 : memref<16xf32, #tpu.memory_space<vmem_shared>>)
          tpu.yield
        }) : () -> ()
        %barrier3A_870 = arith.constant 0 : index
        tpu.barrier barrier_id(%barrier3A_870)
        "tpu.region"() ({
          %run_scoped3A = tpu.sem_alloc : memref<!tpu.dma_semaphore, #tpu.memory_space<semaphore_mem>>
          tpu.enqueue_dma source(%arg15 : memref<256xf32, #tpu.memory_space<vmem_shared>>) target(%arg23 : memref<256xf32, #tpu.memory_space<vmem>>) target_semaphore(%run_scoped3A : memref<!tpu.dma_semaphore, #tpu.memory_space<semaphore_mem>>)
          tpu.wait_dma2 semaphore(%run_scoped3A : memref<!tpu.dma_semaphore, #tpu.memory_space<semaphore_mem>>) src(%arg15 : memref<256xf32, #tpu.memory_space<vmem_shared>>) dst(%arg23 : memref<256xf32, #tpu.memory_space<vmem>>)
          tpu.yield
        }) : () -> ()
        %get3A_871 = arith.constant 32 : index
        %get3A_872 = tpu.vector_load %arg18[%get3A_871] {strides = array<i32>} : memref<128xf32, #tpu.memory_space<vmem>>, vector<16xf32>,
        %get3A_873 = vector.shape_cast %get3A_872 : vector<16xf32> to vector<16xf32>
        %get3A_874 = arith.constant 48 : index
        %get3A_875 = tpu.vector_load %arg18[%get3A_874] {strides = array<i32>} : memref<128xf32, #tpu.memory_space<vmem>>, vector<16xf32>,
        %get3A_876 = vector.shape_cast %get3A_875 : vector<16xf32> to vector<16xf32>
        %get3A_877 = arith.constant 64 : index
        %get3A_878 = tpu.vector_load %arg18[%get3A_877] {strides = array<i32>} : memref<128xf32, #tpu.memory_space<vmem>>, vector<16xf32>,
        %get3A_879 = vector.shape_cast %get3A_878 : vector<16xf32> to vector<16xf32>
        %scan3A_880 = arith.constant 0 : i32
        %scan3A_881 = arith.constant 8 : i32
        %scan3A_882 = arith.addi %scan3A_880, %scan3A_881 : i32
        %scan3A_883 = arith.constant 1 : i32
        %scan3A_884:3 = scf.for %scan3A_948 = %scan3A_880 to %scan3A_882 step %scan3A_883 iter_args(%scan3A_949 = %get3A_873, %scan3A_950 = %get3A_876, %scan3A_951 = %get3A_879) -> (vector<16xf32>, vector<16xf32>, vector<16xf32>)  : i32 {
          %mul3A_952 = arith.constant 16 : i32
          %mul3A_953 = arith.muli %mul3A_952, %scan3A_948 : i32
          %get3A_954 = arith.index_cast %mul3A_953 : i32 to index
          %get3A_955 = tpu.vector_load %arg23[%get3A_954] {strides = array<i32>} : memref<256xf32, #tpu.memory_space<vmem>>, vector<16xf32>,
          %get3A_956 = vector.shape_cast %get3A_955 : vector<16xf32> to vector<16xf32>
          %mul3A_957 = arith.constant 16 : i32
          %mul3A_958 = arith.muli %mul3A_957, %scan3A_948 : i32
          %add3A_959 = arith.constant 128 : i32
          %add3A_960 = arith.addi %add3A_959, %mul3A_958 : i32
          %get3A_961 = arith.index_cast %add3A_960 : i32 to index
          %get3A_962 = tpu.vector_load %arg23[%get3A_961] {strides = array<i32>} : memref<256xf32, #tpu.memory_space<vmem>>, vector<16xf32>,
          %get3A_963 = vector.shape_cast %get3A_962 : vector<16xf32> to vector<16xf32>
          %add3A_964 = arith.addf %get3A_956, %get3A_963 : vector<16xf32>
          %max3A_965 = arith.constant 0.000000e+00 : f32
          %max3A_966 = vector.broadcast %max3A_965 : f32 to vector<16xf32>
          %max3A_967 = arith.maximumf %add3A_964, %max3A_966 : vector<16xf32>
          %slice3A_968 = vector.extract_strided_slice %max3A_967 {offsets = [0], sizes = [1], strides = [1]} : vector<16xf32> to vector<1xf32>
          %squeeze3A_969 = vector.extract %slice3A_968[0] : f32 from vector<1xf32>
          %mul3A_970 = arith.constant 16 : i32
          %mul3A_971 = arith.muli %mul3A_970, %scan3A_948 : i32
          %add3A_972 = arith.constant 0 : i32
          %add3A_973 = arith.addi %mul3A_971, %add3A_972 : i32
          %mul3A_974 = arith.constant 16 : i32
          %mul3A_975 = arith.muli %mul3A_974, %add3A_973 : i32
          %get3A_976 = arith.index_cast %mul3A_975 : i32 to index
          %get3A_977 = tpu.vector_load %arg19[%get3A_976] {strides = array<i32>} : memref<6144xf32, #tpu.memory_space<vmem>>, vector<16xf32>,
          %get3A_978 = vector.shape_cast %get3A_977 : vector<16xf32> to vector<16xf32>
          %mul3A_979 = vector.broadcast %squeeze3A_969 : f32 to vector<16xf32>
          %mul3A_980 = arith.mulf %mul3A_979, %get3A_978 : vector<16xf32>
          %add3A_981 = arith.addf %scan3A_949, %mul3A_980 : vector<16xf32>
          %add3A_982 = arith.constant 2048 : i32
          %add3A_983 = arith.addi %add3A_982, %mul3A_975 : i32
          %get3A_984 = arith.index_cast %add3A_983 : i32 to index
          %get3A_985 = tpu.vector_load %arg19[%get3A_984] {strides = array<i32>} : memref<6144xf32, #tpu.memory_space<vmem>>, vector<16xf32>,
          %get3A_986 = vector.shape_cast %get3A_985 : vector<16xf32> to vector<16xf32>
          %mul3A_987 = vector.broadcast %squeeze3A_969 : f32 to vector<16xf32>
          %mul3A_988 = arith.mulf %mul3A_987, %get3A_986 : vector<16xf32>
          %add3A_989 = arith.addf %scan3A_950, %mul3A_988 : vector<16xf32>
          %add3A_990 = arith.constant 4096 : i32
          %add3A_991 = arith.addi %add3A_990, %mul3A_975 : i32
          %get3A_992 = arith.index_cast %add3A_991 : i32 to index
          %get3A_993 = tpu.vector_load %arg19[%get3A_992] {strides = array<i32>} : memref<6144xf32, #tpu.memory_space<vmem>>, vector<16xf32>,
          %get3A_994 = vector.shape_cast %get3A_993 : vector<16xf32> to vector<16xf32>
          %mul3A_995 = vector.broadcast %squeeze3A_969 : f32 to vector<16xf32>
          %mul3A_996 = arith.mulf %mul3A_995, %get3A_994 : vector<16xf32>
          %add3A_997 = arith.addf %scan3A_951, %mul3A_996 : vector<16xf32>
          %slice3A_998 = vector.extract_strided_slice %max3A_967 {offsets = [1], sizes = [1], strides = [1]} : vector<16xf32> to vector<1xf32>
          %squeeze3A_999 = vector.extract %slice3A_998[0] : f32 from vector<1xf32>
          %mul3A_1000 = arith.constant 16 : i32
          %mul3A_1001 = arith.muli %mul3A_1000, %scan3A_948 : i32
          %add3A_1002 = arith.constant 1 : i32
          %add3A_1003 = arith.addi %mul3A_1001, %add3A_1002 : i32
          %mul3A_1004 = arith.constant 16 : i32
          %mul3A_1005 = arith.muli %mul3A_1004, %add3A_1003 : i32
          %get3A_1006 = arith.index_cast %mul3A_1005 : i32 to index
          %get3A_1007 = tpu.vector_load %arg19[%get3A_1006] {strides = array<i32>} : memref<6144xf32, #tpu.memory_space<vmem>>, vector<16xf32>,
          %get3A_1008 = vector.shape_cast %get3A_1007 : vector<16xf32> to vector<16xf32>
          %mul3A_1009 = vector.broadcast %squeeze3A_999 : f32 to vector<16xf32>
          %mul3A_1010 = arith.mulf %mul3A_1009, %get3A_1008 : vector<16xf32>
          %add3A_1011 = arith.addf %add3A_981, %mul3A_1010 : vector<16xf32>
          %add3A_1012 = arith.constant 2048 : i32
          %add3A_1013 = arith.addi %add3A_1012, %mul3A_1005 : i32
          %get3A_1014 = arith.index_cast %add3A_1013 : i32 to index
          %get3A_1015 = tpu.vector_load %arg19[%get3A_1014] {strides = array<i32>} : memref<6144xf32, #tpu.memory_space<vmem>>, vector<16xf32>,
          %get3A_1016 = vector.shape_cast %get3A_1015 : vector<16xf32> to vector<16xf32>
          %mul3A_1017 = vector.broadcast %squeeze3A_999 : f32 to vector<16xf32>
          %mul3A_1018 = arith.mulf %mul3A_1017, %get3A_1016 : vector<16xf32>
          %add3A_1019 = arith.addf %add3A_989, %mul3A_1018 : vector<16xf32>
          %add3A_1020 = arith.constant 4096 : i32
          %add3A_1021 = arith.addi %add3A_1020, %mul3A_1005 : i32
          %get3A_1022 = arith.index_cast %add3A_1021 : i32 to index
          %get3A_1023 = tpu.vector_load %arg19[%get3A_1022] {strides = array<i32>} : memref<6144xf32, #tpu.memory_space<vmem>>, vector<16xf32>,
          %get3A_1024 = vector.shape_cast %get3A_1023 : vector<16xf32> to vector<16xf32>
          %mul3A_1025 = vector.broadcast %squeeze3A_999 : f32 to vector<16xf32>
          %mul3A_1026 = arith.mulf %mul3A_1025, %get3A_1024 : vector<16xf32>
          %add3A_1027 = arith.addf %add3A_997, %mul3A_1026 : vector<16xf32>
          %slice3A_1028 = vector.extract_strided_slice %max3A_967 {offsets = [2], sizes = [1], strides = [1]} : vector<16xf32> to vector<1xf32>
          %squeeze3A_1029 = vector.extract %slice3A_1028[0] : f32 from vector<1xf32>
          %mul3A_1030 = arith.constant 16 : i32
          %mul3A_1031 = arith.muli %mul3A_1030, %scan3A_948 : i32
          %add3A_1032 = arith.constant 2 : i32
          %add3A_1033 = arith.addi %mul3A_1031, %add3A_1032 : i32
          %mul3A_1034 = arith.constant 16 : i32
          %mul3A_1035 = arith.muli %mul3A_1034, %add3A_1033 : i32
          %get3A_1036 = arith.index_cast %mul3A_1035 : i32 to index
          %get3A_1037 = tpu.vector_load %arg19[%get3A_1036] {strides = array<i32>} : memref<6144xf32, #tpu.memory_space<vmem>>, vector<16xf32>,
          %get3A_1038 = vector.shape_cast %get3A_1037 : vector<16xf32> to vector<16xf32>
          %mul3A_1039 = vector.broadcast %squeeze3A_1029 : f32 to vector<16xf32>
          %mul3A_1040 = arith.mulf %mul3A_1039, %get3A_1038 : vector<16xf32>
          %add3A_1041 = arith.addf %add3A_1011, %mul3A_1040 : vector<16xf32>
          %add3A_1042 = arith.constant 2048 : i32
          %add3A_1043 = arith.addi %add3A_1042, %mul3A_1035 : i32
          %get3A_1044 = arith.index_cast %add3A_1043 : i32 to index
          %get3A_1045 = tpu.vector_load %arg19[%get3A_1044] {strides = array<i32>} : memref<6144xf32, #tpu.memory_space<vmem>>, vector<16xf32>,
          %get3A_1046 = vector.shape_cast %get3A_1045 : vector<16xf32> to vector<16xf32>
          %mul3A_1047 = vector.broadcast %squeeze3A_1029 : f32 to vector<16xf32>
          %mul3A_1048 = arith.mulf %mul3A_1047, %get3A_1046 : vector<16xf32>
          %add3A_1049 = arith.addf %add3A_1019, %mul3A_1048 : vector<16xf32>
          %add3A_1050 = arith.constant 4096 : i32
          %add3A_1051 = arith.addi %add3A_1050, %mul3A_1035 : i32
          %get3A_1052 = arith.index_cast %add3A_1051 : i32 to index
          %get3A_1053 = tpu.vector_load %arg19[%get3A_1052] {strides = array<i32>} : memref<6144xf32, #tpu.memory_space<vmem>>, vector<16xf32>,
          %get3A_1054 = vector.shape_cast %get3A_1053 : vector<16xf32> to vector<16xf32>
          %mul3A_1055 = vector.broadcast %squeeze3A_1029 : f32 to vector<16xf32>
          %mul3A_1056 = arith.mulf %mul3A_1055, %get3A_1054 : vector<16xf32>
          %add3A_1057 = arith.addf %add3A_1027, %mul3A_1056 : vector<16xf32>
          %slice3A_1058 = vector.extract_strided_slice %max3A_967 {offsets = [3], sizes = [1], strides = [1]} : vector<16xf32> to vector<1xf32>
          %squeeze3A_1059 = vector.extract %slice3A_1058[0] : f32 from vector<1xf32>
          %mul3A_1060 = arith.constant 16 : i32
          %mul3A_1061 = arith.muli %mul3A_1060, %scan3A_948 : i32
          %add3A_1062 = arith.constant 3 : i32
          %add3A_1063 = arith.addi %mul3A_1061, %add3A_1062 : i32
          %mul3A_1064 = arith.constant 16 : i32
          %mul3A_1065 = arith.muli %mul3A_1064, %add3A_1063 : i32
          %get3A_1066 = arith.index_cast %mul3A_1065 : i32 to index
          %get3A_1067 = tpu.vector_load %arg19[%get3A_1066] {strides = array<i32>} : memref<6144xf32, #tpu.memory_space<vmem>>, vector<16xf32>,
          %get3A_1068 = vector.shape_cast %get3A_1067 : vector<16xf32> to vector<16xf32>
          %mul3A_1069 = vector.broadcast %squeeze3A_1059 : f32 to vector<16xf32>
          %mul3A_1070 = arith.mulf %mul3A_1069, %get3A_1068 : vector<16xf32>
          %add3A_1071 = arith.addf %add3A_1041, %mul3A_1070 : vector<16xf32>
          %add3A_1072 = arith.constant 2048 : i32
          %add3A_1073 = arith.addi %add3A_1072, %mul3A_1065 : i32
          %get3A_1074 = arith.index_cast %add3A_1073 : i32 to index
          %get3A_1075 = tpu.vector_load %arg19[%get3A_1074] {strides = array<i32>} : memref<6144xf32, #tpu.memory_space<vmem>>, vector<16xf32>,
          %get3A_1076 = vector.shape_cast %get3A_1075 : vector<16xf32> to vector<16xf32>
          %mul3A_1077 = vector.broadcast %squeeze3A_1059 : f32 to vector<16xf32>
          %mul3A_1078 = arith.mulf %mul3A_1077, %get3A_1076 : vector<16xf32>
          %add3A_1079 = arith.addf %add3A_1049, %mul3A_1078 : vector<16xf32>
          %add3A_1080 = arith.constant 4096 : i32
          %add3A_1081 = arith.addi %add3A_1080, %mul3A_1065 : i32
          %get3A_1082 = arith.index_cast %add3A_1081 : i32 to index
          %get3A_1083 = tpu.vector_load %arg19[%get3A_1082] {strides = array<i32>} : memref<6144xf32, #tpu.memory_space<vmem>>, vector<16xf32>,
          %get3A_1084 = vector.shape_cast %get3A_1083 : vector<16xf32> to vector<16xf32>
          %mul3A_1085 = vector.broadcast %squeeze3A_1059 : f32 to vector<16xf32>
          %mul3A_1086 = arith.mulf %mul3A_1085, %get3A_1084 : vector<16xf32>
          %add3A_1087 = arith.addf %add3A_1057, %mul3A_1086 : vector<16xf32>
          %slice3A_1088 = vector.extract_strided_slice %max3A_967 {offsets = [4], sizes = [1], strides = [1]} : vector<16xf32> to vector<1xf32>
          %squeeze3A_1089 = vector.extract %slice3A_1088[0] : f32 from vector<1xf32>
          %mul3A_1090 = arith.constant 16 : i32
          %mul3A_1091 = arith.muli %mul3A_1090, %scan3A_948 : i32
          %add3A_1092 = arith.constant 4 : i32
          %add3A_1093 = arith.addi %mul3A_1091, %add3A_1092 : i32
          %mul3A_1094 = arith.constant 16 : i32
          %mul3A_1095 = arith.muli %mul3A_1094, %add3A_1093 : i32
          %get3A_1096 = arith.index_cast %mul3A_1095 : i32 to index
          %get3A_1097 = tpu.vector_load %arg19[%get3A_1096] {strides = array<i32>} : memref<6144xf32, #tpu.memory_space<vmem>>, vector<16xf32>,
          %get3A_1098 = vector.shape_cast %get3A_1097 : vector<16xf32> to vector<16xf32>
          %mul3A_1099 = vector.broadcast %squeeze3A_1089 : f32 to vector<16xf32>
          %mul3A_1100 = arith.mulf %mul3A_1099, %get3A_1098 : vector<16xf32>
          %add3A_1101 = arith.addf %add3A_1071, %mul3A_1100 : vector<16xf32>
          %add3A_1102 = arith.constant 2048 : i32
          %add3A_1103 = arith.addi %add3A_1102, %mul3A_1095 : i32
          %get3A_1104 = arith.index_cast %add3A_1103 : i32 to index
          %get3A_1105 = tpu.vector_load %arg19[%get3A_1104] {strides = array<i32>} : memref<6144xf32, #tpu.memory_space<vmem>>, vector<16xf32>,
          %get3A_1106 = vector.shape_cast %get3A_1105 : vector<16xf32> to vector<16xf32>
          %mul3A_1107 = vector.broadcast %squeeze3A_1089 : f32 to vector<16xf32>
          %mul3A_1108 = arith.mulf %mul3A_1107, %get3A_1106 : vector<16xf32>
          %add3A_1109 = arith.addf %add3A_1079, %mul3A_1108 : vector<16xf32>
          %add3A_1110 = arith.constant 4096 : i32
          %add3A_1111 = arith.addi %add3A_1110, %mul3A_1095 : i32
          %get3A_1112 = arith.index_cast %add3A_1111 : i32 to index
          %get3A_1113 = tpu.vector_load %arg19[%get3A_1112] {strides = array<i32>} : memref<6144xf32, #tpu.memory_space<vmem>>, vector<16xf32>,
          %get3A_1114 = vector.shape_cast %get3A_1113 : vector<16xf32> to vector<16xf32>
          %mul3A_1115 = vector.broadcast %squeeze3A_1089 : f32 to vector<16xf32>
          %mul3A_1116 = arith.mulf %mul3A_1115, %get3A_1114 : vector<16xf32>
          %add3A_1117 = arith.addf %add3A_1087, %mul3A_1116 : vector<16xf32>
          %slice3A_1118 = vector.extract_strided_slice %max3A_967 {offsets = [5], sizes = [1], strides = [1]} : vector<16xf32> to vector<1xf32>
          %squeeze3A_1119 = vector.extract %slice3A_1118[0] : f32 from vector<1xf32>
          %mul3A_1120 = arith.constant 16 : i32
          %mul3A_1121 = arith.muli %mul3A_1120, %scan3A_948 : i32
          %add3A_1122 = arith.constant 5 : i32
          %add3A_1123 = arith.addi %mul3A_1121, %add3A_1122 : i32
          %mul3A_1124 = arith.constant 16 : i32
          %mul3A_1125 = arith.muli %mul3A_1124, %add3A_1123 : i32
          %get3A_1126 = arith.index_cast %mul3A_1125 : i32 to index
          %get3A_1127 = tpu.vector_load %arg19[%get3A_1126] {strides = array<i32>} : memref<6144xf32, #tpu.memory_space<vmem>>, vector<16xf32>,
          %get3A_1128 = vector.shape_cast %get3A_1127 : vector<16xf32> to vector<16xf32>
          %mul3A_1129 = vector.broadcast %squeeze3A_1119 : f32 to vector<16xf32>
          %mul3A_1130 = arith.mulf %mul3A_1129, %get3A_1128 : vector<16xf32>
          %add3A_1131 = arith.addf %add3A_1101, %mul3A_1130 : vector<16xf32>
          %add3A_1132 = arith.constant 2048 : i32
          %add3A_1133 = arith.addi %add3A_1132, %mul3A_1125 : i32
          %get3A_1134 = arith.index_cast %add3A_1133 : i32 to index
          %get3A_1135 = tpu.vector_load %arg19[%get3A_1134] {strides = array<i32>} : memref<6144xf32, #tpu.memory_space<vmem>>, vector<16xf32>,
          %get3A_1136 = vector.shape_cast %get3A_1135 : vector<16xf32> to vector<16xf32>
          %mul3A_1137 = vector.broadcast %squeeze3A_1119 : f32 to vector<16xf32>
          %mul3A_1138 = arith.mulf %mul3A_1137, %get3A_1136 : vector<16xf32>
          %add3A_1139 = arith.addf %add3A_1109, %mul3A_1138 : vector<16xf32>
          %add3A_1140 = arith.constant 4096 : i32
          %add3A_1141 = arith.addi %add3A_1140, %mul3A_1125 : i32
          %get3A_1142 = arith.index_cast %add3A_1141 : i32 to index
          %get3A_1143 = tpu.vector_load %arg19[%get3A_1142] {strides = array<i32>} : memref<6144xf32, #tpu.memory_space<vmem>>, vector<16xf32>,
          %get3A_1144 = vector.shape_cast %get3A_1143 : vector<16xf32> to vector<16xf32>
          %mul3A_1145 = vector.broadcast %squeeze3A_1119 : f32 to vector<16xf32>
          %mul3A_1146 = arith.mulf %mul3A_1145, %get3A_1144 : vector<16xf32>
          %add3A_1147 = arith.addf %add3A_1117, %mul3A_1146 : vector<16xf32>
          %slice3A_1148 = vector.extract_strided_slice %max3A_967 {offsets = [6], sizes = [1], strides = [1]} : vector<16xf32> to vector<1xf32>
          %squeeze3A_1149 = vector.extract %slice3A_1148[0] : f32 from vector<1xf32>
          %mul3A_1150 = arith.constant 16 : i32
          %mul3A_1151 = arith.muli %mul3A_1150, %scan3A_948 : i32
          %add3A_1152 = arith.constant 6 : i32
          %add3A_1153 = arith.addi %mul3A_1151, %add3A_1152 : i32
          %mul3A_1154 = arith.constant 16 : i32
          %mul3A_1155 = arith.muli %mul3A_1154, %add3A_1153 : i32
          %get3A_1156 = arith.index_cast %mul3A_1155 : i32 to index
          %get3A_1157 = tpu.vector_load %arg19[%get3A_1156] {strides = array<i32>} : memref<6144xf32, #tpu.memory_space<vmem>>, vector<16xf32>,
          %get3A_1158 = vector.shape_cast %get3A_1157 : vector<16xf32> to vector<16xf32>
          %mul3A_1159 = vector.broadcast %squeeze3A_1149 : f32 to vector<16xf32>
          %mul3A_1160 = arith.mulf %mul3A_1159, %get3A_1158 : vector<16xf32>
          %add3A_1161 = arith.addf %add3A_1131, %mul3A_1160 : vector<16xf32>
          %add3A_1162 = arith.constant 2048 : i32
          %add3A_1163 = arith.addi %add3A_1162, %mul3A_1155 : i32
          %get3A_1164 = arith.index_cast %add3A_1163 : i32 to index
          %get3A_1165 = tpu.vector_load %arg19[%get3A_1164] {strides = array<i32>} : memref<6144xf32, #tpu.memory_space<vmem>>, vector<16xf32>,
          %get3A_1166 = vector.shape_cast %get3A_1165 : vector<16xf32> to vector<16xf32>
          %mul3A_1167 = vector.broadcast %squeeze3A_1149 : f32 to vector<16xf32>
          %mul3A_1168 = arith.mulf %mul3A_1167, %get3A_1166 : vector<16xf32>
          %add3A_1169 = arith.addf %add3A_1139, %mul3A_1168 : vector<16xf32>
          %add3A_1170 = arith.constant 4096 : i32
          %add3A_1171 = arith.addi %add3A_1170, %mul3A_1155 : i32
          %get3A_1172 = arith.index_cast %add3A_1171 : i32 to index
          %get3A_1173 = tpu.vector_load %arg19[%get3A_1172] {strides = array<i32>} : memref<6144xf32, #tpu.memory_space<vmem>>, vector<16xf32>,
          %get3A_1174 = vector.shape_cast %get3A_1173 : vector<16xf32> to vector<16xf32>
          %mul3A_1175 = vector.broadcast %squeeze3A_1149 : f32 to vector<16xf32>
          %mul3A_1176 = arith.mulf %mul3A_1175, %get3A_1174 : vector<16xf32>
          %add3A_1177 = arith.addf %add3A_1147, %mul3A_1176 : vector<16xf32>
          %slice3A_1178 = vector.extract_strided_slice %max3A_967 {offsets = [7], sizes = [1], strides = [1]} : vector<16xf32> to vector<1xf32>
          %squeeze3A_1179 = vector.extract %slice3A_1178[0] : f32 from vector<1xf32>
          %mul3A_1180 = arith.constant 16 : i32
          %mul3A_1181 = arith.muli %mul3A_1180, %scan3A_948 : i32
          %add3A_1182 = arith.constant 7 : i32
          %add3A_1183 = arith.addi %mul3A_1181, %add3A_1182 : i32
          %mul3A_1184 = arith.constant 16 : i32
          %mul3A_1185 = arith.muli %mul3A_1184, %add3A_1183 : i32
          %get3A_1186 = arith.index_cast %mul3A_1185 : i32 to index
          %get3A_1187 = tpu.vector_load %arg19[%get3A_1186] {strides = array<i32>} : memref<6144xf32, #tpu.memory_space<vmem>>, vector<16xf32>,
          %get3A_1188 = vector.shape_cast %get3A_1187 : vector<16xf32> to vector<16xf32>
          %mul3A_1189 = vector.broadcast %squeeze3A_1179 : f32 to vector<16xf32>
          %mul3A_1190 = arith.mulf %mul3A_1189, %get3A_1188 : vector<16xf32>
          %add3A_1191 = arith.addf %add3A_1161, %mul3A_1190 : vector<16xf32>
          %add3A_1192 = arith.constant 2048 : i32
          %add3A_1193 = arith.addi %add3A_1192, %mul3A_1185 : i32
          %get3A_1194 = arith.index_cast %add3A_1193 : i32 to index
          %get3A_1195 = tpu.vector_load %arg19[%get3A_1194] {strides = array<i32>} : memref<6144xf32, #tpu.memory_space<vmem>>, vector<16xf32>,
          %get3A_1196 = vector.shape_cast %get3A_1195 : vector<16xf32> to vector<16xf32>
          %mul3A_1197 = vector.broadcast %squeeze3A_1179 : f32 to vector<16xf32>
          %mul3A_1198 = arith.mulf %mul3A_1197, %get3A_1196 : vector<16xf32>
          %add3A_1199 = arith.addf %add3A_1169, %mul3A_1198 : vector<16xf32>
          %add3A_1200 = arith.constant 4096 : i32
          %add3A_1201 = arith.addi %add3A_1200, %mul3A_1185 : i32
          %get3A_1202 = arith.index_cast %add3A_1201 : i32 to index
          %get3A_1203 = tpu.vector_load %arg19[%get3A_1202] {strides = array<i32>} : memref<6144xf32, #tpu.memory_space<vmem>>, vector<16xf32>,
          %get3A_1204 = vector.shape_cast %get3A_1203 : vector<16xf32> to vector<16xf32>
          %mul3A_1205 = vector.broadcast %squeeze3A_1179 : f32 to vector<16xf32>
          %mul3A_1206 = arith.mulf %mul3A_1205, %get3A_1204 : vector<16xf32>
          %add3A_1207 = arith.addf %add3A_1177, %mul3A_1206 : vector<16xf32>
          %slice3A_1208 = vector.extract_strided_slice %max3A_967 {offsets = [8], sizes = [1], strides = [1]} : vector<16xf32> to vector<1xf32>
          %squeeze3A_1209 = vector.extract %slice3A_1208[0] : f32 from vector<1xf32>
          %mul3A_1210 = arith.constant 16 : i32
          %mul3A_1211 = arith.muli %mul3A_1210, %scan3A_948 : i32
          %add3A_1212 = arith.constant 8 : i32
          %add3A_1213 = arith.addi %mul3A_1211, %add3A_1212 : i32
          %mul3A_1214 = arith.constant 16 : i32
          %mul3A_1215 = arith.muli %mul3A_1214, %add3A_1213 : i32
          %get3A_1216 = arith.index_cast %mul3A_1215 : i32 to index
          %get3A_1217 = tpu.vector_load %arg19[%get3A_1216] {strides = array<i32>} : memref<6144xf32, #tpu.memory_space<vmem>>, vector<16xf32>,
          %get3A_1218 = vector.shape_cast %get3A_1217 : vector<16xf32> to vector<16xf32>
          %mul3A_1219 = vector.broadcast %squeeze3A_1209 : f32 to vector<16xf32>
          %mul3A_1220 = arith.mulf %mul3A_1219, %get3A_1218 : vector<16xf32>
          %add3A_1221 = arith.addf %add3A_1191, %mul3A_1220 : vector<16xf32>
          %add3A_1222 = arith.constant 2048 : i32
          %add3A_1223 = arith.addi %add3A_1222, %mul3A_1215 : i32
          %get3A_1224 = arith.index_cast %add3A_1223 : i32 to index
          %get3A_1225 = tpu.vector_load %arg19[%get3A_1224] {strides = array<i32>} : memref<6144xf32, #tpu.memory_space<vmem>>, vector<16xf32>,
          %get3A_1226 = vector.shape_cast %get3A_1225 : vector<16xf32> to vector<16xf32>
          %mul3A_1227 = vector.broadcast %squeeze3A_1209 : f32 to vector<16xf32>
          %mul3A_1228 = arith.mulf %mul3A_1227, %get3A_1226 : vector<16xf32>
          %add3A_1229 = arith.addf %add3A_1199, %mul3A_1228 : vector<16xf32>
          %add3A_1230 = arith.constant 4096 : i32
          %add3A_1231 = arith.addi %add3A_1230, %mul3A_1215 : i32
          %get3A_1232 = arith.index_cast %add3A_1231 : i32 to index
          %get3A_1233 = tpu.vector_load %arg19[%get3A_1232] {strides = array<i32>} : memref<6144xf32, #tpu.memory_space<vmem>>, vector<16xf32>,
          %get3A_1234 = vector.shape_cast %get3A_1233 : vector<16xf32> to vector<16xf32>
          %mul3A_1235 = vector.broadcast %squeeze3A_1209 : f32 to vector<16xf32>
          %mul3A_1236 = arith.mulf %mul3A_1235, %get3A_1234 : vector<16xf32>
          %add3A_1237 = arith.addf %add3A_1207, %mul3A_1236 : vector<16xf32>
          %slice3A_1238 = vector.extract_strided_slice %max3A_967 {offsets = [9], sizes = [1], strides = [1]} : vector<16xf32> to vector<1xf32>
          %squeeze3A_1239 = vector.extract %slice3A_1238[0] : f32 from vector<1xf32>
          %mul3A_1240 = arith.constant 16 : i32
          %mul3A_1241 = arith.muli %mul3A_1240, %scan3A_948 : i32
          %add3A_1242 = arith.constant 9 : i32
          %add3A_1243 = arith.addi %mul3A_1241, %add3A_1242 : i32
          %mul3A_1244 = arith.constant 16 : i32
          %mul3A_1245 = arith.muli %mul3A_1244, %add3A_1243 : i32
          %get3A_1246 = arith.index_cast %mul3A_1245 : i32 to index
          %get3A_1247 = tpu.vector_load %arg19[%get3A_1246] {strides = array<i32>} : memref<6144xf32, #tpu.memory_space<vmem>>, vector<16xf32>,
          %get3A_1248 = vector.shape_cast %get3A_1247 : vector<16xf32> to vector<16xf32>
          %mul3A_1249 = vector.broadcast %squeeze3A_1239 : f32 to vector<16xf32>
          %mul3A_1250 = arith.mulf %mul3A_1249, %get3A_1248 : vector<16xf32>
          %add3A_1251 = arith.addf %add3A_1221, %mul3A_1250 : vector<16xf32>
          %add3A_1252 = arith.constant 2048 : i32
          %add3A_1253 = arith.addi %add3A_1252, %mul3A_1245 : i32
          %get3A_1254 = arith.index_cast %add3A_1253 : i32 to index
          %get3A_1255 = tpu.vector_load %arg19[%get3A_1254] {strides = array<i32>} : memref<6144xf32, #tpu.memory_space<vmem>>, vector<16xf32>,
          %get3A_1256 = vector.shape_cast %get3A_1255 : vector<16xf32> to vector<16xf32>
          %mul3A_1257 = vector.broadcast %squeeze3A_1239 : f32 to vector<16xf32>
          %mul3A_1258 = arith.mulf %mul3A_1257, %get3A_1256 : vector<16xf32>
          %add3A_1259 = arith.addf %add3A_1229, %mul3A_1258 : vector<16xf32>
          %add3A_1260 = arith.constant 4096 : i32
          %add3A_1261 = arith.addi %add3A_1260, %mul3A_1245 : i32
          %get3A_1262 = arith.index_cast %add3A_1261 : i32 to index
          %get3A_1263 = tpu.vector_load %arg19[%get3A_1262] {strides = array<i32>} : memref<6144xf32, #tpu.memory_space<vmem>>, vector<16xf32>,
          %get3A_1264 = vector.shape_cast %get3A_1263 : vector<16xf32> to vector<16xf32>
          %mul3A_1265 = vector.broadcast %squeeze3A_1239 : f32 to vector<16xf32>
          %mul3A_1266 = arith.mulf %mul3A_1265, %get3A_1264 : vector<16xf32>
          %add3A_1267 = arith.addf %add3A_1237, %mul3A_1266 : vector<16xf32>
          %slice3A_1268 = vector.extract_strided_slice %max3A_967 {offsets = [10], sizes = [1], strides = [1]} : vector<16xf32> to vector<1xf32>
          %squeeze3A_1269 = vector.extract %slice3A_1268[0] : f32 from vector<1xf32>
          %mul3A_1270 = arith.constant 16 : i32
          %mul3A_1271 = arith.muli %mul3A_1270, %scan3A_948 : i32
          %add3A_1272 = arith.constant 10 : i32
          %add3A_1273 = arith.addi %mul3A_1271, %add3A_1272 : i32
          %mul3A_1274 = arith.constant 16 : i32
          %mul3A_1275 = arith.muli %mul3A_1274, %add3A_1273 : i32
          %get3A_1276 = arith.index_cast %mul3A_1275 : i32 to index
          %get3A_1277 = tpu.vector_load %arg19[%get3A_1276] {strides = array<i32>} : memref<6144xf32, #tpu.memory_space<vmem>>, vector<16xf32>,
          %get3A_1278 = vector.shape_cast %get3A_1277 : vector<16xf32> to vector<16xf32>
          %mul3A_1279 = vector.broadcast %squeeze3A_1269 : f32 to vector<16xf32>
          %mul3A_1280 = arith.mulf %mul3A_1279, %get3A_1278 : vector<16xf32>
          %add3A_1281 = arith.addf %add3A_1251, %mul3A_1280 : vector<16xf32>
          %add3A_1282 = arith.constant 2048 : i32
          %add3A_1283 = arith.addi %add3A_1282, %mul3A_1275 : i32
          %get3A_1284 = arith.index_cast %add3A_1283 : i32 to index
          %get3A_1285 = tpu.vector_load %arg19[%get3A_1284] {strides = array<i32>} : memref<6144xf32, #tpu.memory_space<vmem>>, vector<16xf32>,
          %get3A_1286 = vector.shape_cast %get3A_1285 : vector<16xf32> to vector<16xf32>
          %mul3A_1287 = vector.broadcast %squeeze3A_1269 : f32 to vector<16xf32>
          %mul3A_1288 = arith.mulf %mul3A_1287, %get3A_1286 : vector<16xf32>
          %add3A_1289 = arith.addf %add3A_1259, %mul3A_1288 : vector<16xf32>
          %add3A_1290 = arith.constant 4096 : i32
          %add3A_1291 = arith.addi %add3A_1290, %mul3A_1275 : i32
          %get3A_1292 = arith.index_cast %add3A_1291 : i32 to index
          %get3A_1293 = tpu.vector_load %arg19[%get3A_1292] {strides = array<i32>} : memref<6144xf32, #tpu.memory_space<vmem>>, vector<16xf32>,
          %get3A_1294 = vector.shape_cast %get3A_1293 : vector<16xf32> to vector<16xf32>
          %mul3A_1295 = vector.broadcast %squeeze3A_1269 : f32 to vector<16xf32>
          %mul3A_1296 = arith.mulf %mul3A_1295, %get3A_1294 : vector<16xf32>
          %add3A_1297 = arith.addf %add3A_1267, %mul3A_1296 : vector<16xf32>
          %slice3A_1298 = vector.extract_strided_slice %max3A_967 {offsets = [11], sizes = [1], strides = [1]} : vector<16xf32> to vector<1xf32>
          %squeeze3A_1299 = vector.extract %slice3A_1298[0] : f32 from vector<1xf32>
          %mul3A_1300 = arith.constant 16 : i32
          %mul3A_1301 = arith.muli %mul3A_1300, %scan3A_948 : i32
          %add3A_1302 = arith.constant 11 : i32
          %add3A_1303 = arith.addi %mul3A_1301, %add3A_1302 : i32
          %mul3A_1304 = arith.constant 16 : i32
          %mul3A_1305 = arith.muli %mul3A_1304, %add3A_1303 : i32
          %get3A_1306 = arith.index_cast %mul3A_1305 : i32 to index
          %get3A_1307 = tpu.vector_load %arg19[%get3A_1306] {strides = array<i32>} : memref<6144xf32, #tpu.memory_space<vmem>>, vector<16xf32>,
          %get3A_1308 = vector.shape_cast %get3A_1307 : vector<16xf32> to vector<16xf32>
          %mul3A_1309 = vector.broadcast %squeeze3A_1299 : f32 to vector<16xf32>
          %mul3A_1310 = arith.mulf %mul3A_1309, %get3A_1308 : vector<16xf32>
          %add3A_1311 = arith.addf %add3A_1281, %mul3A_1310 : vector<16xf32>
          %add3A_1312 = arith.constant 2048 : i32
          %add3A_1313 = arith.addi %add3A_1312, %mul3A_1305 : i32
          %get3A_1314 = arith.index_cast %add3A_1313 : i32 to index
          %get3A_1315 = tpu.vector_load %arg19[%get3A_1314] {strides = array<i32>} : memref<6144xf32, #tpu.memory_space<vmem>>, vector<16xf32>,
          %get3A_1316 = vector.shape_cast %get3A_1315 : vector<16xf32> to vector<16xf32>
          %mul3A_1317 = vector.broadcast %squeeze3A_1299 : f32 to vector<16xf32>
          %mul3A_1318 = arith.mulf %mul3A_1317, %get3A_1316 : vector<16xf32>
          %add3A_1319 = arith.addf %add3A_1289, %mul3A_1318 : vector<16xf32>
          %add3A_1320 = arith.constant 4096 : i32
          %add3A_1321 = arith.addi %add3A_1320, %mul3A_1305 : i32
          %get3A_1322 = arith.index_cast %add3A_1321 : i32 to index
          %get3A_1323 = tpu.vector_load %arg19[%get3A_1322] {strides = array<i32>} : memref<6144xf32, #tpu.memory_space<vmem>>, vector<16xf32>,
          %get3A_1324 = vector.shape_cast %get3A_1323 : vector<16xf32> to vector<16xf32>
          %mul3A_1325 = vector.broadcast %squeeze3A_1299 : f32 to vector<16xf32>
          %mul3A_1326 = arith.mulf %mul3A_1325, %get3A_1324 : vector<16xf32>
          %add3A_1327 = arith.addf %add3A_1297, %mul3A_1326 : vector<16xf32>
          %slice3A_1328 = vector.extract_strided_slice %max3A_967 {offsets = [12], sizes = [1], strides = [1]} : vector<16xf32> to vector<1xf32>
          %squeeze3A_1329 = vector.extract %slice3A_1328[0] : f32 from vector<1xf32>
          %mul3A_1330 = arith.constant 16 : i32
          %mul3A_1331 = arith.muli %mul3A_1330, %scan3A_948 : i32
          %add3A_1332 = arith.constant 12 : i32
          %add3A_1333 = arith.addi %mul3A_1331, %add3A_1332 : i32
          %mul3A_1334 = arith.constant 16 : i32
          %mul3A_1335 = arith.muli %mul3A_1334, %add3A_1333 : i32
          %get3A_1336 = arith.index_cast %mul3A_1335 : i32 to index
          %get3A_1337 = tpu.vector_load %arg19[%get3A_1336] {strides = array<i32>} : memref<6144xf32, #tpu.memory_space<vmem>>, vector<16xf32>,
          %get3A_1338 = vector.shape_cast %get3A_1337 : vector<16xf32> to vector<16xf32>
          %mul3A_1339 = vector.broadcast %squeeze3A_1329 : f32 to vector<16xf32>
          %mul3A_1340 = arith.mulf %mul3A_1339, %get3A_1338 : vector<16xf32>
          %add3A_1341 = arith.addf %add3A_1311, %mul3A_1340 : vector<16xf32>
          %add3A_1342 = arith.constant 2048 : i32
          %add3A_1343 = arith.addi %add3A_1342, %mul3A_1335 : i32
          %get3A_1344 = arith.index_cast %add3A_1343 : i32 to index
          %get3A_1345 = tpu.vector_load %arg19[%get3A_1344] {strides = array<i32>} : memref<6144xf32, #tpu.memory_space<vmem>>, vector<16xf32>,
          %get3A_1346 = vector.shape_cast %get3A_1345 : vector<16xf32> to vector<16xf32>
          %mul3A_1347 = vector.broadcast %squeeze3A_1329 : f32 to vector<16xf32>
          %mul3A_1348 = arith.mulf %mul3A_1347, %get3A_1346 : vector<16xf32>
          %add3A_1349 = arith.addf %add3A_1319, %mul3A_1348 : vector<16xf32>
          %add3A_1350 = arith.constant 4096 : i32
          %add3A_1351 = arith.addi %add3A_1350, %mul3A_1335 : i32
          %get3A_1352 = arith.index_cast %add3A_1351 : i32 to index
          %get3A_1353 = tpu.vector_load %arg19[%get3A_1352] {strides = array<i32>} : memref<6144xf32, #tpu.memory_space<vmem>>, vector<16xf32>,
          %get3A_1354 = vector.shape_cast %get3A_1353 : vector<16xf32> to vector<16xf32>
          %mul3A_1355 = vector.broadcast %squeeze3A_1329 : f32 to vector<16xf32>
          %mul3A_1356 = arith.mulf %mul3A_1355, %get3A_1354 : vector<16xf32>
          %add3A_1357 = arith.addf %add3A_1327, %mul3A_1356 : vector<16xf32>
          %slice3A_1358 = vector.extract_strided_slice %max3A_967 {offsets = [13], sizes = [1], strides = [1]} : vector<16xf32> to vector<1xf32>
          %squeeze3A_1359 = vector.extract %slice3A_1358[0] : f32 from vector<1xf32>
          %mul3A_1360 = arith.constant 16 : i32
          %mul3A_1361 = arith.muli %mul3A_1360, %scan3A_948 : i32
          %add3A_1362 = arith.constant 13 : i32
          %add3A_1363 = arith.addi %mul3A_1361, %add3A_1362 : i32
          %mul3A_1364 = arith.constant 16 : i32
          %mul3A_1365 = arith.muli %mul3A_1364, %add3A_1363 : i32
          %get3A_1366 = arith.index_cast %mul3A_1365 : i32 to index
          %get3A_1367 = tpu.vector_load %arg19[%get3A_1366] {strides = array<i32>} : memref<6144xf32, #tpu.memory_space<vmem>>, vector<16xf32>,
          %get3A_1368 = vector.shape_cast %get3A_1367 : vector<16xf32> to vector<16xf32>
          %mul3A_1369 = vector.broadcast %squeeze3A_1359 : f32 to vector<16xf32>
          %mul3A_1370 = arith.mulf %mul3A_1369, %get3A_1368 : vector<16xf32>
          %add3A_1371 = arith.addf %add3A_1341, %mul3A_1370 : vector<16xf32>
          %add3A_1372 = arith.constant 2048 : i32
          %add3A_1373 = arith.addi %add3A_1372, %mul3A_1365 : i32
          %get3A_1374 = arith.index_cast %add3A_1373 : i32 to index
          %get3A_1375 = tpu.vector_load %arg19[%get3A_1374] {strides = array<i32>} : memref<6144xf32, #tpu.memory_space<vmem>>, vector<16xf32>,
          %get3A_1376 = vector.shape_cast %get3A_1375 : vector<16xf32> to vector<16xf32>
          %mul3A_1377 = vector.broadcast %squeeze3A_1359 : f32 to vector<16xf32>
          %mul3A_1378 = arith.mulf %mul3A_1377, %get3A_1376 : vector<16xf32>
          %add3A_1379 = arith.addf %add3A_1349, %mul3A_1378 : vector<16xf32>
          %add3A_1380 = arith.constant 4096 : i32
          %add3A_1381 = arith.addi %add3A_1380, %mul3A_1365 : i32
          %get3A_1382 = arith.index_cast %add3A_1381 : i32 to index
          %get3A_1383 = tpu.vector_load %arg19[%get3A_1382] {strides = array<i32>} : memref<6144xf32, #tpu.memory_space<vmem>>, vector<16xf32>,
          %get3A_1384 = vector.shape_cast %get3A_1383 : vector<16xf32> to vector<16xf32>
          %mul3A_1385 = vector.broadcast %squeeze3A_1359 : f32 to vector<16xf32>
          %mul3A_1386 = arith.mulf %mul3A_1385, %get3A_1384 : vector<16xf32>
          %add3A_1387 = arith.addf %add3A_1357, %mul3A_1386 : vector<16xf32>
          %slice3A_1388 = vector.extract_strided_slice %max3A_967 {offsets = [14], sizes = [1], strides = [1]} : vector<16xf32> to vector<1xf32>
          %squeeze3A_1389 = vector.extract %slice3A_1388[0] : f32 from vector<1xf32>
          %mul3A_1390 = arith.constant 16 : i32
          %mul3A_1391 = arith.muli %mul3A_1390, %scan3A_948 : i32
          %add3A_1392 = arith.constant 14 : i32
          %add3A_1393 = arith.addi %mul3A_1391, %add3A_1392 : i32
          %mul3A_1394 = arith.constant 16 : i32
          %mul3A_1395 = arith.muli %mul3A_1394, %add3A_1393 : i32
          %get3A_1396 = arith.index_cast %mul3A_1395 : i32 to index
          %get3A_1397 = tpu.vector_load %arg19[%get3A_1396] {strides = array<i32>} : memref<6144xf32, #tpu.memory_space<vmem>>, vector<16xf32>,
          %get3A_1398 = vector.shape_cast %get3A_1397 : vector<16xf32> to vector<16xf32>
          %mul3A_1399 = vector.broadcast %squeeze3A_1389 : f32 to vector<16xf32>
          %mul3A_1400 = arith.mulf %mul3A_1399, %get3A_1398 : vector<16xf32>
          %add3A_1401 = arith.addf %add3A_1371, %mul3A_1400 : vector<16xf32>
          %add3A_1402 = arith.constant 2048 : i32
          %add3A_1403 = arith.addi %add3A_1402, %mul3A_1395 : i32
          %get3A_1404 = arith.index_cast %add3A_1403 : i32 to index
          %get3A_1405 = tpu.vector_load %arg19[%get3A_1404] {strides = array<i32>} : memref<6144xf32, #tpu.memory_space<vmem>>, vector<16xf32>,
          %get3A_1406 = vector.shape_cast %get3A_1405 : vector<16xf32> to vector<16xf32>
          %mul3A_1407 = vector.broadcast %squeeze3A_1389 : f32 to vector<16xf32>
          %mul3A_1408 = arith.mulf %mul3A_1407, %get3A_1406 : vector<16xf32>
          %add3A_1409 = arith.addf %add3A_1379, %mul3A_1408 : vector<16xf32>
          %add3A_1410 = arith.constant 4096 : i32
          %add3A_1411 = arith.addi %add3A_1410, %mul3A_1395 : i32
          %get3A_1412 = arith.index_cast %add3A_1411 : i32 to index
          %get3A_1413 = tpu.vector_load %arg19[%get3A_1412] {strides = array<i32>} : memref<6144xf32, #tpu.memory_space<vmem>>, vector<16xf32>,
          %get3A_1414 = vector.shape_cast %get3A_1413 : vector<16xf32> to vector<16xf32>
          %mul3A_1415 = vector.broadcast %squeeze3A_1389 : f32 to vector<16xf32>
          %mul3A_1416 = arith.mulf %mul3A_1415, %get3A_1414 : vector<16xf32>
          %add3A_1417 = arith.addf %add3A_1387, %mul3A_1416 : vector<16xf32>
          %slice3A_1418 = vector.extract_strided_slice %max3A_967 {offsets = [15], sizes = [1], strides = [1]} : vector<16xf32> to vector<1xf32>
          %squeeze3A_1419 = vector.extract %slice3A_1418[0] : f32 from vector<1xf32>
          %mul3A_1420 = arith.constant 16 : i32
          %mul3A_1421 = arith.muli %mul3A_1420, %scan3A_948 : i32
          %add3A_1422 = arith.constant 15 : i32
          %add3A_1423 = arith.addi %mul3A_1421, %add3A_1422 : i32
          %mul3A_1424 = arith.constant 16 : i32
          %mul3A_1425 = arith.muli %mul3A_1424, %add3A_1423 : i32
          %get3A_1426 = arith.index_cast %mul3A_1425 : i32 to index
          %get3A_1427 = tpu.vector_load %arg19[%get3A_1426] {strides = array<i32>} : memref<6144xf32, #tpu.memory_space<vmem>>, vector<16xf32>,
          %get3A_1428 = vector.shape_cast %get3A_1427 : vector<16xf32> to vector<16xf32>
          %mul3A_1429 = vector.broadcast %squeeze3A_1419 : f32 to vector<16xf32>
          %mul3A_1430 = arith.mulf %mul3A_1429, %get3A_1428 : vector<16xf32>
          %add3A_1431 = arith.addf %add3A_1401, %mul3A_1430 : vector<16xf32>
          %add3A_1432 = arith.constant 2048 : i32
          %add3A_1433 = arith.addi %add3A_1432, %mul3A_1425 : i32
          %get3A_1434 = arith.index_cast %add3A_1433 : i32 to index
          %get3A_1435 = tpu.vector_load %arg19[%get3A_1434] {strides = array<i32>} : memref<6144xf32, #tpu.memory_space<vmem>>, vector<16xf32>,
          %get3A_1436 = vector.shape_cast %get3A_1435 : vector<16xf32> to vector<16xf32>
          %mul3A_1437 = vector.broadcast %squeeze3A_1419 : f32 to vector<16xf32>
          %mul3A_1438 = arith.mulf %mul3A_1437, %get3A_1436 : vector<16xf32>
          %add3A_1439 = arith.addf %add3A_1409, %mul3A_1438 : vector<16xf32>
          %add3A_1440 = arith.constant 4096 : i32
          %add3A_1441 = arith.addi %add3A_1440, %mul3A_1425 : i32
          %get3A_1442 = arith.index_cast %add3A_1441 : i32 to index
          %get3A_1443 = tpu.vector_load %arg19[%get3A_1442] {strides = array<i32>} : memref<6144xf32, #tpu.memory_space<vmem>>, vector<16xf32>,
          %get3A_1444 = vector.shape_cast %get3A_1443 : vector<16xf32> to vector<16xf32>
          %mul3A_1445 = vector.broadcast %squeeze3A_1419 : f32 to vector<16xf32>
          %mul3A_1446 = arith.mulf %mul3A_1445, %get3A_1444 : vector<16xf32>
          %add3A_1447 = arith.addf %add3A_1417, %mul3A_1446 : vector<16xf32>
          scf.yield %add3A_1431, %add3A_1439, %add3A_1447 : vector<16xf32>, vector<16xf32>, vector<16xf32>
        }
        %scan3A_885 = arith.constant 8 : i32
        %add3A_886 = arith.addf %scan3A_884#0, %scan3A_728#0 : vector<16xf32>
        %neg3A = arith.constant 0.000000e+00 : f32
        %neg3A_887 = vector.broadcast %neg3A : f32 to vector<16xf32>
        %neg3A_888 = arith.subf %neg3A_887, %add3A_886 : vector<16xf32>
        %exp3A_889 = math.exp %neg3A_888 : vector<16xf32>
        %add3A_890 = arith.constant 1.000000e+00 : f32
        %add3A_891 = vector.broadcast %add3A_890 : f32 to vector<16xf32>
        %add3A_892 = arith.addf %add3A_891, %exp3A_889 : vector<16xf32>
        %div3A_893 = arith.constant 1.000000e+00 : f32
        %div3A_894 = vector.broadcast %div3A_893 : f32 to vector<16xf32>
        %div3A_895 = arith.divf %div3A_894, %add3A_892 : vector<16xf32>
        %add3A_896 = arith.addf %scan3A_884#1, %scan3A_728#1 : vector<16xf32>
        %neg3A_897 = arith.constant 0.000000e+00 : f32
        %neg3A_898 = vector.broadcast %neg3A_897 : f32 to vector<16xf32>
        %neg3A_899 = arith.subf %neg3A_898, %add3A_896 : vector<16xf32>
        %exp3A_900 = math.exp %neg3A_899 : vector<16xf32>
        %add3A_901 = arith.constant 1.000000e+00 : f32
        %add3A_902 = vector.broadcast %add3A_901 : f32 to vector<16xf32>
        %add3A_903 = arith.addf %add3A_902, %exp3A_900 : vector<16xf32>
        %div3A_904 = arith.constant 1.000000e+00 : f32
        %div3A_905 = vector.broadcast %div3A_904 : f32 to vector<16xf32>
        %div3A_906 = arith.divf %div3A_905, %add3A_903 : vector<16xf32>
        %mul3A_907 = arith.mulf %div3A_895, %scan3A_728#2 : vector<16xf32>
        %add3A_908 = arith.addf %scan3A_884#2, %mul3A_907 : vector<16xf32>
        %mul3A_909 = arith.constant -2.000000e+00 : f32
        %mul3A_910 = vector.broadcast %mul3A_909 : f32 to vector<16xf32>
        %mul3A_911 = arith.mulf %mul3A_910, %add3A_908 : vector<16xf32>
        %exp3A_912 = math.exp %mul3A_911 : vector<16xf32>
        %add3A_913 = arith.constant 1.000000e+00 : f32
        %add3A_914 = vector.broadcast %add3A_913 : f32 to vector<16xf32>
        %add3A_915 = arith.addf %add3A_914, %exp3A_912 : vector<16xf32>
        %div3A_916 = arith.constant 2.000000e+00 : f32
        %div3A_917 = vector.broadcast %div3A_916 : f32 to vector<16xf32>
        %div3A_918 = arith.divf %div3A_917, %add3A_915 : vector<16xf32>
        %sub3A_919 = arith.constant 1.000000e+00 : f32
        %sub3A_920 = vector.broadcast %sub3A_919 : f32 to vector<16xf32>
        %sub3A_921 = arith.subf %div3A_918, %sub3A_920 : vector<16xf32>
        %mul3A_922 = arith.constant 16 : i32
        %mul3A_923 = arith.muli %mul3A_922, %select_n3A_31 : i32
        %get3A_924 = arith.index_cast %mul3A_923 : i32 to index
        %get3A_925 = tpu.vector_load %arg22[%get3A_924] {strides = array<i32>} : memref<128xf32, #tpu.memory_space<vmem>>, vector<16xf32>,
        %get3A_926 = vector.shape_cast %get3A_925 : vector<16xf32> to vector<16xf32>
        %sub3A_927 = arith.constant 1.000000e+00 : f32
        %sub3A_928 = vector.broadcast %sub3A_927 : f32 to vector<16xf32>
        %sub3A_929 = arith.subf %sub3A_928, %div3A_906 : vector<16xf32>
        %mul3A_930 = arith.mulf %sub3A_929, %sub3A_921 : vector<16xf32>
        %mul3A_931 = arith.mulf %div3A_906, %get3A_926 : vector<16xf32>
        %add3A_932 = arith.addf %mul3A_930, %mul3A_931 : vector<16xf32>
        %swap3A_933 = arith.constant 0 : index
        %swap3A_934 = tpu.vector_load %arg24[%swap3A_933] {strides = array<i32>} : memref<16xf32, #tpu.memory_space<vmem>>, vector<16xf32>,
        %swap3A_935 = vector.shape_cast %swap3A_934 : vector<16xf32> to vector<16xf32>
        %swap3A_936 = vector.shape_cast %add3A_932 : vector<16xf32> to vector<16xf32>
        tpu.vector_store %arg24[%swap3A_933], %swap3A_936 {strides = array<i32>} : memref<16xf32, #tpu.memory_space<vmem>>, vector<16xf32>,
        %swap3A_937 = arith.constant 0 : index
        %swap3A_938 = tpu.vector_load %arg25[%swap3A_937] {strides = array<i32>} : memref<16xf32, #tpu.memory_space<vmem>>, vector<16xf32>,
        %swap3A_939 = vector.shape_cast %swap3A_938 : vector<16xf32> to vector<16xf32>
        %swap3A_940 = vector.shape_cast %get3A_690 : vector<16xf32> to vector<16xf32>
        tpu.vector_store %arg25[%swap3A_937], %swap3A_940 {strides = array<i32>} : memref<16xf32, #tpu.memory_space<vmem>>, vector<16xf32>,
        %eq3A_941 = arith.constant 1 : i32
        %eq3A_942 = arith.cmpi eq, %select_n3A, %eq3A_941 : i32
        %ne3A_943 = arith.cmpi ne, %convert_element_type3A_691, %convert_element_type3A_694 : i32
        %or3A = arith.ori %eq3A_942, %ne3A_943 : i1
        %convert_element_type3A_944 = arith.extui %or3A : i1 to i32
        %cond3A_945 = arith.constant 0 : i32
        %cond3A_946 = arith.cmpi ne, %convert_element_type3A_944, %cond3A_945 : i32
        scf.if %cond3A_946 {
          %mul3A_948 = arith.constant 144 : i32
          %mul3A_949 = arith.muli %select_n3A_697, %mul3A_948 : i32
          %mul3A_950 = arith.constant 16 : i32
          %mul3A_951 = arith.muli %mul3A_950, %select_n3A_31 : i32
          %add3A_952 = arith.addi %mul3A_949, %mul3A_951 : i32
          "tpu.region"() ({
            %run_scoped3A = tpu.sem_alloc : memref<!tpu.dma_semaphore, #tpu.memory_space<semaphore_mem>>
            %dma_start3A_958 = tpu.memref_slice %arg13[%add3A_952] : memref<1440000xf32, #tpu.memory_space<vmem_shared>> -> memref<16xf32, #tpu.memory_space<vmem_shared>>
            %dma_start3A_959 = tpu.memref_slice %arg13[%add3A_952] : memref<1440000xf32, #tpu.memory_space<vmem_shared>> -> memref<16xf32, #tpu.memory_space<vmem_shared>>
            tpu.enqueue_dma source(%arg24 : memref<16xf32, #tpu.memory_space<vmem>>) target(%dma_start3A_959 : memref<16xf32, #tpu.memory_space<vmem_shared>>) target_semaphore(%run_scoped3A : memref<!tpu.dma_semaphore, #tpu.memory_space<semaphore_mem>>)
            %dma_wait3A_960 = tpu.memref_slice %arg13[%add3A_952] : memref<1440000xf32, #tpu.memory_space<vmem_shared>> -> memref<16xf32, #tpu.memory_space<vmem_shared>>
            %dma_wait3A_961 = tpu.memref_slice %arg13[%add3A_952] : memref<1440000xf32, #tpu.memory_space<vmem_shared>> -> memref<16xf32, #tpu.memory_space<vmem_shared>>
            tpu.wait_dma2 semaphore(%run_scoped3A : memref<!tpu.dma_semaphore, #tpu.memory_space<semaphore_mem>>) src(%arg24 : memref<16xf32, #tpu.memory_space<vmem>>) dst(%dma_wait3A_961 : memref<16xf32, #tpu.memory_space<vmem_shared>>)
            tpu.yield
          }) : () -> ()
          %eq3A_953 = arith.constant 0 : i32
          %eq3A_954 = arith.cmpi eq, %select_n3A_31, %eq3A_953 : i32
          %convert_element_type3A_955 = arith.extui %eq3A_954 : i1 to i32
          %cond3A_956 = arith.constant 0 : i32
          %cond3A_957 = arith.cmpi ne, %convert_element_type3A_955, %cond3A_956 : i32
          scf.if %cond3A_957 {
            %mul3A_958 = arith.constant 144 : i32
            %mul3A_959 = arith.muli %select_n3A_697, %mul3A_958 : i32
            %add3A_960 = arith.constant 128 : i32
            %add3A_961 = arith.addi %mul3A_959, %add3A_960 : i32
            "tpu.region"() ({
              %run_scoped3A = tpu.sem_alloc : memref<!tpu.dma_semaphore, #tpu.memory_space<semaphore_mem>>
              %dma_start3A_962 = tpu.memref_slice %arg13[%add3A_961] : memref<1440000xf32, #tpu.memory_space<vmem_shared>> -> memref<16xf32, #tpu.memory_space<vmem_shared>>
              %dma_start3A_963 = tpu.memref_slice %arg13[%add3A_961] : memref<1440000xf32, #tpu.memory_space<vmem_shared>> -> memref<16xf32, #tpu.memory_space<vmem_shared>>
              tpu.enqueue_dma source(%arg25 : memref<16xf32, #tpu.memory_space<vmem>>) target(%dma_start3A_963 : memref<16xf32, #tpu.memory_space<vmem_shared>>) target_semaphore(%run_scoped3A : memref<!tpu.dma_semaphore, #tpu.memory_space<semaphore_mem>>)
              %dma_wait3A_964 = tpu.memref_slice %arg13[%add3A_961] : memref<1440000xf32, #tpu.memory_space<vmem_shared>> -> memref<16xf32, #tpu.memory_space<vmem_shared>>
              %dma_wait3A_965 = tpu.memref_slice %arg13[%add3A_961] : memref<1440000xf32, #tpu.memory_space<vmem_shared>> -> memref<16xf32, #tpu.memory_space<vmem_shared>>
              tpu.wait_dma2 semaphore(%run_scoped3A : memref<!tpu.dma_semaphore, #tpu.memory_space<semaphore_mem>>) src(%arg25 : memref<16xf32, #tpu.memory_space<vmem>>) dst(%dma_wait3A_965 : memref<16xf32, #tpu.memory_space<vmem_shared>>)
              tpu.yield
            }) : () -> ()
          } else {
          }
        } else {
        }
        %barrier3A_947 = arith.constant 0 : index
        tpu.barrier barrier_id(%barrier3A_947)
      }
      %scan3A_394 = arith.constant 200 : i32
      %mul3A_395 = arith.constant 90000 : i32
      %mul3A_396 = arith.muli %arg1, %mul3A_395 : i32
      "tpu.region"() ({
        %run_scoped3A = tpu.sem_alloc : memref<!tpu.dma_semaphore, #tpu.memory_space<semaphore_mem>>
        %dma_start3A_683 = arith.constant 0 : i32
        %dma_start3A_684 = tpu.memref_slice %arg27[%dma_start3A_683] : memref<11248xf32, #tpu.memory_space<vmem>> -> memref<5624xf32, #tpu.memory_space<vmem>>
        %dma_start3A_685 = tpu.memref_slice %arg13[%mul3A_396] : memref<1440000xf32, #tpu.memory_space<vmem_shared>> -> memref<5624xf32, #tpu.memory_space<vmem_shared>>
        %dma_start3A_686 = arith.constant 0 : i32
        %dma_start3A_687 = tpu.memref_slice %arg27[%dma_start3A_686] : memref<11248xf32, #tpu.memory_space<vmem>> -> memref<5624xf32, #tpu.memory_space<vmem>>
        %dma_start3A_688 = tpu.memref_slice %arg13[%mul3A_396] : memref<1440000xf32, #tpu.memory_space<vmem_shared>> -> memref<5624xf32, #tpu.memory_space<vmem_shared>>
        tpu.enqueue_dma source(%dma_start3A_688 : memref<5624xf32, #tpu.memory_space<vmem_shared>>) target(%dma_start3A_687 : memref<5624xf32, #tpu.memory_space<vmem>>) target_semaphore(%run_scoped3A : memref<!tpu.dma_semaphore, #tpu.memory_space<semaphore_mem>>)
        %dma_wait3A_689 = arith.constant 0 : i32
        %dma_wait3A_690 = tpu.memref_slice %arg27[%dma_wait3A_689] : memref<11248xf32, #tpu.memory_space<vmem>> -> memref<5624xf32, #tpu.memory_space<vmem>>
        %dma_wait3A_691 = tpu.memref_slice %arg13[%mul3A_396] : memref<1440000xf32, #tpu.memory_space<vmem_shared>> -> memref<5624xf32, #tpu.memory_space<vmem_shared>>
        %dma_wait3A_692 = arith.constant 0 : i32
        %dma_wait3A_693 = tpu.memref_slice %arg27[%dma_wait3A_692] : memref<11248xf32, #tpu.memory_space<vmem>> -> memref<5624xf32, #tpu.memory_space<vmem>>
        %dma_wait3A_694 = tpu.memref_slice %arg13[%mul3A_396] : memref<1440000xf32, #tpu.memory_space<vmem_shared>> -> memref<5624xf32, #tpu.memory_space<vmem_shared>>
        tpu.wait_dma2 semaphore(%run_scoped3A : memref<!tpu.dma_semaphore, #tpu.memory_space<semaphore_mem>>) src(%dma_wait3A_694 : memref<5624xf32, #tpu.memory_space<vmem_shared>>) dst(%dma_wait3A_693 : memref<5624xf32, #tpu.memory_space<vmem>>)
        tpu.yield
      }) : () -> ()
      %dma_start3A_397 = arith.constant 0 : i32
      %dma_start3A_398 = tpu.memref_slice %arg27[%dma_start3A_397] : memref<11248xf32, #tpu.memory_space<vmem>> -> memref<5624xf32, #tpu.memory_space<vmem>>
      %dma_start3A_399 = tpu.memref_slice %arg12[%mul3A_396] : memref<1440000xf32, #tpu.memory_space<hbm>> -> memref<5624xf32, #tpu.memory_space<hbm>>
      %dma_start3A_400 = tpu.memref_slice %arg12[%mul3A_396] : memref<1440000xf32, #tpu.memory_space<hbm>> -> memref<5624xf32, #tpu.memory_space<hbm>>
      %dma_start3A_401 = arith.constant 0 : i32
      %dma_start3A_402 = tpu.memref_slice %arg27[%dma_start3A_401] : memref<11248xf32, #tpu.memory_space<vmem>> -> memref<5624xf32, #tpu.memory_space<vmem>>
      tpu.enqueue_dma source(%dma_start3A_402 : memref<5624xf32, #tpu.memory_space<vmem>>) target(%dma_start3A_400 : memref<5624xf32, #tpu.memory_space<hbm>>) target_semaphore(%arg28 : memref<!tpu.dma_semaphore, #tpu.memory_space<semaphore_mem>>)
      %add3A_403 = arith.constant 5624 : i32
      %add3A_404 = arith.addi %mul3A_396, %add3A_403 : i32
      "tpu.region"() ({
        %run_scoped3A = tpu.sem_alloc : memref<!tpu.dma_semaphore, #tpu.memory_space<semaphore_mem>>
        %dma_start3A_683 = arith.constant 5624 : i32
        %dma_start3A_684 = tpu.memref_slice %arg27[%dma_start3A_683] : memref<11248xf32, #tpu.memory_space<vmem>> -> memref<5624xf32, #tpu.memory_space<vmem>>
        %dma_start3A_685 = tpu.memref_slice %arg13[%add3A_404] : memref<1440000xf32, #tpu.memory_space<vmem_shared>> -> memref<5624xf32, #tpu.memory_space<vmem_shared>>
        %dma_start3A_686 = arith.constant 5624 : i32
        %dma_start3A_687 = tpu.memref_slice %arg27[%dma_start3A_686] : memref<11248xf32, #tpu.memory_space<vmem>> -> memref<5624xf32, #tpu.memory_space<vmem>>
        %dma_start3A_688 = tpu.memref_slice %arg13[%add3A_404] : memref<1440000xf32, #tpu.memory_space<vmem_shared>> -> memref<5624xf32, #tpu.memory_space<vmem_shared>>
        tpu.enqueue_dma source(%dma_start3A_688 : memref<5624xf32, #tpu.memory_space<vmem_shared>>) target(%dma_start3A_687 : memref<5624xf32, #tpu.memory_space<vmem>>) target_semaphore(%run_scoped3A : memref<!tpu.dma_semaphore, #tpu.memory_space<semaphore_mem>>)
        %dma_wait3A_689 = arith.constant 5624 : i32
        %dma_wait3A_690 = tpu.memref_slice %arg27[%dma_wait3A_689] : memref<11248xf32, #tpu.memory_space<vmem>> -> memref<5624xf32, #tpu.memory_space<vmem>>
        %dma_wait3A_691 = tpu.memref_slice %arg13[%add3A_404] : memref<1440000xf32, #tpu.memory_space<vmem_shared>> -> memref<5624xf32, #tpu.memory_space<vmem_shared>>
        %dma_wait3A_692 = arith.constant 5624 : i32
        %dma_wait3A_693 = tpu.memref_slice %arg27[%dma_wait3A_692] : memref<11248xf32, #tpu.memory_space<vmem>> -> memref<5624xf32, #tpu.memory_space<vmem>>
        %dma_wait3A_694 = tpu.memref_slice %arg13[%add3A_404] : memref<1440000xf32, #tpu.memory_space<vmem_shared>> -> memref<5624xf32, #tpu.memory_space<vmem_shared>>
        tpu.wait_dma2 semaphore(%run_scoped3A : memref<!tpu.dma_semaphore, #tpu.memory_space<semaphore_mem>>) src(%dma_wait3A_694 : memref<5624xf32, #tpu.memory_space<vmem_shared>>) dst(%dma_wait3A_693 : memref<5624xf32, #tpu.memory_space<vmem>>)
        tpu.yield
      }) : () -> ()
      %add3A_405 = arith.constant 0 : i32
      %add3A_406 = arith.addi %mul3A_396, %add3A_405 : i32
      %dma_wait3A_407 = arith.constant 0 : i32
      %dma_wait3A_408 = tpu.memref_slice %arg27[%dma_wait3A_407] : memref<11248xf32, #tpu.memory_space<vmem>> -> memref<5624xf32, #tpu.memory_space<vmem>>
      %dma_wait3A_409 = tpu.memref_slice %arg12[%add3A_406] : memref<1440000xf32, #tpu.memory_space<hbm>> -> memref<5624xf32, #tpu.memory_space<hbm>>
      %dma_wait3A_410 = tpu.memref_slice %arg12[%add3A_406] : memref<1440000xf32, #tpu.memory_space<hbm>> -> memref<5624xf32, #tpu.memory_space<hbm>>
      %dma_wait3A_411 = arith.constant 0 : i32
      %dma_wait3A_412 = tpu.memref_slice %arg27[%dma_wait3A_411] : memref<11248xf32, #tpu.memory_space<vmem>> -> memref<5624xf32, #tpu.memory_space<vmem>>
      tpu.wait_dma2 semaphore(%arg28 : memref<!tpu.dma_semaphore, #tpu.memory_space<semaphore_mem>>) src(%dma_wait3A_412 : memref<5624xf32, #tpu.memory_space<vmem>>) dst(%dma_wait3A_410 : memref<5624xf32, #tpu.memory_space<hbm>>)
      %add3A_413 = arith.constant 5624 : i32
      %add3A_414 = arith.addi %mul3A_396, %add3A_413 : i32
      %dma_start3A_415 = arith.constant 5624 : i32
      %dma_start3A_416 = tpu.memref_slice %arg27[%dma_start3A_415] : memref<11248xf32, #tpu.memory_space<vmem>> -> memref<5624xf32, #tpu.memory_space<vmem>>
      %dma_start3A_417 = tpu.memref_slice %arg12[%add3A_414] : memref<1440000xf32, #tpu.memory_space<hbm>> -> memref<5624xf32, #tpu.memory_space<hbm>>
      %dma_start3A_418 = tpu.memref_slice %arg12[%add3A_414] : memref<1440000xf32, #tpu.memory_space<hbm>> -> memref<5624xf32, #tpu.memory_space<hbm>>
      %dma_start3A_419 = arith.constant 5624 : i32
      %dma_start3A_420 = tpu.memref_slice %arg27[%dma_start3A_419] : memref<11248xf32, #tpu.memory_space<vmem>> -> memref<5624xf32, #tpu.memory_space<vmem>>
      tpu.enqueue_dma source(%dma_start3A_420 : memref<5624xf32, #tpu.memory_space<vmem>>) target(%dma_start3A_418 : memref<5624xf32, #tpu.memory_space<hbm>>) target_semaphore(%arg29 : memref<!tpu.dma_semaphore, #tpu.memory_space<semaphore_mem>>)
      %add3A_421 = arith.constant 11248 : i32
      %add3A_422 = arith.addi %mul3A_396, %add3A_421 : i32
      "tpu.region"() ({
        %run_scoped3A = tpu.sem_alloc : memref<!tpu.dma_semaphore, #tpu.memory_space<semaphore_mem>>
        %dma_start3A_683 = arith.constant 0 : i32
        %dma_start3A_684 = tpu.memref_slice %arg27[%dma_start3A_683] : memref<11248xf32, #tpu.memory_space<vmem>> -> memref<5624xf32, #tpu.memory_space<vmem>>
        %dma_start3A_685 = tpu.memref_slice %arg13[%add3A_422] : memref<1440000xf32, #tpu.memory_space<vmem_shared>> -> memref<5624xf32, #tpu.memory_space<vmem_shared>>
        %dma_start3A_686 = arith.constant 0 : i32
        %dma_start3A_687 = tpu.memref_slice %arg27[%dma_start3A_686] : memref<11248xf32, #tpu.memory_space<vmem>> -> memref<5624xf32, #tpu.memory_space<vmem>>
        %dma_start3A_688 = tpu.memref_slice %arg13[%add3A_422] : memref<1440000xf32, #tpu.memory_space<vmem_shared>> -> memref<5624xf32, #tpu.memory_space<vmem_shared>>
        tpu.enqueue_dma source(%dma_start3A_688 : memref<5624xf32, #tpu.memory_space<vmem_shared>>) target(%dma_start3A_687 : memref<5624xf32, #tpu.memory_space<vmem>>) target_semaphore(%run_scoped3A : memref<!tpu.dma_semaphore, #tpu.memory_space<semaphore_mem>>)
        %dma_wait3A_689 = arith.constant 0 : i32
        %dma_wait3A_690 = tpu.memref_slice %arg27[%dma_wait3A_689] : memref<11248xf32, #tpu.memory_space<vmem>> -> memref<5624xf32, #tpu.memory_space<vmem>>
        %dma_wait3A_691 = tpu.memref_slice %arg13[%add3A_422] : memref<1440000xf32, #tpu.memory_space<vmem_shared>> -> memref<5624xf32, #tpu.memory_space<vmem_shared>>
        %dma_wait3A_692 = arith.constant 0 : i32
        %dma_wait3A_693 = tpu.memref_slice %arg27[%dma_wait3A_692] : memref<11248xf32, #tpu.memory_space<vmem>> -> memref<5624xf32, #tpu.memory_space<vmem>>
        %dma_wait3A_694 = tpu.memref_slice %arg13[%add3A_422] : memref<1440000xf32, #tpu.memory_space<vmem_shared>> -> memref<5624xf32, #tpu.memory_space<vmem_shared>>
        tpu.wait_dma2 semaphore(%run_scoped3A : memref<!tpu.dma_semaphore, #tpu.memory_space<semaphore_mem>>) src(%dma_wait3A_694 : memref<5624xf32, #tpu.memory_space<vmem_shared>>) dst(%dma_wait3A_693 : memref<5624xf32, #tpu.memory_space<vmem>>)
        tpu.yield
      }) : () -> ()
      %add3A_423 = arith.constant 5624 : i32
      %add3A_424 = arith.addi %mul3A_396, %add3A_423 : i32
      %dma_wait3A_425 = arith.constant 5624 : i32
      %dma_wait3A_426 = tpu.memref_slice %arg27[%dma_wait3A_425] : memref<11248xf32, #tpu.memory_space<vmem>> -> memref<5624xf32, #tpu.memory_space<vmem>>
      %dma_wait3A_427 = tpu.memref_slice %arg12[%add3A_424] : memref<1440000xf32, #tpu.memory_space<hbm>> -> memref<5624xf32, #tpu.memory_space<hbm>>
      %dma_wait3A_428 = tpu.memref_slice %arg12[%add3A_424] : memref<1440000xf32, #tpu.memory_space<hbm>> -> memref<5624xf32, #tpu.memory_space<hbm>>
      %dma_wait3A_429 = arith.constant 5624 : i32
      %dma_wait3A_430 = tpu.memref_slice %arg27[%dma_wait3A_429] : memref<11248xf32, #tpu.memory_space<vmem>> -> memref<5624xf32, #tpu.memory_space<vmem>>
      tpu.wait_dma2 semaphore(%arg29 : memref<!tpu.dma_semaphore, #tpu.memory_space<semaphore_mem>>) src(%dma_wait3A_430 : memref<5624xf32, #tpu.memory_space<vmem>>) dst(%dma_wait3A_428 : memref<5624xf32, #tpu.memory_space<hbm>>)
      %add3A_431 = arith.constant 11248 : i32
      %add3A_432 = arith.addi %mul3A_396, %add3A_431 : i32
      %dma_start3A_433 = arith.constant 0 : i32
      %dma_start3A_434 = tpu.memref_slice %arg27[%dma_start3A_433] : memref<11248xf32, #tpu.memory_space<vmem>> -> memref<5624xf32, #tpu.memory_space<vmem>>
      %dma_start3A_435 = tpu.memref_slice %arg12[%add3A_432] : memref<1440000xf32, #tpu.memory_space<hbm>> -> memref<5624xf32, #tpu.memory_space<hbm>>
      %dma_start3A_436 = tpu.memref_slice %arg12[%add3A_432] : memref<1440000xf32, #tpu.memory_space<hbm>> -> memref<5624xf32, #tpu.memory_space<hbm>>
      %dma_start3A_437 = arith.constant 0 : i32
      %dma_start3A_438 = tpu.memref_slice %arg27[%dma_start3A_437] : memref<11248xf32, #tpu.memory_space<vmem>> -> memref<5624xf32, #tpu.memory_space<vmem>>
      tpu.enqueue_dma source(%dma_start3A_438 : memref<5624xf32, #tpu.memory_space<vmem>>) target(%dma_start3A_436 : memref<5624xf32, #tpu.memory_space<hbm>>) target_semaphore(%arg28 : memref<!tpu.dma_semaphore, #tpu.memory_space<semaphore_mem>>)
      %add3A_439 = arith.constant 16872 : i32
      %add3A_440 = arith.addi %mul3A_396, %add3A_439 : i32
      "tpu.region"() ({
        %run_scoped3A = tpu.sem_alloc : memref<!tpu.dma_semaphore, #tpu.memory_space<semaphore_mem>>
        %dma_start3A_683 = arith.constant 5624 : i32
        %dma_start3A_684 = tpu.memref_slice %arg27[%dma_start3A_683] : memref<11248xf32, #tpu.memory_space<vmem>> -> memref<5624xf32, #tpu.memory_space<vmem>>
        %dma_start3A_685 = tpu.memref_slice %arg13[%add3A_440] : memref<1440000xf32, #tpu.memory_space<vmem_shared>> -> memref<5624xf32, #tpu.memory_space<vmem_shared>>
        %dma_start3A_686 = arith.constant 5624 : i32
        %dma_start3A_687 = tpu.memref_slice %arg27[%dma_start3A_686] : memref<11248xf32, #tpu.memory_space<vmem>> -> memref<5624xf32, #tpu.memory_space<vmem>>
        %dma_start3A_688 = tpu.memref_slice %arg13[%add3A_440] : memref<1440000xf32, #tpu.memory_space<vmem_shared>> -> memref<5624xf32, #tpu.memory_space<vmem_shared>>
        tpu.enqueue_dma source(%dma_start3A_688 : memref<5624xf32, #tpu.memory_space<vmem_shared>>) target(%dma_start3A_687 : memref<5624xf32, #tpu.memory_space<vmem>>) target_semaphore(%run_scoped3A : memref<!tpu.dma_semaphore, #tpu.memory_space<semaphore_mem>>)
        %dma_wait3A_689 = arith.constant 5624 : i32
        %dma_wait3A_690 = tpu.memref_slice %arg27[%dma_wait3A_689] : memref<11248xf32, #tpu.memory_space<vmem>> -> memref<5624xf32, #tpu.memory_space<vmem>>
        %dma_wait3A_691 = tpu.memref_slice %arg13[%add3A_440] : memref<1440000xf32, #tpu.memory_space<vmem_shared>> -> memref<5624xf32, #tpu.memory_space<vmem_shared>>
        %dma_wait3A_692 = arith.constant 5624 : i32
        %dma_wait3A_693 = tpu.memref_slice %arg27[%dma_wait3A_692] : memref<11248xf32, #tpu.memory_space<vmem>> -> memref<5624xf32, #tpu.memory_space<vmem>>
        %dma_wait3A_694 = tpu.memref_slice %arg13[%add3A_440] : memref<1440000xf32, #tpu.memory_space<vmem_shared>> -> memref<5624xf32, #tpu.memory_space<vmem_shared>>
        tpu.wait_dma2 semaphore(%run_scoped3A : memref<!tpu.dma_semaphore, #tpu.memory_space<semaphore_mem>>) src(%dma_wait3A_694 : memref<5624xf32, #tpu.memory_space<vmem_shared>>) dst(%dma_wait3A_693 : memref<5624xf32, #tpu.memory_space<vmem>>)
        tpu.yield
      }) : () -> ()
      %add3A_441 = arith.constant 11248 : i32
      %add3A_442 = arith.addi %mul3A_396, %add3A_441 : i32
      %dma_wait3A_443 = arith.constant 0 : i32
      %dma_wait3A_444 = tpu.memref_slice %arg27[%dma_wait3A_443] : memref<11248xf32, #tpu.memory_space<vmem>> -> memref<5624xf32, #tpu.memory_space<vmem>>
      %dma_wait3A_445 = tpu.memref_slice %arg12[%add3A_442] : memref<1440000xf32, #tpu.memory_space<hbm>> -> memref<5624xf32, #tpu.memory_space<hbm>>
      %dma_wait3A_446 = tpu.memref_slice %arg12[%add3A_442] : memref<1440000xf32, #tpu.memory_space<hbm>> -> memref<5624xf32, #tpu.memory_space<hbm>>
      %dma_wait3A_447 = arith.constant 0 : i32
      %dma_wait3A_448 = tpu.memref_slice %arg27[%dma_wait3A_447] : memref<11248xf32, #tpu.memory_space<vmem>> -> memref<5624xf32, #tpu.memory_space<vmem>>
      tpu.wait_dma2 semaphore(%arg28 : memref<!tpu.dma_semaphore, #tpu.memory_space<semaphore_mem>>) src(%dma_wait3A_448 : memref<5624xf32, #tpu.memory_space<vmem>>) dst(%dma_wait3A_446 : memref<5624xf32, #tpu.memory_space<hbm>>)
      %add3A_449 = arith.constant 16872 : i32
      %add3A_450 = arith.addi %mul3A_396, %add3A_449 : i32
      %dma_start3A_451 = arith.constant 5624 : i32
      %dma_start3A_452 = tpu.memref_slice %arg27[%dma_start3A_451] : memref<11248xf32, #tpu.memory_space<vmem>> -> memref<5624xf32, #tpu.memory_space<vmem>>
      %dma_start3A_453 = tpu.memref_slice %arg12[%add3A_450] : memref<1440000xf32, #tpu.memory_space<hbm>> -> memref<5624xf32, #tpu.memory_space<hbm>>
      %dma_start3A_454 = tpu.memref_slice %arg12[%add3A_450] : memref<1440000xf32, #tpu.memory_space<hbm>> -> memref<5624xf32, #tpu.memory_space<hbm>>
      %dma_start3A_455 = arith.constant 5624 : i32
      %dma_start3A_456 = tpu.memref_slice %arg27[%dma_start3A_455] : memref<11248xf32, #tpu.memory_space<vmem>> -> memref<5624xf32, #tpu.memory_space<vmem>>
      tpu.enqueue_dma source(%dma_start3A_456 : memref<5624xf32, #tpu.memory_space<vmem>>) target(%dma_start3A_454 : memref<5624xf32, #tpu.memory_space<hbm>>) target_semaphore(%arg29 : memref<!tpu.dma_semaphore, #tpu.memory_space<semaphore_mem>>)
      %add3A_457 = arith.constant 22496 : i32
      %add3A_458 = arith.addi %mul3A_396, %add3A_457 : i32
      "tpu.region"() ({
        %run_scoped3A = tpu.sem_alloc : memref<!tpu.dma_semaphore, #tpu.memory_space<semaphore_mem>>
        %dma_start3A_683 = arith.constant 0 : i32
        %dma_start3A_684 = tpu.memref_slice %arg27[%dma_start3A_683] : memref<11248xf32, #tpu.memory_space<vmem>> -> memref<5624xf32, #tpu.memory_space<vmem>>
        %dma_start3A_685 = tpu.memref_slice %arg13[%add3A_458] : memref<1440000xf32, #tpu.memory_space<vmem_shared>> -> memref<5624xf32, #tpu.memory_space<vmem_shared>>
        %dma_start3A_686 = arith.constant 0 : i32
        %dma_start3A_687 = tpu.memref_slice %arg27[%dma_start3A_686] : memref<11248xf32, #tpu.memory_space<vmem>> -> memref<5624xf32, #tpu.memory_space<vmem>>
        %dma_start3A_688 = tpu.memref_slice %arg13[%add3A_458] : memref<1440000xf32, #tpu.memory_space<vmem_shared>> -> memref<5624xf32, #tpu.memory_space<vmem_shared>>
        tpu.enqueue_dma source(%dma_start3A_688 : memref<5624xf32, #tpu.memory_space<vmem_shared>>) target(%dma_start3A_687 : memref<5624xf32, #tpu.memory_space<vmem>>) target_semaphore(%run_scoped3A : memref<!tpu.dma_semaphore, #tpu.memory_space<semaphore_mem>>)
        %dma_wait3A_689 = arith.constant 0 : i32
        %dma_wait3A_690 = tpu.memref_slice %arg27[%dma_wait3A_689] : memref<11248xf32, #tpu.memory_space<vmem>> -> memref<5624xf32, #tpu.memory_space<vmem>>
        %dma_wait3A_691 = tpu.memref_slice %arg13[%add3A_458] : memref<1440000xf32, #tpu.memory_space<vmem_shared>> -> memref<5624xf32, #tpu.memory_space<vmem_shared>>
        %dma_wait3A_692 = arith.constant 0 : i32
        %dma_wait3A_693 = tpu.memref_slice %arg27[%dma_wait3A_692] : memref<11248xf32, #tpu.memory_space<vmem>> -> memref<5624xf32, #tpu.memory_space<vmem>>
        %dma_wait3A_694 = tpu.memref_slice %arg13[%add3A_458] : memref<1440000xf32, #tpu.memory_space<vmem_shared>> -> memref<5624xf32, #tpu.memory_space<vmem_shared>>
        tpu.wait_dma2 semaphore(%run_scoped3A : memref<!tpu.dma_semaphore, #tpu.memory_space<semaphore_mem>>) src(%dma_wait3A_694 : memref<5624xf32, #tpu.memory_space<vmem_shared>>) dst(%dma_wait3A_693 : memref<5624xf32, #tpu.memory_space<vmem>>)
        tpu.yield
      }) : () -> ()
      %add3A_459 = arith.constant 16872 : i32
      %add3A_460 = arith.addi %mul3A_396, %add3A_459 : i32
      %dma_wait3A_461 = arith.constant 5624 : i32
      %dma_wait3A_462 = tpu.memref_slice %arg27[%dma_wait3A_461] : memref<11248xf32, #tpu.memory_space<vmem>> -> memref<5624xf32, #tpu.memory_space<vmem>>
      %dma_wait3A_463 = tpu.memref_slice %arg12[%add3A_460] : memref<1440000xf32, #tpu.memory_space<hbm>> -> memref<5624xf32, #tpu.memory_space<hbm>>
      %dma_wait3A_464 = tpu.memref_slice %arg12[%add3A_460] : memref<1440000xf32, #tpu.memory_space<hbm>> -> memref<5624xf32, #tpu.memory_space<hbm>>
      %dma_wait3A_465 = arith.constant 5624 : i32
      %dma_wait3A_466 = tpu.memref_slice %arg27[%dma_wait3A_465] : memref<11248xf32, #tpu.memory_space<vmem>> -> memref<5624xf32, #tpu.memory_space<vmem>>
      tpu.wait_dma2 semaphore(%arg29 : memref<!tpu.dma_semaphore, #tpu.memory_space<semaphore_mem>>) src(%dma_wait3A_466 : memref<5624xf32, #tpu.memory_space<vmem>>) dst(%dma_wait3A_464 : memref<5624xf32, #tpu.memory_space<hbm>>)
      %add3A_467 = arith.constant 22496 : i32
      %add3A_468 = arith.addi %mul3A_396, %add3A_467 : i32
      %dma_start3A_469 = arith.constant 0 : i32
      %dma_start3A_470 = tpu.memref_slice %arg27[%dma_start3A_469] : memref<11248xf32, #tpu.memory_space<vmem>> -> memref<5624xf32, #tpu.memory_space<vmem>>
      %dma_start3A_471 = tpu.memref_slice %arg12[%add3A_468] : memref<1440000xf32, #tpu.memory_space<hbm>> -> memref<5624xf32, #tpu.memory_space<hbm>>
      %dma_start3A_472 = tpu.memref_slice %arg12[%add3A_468] : memref<1440000xf32, #tpu.memory_space<hbm>> -> memref<5624xf32, #tpu.memory_space<hbm>>
      %dma_start3A_473 = arith.constant 0 : i32
      %dma_start3A_474 = tpu.memref_slice %arg27[%dma_start3A_473] : memref<11248xf32, #tpu.memory_space<vmem>> -> memref<5624xf32, #tpu.memory_space<vmem>>
      tpu.enqueue_dma source(%dma_start3A_474 : memref<5624xf32, #tpu.memory_space<vmem>>) target(%dma_start3A_472 : memref<5624xf32, #tpu.memory_space<hbm>>) target_semaphore(%arg28 : memref<!tpu.dma_semaphore, #tpu.memory_space<semaphore_mem>>)
      %add3A_475 = arith.constant 28120 : i32
      %add3A_476 = arith.addi %mul3A_396, %add3A_475 : i32
      "tpu.region"() ({
        %run_scoped3A = tpu.sem_alloc : memref<!tpu.dma_semaphore, #tpu.memory_space<semaphore_mem>>
        %dma_start3A_683 = arith.constant 5624 : i32
        %dma_start3A_684 = tpu.memref_slice %arg27[%dma_start3A_683] : memref<11248xf32, #tpu.memory_space<vmem>> -> memref<5624xf32, #tpu.memory_space<vmem>>
        %dma_start3A_685 = tpu.memref_slice %arg13[%add3A_476] : memref<1440000xf32, #tpu.memory_space<vmem_shared>> -> memref<5624xf32, #tpu.memory_space<vmem_shared>>
        %dma_start3A_686 = arith.constant 5624 : i32
        %dma_start3A_687 = tpu.memref_slice %arg27[%dma_start3A_686] : memref<11248xf32, #tpu.memory_space<vmem>> -> memref<5624xf32, #tpu.memory_space<vmem>>
        %dma_start3A_688 = tpu.memref_slice %arg13[%add3A_476] : memref<1440000xf32, #tpu.memory_space<vmem_shared>> -> memref<5624xf32, #tpu.memory_space<vmem_shared>>
        tpu.enqueue_dma source(%dma_start3A_688 : memref<5624xf32, #tpu.memory_space<vmem_shared>>) target(%dma_start3A_687 : memref<5624xf32, #tpu.memory_space<vmem>>) target_semaphore(%run_scoped3A : memref<!tpu.dma_semaphore, #tpu.memory_space<semaphore_mem>>)
        %dma_wait3A_689 = arith.constant 5624 : i32
        %dma_wait3A_690 = tpu.memref_slice %arg27[%dma_wait3A_689] : memref<11248xf32, #tpu.memory_space<vmem>> -> memref<5624xf32, #tpu.memory_space<vmem>>
        %dma_wait3A_691 = tpu.memref_slice %arg13[%add3A_476] : memref<1440000xf32, #tpu.memory_space<vmem_shared>> -> memref<5624xf32, #tpu.memory_space<vmem_shared>>
        %dma_wait3A_692 = arith.constant 5624 : i32
        %dma_wait3A_693 = tpu.memref_slice %arg27[%dma_wait3A_692] : memref<11248xf32, #tpu.memory_space<vmem>> -> memref<5624xf32, #tpu.memory_space<vmem>>
        %dma_wait3A_694 = tpu.memref_slice %arg13[%add3A_476] : memref<1440000xf32, #tpu.memory_space<vmem_shared>> -> memref<5624xf32, #tpu.memory_space<vmem_shared>>
        tpu.wait_dma2 semaphore(%run_scoped3A : memref<!tpu.dma_semaphore, #tpu.memory_space<semaphore_mem>>) src(%dma_wait3A_694 : memref<5624xf32, #tpu.memory_space<vmem_shared>>) dst(%dma_wait3A_693 : memref<5624xf32, #tpu.memory_space<vmem>>)
        tpu.yield
      }) : () -> ()
      %add3A_477 = arith.constant 22496 : i32
      %add3A_478 = arith.addi %mul3A_396, %add3A_477 : i32
      %dma_wait3A_479 = arith.constant 0 : i32
      %dma_wait3A_480 = tpu.memref_slice %arg27[%dma_wait3A_479] : memref<11248xf32, #tpu.memory_space<vmem>> -> memref<5624xf32, #tpu.memory_space<vmem>>
      %dma_wait3A_481 = tpu.memref_slice %arg12[%add3A_478] : memref<1440000xf32, #tpu.memory_space<hbm>> -> memref<5624xf32, #tpu.memory_space<hbm>>
      %dma_wait3A_482 = tpu.memref_slice %arg12[%add3A_478] : memref<1440000xf32, #tpu.memory_space<hbm>> -> memref<5624xf32, #tpu.memory_space<hbm>>
      %dma_wait3A_483 = arith.constant 0 : i32
      %dma_wait3A_484 = tpu.memref_slice %arg27[%dma_wait3A_483] : memref<11248xf32, #tpu.memory_space<vmem>> -> memref<5624xf32, #tpu.memory_space<vmem>>
      tpu.wait_dma2 semaphore(%arg28 : memref<!tpu.dma_semaphore, #tpu.memory_space<semaphore_mem>>) src(%dma_wait3A_484 : memref<5624xf32, #tpu.memory_space<vmem>>) dst(%dma_wait3A_482 : memref<5624xf32, #tpu.memory_space<hbm>>)
      %add3A_485 = arith.constant 28120 : i32
      %add3A_486 = arith.addi %mul3A_396, %add3A_485 : i32
      %dma_start3A_487 = arith.constant 5624 : i32
      %dma_start3A_488 = tpu.memref_slice %arg27[%dma_start3A_487] : memref<11248xf32, #tpu.memory_space<vmem>> -> memref<5624xf32, #tpu.memory_space<vmem>>
      %dma_start3A_489 = tpu.memref_slice %arg12[%add3A_486] : memref<1440000xf32, #tpu.memory_space<hbm>> -> memref<5624xf32, #tpu.memory_space<hbm>>
      %dma_start3A_490 = tpu.memref_slice %arg12[%add3A_486] : memref<1440000xf32, #tpu.memory_space<hbm>> -> memref<5624xf32, #tpu.memory_space<hbm>>
      %dma_start3A_491 = arith.constant 5624 : i32
      %dma_start3A_492 = tpu.memref_slice %arg27[%dma_start3A_491] : memref<11248xf32, #tpu.memory_space<vmem>> -> memref<5624xf32, #tpu.memory_space<vmem>>
      tpu.enqueue_dma source(%dma_start3A_492 : memref<5624xf32, #tpu.memory_space<vmem>>) target(%dma_start3A_490 : memref<5624xf32, #tpu.memory_space<hbm>>) target_semaphore(%arg29 : memref<!tpu.dma_semaphore, #tpu.memory_space<semaphore_mem>>)
      %add3A_493 = arith.constant 33744 : i32
      %add3A_494 = arith.addi %mul3A_396, %add3A_493 : i32
      "tpu.region"() ({
        %run_scoped3A = tpu.sem_alloc : memref<!tpu.dma_semaphore, #tpu.memory_space<semaphore_mem>>
        %dma_start3A_683 = arith.constant 0 : i32
        %dma_start3A_684 = tpu.memref_slice %arg27[%dma_start3A_683] : memref<11248xf32, #tpu.memory_space<vmem>> -> memref<5624xf32, #tpu.memory_space<vmem>>
        %dma_start3A_685 = tpu.memref_slice %arg13[%add3A_494] : memref<1440000xf32, #tpu.memory_space<vmem_shared>> -> memref<5624xf32, #tpu.memory_space<vmem_shared>>
        %dma_start3A_686 = arith.constant 0 : i32
        %dma_start3A_687 = tpu.memref_slice %arg27[%dma_start3A_686] : memref<11248xf32, #tpu.memory_space<vmem>> -> memref<5624xf32, #tpu.memory_space<vmem>>
        %dma_start3A_688 = tpu.memref_slice %arg13[%add3A_494] : memref<1440000xf32, #tpu.memory_space<vmem_shared>> -> memref<5624xf32, #tpu.memory_space<vmem_shared>>
        tpu.enqueue_dma source(%dma_start3A_688 : memref<5624xf32, #tpu.memory_space<vmem_shared>>) target(%dma_start3A_687 : memref<5624xf32, #tpu.memory_space<vmem>>) target_semaphore(%run_scoped3A : memref<!tpu.dma_semaphore, #tpu.memory_space<semaphore_mem>>)
        %dma_wait3A_689 = arith.constant 0 : i32
        %dma_wait3A_690 = tpu.memref_slice %arg27[%dma_wait3A_689] : memref<11248xf32, #tpu.memory_space<vmem>> -> memref<5624xf32, #tpu.memory_space<vmem>>
        %dma_wait3A_691 = tpu.memref_slice %arg13[%add3A_494] : memref<1440000xf32, #tpu.memory_space<vmem_shared>> -> memref<5624xf32, #tpu.memory_space<vmem_shared>>
        %dma_wait3A_692 = arith.constant 0 : i32
        %dma_wait3A_693 = tpu.memref_slice %arg27[%dma_wait3A_692] : memref<11248xf32, #tpu.memory_space<vmem>> -> memref<5624xf32, #tpu.memory_space<vmem>>
        %dma_wait3A_694 = tpu.memref_slice %arg13[%add3A_494] : memref<1440000xf32, #tpu.memory_space<vmem_shared>> -> memref<5624xf32, #tpu.memory_space<vmem_shared>>
        tpu.wait_dma2 semaphore(%run_scoped3A : memref<!tpu.dma_semaphore, #tpu.memory_space<semaphore_mem>>) src(%dma_wait3A_694 : memref<5624xf32, #tpu.memory_space<vmem_shared>>) dst(%dma_wait3A_693 : memref<5624xf32, #tpu.memory_space<vmem>>)
        tpu.yield
      }) : () -> ()
      %add3A_495 = arith.constant 28120 : i32
      %add3A_496 = arith.addi %mul3A_396, %add3A_495 : i32
      %dma_wait3A_497 = arith.constant 5624 : i32
      %dma_wait3A_498 = tpu.memref_slice %arg27[%dma_wait3A_497] : memref<11248xf32, #tpu.memory_space<vmem>> -> memref<5624xf32, #tpu.memory_space<vmem>>
      %dma_wait3A_499 = tpu.memref_slice %arg12[%add3A_496] : memref<1440000xf32, #tpu.memory_space<hbm>> -> memref<5624xf32, #tpu.memory_space<hbm>>
      %dma_wait3A_500 = tpu.memref_slice %arg12[%add3A_496] : memref<1440000xf32, #tpu.memory_space<hbm>> -> memref<5624xf32, #tpu.memory_space<hbm>>
      %dma_wait3A_501 = arith.constant 5624 : i32
      %dma_wait3A_502 = tpu.memref_slice %arg27[%dma_wait3A_501] : memref<11248xf32, #tpu.memory_space<vmem>> -> memref<5624xf32, #tpu.memory_space<vmem>>
      tpu.wait_dma2 semaphore(%arg29 : memref<!tpu.dma_semaphore, #tpu.memory_space<semaphore_mem>>) src(%dma_wait3A_502 : memref<5624xf32, #tpu.memory_space<vmem>>) dst(%dma_wait3A_500 : memref<5624xf32, #tpu.memory_space<hbm>>)
      %add3A_503 = arith.constant 33744 : i32
      %add3A_504 = arith.addi %mul3A_396, %add3A_503 : i32
      %dma_start3A_505 = arith.constant 0 : i32
      %dma_start3A_506 = tpu.memref_slice %arg27[%dma_start3A_505] : memref<11248xf32, #tpu.memory_space<vmem>> -> memref<5624xf32, #tpu.memory_space<vmem>>
      %dma_start3A_507 = tpu.memref_slice %arg12[%add3A_504] : memref<1440000xf32, #tpu.memory_space<hbm>> -> memref<5624xf32, #tpu.memory_space<hbm>>
      %dma_start3A_508 = tpu.memref_slice %arg12[%add3A_504] : memref<1440000xf32, #tpu.memory_space<hbm>> -> memref<5624xf32, #tpu.memory_space<hbm>>
      %dma_start3A_509 = arith.constant 0 : i32
      %dma_start3A_510 = tpu.memref_slice %arg27[%dma_start3A_509] : memref<11248xf32, #tpu.memory_space<vmem>> -> memref<5624xf32, #tpu.memory_space<vmem>>
      tpu.enqueue_dma source(%dma_start3A_510 : memref<5624xf32, #tpu.memory_space<vmem>>) target(%dma_start3A_508 : memref<5624xf32, #tpu.memory_space<hbm>>) target_semaphore(%arg28 : memref<!tpu.dma_semaphore, #tpu.memory_space<semaphore_mem>>)
      %add3A_511 = arith.constant 39368 : i32
      %add3A_512 = arith.addi %mul3A_396, %add3A_511 : i32
      "tpu.region"() ({
        %run_scoped3A = tpu.sem_alloc : memref<!tpu.dma_semaphore, #tpu.memory_space<semaphore_mem>>
        %dma_start3A_683 = arith.constant 5624 : i32
        %dma_start3A_684 = tpu.memref_slice %arg27[%dma_start3A_683] : memref<11248xf32, #tpu.memory_space<vmem>> -> memref<5624xf32, #tpu.memory_space<vmem>>
        %dma_start3A_685 = tpu.memref_slice %arg13[%add3A_512] : memref<1440000xf32, #tpu.memory_space<vmem_shared>> -> memref<5624xf32, #tpu.memory_space<vmem_shared>>
        %dma_start3A_686 = arith.constant 5624 : i32
        %dma_start3A_687 = tpu.memref_slice %arg27[%dma_start3A_686] : memref<11248xf32, #tpu.memory_space<vmem>> -> memref<5624xf32, #tpu.memory_space<vmem>>
        %dma_start3A_688 = tpu.memref_slice %arg13[%add3A_512] : memref<1440000xf32, #tpu.memory_space<vmem_shared>> -> memref<5624xf32, #tpu.memory_space<vmem_shared>>
        tpu.enqueue_dma source(%dma_start3A_688 : memref<5624xf32, #tpu.memory_space<vmem_shared>>) target(%dma_start3A_687 : memref<5624xf32, #tpu.memory_space<vmem>>) target_semaphore(%run_scoped3A : memref<!tpu.dma_semaphore, #tpu.memory_space<semaphore_mem>>)
        %dma_wait3A_689 = arith.constant 5624 : i32
        %dma_wait3A_690 = tpu.memref_slice %arg27[%dma_wait3A_689] : memref<11248xf32, #tpu.memory_space<vmem>> -> memref<5624xf32, #tpu.memory_space<vmem>>
        %dma_wait3A_691 = tpu.memref_slice %arg13[%add3A_512] : memref<1440000xf32, #tpu.memory_space<vmem_shared>> -> memref<5624xf32, #tpu.memory_space<vmem_shared>>
        %dma_wait3A_692 = arith.constant 5624 : i32
        %dma_wait3A_693 = tpu.memref_slice %arg27[%dma_wait3A_692] : memref<11248xf32, #tpu.memory_space<vmem>> -> memref<5624xf32, #tpu.memory_space<vmem>>
        %dma_wait3A_694 = tpu.memref_slice %arg13[%add3A_512] : memref<1440000xf32, #tpu.memory_space<vmem_shared>> -> memref<5624xf32, #tpu.memory_space<vmem_shared>>
        tpu.wait_dma2 semaphore(%run_scoped3A : memref<!tpu.dma_semaphore, #tpu.memory_space<semaphore_mem>>) src(%dma_wait3A_694 : memref<5624xf32, #tpu.memory_space<vmem_shared>>) dst(%dma_wait3A_693 : memref<5624xf32, #tpu.memory_space<vmem>>)
        tpu.yield
      }) : () -> ()
      %add3A_513 = arith.constant 33744 : i32
      %add3A_514 = arith.addi %mul3A_396, %add3A_513 : i32
      %dma_wait3A_515 = arith.constant 0 : i32
      %dma_wait3A_516 = tpu.memref_slice %arg27[%dma_wait3A_515] : memref<11248xf32, #tpu.memory_space<vmem>> -> memref<5624xf32, #tpu.memory_space<vmem>>
      %dma_wait3A_517 = tpu.memref_slice %arg12[%add3A_514] : memref<1440000xf32, #tpu.memory_space<hbm>> -> memref<5624xf32, #tpu.memory_space<hbm>>
      %dma_wait3A_518 = tpu.memref_slice %arg12[%add3A_514] : memref<1440000xf32, #tpu.memory_space<hbm>> -> memref<5624xf32, #tpu.memory_space<hbm>>
      %dma_wait3A_519 = arith.constant 0 : i32
      %dma_wait3A_520 = tpu.memref_slice %arg27[%dma_wait3A_519] : memref<11248xf32, #tpu.memory_space<vmem>> -> memref<5624xf32, #tpu.memory_space<vmem>>
      tpu.wait_dma2 semaphore(%arg28 : memref<!tpu.dma_semaphore, #tpu.memory_space<semaphore_mem>>) src(%dma_wait3A_520 : memref<5624xf32, #tpu.memory_space<vmem>>) dst(%dma_wait3A_518 : memref<5624xf32, #tpu.memory_space<hbm>>)
      %add3A_521 = arith.constant 39368 : i32
      %add3A_522 = arith.addi %mul3A_396, %add3A_521 : i32
      %dma_start3A_523 = arith.constant 5624 : i32
      %dma_start3A_524 = tpu.memref_slice %arg27[%dma_start3A_523] : memref<11248xf32, #tpu.memory_space<vmem>> -> memref<5624xf32, #tpu.memory_space<vmem>>
      %dma_start3A_525 = tpu.memref_slice %arg12[%add3A_522] : memref<1440000xf32, #tpu.memory_space<hbm>> -> memref<5624xf32, #tpu.memory_space<hbm>>
      %dma_start3A_526 = tpu.memref_slice %arg12[%add3A_522] : memref<1440000xf32, #tpu.memory_space<hbm>> -> memref<5624xf32, #tpu.memory_space<hbm>>
      %dma_start3A_527 = arith.constant 5624 : i32
      %dma_start3A_528 = tpu.memref_slice %arg27[%dma_start3A_527] : memref<11248xf32, #tpu.memory_space<vmem>> -> memref<5624xf32, #tpu.memory_space<vmem>>
      tpu.enqueue_dma source(%dma_start3A_528 : memref<5624xf32, #tpu.memory_space<vmem>>) target(%dma_start3A_526 : memref<5624xf32, #tpu.memory_space<hbm>>) target_semaphore(%arg29 : memref<!tpu.dma_semaphore, #tpu.memory_space<semaphore_mem>>)
      %add3A_529 = arith.constant 44992 : i32
      %add3A_530 = arith.addi %mul3A_396, %add3A_529 : i32
      "tpu.region"() ({
        %run_scoped3A = tpu.sem_alloc : memref<!tpu.dma_semaphore, #tpu.memory_space<semaphore_mem>>
        %dma_start3A_683 = arith.constant 0 : i32
        %dma_start3A_684 = tpu.memref_slice %arg27[%dma_start3A_683] : memref<11248xf32, #tpu.memory_space<vmem>> -> memref<5624xf32, #tpu.memory_space<vmem>>
        %dma_start3A_685 = tpu.memref_slice %arg13[%add3A_530] : memref<1440000xf32, #tpu.memory_space<vmem_shared>> -> memref<5624xf32, #tpu.memory_space<vmem_shared>>
        %dma_start3A_686 = arith.constant 0 : i32
        %dma_start3A_687 = tpu.memref_slice %arg27[%dma_start3A_686] : memref<11248xf32, #tpu.memory_space<vmem>> -> memref<5624xf32, #tpu.memory_space<vmem>>
        %dma_start3A_688 = tpu.memref_slice %arg13[%add3A_530] : memref<1440000xf32, #tpu.memory_space<vmem_shared>> -> memref<5624xf32, #tpu.memory_space<vmem_shared>>
        tpu.enqueue_dma source(%dma_start3A_688 : memref<5624xf32, #tpu.memory_space<vmem_shared>>) target(%dma_start3A_687 : memref<5624xf32, #tpu.memory_space<vmem>>) target_semaphore(%run_scoped3A : memref<!tpu.dma_semaphore, #tpu.memory_space<semaphore_mem>>)
        %dma_wait3A_689 = arith.constant 0 : i32
        %dma_wait3A_690 = tpu.memref_slice %arg27[%dma_wait3A_689] : memref<11248xf32, #tpu.memory_space<vmem>> -> memref<5624xf32, #tpu.memory_space<vmem>>
        %dma_wait3A_691 = tpu.memref_slice %arg13[%add3A_530] : memref<1440000xf32, #tpu.memory_space<vmem_shared>> -> memref<5624xf32, #tpu.memory_space<vmem_shared>>
        %dma_wait3A_692 = arith.constant 0 : i32
        %dma_wait3A_693 = tpu.memref_slice %arg27[%dma_wait3A_692] : memref<11248xf32, #tpu.memory_space<vmem>> -> memref<5624xf32, #tpu.memory_space<vmem>>
        %dma_wait3A_694 = tpu.memref_slice %arg13[%add3A_530] : memref<1440000xf32, #tpu.memory_space<vmem_shared>> -> memref<5624xf32, #tpu.memory_space<vmem_shared>>
        tpu.wait_dma2 semaphore(%run_scoped3A : memref<!tpu.dma_semaphore, #tpu.memory_space<semaphore_mem>>) src(%dma_wait3A_694 : memref<5624xf32, #tpu.memory_space<vmem_shared>>) dst(%dma_wait3A_693 : memref<5624xf32, #tpu.memory_space<vmem>>)
        tpu.yield
      }) : () -> ()
      %add3A_531 = arith.constant 39368 : i32
      %add3A_532 = arith.addi %mul3A_396, %add3A_531 : i32
      %dma_wait3A_533 = arith.constant 5624 : i32
      %dma_wait3A_534 = tpu.memref_slice %arg27[%dma_wait3A_533] : memref<11248xf32, #tpu.memory_space<vmem>> -> memref<5624xf32, #tpu.memory_space<vmem>>
      %dma_wait3A_535 = tpu.memref_slice %arg12[%add3A_532] : memref<1440000xf32, #tpu.memory_space<hbm>> -> memref<5624xf32, #tpu.memory_space<hbm>>
      %dma_wait3A_536 = tpu.memref_slice %arg12[%add3A_532] : memref<1440000xf32, #tpu.memory_space<hbm>> -> memref<5624xf32, #tpu.memory_space<hbm>>
      %dma_wait3A_537 = arith.constant 5624 : i32
      %dma_wait3A_538 = tpu.memref_slice %arg27[%dma_wait3A_537] : memref<11248xf32, #tpu.memory_space<vmem>> -> memref<5624xf32, #tpu.memory_space<vmem>>
      tpu.wait_dma2 semaphore(%arg29 : memref<!tpu.dma_semaphore, #tpu.memory_space<semaphore_mem>>) src(%dma_wait3A_538 : memref<5624xf32, #tpu.memory_space<vmem>>) dst(%dma_wait3A_536 : memref<5624xf32, #tpu.memory_space<hbm>>)
      %add3A_539 = arith.constant 44992 : i32
      %add3A_540 = arith.addi %mul3A_396, %add3A_539 : i32
      %dma_start3A_541 = arith.constant 0 : i32
      %dma_start3A_542 = tpu.memref_slice %arg27[%dma_start3A_541] : memref<11248xf32, #tpu.memory_space<vmem>> -> memref<5624xf32, #tpu.memory_space<vmem>>
      %dma_start3A_543 = tpu.memref_slice %arg12[%add3A_540] : memref<1440000xf32, #tpu.memory_space<hbm>> -> memref<5624xf32, #tpu.memory_space<hbm>>
      %dma_start3A_544 = tpu.memref_slice %arg12[%add3A_540] : memref<1440000xf32, #tpu.memory_space<hbm>> -> memref<5624xf32, #tpu.memory_space<hbm>>
      %dma_start3A_545 = arith.constant 0 : i32
      %dma_start3A_546 = tpu.memref_slice %arg27[%dma_start3A_545] : memref<11248xf32, #tpu.memory_space<vmem>> -> memref<5624xf32, #tpu.memory_space<vmem>>
      tpu.enqueue_dma source(%dma_start3A_546 : memref<5624xf32, #tpu.memory_space<vmem>>) target(%dma_start3A_544 : memref<5624xf32, #tpu.memory_space<hbm>>) target_semaphore(%arg28 : memref<!tpu.dma_semaphore, #tpu.memory_space<semaphore_mem>>)
      %add3A_547 = arith.constant 50616 : i32
      %add3A_548 = arith.addi %mul3A_396, %add3A_547 : i32
      "tpu.region"() ({
        %run_scoped3A = tpu.sem_alloc : memref<!tpu.dma_semaphore, #tpu.memory_space<semaphore_mem>>
        %dma_start3A_683 = arith.constant 5624 : i32
        %dma_start3A_684 = tpu.memref_slice %arg27[%dma_start3A_683] : memref<11248xf32, #tpu.memory_space<vmem>> -> memref<5624xf32, #tpu.memory_space<vmem>>
        %dma_start3A_685 = tpu.memref_slice %arg13[%add3A_548] : memref<1440000xf32, #tpu.memory_space<vmem_shared>> -> memref<5624xf32, #tpu.memory_space<vmem_shared>>
        %dma_start3A_686 = arith.constant 5624 : i32
        %dma_start3A_687 = tpu.memref_slice %arg27[%dma_start3A_686] : memref<11248xf32, #tpu.memory_space<vmem>> -> memref<5624xf32, #tpu.memory_space<vmem>>
        %dma_start3A_688 = tpu.memref_slice %arg13[%add3A_548] : memref<1440000xf32, #tpu.memory_space<vmem_shared>> -> memref<5624xf32, #tpu.memory_space<vmem_shared>>
        tpu.enqueue_dma source(%dma_start3A_688 : memref<5624xf32, #tpu.memory_space<vmem_shared>>) target(%dma_start3A_687 : memref<5624xf32, #tpu.memory_space<vmem>>) target_semaphore(%run_scoped3A : memref<!tpu.dma_semaphore, #tpu.memory_space<semaphore_mem>>)
        %dma_wait3A_689 = arith.constant 5624 : i32
        %dma_wait3A_690 = tpu.memref_slice %arg27[%dma_wait3A_689] : memref<11248xf32, #tpu.memory_space<vmem>> -> memref<5624xf32, #tpu.memory_space<vmem>>
        %dma_wait3A_691 = tpu.memref_slice %arg13[%add3A_548] : memref<1440000xf32, #tpu.memory_space<vmem_shared>> -> memref<5624xf32, #tpu.memory_space<vmem_shared>>
        %dma_wait3A_692 = arith.constant 5624 : i32
        %dma_wait3A_693 = tpu.memref_slice %arg27[%dma_wait3A_692] : memref<11248xf32, #tpu.memory_space<vmem>> -> memref<5624xf32, #tpu.memory_space<vmem>>
        %dma_wait3A_694 = tpu.memref_slice %arg13[%add3A_548] : memref<1440000xf32, #tpu.memory_space<vmem_shared>> -> memref<5624xf32, #tpu.memory_space<vmem_shared>>
        tpu.wait_dma2 semaphore(%run_scoped3A : memref<!tpu.dma_semaphore, #tpu.memory_space<semaphore_mem>>) src(%dma_wait3A_694 : memref<5624xf32, #tpu.memory_space<vmem_shared>>) dst(%dma_wait3A_693 : memref<5624xf32, #tpu.memory_space<vmem>>)
        tpu.yield
      }) : () -> ()
      %add3A_549 = arith.constant 44992 : i32
      %add3A_550 = arith.addi %mul3A_396, %add3A_549 : i32
      %dma_wait3A_551 = arith.constant 0 : i32
      %dma_wait3A_552 = tpu.memref_slice %arg27[%dma_wait3A_551] : memref<11248xf32, #tpu.memory_space<vmem>> -> memref<5624xf32, #tpu.memory_space<vmem>>
      %dma_wait3A_553 = tpu.memref_slice %arg12[%add3A_550] : memref<1440000xf32, #tpu.memory_space<hbm>> -> memref<5624xf32, #tpu.memory_space<hbm>>
      %dma_wait3A_554 = tpu.memref_slice %arg12[%add3A_550] : memref<1440000xf32, #tpu.memory_space<hbm>> -> memref<5624xf32, #tpu.memory_space<hbm>>
      %dma_wait3A_555 = arith.constant 0 : i32
      %dma_wait3A_556 = tpu.memref_slice %arg27[%dma_wait3A_555] : memref<11248xf32, #tpu.memory_space<vmem>> -> memref<5624xf32, #tpu.memory_space<vmem>>
      tpu.wait_dma2 semaphore(%arg28 : memref<!tpu.dma_semaphore, #tpu.memory_space<semaphore_mem>>) src(%dma_wait3A_556 : memref<5624xf32, #tpu.memory_space<vmem>>) dst(%dma_wait3A_554 : memref<5624xf32, #tpu.memory_space<hbm>>)
      %add3A_557 = arith.constant 50616 : i32
      %add3A_558 = arith.addi %mul3A_396, %add3A_557 : i32
      %dma_start3A_559 = arith.constant 5624 : i32
      %dma_start3A_560 = tpu.memref_slice %arg27[%dma_start3A_559] : memref<11248xf32, #tpu.memory_space<vmem>> -> memref<5624xf32, #tpu.memory_space<vmem>>
      %dma_start3A_561 = tpu.memref_slice %arg12[%add3A_558] : memref<1440000xf32, #tpu.memory_space<hbm>> -> memref<5624xf32, #tpu.memory_space<hbm>>
      %dma_start3A_562 = tpu.memref_slice %arg12[%add3A_558] : memref<1440000xf32, #tpu.memory_space<hbm>> -> memref<5624xf32, #tpu.memory_space<hbm>>
      %dma_start3A_563 = arith.constant 5624 : i32
      %dma_start3A_564 = tpu.memref_slice %arg27[%dma_start3A_563] : memref<11248xf32, #tpu.memory_space<vmem>> -> memref<5624xf32, #tpu.memory_space<vmem>>
      tpu.enqueue_dma source(%dma_start3A_564 : memref<5624xf32, #tpu.memory_space<vmem>>) target(%dma_start3A_562 : memref<5624xf32, #tpu.memory_space<hbm>>) target_semaphore(%arg29 : memref<!tpu.dma_semaphore, #tpu.memory_space<semaphore_mem>>)
      %add3A_565 = arith.constant 56240 : i32
      %add3A_566 = arith.addi %mul3A_396, %add3A_565 : i32
      "tpu.region"() ({
        %run_scoped3A = tpu.sem_alloc : memref<!tpu.dma_semaphore, #tpu.memory_space<semaphore_mem>>
        %dma_start3A_683 = arith.constant 0 : i32
        %dma_start3A_684 = tpu.memref_slice %arg27[%dma_start3A_683] : memref<11248xf32, #tpu.memory_space<vmem>> -> memref<5624xf32, #tpu.memory_space<vmem>>
        %dma_start3A_685 = tpu.memref_slice %arg13[%add3A_566] : memref<1440000xf32, #tpu.memory_space<vmem_shared>> -> memref<5624xf32, #tpu.memory_space<vmem_shared>>
        %dma_start3A_686 = arith.constant 0 : i32
        %dma_start3A_687 = tpu.memref_slice %arg27[%dma_start3A_686] : memref<11248xf32, #tpu.memory_space<vmem>> -> memref<5624xf32, #tpu.memory_space<vmem>>
        %dma_start3A_688 = tpu.memref_slice %arg13[%add3A_566] : memref<1440000xf32, #tpu.memory_space<vmem_shared>> -> memref<5624xf32, #tpu.memory_space<vmem_shared>>
        tpu.enqueue_dma source(%dma_start3A_688 : memref<5624xf32, #tpu.memory_space<vmem_shared>>) target(%dma_start3A_687 : memref<5624xf32, #tpu.memory_space<vmem>>) target_semaphore(%run_scoped3A : memref<!tpu.dma_semaphore, #tpu.memory_space<semaphore_mem>>)
        %dma_wait3A_689 = arith.constant 0 : i32
        %dma_wait3A_690 = tpu.memref_slice %arg27[%dma_wait3A_689] : memref<11248xf32, #tpu.memory_space<vmem>> -> memref<5624xf32, #tpu.memory_space<vmem>>
        %dma_wait3A_691 = tpu.memref_slice %arg13[%add3A_566] : memref<1440000xf32, #tpu.memory_space<vmem_shared>> -> memref<5624xf32, #tpu.memory_space<vmem_shared>>
        %dma_wait3A_692 = arith.constant 0 : i32
        %dma_wait3A_693 = tpu.memref_slice %arg27[%dma_wait3A_692] : memref<11248xf32, #tpu.memory_space<vmem>> -> memref<5624xf32, #tpu.memory_space<vmem>>
        %dma_wait3A_694 = tpu.memref_slice %arg13[%add3A_566] : memref<1440000xf32, #tpu.memory_space<vmem_shared>> -> memref<5624xf32, #tpu.memory_space<vmem_shared>>
        tpu.wait_dma2 semaphore(%run_scoped3A : memref<!tpu.dma_semaphore, #tpu.memory_space<semaphore_mem>>) src(%dma_wait3A_694 : memref<5624xf32, #tpu.memory_space<vmem_shared>>) dst(%dma_wait3A_693 : memref<5624xf32, #tpu.memory_space<vmem>>)
        tpu.yield
      }) : () -> ()
      %add3A_567 = arith.constant 50616 : i32
      %add3A_568 = arith.addi %mul3A_396, %add3A_567 : i32
      %dma_wait3A_569 = arith.constant 5624 : i32
      %dma_wait3A_570 = tpu.memref_slice %arg27[%dma_wait3A_569] : memref<11248xf32, #tpu.memory_space<vmem>> -> memref<5624xf32, #tpu.memory_space<vmem>>
      %dma_wait3A_571 = tpu.memref_slice %arg12[%add3A_568] : memref<1440000xf32, #tpu.memory_space<hbm>> -> memref<5624xf32, #tpu.memory_space<hbm>>
      %dma_wait3A_572 = tpu.memref_slice %arg12[%add3A_568] : memref<1440000xf32, #tpu.memory_space<hbm>> -> memref<5624xf32, #tpu.memory_space<hbm>>
      %dma_wait3A_573 = arith.constant 5624 : i32
      %dma_wait3A_574 = tpu.memref_slice %arg27[%dma_wait3A_573] : memref<11248xf32, #tpu.memory_space<vmem>> -> memref<5624xf32, #tpu.memory_space<vmem>>
      tpu.wait_dma2 semaphore(%arg29 : memref<!tpu.dma_semaphore, #tpu.memory_space<semaphore_mem>>) src(%dma_wait3A_574 : memref<5624xf32, #tpu.memory_space<vmem>>) dst(%dma_wait3A_572 : memref<5624xf32, #tpu.memory_space<hbm>>)
      %add3A_575 = arith.constant 56240 : i32
      %add3A_576 = arith.addi %mul3A_396, %add3A_575 : i32
      %dma_start3A_577 = arith.constant 0 : i32
      %dma_start3A_578 = tpu.memref_slice %arg27[%dma_start3A_577] : memref<11248xf32, #tpu.memory_space<vmem>> -> memref<5624xf32, #tpu.memory_space<vmem>>
      %dma_start3A_579 = tpu.memref_slice %arg12[%add3A_576] : memref<1440000xf32, #tpu.memory_space<hbm>> -> memref<5624xf32, #tpu.memory_space<hbm>>
      %dma_start3A_580 = tpu.memref_slice %arg12[%add3A_576] : memref<1440000xf32, #tpu.memory_space<hbm>> -> memref<5624xf32, #tpu.memory_space<hbm>>
      %dma_start3A_581 = arith.constant 0 : i32
      %dma_start3A_582 = tpu.memref_slice %arg27[%dma_start3A_581] : memref<11248xf32, #tpu.memory_space<vmem>> -> memref<5624xf32, #tpu.memory_space<vmem>>
      tpu.enqueue_dma source(%dma_start3A_582 : memref<5624xf32, #tpu.memory_space<vmem>>) target(%dma_start3A_580 : memref<5624xf32, #tpu.memory_space<hbm>>) target_semaphore(%arg28 : memref<!tpu.dma_semaphore, #tpu.memory_space<semaphore_mem>>)
      %add3A_583 = arith.constant 61864 : i32
      %add3A_584 = arith.addi %mul3A_396, %add3A_583 : i32
      "tpu.region"() ({
        %run_scoped3A = tpu.sem_alloc : memref<!tpu.dma_semaphore, #tpu.memory_space<semaphore_mem>>
        %dma_start3A_683 = arith.constant 5624 : i32
        %dma_start3A_684 = tpu.memref_slice %arg27[%dma_start3A_683] : memref<11248xf32, #tpu.memory_space<vmem>> -> memref<5624xf32, #tpu.memory_space<vmem>>
        %dma_start3A_685 = tpu.memref_slice %arg13[%add3A_584] : memref<1440000xf32, #tpu.memory_space<vmem_shared>> -> memref<5624xf32, #tpu.memory_space<vmem_shared>>
        %dma_start3A_686 = arith.constant 5624 : i32
        %dma_start3A_687 = tpu.memref_slice %arg27[%dma_start3A_686] : memref<11248xf32, #tpu.memory_space<vmem>> -> memref<5624xf32, #tpu.memory_space<vmem>>
        %dma_start3A_688 = tpu.memref_slice %arg13[%add3A_584] : memref<1440000xf32, #tpu.memory_space<vmem_shared>> -> memref<5624xf32, #tpu.memory_space<vmem_shared>>
        tpu.enqueue_dma source(%dma_start3A_688 : memref<5624xf32, #tpu.memory_space<vmem_shared>>) target(%dma_start3A_687 : memref<5624xf32, #tpu.memory_space<vmem>>) target_semaphore(%run_scoped3A : memref<!tpu.dma_semaphore, #tpu.memory_space<semaphore_mem>>)
        %dma_wait3A_689 = arith.constant 5624 : i32
        %dma_wait3A_690 = tpu.memref_slice %arg27[%dma_wait3A_689] : memref<11248xf32, #tpu.memory_space<vmem>> -> memref<5624xf32, #tpu.memory_space<vmem>>
        %dma_wait3A_691 = tpu.memref_slice %arg13[%add3A_584] : memref<1440000xf32, #tpu.memory_space<vmem_shared>> -> memref<5624xf32, #tpu.memory_space<vmem_shared>>
        %dma_wait3A_692 = arith.constant 5624 : i32
        %dma_wait3A_693 = tpu.memref_slice %arg27[%dma_wait3A_692] : memref<11248xf32, #tpu.memory_space<vmem>> -> memref<5624xf32, #tpu.memory_space<vmem>>
        %dma_wait3A_694 = tpu.memref_slice %arg13[%add3A_584] : memref<1440000xf32, #tpu.memory_space<vmem_shared>> -> memref<5624xf32, #tpu.memory_space<vmem_shared>>
        tpu.wait_dma2 semaphore(%run_scoped3A : memref<!tpu.dma_semaphore, #tpu.memory_space<semaphore_mem>>) src(%dma_wait3A_694 : memref<5624xf32, #tpu.memory_space<vmem_shared>>) dst(%dma_wait3A_693 : memref<5624xf32, #tpu.memory_space<vmem>>)
        tpu.yield
      }) : () -> ()
      %add3A_585 = arith.constant 56240 : i32
      %add3A_586 = arith.addi %mul3A_396, %add3A_585 : i32
      %dma_wait3A_587 = arith.constant 0 : i32
      %dma_wait3A_588 = tpu.memref_slice %arg27[%dma_wait3A_587] : memref<11248xf32, #tpu.memory_space<vmem>> -> memref<5624xf32, #tpu.memory_space<vmem>>
      %dma_wait3A_589 = tpu.memref_slice %arg12[%add3A_586] : memref<1440000xf32, #tpu.memory_space<hbm>> -> memref<5624xf32, #tpu.memory_space<hbm>>
      %dma_wait3A_590 = tpu.memref_slice %arg12[%add3A_586] : memref<1440000xf32, #tpu.memory_space<hbm>> -> memref<5624xf32, #tpu.memory_space<hbm>>
      %dma_wait3A_591 = arith.constant 0 : i32
      %dma_wait3A_592 = tpu.memref_slice %arg27[%dma_wait3A_591] : memref<11248xf32, #tpu.memory_space<vmem>> -> memref<5624xf32, #tpu.memory_space<vmem>>
      tpu.wait_dma2 semaphore(%arg28 : memref<!tpu.dma_semaphore, #tpu.memory_space<semaphore_mem>>) src(%dma_wait3A_592 : memref<5624xf32, #tpu.memory_space<vmem>>) dst(%dma_wait3A_590 : memref<5624xf32, #tpu.memory_space<hbm>>)
      %add3A_593 = arith.constant 61864 : i32
      %add3A_594 = arith.addi %mul3A_396, %add3A_593 : i32
      %dma_start3A_595 = arith.constant 5624 : i32
      %dma_start3A_596 = tpu.memref_slice %arg27[%dma_start3A_595] : memref<11248xf32, #tpu.memory_space<vmem>> -> memref<5624xf32, #tpu.memory_space<vmem>>
      %dma_start3A_597 = tpu.memref_slice %arg12[%add3A_594] : memref<1440000xf32, #tpu.memory_space<hbm>> -> memref<5624xf32, #tpu.memory_space<hbm>>
      %dma_start3A_598 = tpu.memref_slice %arg12[%add3A_594] : memref<1440000xf32, #tpu.memory_space<hbm>> -> memref<5624xf32, #tpu.memory_space<hbm>>
      %dma_start3A_599 = arith.constant 5624 : i32
      %dma_start3A_600 = tpu.memref_slice %arg27[%dma_start3A_599] : memref<11248xf32, #tpu.memory_space<vmem>> -> memref<5624xf32, #tpu.memory_space<vmem>>
      tpu.enqueue_dma source(%dma_start3A_600 : memref<5624xf32, #tpu.memory_space<vmem>>) target(%dma_start3A_598 : memref<5624xf32, #tpu.memory_space<hbm>>) target_semaphore(%arg29 : memref<!tpu.dma_semaphore, #tpu.memory_space<semaphore_mem>>)
      %add3A_601 = arith.constant 67488 : i32
      %add3A_602 = arith.addi %mul3A_396, %add3A_601 : i32
      "tpu.region"() ({
        %run_scoped3A = tpu.sem_alloc : memref<!tpu.dma_semaphore, #tpu.memory_space<semaphore_mem>>
        %dma_start3A_683 = arith.constant 0 : i32
        %dma_start3A_684 = tpu.memref_slice %arg27[%dma_start3A_683] : memref<11248xf32, #tpu.memory_space<vmem>> -> memref<5624xf32, #tpu.memory_space<vmem>>
        %dma_start3A_685 = tpu.memref_slice %arg13[%add3A_602] : memref<1440000xf32, #tpu.memory_space<vmem_shared>> -> memref<5624xf32, #tpu.memory_space<vmem_shared>>
        %dma_start3A_686 = arith.constant 0 : i32
        %dma_start3A_687 = tpu.memref_slice %arg27[%dma_start3A_686] : memref<11248xf32, #tpu.memory_space<vmem>> -> memref<5624xf32, #tpu.memory_space<vmem>>
        %dma_start3A_688 = tpu.memref_slice %arg13[%add3A_602] : memref<1440000xf32, #tpu.memory_space<vmem_shared>> -> memref<5624xf32, #tpu.memory_space<vmem_shared>>
        tpu.enqueue_dma source(%dma_start3A_688 : memref<5624xf32, #tpu.memory_space<vmem_shared>>) target(%dma_start3A_687 : memref<5624xf32, #tpu.memory_space<vmem>>) target_semaphore(%run_scoped3A : memref<!tpu.dma_semaphore, #tpu.memory_space<semaphore_mem>>)
        %dma_wait3A_689 = arith.constant 0 : i32
        %dma_wait3A_690 = tpu.memref_slice %arg27[%dma_wait3A_689] : memref<11248xf32, #tpu.memory_space<vmem>> -> memref<5624xf32, #tpu.memory_space<vmem>>
        %dma_wait3A_691 = tpu.memref_slice %arg13[%add3A_602] : memref<1440000xf32, #tpu.memory_space<vmem_shared>> -> memref<5624xf32, #tpu.memory_space<vmem_shared>>
        %dma_wait3A_692 = arith.constant 0 : i32
        %dma_wait3A_693 = tpu.memref_slice %arg27[%dma_wait3A_692] : memref<11248xf32, #tpu.memory_space<vmem>> -> memref<5624xf32, #tpu.memory_space<vmem>>
        %dma_wait3A_694 = tpu.memref_slice %arg13[%add3A_602] : memref<1440000xf32, #tpu.memory_space<vmem_shared>> -> memref<5624xf32, #tpu.memory_space<vmem_shared>>
        tpu.wait_dma2 semaphore(%run_scoped3A : memref<!tpu.dma_semaphore, #tpu.memory_space<semaphore_mem>>) src(%dma_wait3A_694 : memref<5624xf32, #tpu.memory_space<vmem_shared>>) dst(%dma_wait3A_693 : memref<5624xf32, #tpu.memory_space<vmem>>)
        tpu.yield
      }) : () -> ()
      %add3A_603 = arith.constant 61864 : i32
      %add3A_604 = arith.addi %mul3A_396, %add3A_603 : i32
      %dma_wait3A_605 = arith.constant 5624 : i32
      %dma_wait3A_606 = tpu.memref_slice %arg27[%dma_wait3A_605] : memref<11248xf32, #tpu.memory_space<vmem>> -> memref<5624xf32, #tpu.memory_space<vmem>>
      %dma_wait3A_607 = tpu.memref_slice %arg12[%add3A_604] : memref<1440000xf32, #tpu.memory_space<hbm>> -> memref<5624xf32, #tpu.memory_space<hbm>>
      %dma_wait3A_608 = tpu.memref_slice %arg12[%add3A_604] : memref<1440000xf32, #tpu.memory_space<hbm>> -> memref<5624xf32, #tpu.memory_space<hbm>>
      %dma_wait3A_609 = arith.constant 5624 : i32
      %dma_wait3A_610 = tpu.memref_slice %arg27[%dma_wait3A_609] : memref<11248xf32, #tpu.memory_space<vmem>> -> memref<5624xf32, #tpu.memory_space<vmem>>
      tpu.wait_dma2 semaphore(%arg29 : memref<!tpu.dma_semaphore, #tpu.memory_space<semaphore_mem>>) src(%dma_wait3A_610 : memref<5624xf32, #tpu.memory_space<vmem>>) dst(%dma_wait3A_608 : memref<5624xf32, #tpu.memory_space<hbm>>)
      %add3A_611 = arith.constant 67488 : i32
      %add3A_612 = arith.addi %mul3A_396, %add3A_611 : i32
      %dma_start3A_613 = arith.constant 0 : i32
      %dma_start3A_614 = tpu.memref_slice %arg27[%dma_start3A_613] : memref<11248xf32, #tpu.memory_space<vmem>> -> memref<5624xf32, #tpu.memory_space<vmem>>
      %dma_start3A_615 = tpu.memref_slice %arg12[%add3A_612] : memref<1440000xf32, #tpu.memory_space<hbm>> -> memref<5624xf32, #tpu.memory_space<hbm>>
      %dma_start3A_616 = tpu.memref_slice %arg12[%add3A_612] : memref<1440000xf32, #tpu.memory_space<hbm>> -> memref<5624xf32, #tpu.memory_space<hbm>>
      %dma_start3A_617 = arith.constant 0 : i32
      %dma_start3A_618 = tpu.memref_slice %arg27[%dma_start3A_617] : memref<11248xf32, #tpu.memory_space<vmem>> -> memref<5624xf32, #tpu.memory_space<vmem>>
      tpu.enqueue_dma source(%dma_start3A_618 : memref<5624xf32, #tpu.memory_space<vmem>>) target(%dma_start3A_616 : memref<5624xf32, #tpu.memory_space<hbm>>) target_semaphore(%arg28 : memref<!tpu.dma_semaphore, #tpu.memory_space<semaphore_mem>>)
      %add3A_619 = arith.constant 73112 : i32
      %add3A_620 = arith.addi %mul3A_396, %add3A_619 : i32
      "tpu.region"() ({
        %run_scoped3A = tpu.sem_alloc : memref<!tpu.dma_semaphore, #tpu.memory_space<semaphore_mem>>
        %dma_start3A_683 = arith.constant 5624 : i32
        %dma_start3A_684 = tpu.memref_slice %arg27[%dma_start3A_683] : memref<11248xf32, #tpu.memory_space<vmem>> -> memref<5624xf32, #tpu.memory_space<vmem>>
        %dma_start3A_685 = tpu.memref_slice %arg13[%add3A_620] : memref<1440000xf32, #tpu.memory_space<vmem_shared>> -> memref<5624xf32, #tpu.memory_space<vmem_shared>>
        %dma_start3A_686 = arith.constant 5624 : i32
        %dma_start3A_687 = tpu.memref_slice %arg27[%dma_start3A_686] : memref<11248xf32, #tpu.memory_space<vmem>> -> memref<5624xf32, #tpu.memory_space<vmem>>
        %dma_start3A_688 = tpu.memref_slice %arg13[%add3A_620] : memref<1440000xf32, #tpu.memory_space<vmem_shared>> -> memref<5624xf32, #tpu.memory_space<vmem_shared>>
        tpu.enqueue_dma source(%dma_start3A_688 : memref<5624xf32, #tpu.memory_space<vmem_shared>>) target(%dma_start3A_687 : memref<5624xf32, #tpu.memory_space<vmem>>) target_semaphore(%run_scoped3A : memref<!tpu.dma_semaphore, #tpu.memory_space<semaphore_mem>>)
        %dma_wait3A_689 = arith.constant 5624 : i32
        %dma_wait3A_690 = tpu.memref_slice %arg27[%dma_wait3A_689] : memref<11248xf32, #tpu.memory_space<vmem>> -> memref<5624xf32, #tpu.memory_space<vmem>>
        %dma_wait3A_691 = tpu.memref_slice %arg13[%add3A_620] : memref<1440000xf32, #tpu.memory_space<vmem_shared>> -> memref<5624xf32, #tpu.memory_space<vmem_shared>>
        %dma_wait3A_692 = arith.constant 5624 : i32
        %dma_wait3A_693 = tpu.memref_slice %arg27[%dma_wait3A_692] : memref<11248xf32, #tpu.memory_space<vmem>> -> memref<5624xf32, #tpu.memory_space<vmem>>
        %dma_wait3A_694 = tpu.memref_slice %arg13[%add3A_620] : memref<1440000xf32, #tpu.memory_space<vmem_shared>> -> memref<5624xf32, #tpu.memory_space<vmem_shared>>
        tpu.wait_dma2 semaphore(%run_scoped3A : memref<!tpu.dma_semaphore, #tpu.memory_space<semaphore_mem>>) src(%dma_wait3A_694 : memref<5624xf32, #tpu.memory_space<vmem_shared>>) dst(%dma_wait3A_693 : memref<5624xf32, #tpu.memory_space<vmem>>)
        tpu.yield
      }) : () -> ()
      %add3A_621 = arith.constant 67488 : i32
      %add3A_622 = arith.addi %mul3A_396, %add3A_621 : i32
      %dma_wait3A_623 = arith.constant 0 : i32
      %dma_wait3A_624 = tpu.memref_slice %arg27[%dma_wait3A_623] : memref<11248xf32, #tpu.memory_space<vmem>> -> memref<5624xf32, #tpu.memory_space<vmem>>
      %dma_wait3A_625 = tpu.memref_slice %arg12[%add3A_622] : memref<1440000xf32, #tpu.memory_space<hbm>> -> memref<5624xf32, #tpu.memory_space<hbm>>
      %dma_wait3A_626 = tpu.memref_slice %arg12[%add3A_622] : memref<1440000xf32, #tpu.memory_space<hbm>> -> memref<5624xf32, #tpu.memory_space<hbm>>
      %dma_wait3A_627 = arith.constant 0 : i32
      %dma_wait3A_628 = tpu.memref_slice %arg27[%dma_wait3A_627] : memref<11248xf32, #tpu.memory_space<vmem>> -> memref<5624xf32, #tpu.memory_space<vmem>>
      tpu.wait_dma2 semaphore(%arg28 : memref<!tpu.dma_semaphore, #tpu.memory_space<semaphore_mem>>) src(%dma_wait3A_628 : memref<5624xf32, #tpu.memory_space<vmem>>) dst(%dma_wait3A_626 : memref<5624xf32, #tpu.memory_space<hbm>>)
      %add3A_629 = arith.constant 73112 : i32
      %add3A_630 = arith.addi %mul3A_396, %add3A_629 : i32
      %dma_start3A_631 = arith.constant 5624 : i32
      %dma_start3A_632 = tpu.memref_slice %arg27[%dma_start3A_631] : memref<11248xf32, #tpu.memory_space<vmem>> -> memref<5624xf32, #tpu.memory_space<vmem>>
      %dma_start3A_633 = tpu.memref_slice %arg12[%add3A_630] : memref<1440000xf32, #tpu.memory_space<hbm>> -> memref<5624xf32, #tpu.memory_space<hbm>>
      %dma_start3A_634 = tpu.memref_slice %arg12[%add3A_630] : memref<1440000xf32, #tpu.memory_space<hbm>> -> memref<5624xf32, #tpu.memory_space<hbm>>
      %dma_start3A_635 = arith.constant 5624 : i32
      %dma_start3A_636 = tpu.memref_slice %arg27[%dma_start3A_635] : memref<11248xf32, #tpu.memory_space<vmem>> -> memref<5624xf32, #tpu.memory_space<vmem>>
      tpu.enqueue_dma source(%dma_start3A_636 : memref<5624xf32, #tpu.memory_space<vmem>>) target(%dma_start3A_634 : memref<5624xf32, #tpu.memory_space<hbm>>) target_semaphore(%arg29 : memref<!tpu.dma_semaphore, #tpu.memory_space<semaphore_mem>>)
      %add3A_637 = arith.constant 78736 : i32
      %add3A_638 = arith.addi %mul3A_396, %add3A_637 : i32
      "tpu.region"() ({
        %run_scoped3A = tpu.sem_alloc : memref<!tpu.dma_semaphore, #tpu.memory_space<semaphore_mem>>
        %dma_start3A_683 = arith.constant 0 : i32
        %dma_start3A_684 = tpu.memref_slice %arg27[%dma_start3A_683] : memref<11248xf32, #tpu.memory_space<vmem>> -> memref<5624xf32, #tpu.memory_space<vmem>>
        %dma_start3A_685 = tpu.memref_slice %arg13[%add3A_638] : memref<1440000xf32, #tpu.memory_space<vmem_shared>> -> memref<5624xf32, #tpu.memory_space<vmem_shared>>
        %dma_start3A_686 = arith.constant 0 : i32
        %dma_start3A_687 = tpu.memref_slice %arg27[%dma_start3A_686] : memref<11248xf32, #tpu.memory_space<vmem>> -> memref<5624xf32, #tpu.memory_space<vmem>>
        %dma_start3A_688 = tpu.memref_slice %arg13[%add3A_638] : memref<1440000xf32, #tpu.memory_space<vmem_shared>> -> memref<5624xf32, #tpu.memory_space<vmem_shared>>
        tpu.enqueue_dma source(%dma_start3A_688 : memref<5624xf32, #tpu.memory_space<vmem_shared>>) target(%dma_start3A_687 : memref<5624xf32, #tpu.memory_space<vmem>>) target_semaphore(%run_scoped3A : memref<!tpu.dma_semaphore, #tpu.memory_space<semaphore_mem>>)
        %dma_wait3A_689 = arith.constant 0 : i32
        %dma_wait3A_690 = tpu.memref_slice %arg27[%dma_wait3A_689] : memref<11248xf32, #tpu.memory_space<vmem>> -> memref<5624xf32, #tpu.memory_space<vmem>>
        %dma_wait3A_691 = tpu.memref_slice %arg13[%add3A_638] : memref<1440000xf32, #tpu.memory_space<vmem_shared>> -> memref<5624xf32, #tpu.memory_space<vmem_shared>>
        %dma_wait3A_692 = arith.constant 0 : i32
        %dma_wait3A_693 = tpu.memref_slice %arg27[%dma_wait3A_692] : memref<11248xf32, #tpu.memory_space<vmem>> -> memref<5624xf32, #tpu.memory_space<vmem>>
        %dma_wait3A_694 = tpu.memref_slice %arg13[%add3A_638] : memref<1440000xf32, #tpu.memory_space<vmem_shared>> -> memref<5624xf32, #tpu.memory_space<vmem_shared>>
        tpu.wait_dma2 semaphore(%run_scoped3A : memref<!tpu.dma_semaphore, #tpu.memory_space<semaphore_mem>>) src(%dma_wait3A_694 : memref<5624xf32, #tpu.memory_space<vmem_shared>>) dst(%dma_wait3A_693 : memref<5624xf32, #tpu.memory_space<vmem>>)
        tpu.yield
      }) : () -> ()
      %add3A_639 = arith.constant 73112 : i32
      %add3A_640 = arith.addi %mul3A_396, %add3A_639 : i32
      %dma_wait3A_641 = arith.constant 5624 : i32
      %dma_wait3A_642 = tpu.memref_slice %arg27[%dma_wait3A_641] : memref<11248xf32, #tpu.memory_space<vmem>> -> memref<5624xf32, #tpu.memory_space<vmem>>
      %dma_wait3A_643 = tpu.memref_slice %arg12[%add3A_640] : memref<1440000xf32, #tpu.memory_space<hbm>> -> memref<5624xf32, #tpu.memory_space<hbm>>
      %dma_wait3A_644 = tpu.memref_slice %arg12[%add3A_640] : memref<1440000xf32, #tpu.memory_space<hbm>> -> memref<5624xf32, #tpu.memory_space<hbm>>
      %dma_wait3A_645 = arith.constant 5624 : i32
      %dma_wait3A_646 = tpu.memref_slice %arg27[%dma_wait3A_645] : memref<11248xf32, #tpu.memory_space<vmem>> -> memref<5624xf32, #tpu.memory_space<vmem>>
      tpu.wait_dma2 semaphore(%arg29 : memref<!tpu.dma_semaphore, #tpu.memory_space<semaphore_mem>>) src(%dma_wait3A_646 : memref<5624xf32, #tpu.memory_space<vmem>>) dst(%dma_wait3A_644 : memref<5624xf32, #tpu.memory_space<hbm>>)
      %add3A_647 = arith.constant 78736 : i32
      %add3A_648 = arith.addi %mul3A_396, %add3A_647 : i32
      %dma_start3A_649 = arith.constant 0 : i32
      %dma_start3A_650 = tpu.memref_slice %arg27[%dma_start3A_649] : memref<11248xf32, #tpu.memory_space<vmem>> -> memref<5624xf32, #tpu.memory_space<vmem>>
      %dma_start3A_651 = tpu.memref_slice %arg12[%add3A_648] : memref<1440000xf32, #tpu.memory_space<hbm>> -> memref<5624xf32, #tpu.memory_space<hbm>>
      %dma_start3A_652 = tpu.memref_slice %arg12[%add3A_648] : memref<1440000xf32, #tpu.memory_space<hbm>> -> memref<5624xf32, #tpu.memory_space<hbm>>
      %dma_start3A_653 = arith.constant 0 : i32
      %dma_start3A_654 = tpu.memref_slice %arg27[%dma_start3A_653] : memref<11248xf32, #tpu.memory_space<vmem>> -> memref<5624xf32, #tpu.memory_space<vmem>>
      tpu.enqueue_dma source(%dma_start3A_654 : memref<5624xf32, #tpu.memory_space<vmem>>) target(%dma_start3A_652 : memref<5624xf32, #tpu.memory_space<hbm>>) target_semaphore(%arg28 : memref<!tpu.dma_semaphore, #tpu.memory_space<semaphore_mem>>)
      %add3A_655 = arith.constant 84360 : i32
      %add3A_656 = arith.addi %mul3A_396, %add3A_655 : i32
      "tpu.region"() ({
        %run_scoped3A = tpu.sem_alloc : memref<!tpu.dma_semaphore, #tpu.memory_space<semaphore_mem>>
        %dma_start3A_683 = arith.constant 5624 : i32
        %dma_start3A_684 = tpu.memref_slice %arg27[%dma_start3A_683] : memref<11248xf32, #tpu.memory_space<vmem>> -> memref<5624xf32, #tpu.memory_space<vmem>>
        %dma_start3A_685 = tpu.memref_slice %arg13[%add3A_656] : memref<1440000xf32, #tpu.memory_space<vmem_shared>> -> memref<5624xf32, #tpu.memory_space<vmem_shared>>
        %dma_start3A_686 = arith.constant 5624 : i32
        %dma_start3A_687 = tpu.memref_slice %arg27[%dma_start3A_686] : memref<11248xf32, #tpu.memory_space<vmem>> -> memref<5624xf32, #tpu.memory_space<vmem>>
        %dma_start3A_688 = tpu.memref_slice %arg13[%add3A_656] : memref<1440000xf32, #tpu.memory_space<vmem_shared>> -> memref<5624xf32, #tpu.memory_space<vmem_shared>>
        tpu.enqueue_dma source(%dma_start3A_688 : memref<5624xf32, #tpu.memory_space<vmem_shared>>) target(%dma_start3A_687 : memref<5624xf32, #tpu.memory_space<vmem>>) target_semaphore(%run_scoped3A : memref<!tpu.dma_semaphore, #tpu.memory_space<semaphore_mem>>)
        %dma_wait3A_689 = arith.constant 5624 : i32
        %dma_wait3A_690 = tpu.memref_slice %arg27[%dma_wait3A_689] : memref<11248xf32, #tpu.memory_space<vmem>> -> memref<5624xf32, #tpu.memory_space<vmem>>
        %dma_wait3A_691 = tpu.memref_slice %arg13[%add3A_656] : memref<1440000xf32, #tpu.memory_space<vmem_shared>> -> memref<5624xf32, #tpu.memory_space<vmem_shared>>
        %dma_wait3A_692 = arith.constant 5624 : i32
        %dma_wait3A_693 = tpu.memref_slice %arg27[%dma_wait3A_692] : memref<11248xf32, #tpu.memory_space<vmem>> -> memref<5624xf32, #tpu.memory_space<vmem>>
        %dma_wait3A_694 = tpu.memref_slice %arg13[%add3A_656] : memref<1440000xf32, #tpu.memory_space<vmem_shared>> -> memref<5624xf32, #tpu.memory_space<vmem_shared>>
        tpu.wait_dma2 semaphore(%run_scoped3A : memref<!tpu.dma_semaphore, #tpu.memory_space<semaphore_mem>>) src(%dma_wait3A_694 : memref<5624xf32, #tpu.memory_space<vmem_shared>>) dst(%dma_wait3A_693 : memref<5624xf32, #tpu.memory_space<vmem>>)
        tpu.yield
      }) : () -> ()
      %add3A_657 = arith.constant 78736 : i32
      %add3A_658 = arith.addi %mul3A_396, %add3A_657 : i32
      %dma_wait3A_659 = arith.constant 0 : i32
      %dma_wait3A_660 = tpu.memref_slice %arg27[%dma_wait3A_659] : memref<11248xf32, #tpu.memory_space<vmem>> -> memref<5624xf32, #tpu.memory_space<vmem>>
      %dma_wait3A_661 = tpu.memref_slice %arg12[%add3A_658] : memref<1440000xf32, #tpu.memory_space<hbm>> -> memref<5624xf32, #tpu.memory_space<hbm>>
      %dma_wait3A_662 = tpu.memref_slice %arg12[%add3A_658] : memref<1440000xf32, #tpu.memory_space<hbm>> -> memref<5624xf32, #tpu.memory_space<hbm>>
      %dma_wait3A_663 = arith.constant 0 : i32
      %dma_wait3A_664 = tpu.memref_slice %arg27[%dma_wait3A_663] : memref<11248xf32, #tpu.memory_space<vmem>> -> memref<5624xf32, #tpu.memory_space<vmem>>
      tpu.wait_dma2 semaphore(%arg28 : memref<!tpu.dma_semaphore, #tpu.memory_space<semaphore_mem>>) src(%dma_wait3A_664 : memref<5624xf32, #tpu.memory_space<vmem>>) dst(%dma_wait3A_662 : memref<5624xf32, #tpu.memory_space<hbm>>)
      %add3A_665 = arith.constant 84360 : i32
      %add3A_666 = arith.addi %mul3A_396, %add3A_665 : i32
      %dma_start3A_667 = arith.constant 5624 : i32
      %dma_start3A_668 = tpu.memref_slice %arg27[%dma_start3A_667] : memref<11248xf32, #tpu.memory_space<vmem>> -> memref<5624xf32, #tpu.memory_space<vmem>>
      %dma_start3A_669 = tpu.memref_slice %arg12[%add3A_666] : memref<1440000xf32, #tpu.memory_space<hbm>> -> memref<5624xf32, #tpu.memory_space<hbm>>
      %dma_start3A_670 = tpu.memref_slice %arg12[%add3A_666] : memref<1440000xf32, #tpu.memory_space<hbm>> -> memref<5624xf32, #tpu.memory_space<hbm>>
      %dma_start3A_671 = arith.constant 5624 : i32
      %dma_start3A_672 = tpu.memref_slice %arg27[%dma_start3A_671] : memref<11248xf32, #tpu.memory_space<vmem>> -> memref<5624xf32, #tpu.memory_space<vmem>>
      tpu.enqueue_dma source(%dma_start3A_672 : memref<5624xf32, #tpu.memory_space<vmem>>) target(%dma_start3A_670 : memref<5624xf32, #tpu.memory_space<hbm>>) target_semaphore(%arg29 : memref<!tpu.dma_semaphore, #tpu.memory_space<semaphore_mem>>)
      %add3A_673 = arith.constant 84360 : i32
      %add3A_674 = arith.addi %mul3A_396, %add3A_673 : i32
      %dma_wait3A_675 = arith.constant 5624 : i32
      %dma_wait3A_676 = tpu.memref_slice %arg27[%dma_wait3A_675] : memref<11248xf32, #tpu.memory_space<vmem>> -> memref<5624xf32, #tpu.memory_space<vmem>>
      %dma_wait3A_677 = tpu.memref_slice %arg12[%add3A_674] : memref<1440000xf32, #tpu.memory_space<hbm>> -> memref<5624xf32, #tpu.memory_space<hbm>>
      %dma_wait3A_678 = tpu.memref_slice %arg12[%add3A_674] : memref<1440000xf32, #tpu.memory_space<hbm>> -> memref<5624xf32, #tpu.memory_space<hbm>>
      %dma_wait3A_679 = arith.constant 5624 : i32
      %dma_wait3A_680 = tpu.memref_slice %arg27[%dma_wait3A_679] : memref<11248xf32, #tpu.memory_space<vmem>> -> memref<5624xf32, #tpu.memory_space<vmem>>
      tpu.wait_dma2 semaphore(%arg29 : memref<!tpu.dma_semaphore, #tpu.memory_space<semaphore_mem>>) src(%dma_wait3A_680 : memref<5624xf32, #tpu.memory_space<vmem>>) dst(%dma_wait3A_678 : memref<5624xf32, #tpu.memory_space<hbm>>)
      %add3A_681 = arith.constant 89984 : i32
      %add3A_682 = arith.addi %mul3A_396, %add3A_681 : i32
      "tpu.region"() ({
        %run_scoped3A = tpu.sem_alloc : memref<!tpu.dma_semaphore, #tpu.memory_space<semaphore_mem>>
        %dma_start3A_683 = arith.constant 0 : i32
        %dma_start3A_684 = tpu.memref_slice %arg27[%dma_start3A_683] : memref<11248xf32, #tpu.memory_space<vmem>> -> memref<16xf32, #tpu.memory_space<vmem>>
        %dma_start3A_685 = tpu.memref_slice %arg13[%add3A_682] : memref<1440000xf32, #tpu.memory_space<vmem_shared>> -> memref<16xf32, #tpu.memory_space<vmem_shared>>
        %dma_start3A_686 = arith.constant 0 : i32
        %dma_start3A_687 = tpu.memref_slice %arg27[%dma_start3A_686] : memref<11248xf32, #tpu.memory_space<vmem>> -> memref<16xf32, #tpu.memory_space<vmem>>
        %dma_start3A_688 = tpu.memref_slice %arg13[%add3A_682] : memref<1440000xf32, #tpu.memory_space<vmem_shared>> -> memref<16xf32, #tpu.memory_space<vmem_shared>>
        tpu.enqueue_dma source(%dma_start3A_688 : memref<16xf32, #tpu.memory_space<vmem_shared>>) target(%dma_start3A_687 : memref<16xf32, #tpu.memory_space<vmem>>) target_semaphore(%run_scoped3A : memref<!tpu.dma_semaphore, #tpu.memory_space<semaphore_mem>>)
        %dma_wait3A_689 = arith.constant 0 : i32
        %dma_wait3A_690 = tpu.memref_slice %arg27[%dma_wait3A_689] : memref<11248xf32, #tpu.memory_space<vmem>> -> memref<16xf32, #tpu.memory_space<vmem>>
        %dma_wait3A_691 = tpu.memref_slice %arg13[%add3A_682] : memref<1440000xf32, #tpu.memory_space<vmem_shared>> -> memref<16xf32, #tpu.memory_space<vmem_shared>>
        %dma_wait3A_692 = arith.constant 0 : i32
        %dma_wait3A_693 = tpu.memref_slice %arg27[%dma_wait3A_692] : memref<11248xf32, #tpu.memory_space<vmem>> -> memref<16xf32, #tpu.memory_space<vmem>>
        %dma_wait3A_694 = tpu.memref_slice %arg13[%add3A_682] : memref<1440000xf32, #tpu.memory_space<vmem_shared>> -> memref<16xf32, #tpu.memory_space<vmem_shared>>
        tpu.wait_dma2 semaphore(%run_scoped3A : memref<!tpu.dma_semaphore, #tpu.memory_space<semaphore_mem>>) src(%dma_wait3A_694 : memref<16xf32, #tpu.memory_space<vmem_shared>>) dst(%dma_wait3A_693 : memref<16xf32, #tpu.memory_space<vmem>>)
        tpu.yield
      }) : () -> ()
      "tpu.region"() ({
        %run_scoped3A = tpu.sem_alloc : memref<!tpu.dma_semaphore, #tpu.memory_space<semaphore_mem>>
        %dma_start3A_683 = arith.constant 0 : i32
        %dma_start3A_684 = tpu.memref_slice %arg27[%dma_start3A_683] : memref<11248xf32, #tpu.memory_space<vmem>> -> memref<16xf32, #tpu.memory_space<vmem>>
        %dma_start3A_685 = tpu.memref_slice %arg12[%add3A_682] : memref<1440000xf32, #tpu.memory_space<hbm>> -> memref<16xf32, #tpu.memory_space<hbm>>
        %dma_start3A_686 = tpu.memref_slice %arg12[%add3A_682] : memref<1440000xf32, #tpu.memory_space<hbm>> -> memref<16xf32, #tpu.memory_space<hbm>>
        %dma_start3A_687 = arith.constant 0 : i32
        %dma_start3A_688 = tpu.memref_slice %arg27[%dma_start3A_687] : memref<11248xf32, #tpu.memory_space<vmem>> -> memref<16xf32, #tpu.memory_space<vmem>>
        tpu.enqueue_dma source(%dma_start3A_688 : memref<16xf32, #tpu.memory_space<vmem>>) target(%dma_start3A_686 : memref<16xf32, #tpu.memory_space<hbm>>) target_semaphore(%run_scoped3A : memref<!tpu.dma_semaphore, #tpu.memory_space<semaphore_mem>>)
        %dma_wait3A_689 = arith.constant 0 : i32
        %dma_wait3A_690 = tpu.memref_slice %arg27[%dma_wait3A_689] : memref<11248xf32, #tpu.memory_space<vmem>> -> memref<16xf32, #tpu.memory_space<vmem>>
        %dma_wait3A_691 = tpu.memref_slice %arg12[%add3A_682] : memref<1440000xf32, #tpu.memory_space<hbm>> -> memref<16xf32, #tpu.memory_space<hbm>>
        %dma_wait3A_692 = tpu.memref_slice %arg12[%add3A_682] : memref<1440000xf32, #tpu.memory_space<hbm>> -> memref<16xf32, #tpu.memory_space<hbm>>
        %dma_wait3A_693 = arith.constant 0 : i32
        %dma_wait3A_694 = tpu.memref_slice %arg27[%dma_wait3A_693] : memref<11248xf32, #tpu.memory_space<vmem>> -> memref<16xf32, #tpu.memory_space<vmem>>
        tpu.wait_dma2 semaphore(%run_scoped3A : memref<!tpu.dma_semaphore, #tpu.memory_space<semaphore_mem>>) src(%dma_wait3A_694 : memref<16xf32, #tpu.memory_space<vmem>>) dst(%dma_wait3A_692 : memref<16xf32, #tpu.memory_space<hbm>>)
        tpu.yield
      }) : () -> ()
    } else {
    }
    return
  }
}

</mosaic_0001>

<sc_bundles>
// kernel: kernel.3.cloned.1.call-start
scs
__scs_entry_jumppad:
0x0: {  	(pc) =	sbr.rel $0x88, $3  }
0x1: {  	(tag) =	ssettag $0x0;
	lr =	simm.s32 $0x1  }
0x2: {  	[smem:$0x3F93] =	sst lr;
	_ =	strace $0xD0000000  }
0x3: {  	_ = 	snop  }
0x4: {  	_ = 	snop  }
0x5: {  	_ = 	snop  }
0x6: {  	_ = 	snop  }
0x7: {  	_ = 	snop  }
__scs_overlays_trampoline_lowered:
0x8: {  	[smem:$0x3FA2] =	sst s0  }
0x9: {  	[smem:$0x3FA3] =	sst s1  }
0xa: {  	[smem:$0x3FA4] =	sst s2  }
0xb: {  	[smem:$0x3FA5] =	sst s3  }
0xc: {  	[smem:$0x3FA6] =	sst s4  }
0xd: {  	[smem:$0x3FA7] =	sst s5  }
0xe: {  	[smem:$0x3FA8] =	sst s6  }
0xf: {  	[smem:$0x3FA9] =	sst s7  }
0x10: {  	[smem:$0x3FAA] =	sst s8  }
0x11: {  	[smem:$0x3FAB] =	sst s9;
	s0 =	simm.s32 @!p0 $0x0  }
0x12: {  	s1 =	sld [smem:$0x3F91];
	s0 =	simm.s32 @p0 $0x1  }
0x13: {  	[smem:$0x3FAC] =	sst s0;
	s0 =	simm.s32 @!p1 $0x0  }
0x14: {  	s2 =	sld [smem:$0x3F90];
	s0 =	simm.s32 @p1 $0x1  }
0x15: {  	[smem:$0x3FAD] =	sst s0;
	s0 =	simm.s32 @!p2 $0x0  }
0x16: {  	s3 =	sld [smem:$0x3FDB];
	s0 =	simm.s32 @p2 $0x1  }
0x17: {  	s4 =	simm.s32 $0x1BF5;
	[smem:$0x3FAF] =	sst s0  }
0x18: {  	s0 =	sld [smem:$0x3F92];
	_ =	swait.ge [sflag:s4], $0x0  }
0x19: {  	s7 =	sld [smem:$0x3F93]  }
0x1a: {  	s8 =	sadd.s32 $0xFFFFE003, lr  }
0x1b: {  	s9 =	sadd.s32 $0xFFFFFEF7, lr;
	s5 =	simm.s32 $0xFFFFFFFF;
	p2 =	slt.u32 s8, $0xFFFFF086  }
0x1c: {  	p1 =	slt.u32 s9, $0xF7A;
	s5 =	simm.s32 @!p2 $0x0  }
0x1d: {  	s5 =	simm.s32 @p1 $0x1;
	p0 =	seq.s32 s7, s2  }
0x1e: {  	s7 =	smul.u32 @!p0 $0xF7A, s2;
	p2 =	seq.s32 @!p0 s5, $0x0  }
0x1f: {  	s9 =	smul.u32 $0xF7A, s1;
	s8 =	simm.s32 @!p0 $0x1BF5;
	p2 =	por !p2, p0  }
0x20: {  	[sflag:s8] =	ssyncset.s32 @!p0 $0xFFFFF086;
	s6 =	sadd.s32 @!p0 s3, s7;
	s7 =	simm.s32 @!p0 $0x108  }
0x21: {  	s3 =	sadd.s32 s3, s9;
	s6 =	sadd.s32 @!p0 $0x88, s6;
	s7 =	simm.s32 @p2 $0x1082  }
0x22: {  	[simem:s7], [sflag:s8] =	dma.local @!p0 [hbm:s6], $0xF7A  }
0x23: {  	s9 =	sor.u32 $0xD0000000, s2;
	s6 =	simm.s32 $0x108;
	_ =	swait.ge @!p0 [sflag:s8], $0x0  }
0x24: {  	s3 =	sadd.s32 $0x88, s3;
	s6 =	simm.s32 @!p1 $0x1082;
	[sflag:s4] =	ssyncset.s32 $0xFFFFF086  }
0x25: {  	[simem:s6], [sflag:s4] =	dma.local [hbm:s3], $0xF7A  }
0x26: {  	[smem:$0x3F93] =	sst s1;
	(tag) =	ssettag s2;
	_ =	strace s9  }
0x27: {  	s1 =	sld [smem:$0x3FA3]  }
0x28: {  	s2 =	sld [smem:$0x3FA4]  }
0x29: {  	s4 =	sld [smem:$0x3FA6]  }
0x2a: {  	p0 =	seq.s32 s5, $0x0;
	s5 =	sld [smem:$0x3FA7]  }
0x2b: {  	s6 =	sld [smem:$0x3FA8]  }
0x2c: {  	s7 =	sld [smem:$0x3FA9]  }
0x2d: {  	s3 =	simm.s32 $0x108;
	s8 =	sld [smem:$0x3FAA]  }
0x2e: {  	s3 =	simm.s32 @!p0 $0x1082;
	s9 =	sld [smem:$0x3FAB]  }
0x2f: {  	lr =	sadd.s32 s0, s3;
	s0 =	sld [smem:$0x3FA2]  }
0x30: {  	s3 =	sld [smem:$0x3FA5]  }
0x31: {  	[smem:$0x3FAE] =	sst s10  }
0x32: {  	s10 =	sld [smem:$0x3FAC];
	_ =	sdelay $0x3  }
0x33: {  	p0 =	seq.s32 s10, $0x1;
	s10 =	sld [smem:$0x3FAE];
	_ =	sdelay $0x3  }
0x34: {  	[smem:$0x3FAE] =	sst s10  }
0x35: {  	s10 =	sld [smem:$0x3FAD];
	_ =	sdelay $0x3  }
0x36: {  	p1 =	seq.s32 s10, $0x1;
	s10 =	sld [smem:$0x3FAE];
	_ =	sdelay $0x3  }
0x37: {  	[smem:$0x3FAE] =	sst s10  }
0x38: {  	s10 =	sld [smem:$0x3FAF]  }
0x39: {  	_ = 	snop;
	(pc) =	sbr.ind lr, $3  }
0x3a: {  	_ = 	snop  }
0x3b: {  	_ = 	snop  }
0x3c: {  	p2 =	seq.s32 s10, $0x1;
	s10 =	sld [smem:$0x3FAE]  }
0x3d: {  	_ =	shalt  }
0x3e: {  	_ =	shalt  }
0x3f: {  	_ =	shalt  }
0x40: {  	_ =	shalt  }
0x41: {  	_ =	shalt  }
0x42: {  	_ =	shalt  }
0x43: {  	_ =	shalt  }
0x44: {  	_ =	shalt  }
0x45: {  	_ =	shalt  }
0x46: {  	_ =	shalt  }
0x47: {  	_ =	shalt  }
0x48: {  	_ =	shalt  }
0x49: {  	_ =	shalt  }
0x4a: {  	_ =	shalt  }
0x4b: {  	_ =	shalt  }
0x4c: {  	_ =	shalt  }
0x4d: {  	_ =	shalt  }
0x4e: {  	_ =	shalt  }
0x4f: {  	_ =	shalt  }
0x50: {  	_ =	shalt  }
0x51: {  	_ =	shalt  }
0x52: {  	_ =	shalt  }
0x53: {  	_ =	shalt  }
0x54: {  	_ =	shalt  }
0x55: {  	_ =	shalt  }
0x56: {  	_ =	shalt  }
0x57: {  	_ =	shalt  }
0x58: {  	_ =	shalt  }
0x59: {  	_ =	shalt  }
0x5a: {  	_ =	shalt  }
0x5b: {  	_ =	shalt  }
0x5c: {  	_ =	shalt  }
0x5d: {  	_ =	shalt  }
0x5e: {  	_ =	shalt  }
0x5f: {  	_ =	shalt  }
0x60: {  	_ =	shalt  }
0x61: {  	_ =	shalt  }
0x62: {  	_ =	shalt  }
0x63: {  	_ =	shalt  }
0x64: {  	_ =	shalt  }
0x65: {  	_ =	shalt  }
0x66: {  	_ =	shalt  }
0x67: {  	_ =	shalt  }
0x68: {  	_ =	shalt  }
0x69: {  	_ =	shalt  }
0x6a: {  	_ =	shalt  }
0x6b: {  	_ =	shalt  }
0x6c: {  	_ =	shalt  }
0x6d: {  	_ =	shalt  }
0x6e: {  	_ =	shalt  }
0x6f: {  	_ =	shalt  }
0x70: {  	_ =	shalt  }
0x71: {  	_ =	shalt  }
0x72: {  	_ =	shalt  }
0x73: {  	_ =	shalt  }
0x74: {  	_ =	shalt  }
0x75: {  	_ =	shalt  }
0x76: {  	_ =	shalt  }
0x77: {  	_ =	shalt  }
0x78: {  	_ =	shalt  }
0x79: {  	_ =	shalt  }
0x7a: {  	_ =	shalt  }
0x7b: {  	_ =	shalt  }
0x7c: {  	_ =	shalt  }
0x7d: {  	_ =	shalt  }
0x7e: {  	_ =	shalt  }
0x7f: {  	_ =	shalt  }
0x80: {  	_ =	shalt  }
0x81: {  	_ =	shalt  }
0x82: {  	_ =	shalt  }
0x83: {  	_ =	shalt  }
0x84: {  	_ =	shalt  }
0x85: {  	_ =	shalt  }
0x86: {  	_ =	shalt  }
0x87: {  	_ =	shalt  }
.Lfunc_end0:
.L_simem_size_0:
called_computation_lowered:
.L_overlay_start_0:
0x88: {  	s2 =	sld [smem:$0x3FD9]  }
0x89: {  	s3 =	sld [smem:$0x3FFE];
	_ =	sdelay $0x1  }
0x8a: {  	s1 =	srdreg.scid  }
0x8b: {  	s0 =	sand.u32 $0x1, s1  }
0x8c: {  	s14 =	sshll.u32 s0, $0xA;
	s2 =	sadd.s32 s3, s2  }
0x8d: {  	s2 =	sadd.s32 s2, s14  }
0x8e: {  	[smem:$0x3FBA] =	sst s2  }
0x8f: {  	_ = 	snop  }
0x90: {  	s2 =	sld [smem:$0x3FD0];
	_ =	sdelay $0x1  }
0x91: {  	s15 =	sld [smem:$0x3FC0]  }
0x92: {  	s5 =	simm.s32 $0xA;
	s6 =	simm.s32 $0x10;
	s4 =	sld [smem:$0x3FBE]  }
0x93: {  	[smem:s6], [sflag:s5] =	dma.local [hbm:s2], $0x1  }
0x94: {  	_ =	swait.eq [sflag:s5], $0x1  }
0x95: {  	[sflag:s5] =	ssyncset.done $0x0  }
0x96: {  	s16 =	sld [smem:$0x10];
	[sflag:s5] =	ssyncadd.s32 $0xFFFFFFFF  }
0x97: {  	s17 =	sld [smem:$0x11];
	(tm) =	ssettm $0x1  }
0x98: {  	s18 =	sld [smem:$0x3FFB];
	_ =	sdelay $0x3  }
0x99: {  	_ =	strace s18  }
0x9a: {  	s6 =	sld [smem:$0x3FFC];
	_ =	sdelay $0x3  }
0x9b: {  	_ =	strace s6  }
0x9c: {  	s6 =	sld [smem:$0x3FFD];
	_ =	sdelay $0x3  }
0x9d: {  	_ =	strace s6  }
0x9e: {  	_ =	strace $0x8FFFFFFF  }
0x9f: {  	s19 =	sld [smem:$0x3FDB];
	_ =	sdelay $0x1  }
0xa0: {  	s7 =	simm.s32 $_scs_section_size  }
0xa1: {  	s8 =	simm.s32 $_size__tile_overlayer_lowered;
	s9 =	simm.s32 $_tile_overlayer_lowered  }
0xa2: {  	s22 =	simm.s32 $0x1BFF;
	s21 =	sshll.u32 s9, $0x1;
	s6 =	sadd.s32 s7, s19  }
0xa3: {  	s10 =	simm.s32 $0x0;
	s20 =	sshll.u32 s8, $0x1;
	s8 =	sadd.s32 s21, s6  }
0xa4: {  	[timem:s10], [sflag:s22] =	dma.local [hbm:s8], s20  }
0xa5: {  	_ =	swait.ge [sflag:s22], s20  }
0xa6: {  	s7 =	ssub.s32 $0x0, s20;
	[sflag:s22] =	ssyncset.done $0x0  }
0xa7: {  	[sflag:s22] =	ssyncadd.s32 s7;
	_ =	sdelay $0x1  }
0xa8: {  	s23 =	simm.s32 $0x1B8B  }
0xa9: {  	_ =	swait.ge [sflag:s23], $0x1  }
0xaa: {  	[sflag:s23] =	ssyncset.done $0x0  }
0xab: {  	s25 =	simm.s32 $0x1B8E;
	s24 =	sld [smem:$0x3FFE];
	[sflag:s23] =	ssyncadd.s32 $0xFFFFFFFF  }
0xac: {  	s26 =	simm.s32 $execute0_lowered;
	[smem:$0x3FD2] =	sst s25  }
0xad: {  	s8 =	sshll.u32 s26, $0x1;
	_ =	strace $0x80000046;
	[dreg:$0x1] =	wrdreg $0xFFFFFFFF  }
0xae: {  	s28 =	simm.s32 $_size_execute0_lowered;
	s6 =	sadd.s32 s6, s8;
	[dreg:$0x0] =	wrdreg $0x0  }
0xaf: {  	s8 =	sshll.u32 s28, $0x1;
	[dreg:$0x2] =	wrdreg s6  }
0xb0: {  	[dreg:$0x3] =	wrdreg s8  }
0xb1: {  	[dreg:$0x4] =	wrdreg $0xC0  }
0xb2: {  	_ =	task [dreg:s10], $0x5FFFF  }
0xb3: {  	[dreg:$0x1] =	wrdreg $0xFFFFFFFF  }
0xb4: {  	[dreg:$0x0] =	wrdreg $0x60  }
0xb5: {  	[dreg:$0x2] =	wrdreg s17  }
0xb6: {  	[dreg:$0x3] =	wrdreg s24  }
0xb7: {  	[dreg:$0x4] =	wrdreg s4  }
0xb8: {  	[dreg:$0x5] =	wrdreg s16  }
0xb9: {  	[dreg:$0x6] =	wrdreg s15  }
0xba: {  	[dreg:$0x7] =	wrdreg $0x15F900  }
0xbb: {  	[dreg:$0x8] =	wrdreg $0x0  }
0xbc: {  	[dreg:$0x9] =	wrdreg $0x161E80  }
0xbd: {  	[dreg:$0xa] =	wrdreg $0x9  }
0xbe: {  	_ =	task.clear_ibuf [dreg:s10], $0xBFFFF;
	_ =	strace $0x90000046  }
0xbf: {  	s29 =	simm.s32 $0x9;
	_ =	strace $0x80000048  }
0xc0: {  	_ =	swait.ge [sflag:s29], $0x1  }
0xc1: {  	[sflag:s29] =	ssyncadd.s32 $0xFFFFFFFF  }
0xc2: {  	_ =	strace $0x90000048  }
0xc3: {  	_ =	sfence  }
0xc4: {  	s30 =	sld [smem:$0x0];
	_ =	sdelay $0x2  }
0xc5: {  	s31 =	sshll.u32 s1, $0xD;
	s1 =	sshrl.u32 s1, $0x2  }
0xc6: {  	s3 =	sand.u32 $0x4000, s31;
	s1 =	sadd.s32 s1, s30  }
0xc7: {  	s0 =	sor.u32 s3, s0;
	s1 =	sshll.u32 s1, $0x11  }
0xc8: {  	s0 =	sor.u32 s1, s0  }
0xc9: {  	s0 =	sadd.s32 $0x8F2B, s0  }
0xca: {  	[sflag:s0] =	ssyncadd.remote.s32 $0x1  }
0xcb: {  	_ =	sfence.sel $0xFFFF  }
0xcc: {  	[dreg:$0x0] =	wrdreg $0xFFFFFFFF;
	(pc) =	sbr.abs _section_cstart, $3  }
0xcd: {  	[dreg:$0x1] =	wrdreg $0xFFFFFFFF  }
0xce: {  	_ =	task.clear_ibuf [dreg:s10], $0x2FFFF;
	_ =	strace $0x9FFFFFFF  }
0xcf: {  	(tm) =	ssettm $0x7FFFFFFF  }
tec
execute0_lowered:
.L_overlay_start_1:
0x0: {  	(tag) =	ssettag $0x1  }
0x1: {  	s6 =	rddreg [dreg:$0x0]  }
0x2: {  	s0 =	rddreg [dreg:$0x1];
	s8 =	srdreg.scid  }
0x3: {  	s10 =	rddreg [dreg:$0x2];
	s8 =	sand.u32 $0x1, s8  }
0x4: {  	s7 =	rddreg [dreg:$0x4];
	p1 =	seq.s32 s8, $0x1  }
.Ltmp0:
0x5: {  	s1 =	rddreg [dreg:$0x5];
	(pc) =	sbr.rel @p1 .LBB2_10-.Ltmp0, $4  }
0x6: {  	s2 =	rddreg [dreg:$0x6]  }
0x7: {  	s3 =	rddreg [dreg:$0x7];
	s4 =	simm.s32 $0x0  }
0x8: {  	s25 =	stileid.u32;
	[smem:$0x7FF] =	sst s4  }
0x9: {  	s5 =	rddreg [dreg:$0x8];
	p0 =	sne.s32 s25, $0x0;
	_ =	strace $0x80000047  }
0xa: {  	s8 =	simm.s32 @!p0 $0x0;
	s9 =	simm.s32 @!p0 $0x19F78  }
0xb: {  	[tilespmem:s9], [sflag:$0x3] =	stream.linear.gather @!p0 [hbm4b:s6+s8], $0x2580, $0x38;
	[tilespmem:$0x1CB78] =	vst v63  }
0xc: {  	s22 =	smul.u32 $0x15F90, s25;
	s6 =	simm.s32 @!p0 $0x3  }
0xd: {  	_ =	swait.ge @!p0 [sflag:s6], $0x2580  }
0xe: {  	s11 =	sshrl.u32 s22, $0x3;
	[sflag:s6] =	ssyncset.done @!p0 $0x0  }
0xf: {  	[smem:$0x7F7] =	sst s11;
	[sflag:s6] =	ssyncadd.s32 @!p0 $0xFFFFDA80  }
0x10: {  	[spmem:s1] =	stream.linear.scatter @!p0 [tilespmem:s9], [sflag:$0x3], $0x2580, $0x38;
	[tilespmem:$0x1CB78] =	vst v63  }
0x11: {  	_ =	swait.ge @!p0 [sflag:s6], $0x2580  }
0x12: {  	s13 =	simm.s32 $0x19F78;
	s14 =	sadd.s32 $0x15F8, s22;
	[sflag:s6] =	ssyncset.done @!p0 $0x0  }
0x13: {  	s12 =	sadd.s32 s0, s11;
	s23 =	sshrl.u32 s14, $0x3;
	[sflag:s6] =	ssyncadd.s32 @!p0 $0xFFFFDA80  }
0x14: {  	[tilespmem:s13], [sflag:$0x1] =	stream.linear.gather [hbm4b:s12+s4], $0x15F8, $0x38;
	[tilespmem:$0x1CB78] =	vst v63  }
0x15: {  	s16 =	simm.s32 $0x1B570;
	s20 =	simm.s32 $0x1;
	s15 =	sadd.s32 s0, s23  }
0x16: {  	[tilespmem:s16], [sflag:$0x2] =	stream.linear.gather [hbm4b:s15+s4], $0x15F8, $0x38;
	[tilespmem:$0x1CB78] =	vst v63  }
0x17: {  	_ =	swait.ge [sflag:s20], $0x15F8  }
0x18: {  	s5 =	sadd.s32 s22, s2;
	[sflag:s20] =	ssyncset.done $0x0  }
0x19: {  	s6 =	simm.s32 $0x3;
	[dreg:$0x9] =	wrdreg s5;
	[sflag:s20] =	ssyncadd.s32 $0xFFFFEA08  }
0x1a: {  	[spmem:s5] =	stream.linear.scatter [tilespmem:s13], [sflag:$0x3], $0x15F8, $0x38;
	[tilespmem:$0x1CB78] =	vst v63  }
0x1b: {  	s11 =	sadd.s32 $0x2BF0, s22;
	_ =	swait.ge [sflag:s6], $0x15F8  }
0x1c: {  	s24 =	sshrl.u32 s11, $0x3;
	[sflag:s6] =	ssyncset.done $0x0  }
0x1d: {  	s21 =	simm.s32 $0x2;
	s17 =	sadd.s32 s0, s24;
	[sflag:s6] =	ssyncadd.s32 $0xFFFFEA08  }
0x1e: {  	[tilespmem:s13], [sflag:$0x1] =	stream.linear.gather [hbm4b:s17+s4], $0x15F8, $0x38;
	[tilespmem:$0x1CB78] =	vst v63  }
0x1f: {  	_ =	swait.ge [sflag:s21], $0x15F8  }
0x20: {  	s18 =	sadd.s32 s14, s2;
	[sflag:s21] =	ssyncset.done $0x0  }
0x21: {  	[dreg:$0xa] =	wrdreg s18;
	[sflag:s21] =	ssyncadd.s32 $0xFFFFEA08  }
0x22: {  	[spmem:s18] =	stream.linear.scatter [tilespmem:s16], [sflag:$0x3], $0x15F8, $0x38;
	[tilespmem:$0x1CB78] =	vst v63  }
0x23: {  	s12 =	sadd.s32 $0x41E8, s22;
	_ =	swait.ge [sflag:s6], $0x15F8  }
0x24: {  	s9 =	sshrl.u32 s12, $0x3;
	[sflag:s6] =	ssyncset.done $0x0  }
0x25: {  	s19 =	sadd.s32 s0, s9;
	[sflag:s6] =	ssyncadd.s32 $0xFFFFEA08  }
0x26: {  	[tilespmem:s16], [sflag:$0x2] =	stream.linear.gather [hbm4b:s19+s4], $0x15F8, $0x38;
	[tilespmem:$0x1CB78] =	vst v63  }
0x27: {  	_ =	swait.ge [sflag:s20], $0x15F8  }
0x28: {  	s26 =	sadd.s32 s11, s2;
	[sflag:s20] =	ssyncset.done $0x0  }
0x29: {  	[dreg:$0xb] =	wrdreg s26;
	[sflag:s20] =	ssyncadd.s32 $0xFFFFEA08  }
0x2a: {  	[spmem:s26] =	stream.linear.scatter [tilespmem:s13], [sflag:$0x3], $0x15F8, $0x38;
	[tilespmem:$0x1CB78] =	vst v63  }
0x2b: {  	s29 =	sadd.s32 $0x57E0, s22;
	_ =	swait.ge [sflag:s6], $0x15F8  }
0x2c: {  	s1 =	smov.u32 s10;
	s10 =	sshrl.u32 s29, $0x3;
	[sflag:s6] =	ssyncset.done $0x0  }
0x2d: {  	s14 =	sadd.s32 s0, s10;
	[sflag:s6] =	ssyncadd.s32 $0xFFFFEA08  }
0x2e: {  	[tilespmem:s13], [sflag:$0x1] =	stream.linear.gather [hbm4b:s14+s4], $0x15F8, $0x38;
	[tilespmem:$0x1CB78] =	vst v63  }
0x2f: {  	_ =	swait.ge [sflag:s21], $0x15F8  }
0x30: {  	s30 =	sadd.s32 s12, s2;
	[sflag:s21] =	ssyncset.done $0x0  }
0x31: {  	[dreg:$0xc] =	wrdreg s30;
	[sflag:s21] =	ssyncadd.s32 $0xFFFFEA08  }
0x32: {  	[spmem:s30] =	stream.linear.scatter [tilespmem:s16], [sflag:$0x3], $0x15F8, $0x38;
	[tilespmem:$0x1CB78] =	vst v63  }
0x33: {  	s31 =	sadd.s32 $0x6DD8, s22;
	_ =	swait.ge [sflag:s6], $0x15F8  }
0x34: {  	s26 =	sshrl.u32 s31, $0x3;
	[sflag:s6] =	ssyncset.done $0x0  }
0x35: {  	s8 =	sadd.s32 s0, s26;
	[sflag:s6] =	ssyncadd.s32 $0xFFFFEA08  }
0x36: {  	[tilespmem:s16], [sflag:$0x2] =	stream.linear.gather [hbm4b:s8+s4], $0x15F8, $0x38;
	[tilespmem:$0x1CB78] =	vst v63  }
0x37: {  	_ =	swait.ge [sflag:s20], $0x15F8  }
0x38: {  	s14 =	sadd.s32 s29, s2;
	[sflag:s20] =	ssyncset.done $0x0  }
0x39: {  	[dreg:$0xd] =	wrdreg s14;
	[sflag:s20] =	ssyncadd.s32 $0xFFFFEA08  }
0x3a: {  	[spmem:s14] =	stream.linear.scatter [tilespmem:s13], [sflag:$0x3], $0x15F8, $0x38;
	[tilespmem:$0x1CB78] =	vst v63  }
0x3b: {  	s15 =	sadd.s32 $0x83D0, s22;
	_ =	swait.ge [sflag:s6], $0x15F8  }
0x3c: {  	s29 =	sshrl.u32 s15, $0x3;
	[sflag:s6] =	ssyncset.done $0x0  }
0x3d: {  	s17 =	sadd.s32 s0, s29;
	[sflag:s6] =	ssyncadd.s32 $0xFFFFEA08  }
0x3e: {  	[tilespmem:s13], [sflag:$0x1] =	stream.linear.gather [hbm4b:s17+s4], $0x15F8, $0x38;
	[tilespmem:$0x1CB78] =	vst v63  }
0x3f: {  	_ =	swait.ge [sflag:s21], $0x15F8  }
0x40: {  	s18 =	sadd.s32 s31, s2;
	[sflag:s21] =	ssyncset.done $0x0  }
0x41: {  	[dreg:$0xe] =	wrdreg s18;
	[sflag:s21] =	ssyncadd.s32 $0xFFFFEA08  }
0x42: {  	[spmem:s18] =	stream.linear.scatter [tilespmem:s16], [sflag:$0x3], $0x15F8, $0x38;
	[tilespmem:$0x1CB78] =	vst v63  }
0x43: {  	s19 =	sadd.s32 $0x99C8, s22;
	_ =	swait.ge [sflag:s6], $0x15F8  }
0x44: {  	s30 =	sshrl.u32 s19, $0x3;
	[sflag:s6] =	ssyncset.done $0x0  }
0x45: {  	s8 =	sadd.s32 s0, s30;
	[sflag:s6] =	ssyncadd.s32 $0xFFFFEA08  }
0x46: {  	[tilespmem:s16], [sflag:$0x2] =	stream.linear.gather [hbm4b:s8+s4], $0x15F8, $0x38;
	[tilespmem:$0x1CB78] =	vst v63  }
0x47: {  	_ =	swait.ge [sflag:s20], $0x15F8  }
0x48: {  	s15 =	sadd.s32 s15, s2;
	[sflag:s20] =	ssyncset.done $0x0  }
0x49: {  	[dreg:$0xf] =	wrdreg s15;
	[sflag:s20] =	ssyncadd.s32 $0xFFFFEA08  }
0x4a: {  	[spmem:s15] =	stream.linear.scatter [tilespmem:s13], [sflag:$0x3], $0x15F8, $0x38;
	[tilespmem:$0x1CB78] =	vst v63  }
0x4b: {  	s17 =	sadd.s32 $0xAFC0, s22;
	_ =	swait.ge [sflag:s6], $0x15F8  }
0x4c: {  	s31 =	sshrl.u32 s17, $0x3;
	[sflag:s6] =	ssyncset.done $0x0  }
0x4d: {  	s18 =	sadd.s32 s0, s31;
	[sflag:s6] =	ssyncadd.s32 $0xFFFFEA08  }
0x4e: {  	[tilespmem:s13], [sflag:$0x1] =	stream.linear.gather [hbm4b:s18+s4], $0x15F8, $0x38;
	[tilespmem:$0x1CB78] =	vst v63  }
0x4f: {  	_ =	swait.ge [sflag:s21], $0x15F8  }
0x50: {  	s19 =	sadd.s32 s19, s2;
	[sflag:s21] =	ssyncset.done $0x0  }
0x51: {  	[dreg:$0x10] =	wrdreg s19;
	[sflag:s21] =	ssyncadd.s32 $0xFFFFEA08  }
0x52: {  	[spmem:s19] =	stream.linear.scatter [tilespmem:s16], [sflag:$0x3], $0x15F8, $0x38;
	[tilespmem:$0x1CB78] =	vst v63  }
0x53: {  	s15 =	sadd.s32 $0xC5B8, s22;
	_ =	swait.ge [sflag:s6], $0x15F8  }
0x54: {  	s11 =	sshrl.u32 s15, $0x3;
	[sflag:s6] =	ssyncset.done $0x0  }
0x55: {  	s8 =	sadd.s32 s0, s11;
	[sflag:s6] =	ssyncadd.s32 $0xFFFFEA08  }
0x56: {  	[tilespmem:s16], [sflag:$0x2] =	stream.linear.gather [hbm4b:s8+s4], $0x15F8, $0x38;
	[tilespmem:$0x1CB78] =	vst v63  }
0x57: {  	_ =	swait.ge [sflag:s20], $0x15F8  }
0x58: {  	s17 =	sadd.s32 s17, s2;
	[sflag:s20] =	ssyncset.done $0x0  }
0x59: {  	[dreg:$0x11] =	wrdreg s17;
	[sflag:s20] =	ssyncadd.s32 $0xFFFFEA08  }
0x5a: {  	[spmem:s17] =	stream.linear.scatter [tilespmem:s13], [sflag:$0x3], $0x15F8, $0x38;
	[tilespmem:$0x1CB78] =	vst v63  }
0x5b: {  	s17 =	sadd.s32 $0xDBB0, s22;
	_ =	swait.ge [sflag:s6], $0x15F8  }
0x5c: {  	s12 =	sshrl.u32 s17, $0x3;
	[sflag:s6] =	ssyncset.done $0x0  }
0x5d: {  	s18 =	sadd.s32 s0, s12;
	[sflag:s6] =	ssyncadd.s32 $0xFFFFEA08  }
0x5e: {  	[tilespmem:s13], [sflag:$0x1] =	stream.linear.gather [hbm4b:s18+s4], $0x15F8, $0x38;
	[tilespmem:$0x1CB78] =	vst v63  }
0x5f: {  	_ =	swait.ge [sflag:s21], $0x15F8  }
0x60: {  	s19 =	sadd.s32 s15, s2;
	[sflag:s21] =	ssyncset.done $0x0  }
0x61: {  	[dreg:$0x12] =	wrdreg s19;
	[sflag:s21] =	ssyncadd.s32 $0xFFFFEA08  }
0x62: {  	[spmem:s19] =	stream.linear.scatter [tilespmem:s16], [sflag:$0x3], $0x15F8, $0x38;
	[tilespmem:$0x1CB78] =	vst v63  }
0x63: {  	s18 =	sadd.s32 $0xF1A8, s22;
	_ =	swait.ge [sflag:s6], $0x15F8  }
0x64: {  	s14 =	sshrl.u32 s18, $0x3;
	[sflag:s6] =	ssyncset.done $0x0  }
0x65: {  	s8 =	sadd.s32 s0, s14;
	[sflag:s6] =	ssyncadd.s32 $0xFFFFEA08  }
0x66: {  	[tilespmem:s16], [sflag:$0x2] =	stream.linear.gather [hbm4b:s8+s4], $0x15F8, $0x38;
	[tilespmem:$0x1CB78] =	vst v63  }
0x67: {  	_ =	swait.ge [sflag:s20], $0x15F8  }
0x68: {  	s19 =	sadd.s32 s17, s2;
	[sflag:s20] =	ssyncset.done $0x0  }
0x69: {  	[dreg:$0x13] =	wrdreg s19;
	[sflag:s20] =	ssyncadd.s32 $0xFFFFEA08  }
0x6a: {  	[spmem:s19] =	stream.linear.scatter [tilespmem:s13], [sflag:$0x3], $0x15F8, $0x38;
	[tilespmem:$0x1CB78] =	vst v63  }
0x6b: {  	s19 =	sadd.s32 $0x107A0, s22;
	_ =	swait.ge [sflag:s6], $0x15F8  }
0x6c: {  	s15 =	sshrl.u32 s19, $0x3;
	[sflag:s6] =	ssyncset.done $0x0  }
0x6d: {  	s8 =	sadd.s32 s0, s15;
	[sflag:s6] =	ssyncadd.s32 $0xFFFFEA08  }
0x6e: {  	[tilespmem:s13], [sflag:$0x1] =	stream.linear.gather [hbm4b:s8+s4], $0x15F8, $0x38;
	[tilespmem:$0x1CB78] =	vst v63  }
0x6f: {  	_ =	swait.ge [sflag:s21], $0x15F8  }
0x70: {  	s18 =	sadd.s32 s18, s2;
	[sflag:s21] =	ssyncset.done $0x0  }
0x71: {  	[dreg:$0x14] =	wrdreg s18;
	[sflag:s21] =	ssyncadd.s32 $0xFFFFEA08  }
0x72: {  	[spmem:s18] =	stream.linear.scatter [tilespmem:s16], [sflag:$0x3], $0x15F8, $0x38;
	[tilespmem:$0x1CB78] =	vst v63  }
0x73: {  	s28 =	sadd.s32 $0x11D98, s22;
	_ =	swait.ge [sflag:s6], $0x15F8  }
0x74: {  	s17 =	sshrl.u32 s28, $0x3;
	[sflag:s6] =	ssyncset.done $0x0  }
0x75: {  	s8 =	sadd.s32 s0, s17;
	[sflag:s6] =	ssyncadd.s32 $0xFFFFEA08  }
0x76: {  	[tilespmem:s16], [sflag:$0x2] =	stream.linear.gather [hbm4b:s8+s4], $0x15F8, $0x38;
	[tilespmem:$0x1CB78] =	vst v63  }
0x77: {  	_ =	swait.ge [sflag:s20], $0x15F8  }
0x78: {  	s19 =	sadd.s32 s19, s2;
	[sflag:s20] =	ssyncset.done $0x0  }
0x79: {  	[dreg:$0x15] =	wrdreg s19;
	[sflag:s20] =	ssyncadd.s32 $0xFFFFEA08  }
0x7a: {  	[spmem:s19] =	stream.linear.scatter [tilespmem:s13], [sflag:$0x3], $0x15F8, $0x38;
	[tilespmem:$0x1CB78] =	vst v63  }
0x7b: {  	s5 =	sadd.s32 $0x13390, s22;
	_ =	swait.ge [sflag:s6], $0x15F8  }
0x7c: {  	s18 =	sshrl.u32 s5, $0x3;
	[sflag:s6] =	ssyncset.done $0x0  }
0x7d: {  	s8 =	sadd.s32 s0, s18;
	[sflag:s6] =	ssyncadd.s32 $0xFFFFEA08  }
0x7e: {  	[tilespmem:s13], [sflag:$0x1] =	stream.linear.gather [hbm4b:s8+s4], $0x15F8, $0x38;
	[tilespmem:$0x1CB78] =	vst v63  }
0x7f: {  	_ =	swait.ge [sflag:s21], $0x15F8  }
0x80: {  	s19 =	sadd.s32 s28, s2;
	[sflag:s21] =	ssyncset.done $0x0  }
0x81: {  	[dreg:$0x16] =	wrdreg s19;
	[sflag:s21] =	ssyncadd.s32 $0xFFFFEA08  }
0x82: {  	[spmem:s19] =	stream.linear.scatter [tilespmem:s16], [sflag:$0x3], $0x15F8, $0x38;
	[tilespmem:$0x1CB78] =	vst v63  }
0x83: {  	s28 =	sadd.s32 $0x14988, s22;
	_ =	swait.ge [sflag:s6], $0x15F8  }
0x84: {  	s19 =	sshrl.u32 s28, $0x3;
	[sflag:s6] =	ssyncset.done $0x0  }
0x85: {  	s8 =	smov.u32 s7;
	s7 =	sadd.s32 s0, s19;
	[sflag:s6] =	ssyncadd.s32 $0xFFFFEA08  }
0x86: {  	[tilespmem:s16], [sflag:$0x2] =	stream.linear.gather [hbm4b:s7+s4], $0x15F8, $0x38;
	[tilespmem:$0x1CB78] =	vst v63  }
0x87: {  	_ =	swait.ge [sflag:s20], $0x15F8  }
0x88: {  	s5 =	sadd.s32 s5, s2;
	[sflag:s20] =	ssyncset.done $0x0  }
0x89: {  	[dreg:$0x17] =	wrdreg s5;
	[sflag:s20] =	ssyncadd.s32 $0xFFFFEA08  }
0x8a: {  	[spmem:s5] =	stream.linear.scatter [tilespmem:s13], [sflag:$0x3], $0x15F8, $0x38;
	[tilespmem:$0x1CB78] =	vst v63  }
0x8b: {  	_ =	swait.ge [sflag:s6], $0x15F8  }
0x8c: {  	[sflag:s6] =	ssyncset.done $0x0  }
0x8d: {  	[sflag:s6] =	ssyncadd.s32 $0xFFFFEA08  }
0x8e: {  	_ =	swait.ge [sflag:s21], $0x15F8  }
0x8f: {  	[sflag:s21] =	ssyncset.done $0x0  }
0x90: {  	[sflag:s21] =	ssyncadd.s32 $0xFFFFEA08;
	s21 =	sadd.s32 s28, s2  }
0x91: {  	[dreg:$0x18] =	wrdreg s21  }
0x92: {  	[spmem:s21] =	stream.linear.scatter [tilespmem:s16], [sflag:$0x3], $0x15F8, $0x38;
	[tilespmem:$0x1CB78] =	vst v63  }
0x93: {  	s22 =	sadd.s32 $0x15F80, s22;
	_ =	swait.ge [sflag:s6], $0x15F8  }
0x94: {  	s16 =	sshrl.u32 s22, $0x3;
	[sflag:s6] =	ssyncset.done $0x0  }
0x95: {  	s20 =	sadd.s32 s0, s16;
	[sflag:s6] =	ssyncadd.s32 $0xFFFFEA08  }
0x96: {  	[tilespmem:s13], [sflag:$0x3] =	stream.linear.gather [hbm4b:s20+s4], $0x10, $0x38;
	[tilespmem:$0x1CB78] =	vst v63  }
0x97: {  	_ =	swait.ge [sflag:s6], $0x10  }
0x98: {  	[sflag:s6] =	ssyncset.done $0x0  }
0x99: {  	s5 =	sadd.s32 s22, s2;
	[sflag:s6] =	ssyncadd.s32 $0xFFFFFFF0  }
0x9a: {  	[spmem:s5] =	stream.linear.scatter [tilespmem:s13], [sflag:$0x3], $0x10, $0x38;
	[tilespmem:$0x1CB78] =	vst v63  }
0x9b: {  	s21 =	sshll.u32 s25, $0x8;
	s20 =	sshrl.u32 s25, $0x3;
	s13 =	sand.u32 $0x7, s25  }
0x9c: {  	[dreg:$0x19] =	wrdreg s5;
	p1 =	sne.s32 s20, $0x0;
	s7 =	sshll.u32 s13, $0x8  }
0x9d: {  	s5 =	sadd.s32 s21, s0;
	_ =	swait.ge [sflag:s6], $0x10;
	s28 =	sadd.s32 s7, s0  }
0x9e: {  	s5 =	sadd.s32 $0x2C000, s5;
	[sflag:s6] =	ssyncset.done $0x0;
	s28 =	sadd.s32 $0x2C800, s28  }
0x9f: {  	[sflag:s6] =	ssyncadd.s32 $0xFFFFFFF0;
	s5 =	smov.u32 @p1 s28;
	s28 =	simm.s32 $0x161F8  }
0xa0: {  	[tilespmem:s28], [sflag:$0x3] =	stream.linear.gather [hbm4b:s5+s4], $0x800, $0x38;
	[tilespmem:$0x1CB78] =	vst v63  }
0xa1: {  	s22 =	sshll.u32 s13, $0x5;
	_ =	swait.ge [sflag:s6], $0x800  }
0xa2: {  	s5 =	sadd.s32 s22, s0;
	[sflag:s6] =	ssyncset.done $0x0  }
0xa3: {  	s28 =	simm.s32 $0x169F8;
	s5 =	sadd.s32 $0x2D000, s5;
	[sflag:s6] =	ssyncadd.s32 $0xFFFFF800  }
0xa4: {  	[tilespmem:s28], [sflag:$0x3] =	stream.linear.gather [hbm4b:s5+s4], $0x100, $0x38;
	[tilespmem:$0x1CB78] =	vst v63  }
0xa5: {  	_ =	swait.ge [sflag:s6], $0x100  }
0xa6: {  	s5 =	sshll.u32 s13, $0x1;
	[sflag:s6] =	ssyncset.done $0x0  }
0xa7: {  	s28 =	sadd.s32 s1, s5;
	s1 =	simm.s32 $0x16AF8;
	[sflag:s6] =	ssyncadd.s32 $0xFFFFFF00  }
0xa8: {  	[tilespmem:s1], [sflag:$0x3] =	stream.linear.gather [hbm4b:s28+s4], $0x10, $0x38;
	[tilespmem:$0x1CB78] =	vst v63  }
0xa9: {  	_ =	swait.ge [sflag:s6], $0x10  }
0xaa: {  	[sflag:s6] =	ssyncset.done $0x0  }
0xab: {  	[sflag:s6] =	ssyncadd.s32 $0xFFFFFFF0  }
0xac: {  	s1 =	smov.u32 s3;
	s3 =	rddreg [dreg:$0x3]  }
0xad: {  	s28 =	simm.s32 $0x16B78;
	s22 =	sadd.s32 s3, s7  }
0xae: {  	[tilespmem:s28], [sflag:$0x3] =	stream.linear.gather [hbm4b:s22+s4], $0x800, $0x38;
	[tilespmem:$0x1CB78] =	vst v63  }
0xaf: {  	_ =	swait.ge [sflag:s6], $0x800  }
0xb0: {  	s21 =	sadd.s32 $0x2D200, s0;
	[sflag:s6] =	ssyncset.done $0x0  }
0xb1: {  	s7 =	sadd.s32 s21, s7;
	s28 =	simm.s32 $0x18378;
	[sflag:s6] =	ssyncadd.s32 $0xFFFFF800  }
0xb2: {  	[tilespmem:s28], [sflag:$0x3] =	stream.linear.gather [hbm4b:s7+s4], $0x800, $0x38;
	[tilespmem:$0x1CB78] =	vst v63  }
0xb3: {  	_ =	swait.ge [sflag:s6], $0x800  }
0xb4: {  	s7 =	sadd.s32 $0x2EA00, s0;
	[sflag:s6] =	ssyncset.done $0x0  }
0xb5: {  	s22 =	simm.s32 $0x16B18;
	s28 =	sadd.s32 s7, s5;
	[sflag:s6] =	ssyncadd.s32 $0xFFFFF800  }
0xb6: {  	[tilespmem:s22], [sflag:$0x3] =	stream.linear.gather [hbm4b:s28+s4], $0x10, $0x38;
	[tilespmem:$0x1CB78] =	vst v63  }
0xb7: {  	_ =	swait.ge [sflag:s6], $0x10  }
0xb8: {  	[sflag:s6] =	ssyncset.done $0x0  }
0xb9: {  	s5 =	sadd.s32 s8, s5;
	s22 =	simm.s32 $0x16B48;
	[sflag:s6] =	ssyncadd.s32 $0xFFFFFFF0  }
0xba: {  	[tilespmem:s22], [sflag:$0x3] =	stream.linear.gather [hbm4b:s5+s4], $0x10, $0x38;
	[tilespmem:$0x1CB78] =	vst v63  }
0xbb: {  	s5 =	sor.u32 $0x8, s25;
	_ =	swait.ge [sflag:s6], $0x10  }
0xbc: {  	s22 =	sshll.u32 s5, $0x8;
	[sflag:s6] =	ssyncset.done $0x0  }
0xbd: {  	s28 =	simm.s32 $0x17378;
	s25 =	sadd.s32 s3, s22;
	[sflag:s6] =	ssyncadd.s32 $0xFFFFFFF0  }
0xbe: {  	[tilespmem:s28], [sflag:$0x3] =	stream.linear.gather [hbm4b:s25+s4], $0x800, $0x38;
	[tilespmem:$0x1CB78] =	vst v63  }
0xbf: {  	_ =	swait.ge [sflag:s6], $0x800  }
0xc0: {  	[sflag:s6] =	ssyncset.done $0x0  }
0xc1: {  	s22 =	sadd.s32 s21, s22;
	s25 =	simm.s32 $0x18B78;
	[sflag:s6] =	ssyncadd.s32 $0xFFFFF800  }
0xc2: {  	[tilespmem:s25], [sflag:$0x3] =	stream.linear.gather [hbm4b:s22+s4], $0x800, $0x38;
	[tilespmem:$0x1CB78] =	vst v63  }
0xc3: {  	_ =	swait.ge [sflag:s6], $0x800  }
0xc4: {  	s5 =	sshll.u32 s5, $0x1;
	[sflag:s6] =	ssyncset.done $0x0  }
0xc5: {  	s22 =	sadd.s32 s7, s5;
	s25 =	simm.s32 $0x16B28;
	[sflag:s6] =	ssyncadd.s32 $0xFFFFF800  }
0xc6: {  	[tilespmem:s25], [sflag:$0x3] =	stream.linear.gather [hbm4b:s22+s4], $0x10, $0x38;
	[tilespmem:$0x1CB78] =	vst v63  }
0xc7: {  	_ =	swait.ge [sflag:s6], $0x10  }
0xc8: {  	[sflag:s6] =	ssyncset.done $0x0  }
0xc9: {  	s5 =	sadd.s32 s8, s5;
	s25 =	simm.s32 $0x16B58;
	[sflag:s6] =	ssyncadd.s32 $0xFFFFFFF0  }
0xca: {  	[tilespmem:s25], [sflag:$0x3] =	stream.linear.gather [hbm4b:s5+s4], $0x10, $0x38;
	[tilespmem:$0x1CB78] =	vst v63  }
0xcb: {  	s5 =	sor.u32 $0x10, s13;
	_ =	swait.ge [sflag:s6], $0x10  }
0xcc: {  	s22 =	sshll.u32 s5, $0x8;
	[sflag:s6] =	ssyncset.done $0x0  }
0xcd: {  	s28 =	simm.s32 $0x17B78;
	s25 =	sadd.s32 s3, s22;
	[sflag:s6] =	ssyncadd.s32 $0xFFFFFFF0  }
0xce: {  	[tilespmem:s28], [sflag:$0x3] =	stream.linear.gather [hbm4b:s25+s4], $0x800, $0x38;
	[tilespmem:$0x1CB78] =	vst v63  }
0xcf: {  	_ =	swait.ge [sflag:s6], $0x800  }
0xd0: {  	[sflag:s6] =	ssyncset.done $0x0  }
0xd1: {  	s21 =	sadd.s32 s21, s22;
	s25 =	simm.s32 $0x19378;
	[sflag:s6] =	ssyncadd.s32 $0xFFFFF800  }
0xd2: {  	[tilespmem:s25], [sflag:$0x3] =	stream.linear.gather [hbm4b:s21+s4], $0x800, $0x38;
	[tilespmem:$0x1CB78] =	vst v63  }
0xd3: {  	s0 =	sadd.s32 $0x2EC00, s0;
	s5 =	sshll.u32 s5, $0x1;
	_ =	swait.ge [sflag:s6], $0x800  }
0xd4: {  	s3 =	smov.u32 s1;
	s7 =	sadd.s32 s7, s5;
	[sflag:s6] =	ssyncset.done $0x0  }
0xd5: {  	s1 =	simm.s32 $0x16B38;
	s5 =	sadd.s32 s8, s5;
	[sflag:s6] =	ssyncadd.s32 $0xFFFFF800  }
0xd6: {  	[tilespmem:s1], [sflag:$0x3] =	stream.linear.gather [hbm4b:s7+s4], $0x10, $0x38;
	[tilespmem:$0x1CB78] =	vst v63  }
0xd7: {  	s8 =	sadd.s32 s0, s24;
	s7 =	sadd.s32 s0, s23;
	s23 =	sadd.s32 s0, s29  }
0xd8: {  	s24 =	sadd.s32 s0, s30;
	_ =	swait.ge [sflag:s6], $0x10;
	[dreg:$0x1f] =	wrdreg s23  }
0xd9: {  	s29 =	sadd.s32 s0, s12;
	[dreg:$0x1e] =	wrdreg s24  }
0xda: {  	s30 =	sadd.s32 s0, s14;
	[dreg:$0x1b] =	wrdreg s29  }
0xdb: {  	[dreg:$0x1a] =	wrdreg s30  }
0xdc: {  	s25 =	sld [smem:$0x7F7]  }
0xdd: {  	[smem:$0x7F9] =	sst s7  }
0xde: {  	s9 =	sadd.s32 s0, s9;
	[smem:$0x7FA] =	sst s8  }
0xdf: {  	s22 =	simm.s32 $0x16B68;
	[sflag:s6] =	ssyncset.done $0x0;
	[smem:$0x7FB] =	sst s9  }
0xe0: {  	s21 =	sadd.s32 s0, s10;
	s1 =	rddreg [dreg:$0x5];
	[sflag:s6] =	ssyncadd.s32 $0xFFFFFFF0  }
0xe1: {  	[tilespmem:s22], [sflag:$0x3] =	stream.linear.gather [hbm4b:s5+s4], $0x10, $0x38;
	[tilespmem:$0x1CB78] =	vst v63  }
0xe2: {  	[smem:$0x7FC] =	sst s21;
	s22 =	sadd.s32 s0, s26  }
0xe3: {  	s26 =	sadd.s32 s0, s11;
	[smem:$0x7FD] =	sst s22  }
0xe4: {  	p2 =	sne.s32 s13, $0x0;
	s5 =	sadd.s32 s0, s25;
	[dreg:$0x1c] =	wrdreg s26  }
0xe5: {  	s14 =	sadd.s32 s0, s16;
	s25 =	sadd.s32 s0, s31;
	[smem:$0x7F8] =	sst s5  }
0xe6: {  	s28 =	simm.s32 $0x19CF8;
	s24 =	simm.s32 $0x19EF8;
	[dreg:$0x1d] =	wrdreg s25  }
.Ltmp1:
0xe7: {  	s21 =	sadd.s32 s0, s17;
	_ =	swait.ge [sflag:s6], $0x10;
	(pc) =	sbr.rel .LBB2_2-.Ltmp1, $4  }
0xe8: {  	s17 =	sadd.s32 s0, s18;
	s22 =	sadd.s32 s0, s15;
	[sflag:s6] =	ssyncset.done $0x0  }
0xe9: {  	s15 =	sadd.s32 s0, s19;
	s31 =	sshll.u32 s20, $0x7;
	[sflag:s6] =	ssyncadd.s32 $0xFFFFFFF0  }
0xea: {  	s0 =	sshll.u32 s13, $0x4;
	s5 =	sadd.s32 s31, s3;
	[bflag:$0x0] =	sbarrier.arrive $0xFFFF  }
0xeb: {  	s26 =	simm.s32 $0x19DF8;
	s25 =	simm.s32 $0x19B78;
	s23 =	sadd.s32 s0, s5  }
.LBB2_8:
0xec: {  	s4 =	sadd.s32 $0x1, s4  }
0xed: {  	p3 =	sne.s32 s4, $0xC8  }
.Ltmp2:
0xee: {  	_ = 	snop;
	(pc) =	sbr.rel @!p3 .LBB2_9-.Ltmp2, $2  }
0xef: {  	_ =	sdelay $0x1  }
0xf0: {  	[bflag:$0x0] =	sbarrier.arrive $0xFFFF;
	_ =	sdelay $0x1  }
.LBB2_2:
0xf1: {  	s5 =	smul.u32 $0xC0, s4;
	_ =	sdelay $0x1  }
0xf2: {  	s5 =	sshra.s32 s5, $0x2  }
0xf3: {  	s5 =	sadd.s32 s5, s1  }
0xf4: {  	[tilespmem:s24], [sflag:$0x3] =	stream.linear.gather [spmem:s5], $0x30, $0x38;
	[tilespmem:$0x1CB78] =	vst v63  }
0xf5: {  	_ =	swait.ge [sflag:s6], $0x30  }
0xf6: {  	[sflag:s6] =	ssyncset.done $0x0  }
0xf7: {  	[sflag:s6] =	ssyncadd.s32 $0xFFFFFFD0  }
0xf8: {  	v0 =	vld [tilespmem:$0x19EF8];
	_ =	sdelay $0x4  }
0xf9: {  	(v2sf) =	vpush v0, $0x0  }
0xfa: {  	(v2sf) =	vpush v0, $0x1;
	_ =	sdelay $0xd  }
0xfb: {  	s18 =	spop (v2sf)  }
0xfc: {  	s30 =	scvt.f32.s32 s18;
	s19 =	spop (v2sf)  }
0xfd: {  	s31 =	scvt.f32.s32 s19  }
0xfe: {  	s5 =	smov.u32 s30  }
0xff: {  	s5 =	smov.u32 @p1 s31  }
0x100: {  	s5 =	smul.u32 $0x240, s5;
	_ =	sdelay $0x1  }
0x101: {  	s5 =	sshra.s32 s5, $0x2  }
0x102: {  	s29 =	sadd.s32 s5, s2  }
0x103: {  	v0 =	vld [tilespmem:$0x19F08];
	[tilespmem:s25], [sflag:$0x3] =	stream.linear.gather [spmem:s29], $0x90, $0x38  }
0x104: {  	_ =	swait.ge [sflag:s6], $0x90  }
0x105: {  	[sflag:s6] =	ssyncset.done $0x0  }
0x106: {  	[sflag:s6] =	ssyncadd.s32 $0xFFFFFF70  }
0x107: {  	v1 =	vld [tilespmem:$0x19BF8];
	_ =	sdelay $0x4  }
0x108: {  	v1 =	vsub.f32 v0, v1;
	_ =	sdelay $0x1  }
0x109: {  	v1 =	vmax.f32 v1, $0.0e+00  }
0x10a: {  	v1 =	vmul.f32 $-1.000000010e-01, v1;
	_ =	sdelay $0x1  }
0x10b: {  	v1 =	vmul.f32 $1.442695020e+00, v1;
	_ =	sdelay $0x1  }
0x10c: {  	(erf) = vpow2.f32 v1;
	_ =	sdelay $0x3  }
0x10d: {  	s20 =	simm.s32 $0x0  }
0x10e: {  	v1 =	vld [tilespmem:s20+$0x19B78];
	_ =	sdelay $0x3  }
0x10f: {  	v6 =	vld [tilespmem:$0x16B48];
	v4 =	vpop (erf)  }
0x110: {  	v7 =	vld [tilespmem:$0x16B58];
	v2 =	vmul.f32 v1, v4  }
0x111: {  	v8 =	vld [tilespmem:$0x16B68]  }
0x112: {  	s7 =	simm.s32 $0x18BF8;
	v9 =	vld [tilespmem:$0x16AF8];
	[tilespmem:s20+$0x19C78] =	vst v2  }
0x113: {  	v10 =	vld [tilespmem:s7+$0x800]  }
0x114: {  	v11 =	vld [tilespmem:s7+$0xFFFFFFF0]  }
0x115: {  	v12 =	vld [tilespmem:s7+$0xFFFFF7F0]  }
0x116: {  	v13 =	vld [tilespmem:s7+$0xFFFFFFE0]  }
0x117: {  	v14 =	vld [tilespmem:s7+$0xFFFFFFD0]  }
0x118: {  	s5 =	simm.s32 $0x16278;
	v15 =	vld [tilespmem:s7+$0xFFFFF7E0]  }
0x119: {  	v16 =	vld [tilespmem:s5+$0x0]  }
0x11a: {  	v17 =	vld [tilespmem:s7+$0x7E0]  }
0x11b: {  	v18 =	vld [tilespmem:s7+$0x7F0]  }
0x11c: {  	v19 =	vld [tilespmem:s5+$0xFFFFFFF0]  }
0x11d: {  	v20 =	vld [tilespmem:s5+$0xFFFFFFE0]  }
0x11e: {  	v21 =	vld [tilespmem:s7+$0xFFFFF7D0]  }
0x11f: {  	v22 =	vld [tilespmem:s7+$0xFFFFFF80]  }
0x120: {  	v23 =	vld [tilespmem:s5+$0xFFFFFFD0]  }
0x121: {  	v24 =	vld [tilespmem:s7+$0x7C0]  }
0x122: {  	v25 =	vbroadcast v2, $0x0;
	v26 =	vld [tilespmem:s7+$0xFFFFFFC0]  }
0x123: {  	v27 =	vbroadcast v2, $0x1;
	v28 =	vbroadcast v2, $0x2;
	v29 =	vld [tilespmem:s7+$0xFFFFF7C0]  }
0x124: {  	v30 =	vbroadcast v2, $0x3;
	v1 =	vbroadcast v2, $0xF;
	v31 =	vld [tilespmem:s7+$0xFFFFFFA0]  }
0x125: {  	v33 =	vbroadcast v2, $0x5;
	v3 =	vbroadcast v2, $0xD;
	v32 =	vld [tilespmem:s5+$0xFFFFFFB0]  }
0x126: {  	v35 =	vbroadcast v2, $0x4;
	v5 =	vbroadcast v2, $0xC;
	v34 =	vld [tilespmem:s7+$0x7B0]  }
0x127: {  	v37 =	vbroadcast v2, $0x7;
	v38 =	vbroadcast v2, $0xB;
	v36 =	vld [tilespmem:s7+$0xFFFFFFB0]  }
0x128: {  	v40 =	vbroadcast v2, $0xA;
	v44 =	vbroadcast v2, $0x6;
	v39 =	vld [tilespmem:s7+$0xFFFFF7B0]  }
0x129: {  	v48 =	vbroadcast v2, $0x8;
	v51 =	vbroadcast v2, $0x9;
	v41 =	vld [tilespmem:s5+$0xFFFFFFA0]  }
0x12a: {  	v42 =	vld [tilespmem:s7+$0x7A0];
	v29 =	vmul.f32 v29, v35;
	v31 =	vmul.f32 v31, v28  }
0x12b: {  	v43 =	vld [tilespmem:s5+$0xFFFFFFC0];
	v26 =	vmul.f32 v26, v35;
	v32 =	vmul.f32 v32, v30  }
0x12c: {  	v45 =	vld [tilespmem:s7+$0xFFFFF7A0];
	v24 =	vmul.f32 v24, v35;
	v23 =	vmul.f32 v23, v33  }
0x12d: {  	v46 =	vld [tilespmem:s5+$0xFFFFFF90];
	v22 =	vmul.f32 v22, v25;
	v34 =	vmul.f32 v34, v30  }
0x12e: {  	v49 =	vld [tilespmem:s7+$0xFFFFFF90];
	v36 =	vmul.f32 v36, v30;
	v47 =	vmul.f32 v20, v44  }
0x12f: {  	v50 =	vld [tilespmem:s7+$0xFFFFF790];
	v41 =	vmul.f32 v41, v28;
	v42 =	vmul.f32 v42, v28  }
0x130: {  	v60 =	vld [tilespmem:s5+$0xFFFFFF80];
	v19 =	vmul.f32 v19, v37;
	v30 =	vmul.f32 v39, v30  }
0x131: {  	v52 =	vld [tilespmem:s7+$0x780];
	v18 =	vmul.f32 v18, v37;
	v28 =	vmul.f32 v45, v28  }
0x132: {  	v61 =	vld [tilespmem:s7+$0x7D0];
	v16 =	vmul.f32 v16, v48;
	v14 =	vmul.f32 v14, v33  }
0x133: {  	v62 =	vld [tilespmem:s7+$0xFFFFF780];
	v35 =	vmul.f32 v43, v35;
	v49 =	vmul.f32 v49, v27  }
0x134: {  	v20 =	vld [tilespmem:s7+$0x790];
	v53 =	vmul.f32 v17, v44;
	v17 =	vmul.f32 v50, v27  }
0x135: {  	v63 =	vld [tilespmem:s7+$0xFFFFF800];
	v15 =	vmul.f32 v15, v44;
	v21 =	vmul.f32 v21, v33  }
0x136: {  	v57 =	vld [tilespmem:s5+$0x10];
	v13 =	vmul.f32 v13, v44;
	v56 =	vmul.f32 v52, v25;
	v7 =	vadd.f32 v22, v7  }
0x137: {  	v9 =	vpsel p1, $0x0, v9;
	v54 =	vld [tilespmem:s7+$0x0];
	v12 =	vmul.f32 v12, v37;
	v22 =	vmul.f32 v60, v25  }
0x138: {  	v55 =	vld [tilespmem:s7+$0x810];
	v58 =	vmul.f32 v10, v48;
	v25 =	vmul.f32 v62, v25;
	v7 =	vadd.f32 v49, v7  }
0x139: {  	v10 =	vld [tilespmem:s7+$0xFFFFF810];
	v9 =	vadd.f32 v22, v9;
	v20 =	vmul.f32 v20, v27;
	v27 =	vmul.f32 v46, v27  }
0x13a: {  	v33 =	vmul.f32 v61, v33;
	v61 =	vld [tilespmem:s7+$0x830];
	v25 =	vadd.f32 v25, v6;
	v7 =	vadd.f32 v31, v7  }
0x13b: {  	v59 =	vmul.f32 v57, v51;
	v8 =	vadd.f32 v56, v8;
	v60 =	vld [tilespmem:s7+$0xFFFFF820];
	v9 =	vadd.f32 v27, v9  }
0x13c: {  	v22 =	vmul.f32 v11, v37;
	v31 =	vld [tilespmem:s7+$0x820];
	v17 =	vadd.f32 v17, v25;
	v7 =	vadd.f32 v36, v7  }
0x13d: {  	v11 =	vld [tilespmem:s7+$0x10];
	v6 =	vmul.f32 v63, v48;
	v8 =	vadd.f32 v20, v8;
	v9 =	vadd.f32 v41, v9  }
0x13e: {  	v62 =	vld [tilespmem:s7+$0x30];
	v27 =	vmul.f32 v54, v48;
	v17 =	vadd.f32 v28, v17;
	v25 =	vadd.f32 v26, v7  }
0x13f: {  	v20 =	vld [tilespmem:s5+$0x20];
	v7 =	vmul.f32 v10, v51;
	v10 =	vadd.f32 v42, v8;
	v32 =	vadd.f32 v32, v9  }
0x140: {  	v63 =	vld [tilespmem:s7+$0x840];
	v17 =	vadd.f32 v30, v17;
	v9 =	vmul.f32 v55, v51;
	v14 =	vadd.f32 v14, v25  }
0x141: {  	v26 =	vld [tilespmem:s7+$0x20];
	v8 =	vmul.f32 v31, v40;
	v10 =	vadd.f32 v34, v10;
	v28 =	vadd.f32 v35, v32  }
0x142: {  	v30 =	vld [tilespmem:s7+$0xFFFFF830];
	v31 =	vmul.f32 v11, v51;
	v17 =	vadd.f32 v29, v17;
	v13 =	vadd.f32 v13, v14  }
0x143: {  	v11 =	vmul.f32 v60, v40;
	v25 =	vld [tilespmem:s5+$0x30];
	v14 =	vadd.f32 v24, v10;
	v23 =	vadd.f32 v23, v28  }
0x144: {  	v20 =	vmul.f32 v20, v40;
	v24 =	vld [tilespmem:s5+$0x40];
	v21 =	vadd.f32 v21, v17;
	v13 =	vadd.f32 v22, v13  }
0x145: {  	v10 =	vmul.f32 v61, v38;
	v22 =	vld [tilespmem:s7+$0x40];
	v28 =	vadd.f32 v33, v14;
	v23 =	vadd.f32 v47, v23  }
0x146: {  	v17 =	vld [tilespmem:s7+$0xFFFFF840];
	v29 =	vmul.f32 v26, v40;
	v15 =	vadd.f32 v15, v21;
	v27 =	vadd.f32 v27, v13  }
0x147: {  	v26 =	vld [tilespmem:s5+$0x50];
	v14 =	vmul.f32 v62, v38;
	v28 =	vadd.f32 v53, v28;
	v23 =	vadd.f32 v19, v23  }
0x148: {  	v13 =	vmul.f32 v30, v38;
	v12 =	vadd.f32 v12, v15;
	v19 =	vld [tilespmem:s7+$0x50];
	v21 =	vadd.f32 v31, v27  }
0x149: {  	v15 =	vmul.f32 v63, v5;
	v28 =	vadd.f32 v18, v28;
	v18 =	vld [tilespmem:s7+$0x850];
	v30 =	vadd.f32 v16, v23  }
0x14a: {  	v24 =	vmul.f32 v24, v5;
	v16 =	vmul.f32 v22, v5;
	v22 =	vld [tilespmem:s7+$0xFFFFF850];
	v23 =	vadd.f32 v29, v21  }
0x14b: {  	s11 =	simm.s32 $0x40;
	s9 =	simm.s32 $0x16378;
	s8 =	simm.s32 $0x18BF8;
	v27 =	vmul.f32 v25, v38;
	v25 =	vadd.f32 v58, v28;
	v21 =	vld [tilespmem:s7+$0x60];
	v28 =	vadd.f32 v59, v30  }
.LBB2_3:
0x14c: {  	s10 =	smov.u32 s11  }
0x14d: {  	s12 =	sshra.s32 s11, $0x2;
	v6 =	vadd.f32 v6, v12;
	v5 =	vmul.f32 v17, v5;
	v12 =	vmul.f32 v26, v3;
	v17 =	vld [tilespmem:s5+$0x60];
	s7 =	sadd.s32 $0x100, s7;
	s10 =	sadd.s32 $0x40, s11  }
0x14e: {  	p3 =	sne.s32 s11, $0x1C0;
	v9 =	vadd.f32 v9, v25;
	v20 =	vadd.f32 v20, v28;
	v19 =	vmul.f32 v19, v3;
	v26 =	vld [tilespmem:s12+$0x19B78]  }
0x14f: {  	v25 =	vbroadcast v2, $0xE;
	v6 =	vadd.f32 v7, v6;
	v18 =	vmul.f32 v18, v3;
	v7 =	vld [tilespmem:s5+$0x70];
	s5 =	smov.u32 s9  }
0x150: {  	v2 =	vadd.f32 v14, v23;
	v14 =	vadd.f32 v27, v20;
	v3 =	vmul.f32 v22, v3;
	v20 =	vld [tilespmem:s8+$0x70]  }
0x151: {  	v8 =	vadd.f32 v8, v9;
	v6 =	vadd.f32 v11, v6;
	v11 =	vmul.f32 v21, v25;
	v9 =	vld [tilespmem:s8+$0xFFFFF860]  }
0x152: {  	v16 =	vadd.f32 v16, v2;
	v14 =	vadd.f32 v24, v14;
	v17 =	vmul.f32 v17, v25;
	v21 =	vld [tilespmem:s8+$0x860]  }
0x153: {  	v8 =	vadd.f32 v10, v8;
	v6 =	vadd.f32 v13, v6;
	v2 =	vmul.f32 v26, v4;
	v10 =	vld [tilespmem:s8+$0xFFFFF870]  }
0x154: {  	v13 =	vadd.f32 v19, v16;
	v12 =	vadd.f32 v12, v14;
	v14 =	vld [tilespmem:s8+$0x870];
	v16 =	vmul.f32 v7, v1;
	s8 =	smov.u32 s7  }
0x155: {  	v8 =	vadd.f32 v15, v8;
	v5 =	vadd.f32 v5, v6;
	[tilespmem:s12+$0x19C78] =	vst v2;
	v15 =	vmul.f32 v20, v1  }
0x156: {  	v11 =	vadd.f32 v11, v13;
	v12 =	vadd.f32 v17, v12;
	v7 =	vld [tilespmem:s7+$0x800];
	v9 =	vmul.f32 v9, v25  }
0x157: {  	v3 =	vadd.f32 v3, v5;
	v5 =	vadd.f32 v18, v8;
	v6 =	vld [tilespmem:s7+$0xFFFFFFF0];
	v8 =	vmul.f32 v21, v25  }
0x158: {  	v11 =	vadd.f32 v15, v11;
	v15 =	vadd.f32 v16, v12;
	v17 =	vld [tilespmem:s7+$0xFFFFF7F0];
	v10 =	vmul.f32 v10, v1  }
0x159: {  	v16 =	vbroadcast v2, $0x0;
	v3 =	vadd.f32 v9, v3;
	v18 =	vld [tilespmem:s7+$0xFFFFFFE0];
	v5 =	vadd.f32 v8, v5  }
0x15a: {  	v1 =	vmul.f32 v14, v1;
	v8 =	vld [tilespmem:s7+$0xFFFFFFD0]  }
0x15b: {  	v10 =	vadd.f32 v10, v3;
	v9 =	vld [tilespmem:s7+$0xFFFFF7E0]  }
0x15c: {  	v19 =	vadd.f32 v1, v5;
	v14 =	vld [tilespmem:s9+$0x0]  }
0x15d: {  	v20 =	vbroadcast v2, $0x1;
	v21 =	vld [tilespmem:s7+$0x7E0]  }
0x15e: {  	v22 =	vld [tilespmem:s7+$0x7F0]  }
0x15f: {  	v23 =	vld [tilespmem:s9+$0xFFFFFFF0]  }
0x160: {  	v24 =	vld [tilespmem:s9+$0xFFFFFFE0]  }
0x161: {  	v25 =	vbroadcast v2, $0x2;
	v26 =	vld [tilespmem:s7+$0xFFFFF7D0]  }
0x162: {  	v27 =	vld [tilespmem:s7+$0xFFFFFF80]  }
0x163: {  	v28 =	vld [tilespmem:s9+$0xFFFFFFD0]  }
0x164: {  	v29 =	vbroadcast v2, $0x3;
	v30 =	vld [tilespmem:s7+$0x7C0]  }
0x165: {  	v31 =	vld [tilespmem:s7+$0xFFFFFFC0]  }
0x166: {  	v13 =	vld [tilespmem:s7+$0xFFFFF7C0]  }
0x167: {  	v1 =	vbroadcast v2, $0xF;
	v32 =	vld [tilespmem:s7+$0xFFFFFFA0]  }
0x168: {  	v34 =	vbroadcast v2, $0x5;
	v3 =	vbroadcast v2, $0xD;
	v33 =	vld [tilespmem:s9+$0xFFFFFFB0]  }
0x169: {  	v36 =	vbroadcast v2, $0x4;
	v5 =	vbroadcast v2, $0xC;
	v35 =	vld [tilespmem:s7+$0x7B0]  }
0x16a: {  	v38 =	vbroadcast v2, $0x7;
	v12 =	vbroadcast v2, $0xB;
	v37 =	vld [tilespmem:s7+$0xFFFFFFB0]  }
0x16b: {  	v39 =	vld [tilespmem:s7+$0xFFFFF7B0];
	v40 =	vmul.f32 v13, v36;
	v13 =	vbroadcast v2, $0xA  }
0x16c: {  	v31 =	vmul.f32 v31, v36;
	v32 =	vmul.f32 v32, v25;
	v41 =	vld [tilespmem:s9+$0xFFFFFFA0]  }
0x16d: {  	v30 =	vmul.f32 v30, v36;
	v42 =	vld [tilespmem:s7+$0x7A0];
	v33 =	vmul.f32 v33, v29  }
0x16e: {  	v44 =	vbroadcast v2, $0x6;
	v28 =	vmul.f32 v28, v34;
	v43 =	vld [tilespmem:s9+$0xFFFFFFC0]  }
0x16f: {  	v27 =	vmul.f32 v27, v16;
	v35 =	vmul.f32 v35, v29;
	v45 =	vld [tilespmem:s7+$0xFFFFF7A0]  }
0x170: {  	v24 =	vmul.f32 v24, v44;
	v37 =	vmul.f32 v37, v29;
	v46 =	vld [tilespmem:s9+$0xFFFFFF90]  }
0x171: {  	v47 =	vbroadcast v2, $0x8;
	v11 =	vadd.f32 v27, v11;
	v27 =	vld [tilespmem:s7+$0x790];
	v41 =	vmul.f32 v41, v25  }
0x172: {  	v23 =	vmul.f32 v23, v38;
	v48 =	vld [tilespmem:s7+$0xFFFFFF90];
	v42 =	vmul.f32 v42, v25  }
0x173: {  	v22 =	vmul.f32 v22, v38;
	v29 =	vmul.f32 v39, v29;
	v49 =	vld [tilespmem:s7+$0xFFFFF790]  }
0x174: {  	v39 =	vld [tilespmem:s9+$0xFFFFFF80];
	v25 =	vmul.f32 v45, v25;
	v45 =	vmul.f32 v14, v47  }
0x175: {  	v50 =	vbroadcast v2, $0x9;
	v8 =	vmul.f32 v8, v34;
	v14 =	vld [tilespmem:s7+$0x7D0]  }
0x176: {  	v36 =	vmul.f32 v43, v36;
	v51 =	vld [tilespmem:s7+$0x780];
	v27 =	vmul.f32 v27, v20  }
0x177: {  	v21 =	vmul.f32 v21, v44;
	v43 =	vld [tilespmem:s7+$0xFFFFF780];
	v48 =	vmul.f32 v48, v20  }
0x178: {  	v52 =	vmul.f32 v9, v44;
	v49 =	vmul.f32 v49, v20;
	v9 =	vld [tilespmem:s7+$0xFFFFF800]  }
0x179: {  	v26 =	vmul.f32 v26, v34;
	v39 =	vmul.f32 v39, v16;
	v53 =	vld [tilespmem:s7+$0x0]  }
0x17a: {  	v18 =	vmul.f32 v18, v44;
	v20 =	vmul.f32 v46, v20;
	v44 =	vld [tilespmem:s7+$0x810]  }
0x17b: {  	v11 =	vadd.f32 v48, v11;
	v48 =	vmul.f32 v17, v38;
	v46 =	vmul.f32 v51, v16;
	v17 =	vld [tilespmem:s9+$0x10]  }
0x17c: {  	v15 =	vadd.f32 v39, v15;
	v39 =	vmul.f32 v7, v47;
	v16 =	vmul.f32 v43, v16;
	v7 =	vld [tilespmem:s7+$0xFFFFF810]  }
0x17d: {  	v11 =	vadd.f32 v32, v11;
	v32 =	vmul.f32 v6, v38;
	v19 =	vadd.f32 v46, v19;
	v38 =	vld [tilespmem:s7+$0x10]  }
0x17e: {  	v15 =	vadd.f32 v20, v15;
	v10 =	vadd.f32 v16, v10;
	v16 =	vmul.f32 v53, v47;
	v20 =	vld [tilespmem:s7+$0x820]  }
0x17f: {  	v11 =	vadd.f32 v37, v11;
	v6 =	vmul.f32 v9, v47;
	v19 =	vadd.f32 v27, v19;
	v27 =	vld [tilespmem:s9+$0x20]  }
0x180: {  	v14 =	vmul.f32 v14, v34;
	v9 =	vadd.f32 v41, v15;
	v15 =	vmul.f32 v17, v50;
	v17 =	vld [tilespmem:s7+$0xFFFFF820]  }
0x181: {  	v11 =	vadd.f32 v31, v11;
	v10 =	vadd.f32 v49, v10;
	v7 =	vmul.f32 v7, v50;
	v31 =	vld [tilespmem:s7+$0x20]  }
0x182: {  	v19 =	vadd.f32 v42, v19;
	v33 =	vadd.f32 v33, v9;
	v9 =	vmul.f32 v44, v50;
	v34 =	vld [tilespmem:s7+$0x830]  }
0x183: {  	v11 =	vadd.f32 v8, v11;
	v10 =	vadd.f32 v25, v10;
	v8 =	vmul.f32 v20, v13;
	v25 =	vld [tilespmem:s9+$0x30]  }
0x184: {  	v19 =	vadd.f32 v35, v19;
	v20 =	vadd.f32 v36, v33;
	v33 =	vmul.f32 v38, v50;
	v35 =	vld [tilespmem:s7+$0x30]  }
0x185: {  	v18 =	vadd.f32 v18, v11;
	v10 =	vadd.f32 v29, v10;
	v11 =	vmul.f32 v17, v13;
	v29 =	vld [tilespmem:s7+$0xFFFFF830]  }
0x186: {  	v17 =	vadd.f32 v30, v19;
	v19 =	vadd.f32 v28, v20;
	v20 =	vmul.f32 v27, v13;
	v27 =	vld [tilespmem:s9+$0x40]  }
0x187: {  	v18 =	vadd.f32 v32, v18;
	v28 =	vadd.f32 v40, v10;
	v10 =	vmul.f32 v34, v12;
	v30 =	vld [tilespmem:s7+$0x40]  }
0x188: {  	v31 =	vmul.f32 v31, v13;
	v32 =	vadd.f32 v14, v17;
	v19 =	vadd.f32 v24, v19;
	v34 =	vld [tilespmem:s7+$0x840]  }
0x189: {  	v16 =	vadd.f32 v16, v18;
	v24 =	vadd.f32 v26, v28;
	v14 =	vmul.f32 v35, v12;
	v17 =	vld [tilespmem:s7+$0xFFFFF840]  }
.Ltmp3:
0x18a: {  	v18 =	vadd.f32 v21, v32;
	v21 =	vadd.f32 v23, v19;
	v13 =	vmul.f32 v29, v12;
	v26 =	vld [tilespmem:s9+$0x50];
	(pc) =	sbr.rel @p3 .LBB2_3-.Ltmp3, $4  }
0x18b: {  	v16 =	vadd.f32 v33, v16;
	v23 =	vadd.f32 v52, v24;
	v24 =	vmul.f32 v27, v5;
	v19 =	vld [tilespmem:s7+$0x50]  }
0x18c: {  	v28 =	vadd.f32 v22, v18;
	v21 =	vadd.f32 v45, v21;
	v27 =	vmul.f32 v25, v12;
	v18 =	vld [tilespmem:s7+$0x850]  }
0x18d: {  	v12 =	vadd.f32 v48, v23;
	v23 =	vadd.f32 v31, v16;
	v16 =	vmul.f32 v30, v5;
	v22 =	vld [tilespmem:s7+$0xFFFFF850]  }
0x18e: {  	s11 =	smov.u32 s10;
	s9 =	sadd.s32 $0x100, s9;
	v25 =	vadd.f32 v39, v28;
	v28 =	vadd.f32 v15, v21;
	v15 =	vmul.f32 v34, v5;
	v21 =	vld [tilespmem:s7+$0x60]  }
0x18f: {  	v4 =	vld [tilespmem:$0x19F18];
	_ =	sdelay $0x1  }
0x190: {  	v29 =	vld [tilespmem:$0x169F8];
	_ =	sdelay $0x1  }
0x191: {  	v30 =	vld [tilespmem:$0x16A08]  }
0x192: {  	v31 =	vbroadcast v4, $0x0  }
0x193: {  	v32 =	vld [tilespmem:$0x16A18]  }
0x194: {  	v53 =	vbroadcast v4, $0x1;
	v29 =	vmul.f32 v29, v31  }
0x195: {  	v33 =	vld [tilespmem:$0x16A28]  }
0x196: {  	v54 =	vbroadcast v4, $0x2;
	v30 =	vmul.f32 v30, v53;
	v29 =	vadd.f32 $0.0e+00, v29  }
0x197: {  	v34 =	vld [tilespmem:$0x16A38]  }
0x198: {  	v56 =	vbroadcast v4, $0x3;
	v55 =	vmul.f32 v32, v54;
	v29 =	vadd.f32 v30, v29  }
0x199: {  	v57 =	vld [tilespmem:$0x16A48]  }
0x19a: {  	v59 =	vbroadcast v4, $0x4;
	v58 =	vmul.f32 v33, v56;
	v29 =	vadd.f32 v55, v29  }
0x19b: {  	v60 =	vld [tilespmem:$0x16A58]  }
0x19c: {  	v62 =	vbroadcast v4, $0x5;
	v61 =	vmul.f32 v34, v59;
	v29 =	vadd.f32 v58, v29  }
0x19d: {  	v63 =	vld [tilespmem:$0x16A68]  }
0x19e: {  	v37 =	vbroadcast v4, $0x6;
	v36 =	vmul.f32 v57, v62;
	v29 =	vadd.f32 v61, v29  }
0x19f: {  	v38 =	vld [tilespmem:$0x16A78]  }
0x1a0: {  	v40 =	vbroadcast v4, $0x7;
	v39 =	vmul.f32 v60, v37;
	v29 =	vadd.f32 v36, v29  }
0x1a1: {  	v41 =	vld [tilespmem:$0x16A88]  }
0x1a2: {  	v43 =	vbroadcast v4, $0x8;
	v42 =	vmul.f32 v63, v40;
	v29 =	vadd.f32 v39, v29  }
0x1a3: {  	v44 =	vld [tilespmem:$0x16A98]  }
0x1a4: {  	v46 =	vbroadcast v4, $0x9;
	v45 =	vmul.f32 v38, v43;
	v29 =	vadd.f32 v42, v29  }
0x1a5: {  	v47 =	vld [tilespmem:$0x16AA8]  }
0x1a6: {  	v49 =	vbroadcast v4, $0xA;
	v48 =	vmul.f32 v41, v46;
	v29 =	vadd.f32 v45, v29  }
0x1a7: {  	v50 =	vld [tilespmem:$0x16AB8]  }
0x1a8: {  	v52 =	vbroadcast v4, $0xB;
	v51 =	vmul.f32 v44, v49;
	v29 =	vadd.f32 v48, v29  }
0x1a9: {  	v53 =	vld [tilespmem:$0x16AC8]  }
0x1aa: {  	v54 =	vmul.f32 v47, v52;
	v55 =	vbroadcast v4, $0xC;
	v29 =	vadd.f32 v51, v29  }
0x1ab: {  	v20 =	vadd.f32 v20, v28;
	v56 =	vld [tilespmem:$0x16AD8]  }
0x1ac: {  	v57 =	vld [tilespmem:s5+$0x60];
	v31 =	vmul.f32 v50, v55;
	v58 =	vbroadcast v4, $0xD;
	v29 =	vadd.f32 v54, v29  }
0x1ad: {  	v20 =	vadd.f32 v27, v20;
	v27 =	vld [tilespmem:$0x16AE8]  }
0x1ae: {  	v59 =	vld [tilespmem:s5+$0x70];
	v60 =	vbroadcast v4, $0xE;
	v32 =	vmul.f32 v53, v58;
	v29 =	vadd.f32 v31, v29  }
0x1af: {  	v2 =	vbroadcast v2, $0xE;
	v20 =	vadd.f32 v24, v20;
	v24 =	vmul.f32 v26, v3  }
0x1b0: {  	v28 =	vmul.f32 v56, v60;
	v4 =	vbroadcast v4, $0xF;
	v26 =	vadd.f32 v32, v29  }
0x1b1: {  	v20 =	vadd.f32 v24, v20;
	v24 =	vmul.f32 v57, v2  }
0x1b2: {  	v4 =	vmul.f32 v27, v4;
	v26 =	vadd.f32 v28, v26  }
0x1b3: {  	v20 =	vadd.f32 v24, v20;
	v27 =	vmul.f32 v59, v1  }
0x1b4: {  	v4 =	vadd.f32 v4, v26  }
0x1b5: {  	v62 =	vld [tilespmem:s8+$0xFFFFF870];
	v20 =	vadd.f32 v27, v20  }
0x1b6: {  	v63 =	vld [tilespmem:s8+$0x870];
	v4 =	vpsel p1, $0x0, v4  }
0x1b7: {  	v61 =	vld [tilespmem:s8+$0x70];
	v4 =	vadd.f32 v4, v20  }
0x1b8: {  	v27 =	vld [tilespmem:s8+$0x860]  }
0x1b9: {  	v26 =	vld [tilespmem:s8+$0xFFFFF860];
	[tilespmem:$0x19DF8] =	vst v4  }
0x1ba: {  	[spmem:s23] =	stream.linear.scatter [tilespmem:s26], [sflag:$0x3], $0x10, $0x38;
	[tilespmem:$0x1CB78] =	vst v63  }
0x1bb: {  	_ =	swait.ge [sflag:s6], $0x10  }
0x1bc: {  	[sflag:s6] =	ssyncset.done $0x0  }
0x1bd: {  	[sflag:s6] =	ssyncadd.s32 $0xFFFFFFF0  }
0x1be: {  	[bflag:$0x0] =	sbarrier.arrive $0xFFFF  }
0x1bf: {  	[tilespmem:s28], [sflag:$0x3] =	stream.linear.gather [spmem:s3], $0x100, $0x38;
	[tilespmem:$0x1CB78] =	vst v63  }
0x1c0: {  	_ =	swait.ge [sflag:s6], $0x100  }
0x1c1: {  	[sflag:s6] =	ssyncset.done $0x0  }
0x1c2: {  	[sflag:s6] =	ssyncadd.s32 $0xFFFFFF00  }
0x1c3: {  	v24 =	vld [tilespmem:$0x16B18]  }
0x1c4: {  	v4 =	vadd.f32 v6, v12;
	v20 =	vld [tilespmem:$0x16B28]  }
0x1c5: {  	s5 =	simm.s32 $0x173F8;
	v12 =	vld [tilespmem:$0x16B38]  }
0x1c6: {  	v7 =	vadd.f32 v7, v4;
	v6 =	vld [tilespmem:s5+$0xFFFFF870]  }
0x1c7: {  	v9 =	vadd.f32 v9, v25;
	v4 =	vld [tilespmem:s5+$0xFFFFF860]  }
0x1c8: {  	v11 =	vadd.f32 v11, v7;
	v7 =	vld [tilespmem:s5+$0xFFFFF850]  }
0x1c9: {  	v14 =	vadd.f32 v14, v23;
	v9 =	vadd.f32 v8, v9;
	v8 =	vld [tilespmem:s5+$0xFFFFF840]  }
0x1ca: {  	v17 =	vmul.f32 v17, v5;
	v11 =	vadd.f32 v13, v11;
	v5 =	vld [tilespmem:s5+$0xFFFFF830]  }
0x1cb: {  	s7 =	simm.s32 $0x0;
	v14 =	vadd.f32 v16, v14;
	v10 =	vadd.f32 v10, v9;
	v9 =	vld [tilespmem:s5+$0xFFFFF820]  }
0x1cc: {  	v13 =	vmul.f32 v19, v3;
	v19 =	vmul.f32 v22, v3;
	v11 =	vadd.f32 v17, v11;
	v17 =	vld [tilespmem:s7+$0x19CF8]  }
0x1cd: {  	v16 =	vmul.f32 v21, v2;
	v15 =	vadd.f32 v15, v10;
	v3 =	vmul.f32 v18, v3;
	v22 =	vld [tilespmem:s7+$0x19D78]  }
0x1ce: {  	v18 =	vmul.f32 v26, v2;
	v14 =	vadd.f32 v13, v14;
	v11 =	vadd.f32 v19, v11;
	v10 =	vld [tilespmem:s5+$0xFFFFF810]  }
0x1cf: {  	v2 =	vmul.f32 v27, v2;
	v3 =	vadd.f32 v3, v15;
	v13 =	vld [tilespmem:s5+$0xFFFFF800]  }
0x1d0: {  	v15 =	vmul.f32 v62, v1;
	v14 =	vadd.f32 v16, v14;
	v16 =	vld [tilespmem:s5+$0xFFFFF7F0];
	v11 =	vadd.f32 v18, v11  }
0x1d1: {  	v19 =	vmul.f32 v61, v1;
	v23 =	vadd.f32 v2, v3;
	v1 =	vmul.f32 v63, v1;
	v21 =	vld [tilespmem:s5+$0xFFFFF7D0]  }
0x1d2: {  	v18 =	vld [tilespmem:s5+$0xFFFFF7E0];
	v3 =	vadd.f32 v15, v11;
	v11 =	vadd.f32 v22, v17  }
0x1d3: {  	s7 =	simm.s32 $0x40;
	v2 =	vadd.f32 v19, v14;
	v1 =	vadd.f32 v1, v23;
	v22 =	vld [tilespmem:s5+$0xFFFFF7C0]  }
.LBB2_5:
0x1d4: {  	p3 =	sne.s32 s7, $0x1C0;
	v23 =	vmax.f32 v11, $0.0e+00;
	v25 =	vld [tilespmem:s5+$0xFFFFF7B0]  }
0x1d5: {  	v26 =	vld [tilespmem:s5+$0xFFFFF7A0];
	v11 =	vbroadcast v23, $0xF  }
0x1d6: {  	v15 =	vbroadcast v23, $0xD;
	v14 =	vbroadcast v23, $0xE;
	v27 =	vld [tilespmem:s5+$0xFFFFF790]  }
0x1d7: {  	v19 =	vbroadcast v23, $0xB;
	v17 =	vbroadcast v23, $0xC;
	v28 =	vld [tilespmem:s5+$0xFFFFF780]  }
0x1d8: {  	v30 =	vbroadcast v23, $0x9;
	v31 =	vbroadcast v23, $0xA;
	v29 =	vld [tilespmem:s5+$0xFFFFFF80]  }
0x1d9: {  	v33 =	vbroadcast v23, $0x7;
	v34 =	vbroadcast v23, $0x8;
	v32 =	vld [tilespmem:s5+$0x780]  }
0x1da: {  	v36 =	vbroadcast v23, $0x5;
	v37 =	vbroadcast v23, $0x6;
	v35 =	vld [tilespmem:s5+$0xFFFFFF90]  }
0x1db: {  	v38 =	vbroadcast v23, $0x0;
	v40 =	vbroadcast v23, $0x4;
	v39 =	vld [tilespmem:s5+$0x790]  }
0x1dc: {  	v41 =	vbroadcast v23, $0x2;
	v43 =	vbroadcast v23, $0x3;
	v42 =	vld [tilespmem:s5+$0xFFFFFFA0]  }
0x1dd: {  	v23 =	vbroadcast v23, $0x1;
	v28 =	vmul.f32 v38, v28;
	v44 =	vld [tilespmem:s5+$0x7A0]  }
0x1de: {  	v29 =	vmul.f32 v38, v29;
	v32 =	vmul.f32 v32, v38;
	v38 =	vld [tilespmem:s5+$0xFFFFFFB0]  }
0x1df: {  	v27 =	vmul.f32 v27, v23;
	v24 =	vadd.f32 v28, v24;
	v28 =	vmul.f32 v35, v23;
	v35 =	vld [tilespmem:s5+$0x7B0]  }
0x1e0: {  	v20 =	vadd.f32 v29, v20;
	v12 =	vadd.f32 v32, v12;
	v23 =	vmul.f32 v39, v23;
	v29 =	vld [tilespmem:s5+$0xFFFFFFC0]  }
0x1e1: {  	v26 =	vmul.f32 v26, v41;
	v24 =	vadd.f32 v27, v24;
	v27 =	vmul.f32 v42, v41;
	v32 =	vld [tilespmem:s5+$0x7C0]  }
0x1e2: {  	v20 =	vadd.f32 v28, v20;
	v12 =	vadd.f32 v23, v12;
	v23 =	vmul.f32 v44, v41;
	v28 =	vld [tilespmem:s5+$0xFFFFFFD0]  }
0x1e3: {  	v25 =	vmul.f32 v25, v43;
	v24 =	vadd.f32 v26, v24;
	v26 =	vmul.f32 v38, v43;
	v38 =	vld [tilespmem:s5+$0x7D0]  }
0x1e4: {  	v20 =	vadd.f32 v27, v20;
	v12 =	vadd.f32 v23, v12;
	v23 =	vmul.f32 v35, v43;
	v27 =	vld [tilespmem:s5+$0xFFFFFFE0]  }
0x1e5: {  	v22 =	vmul.f32 v22, v40;
	v24 =	vadd.f32 v25, v24;
	v25 =	vmul.f32 v29, v40;
	v29 =	vld [tilespmem:s5+$0x7E0]  }
0x1e6: {  	v20 =	vadd.f32 v26, v20;
	v12 =	vadd.f32 v23, v12;
	v23 =	vmul.f32 v32, v40;
	v26 =	vld [tilespmem:s5+$0xFFFFFFF0]  }
0x1e7: {  	v21 =	vmul.f32 v21, v36;
	v22 =	vadd.f32 v22, v24;
	v24 =	vmul.f32 v28, v36;
	v28 =	vld [tilespmem:s5+$0x7F0]  }
0x1e8: {  	v20 =	vadd.f32 v25, v20;
	v12 =	vadd.f32 v23, v12;
	v23 =	vmul.f32 v38, v36;
	v25 =	vld [tilespmem:s5+$0x0]  }
0x1e9: {  	v18 =	vmul.f32 v18, v37;
	v21 =	vadd.f32 v21, v22;
	v22 =	vmul.f32 v27, v37;
	v27 =	vld [tilespmem:s5+$0x800]  }
0x1ea: {  	v20 =	vadd.f32 v24, v20;
	v12 =	vadd.f32 v23, v12;
	v23 =	vmul.f32 v29, v37;
	v24 =	vld [tilespmem:s5+$0x10]  }
0x1eb: {  	v16 =	vmul.f32 v16, v33;
	v18 =	vadd.f32 v18, v21;
	v21 =	vmul.f32 v26, v33;
	v26 =	vld [tilespmem:s5+$0x810]  }
0x1ec: {  	v20 =	vadd.f32 v22, v20;
	v12 =	vadd.f32 v23, v12;
	v22 =	vmul.f32 v28, v33;
	v23 =	vld [tilespmem:s5+$0x20]  }
0x1ed: {  	v13 =	vmul.f32 v13, v34;
	v16 =	vadd.f32 v16, v18;
	v18 =	vmul.f32 v25, v34;
	v25 =	vld [tilespmem:s5+$0x820]  }
0x1ee: {  	v20 =	vadd.f32 v21, v20;
	v12 =	vadd.f32 v22, v12;
	v21 =	vmul.f32 v27, v34;
	v22 =	vld [tilespmem:s5+$0x30]  }
0x1ef: {  	v10 =	vmul.f32 v10, v30;
	v13 =	vadd.f32 v13, v16;
	v16 =	vmul.f32 v24, v30;
	v24 =	vld [tilespmem:s5+$0x830]  }
0x1f0: {  	v18 =	vadd.f32 v18, v20;
	v12 =	vadd.f32 v21, v12;
	v20 =	vmul.f32 v26, v30;
	v21 =	vld [tilespmem:s5+$0x40]  }
0x1f1: {  	v9 =	vmul.f32 v9, v31;
	v10 =	vadd.f32 v10, v13;
	v13 =	vmul.f32 v23, v31;
	v23 =	vld [tilespmem:s5+$0x840]  }
0x1f2: {  	v16 =	vadd.f32 v16, v18;
	v12 =	vadd.f32 v20, v12;
	v18 =	vmul.f32 v25, v31;
	v20 =	vld [tilespmem:s5+$0x50]  }
0x1f3: {  	v5 =	vmul.f32 v5, v19;
	v9 =	vadd.f32 v9, v10;
	v10 =	vmul.f32 v22, v19;
	v22 =	vld [tilespmem:s5+$0x850]  }
0x1f4: {  	v13 =	vadd.f32 v13, v16;
	v12 =	vadd.f32 v18, v12;
	v16 =	vmul.f32 v24, v19;
	v18 =	vld [tilespmem:s5+$0x60]  }
0x1f5: {  	v8 =	vmul.f32 v8, v17;
	v5 =	vadd.f32 v5, v9;
	v9 =	vmul.f32 v21, v17;
	v19 =	vld [tilespmem:s5+$0x860]  }
0x1f6: {  	v10 =	vadd.f32 v10, v13;
	v12 =	vadd.f32 v16, v12;
	v13 =	vmul.f32 v23, v17;
	v16 =	vld [tilespmem:s5+$0x70]  }
0x1f7: {  	v7 =	vmul.f32 v7, v15;
	v5 =	vadd.f32 v8, v5;
	v8 =	vmul.f32 v20, v15;
	v17 =	vld [tilespmem:s5+$0x870];
	s5 =	sadd.s32 $0x100, s5  }
0x1f8: {  	v9 =	vadd.f32 v9, v10;
	v20 =	vld [tilespmem:s5+$0xFFFFF870];
	v10 =	vadd.f32 v13, v12;
	v12 =	vmul.f32 v22, v15  }
0x1f9: {  	v5 =	vadd.f32 v7, v5;
	v13 =	vmul.f32 v4, v14;
	v4 =	vld [tilespmem:s5+$0xFFFFF860];
	v15 =	vmul.f32 v18, v14  }
0x1fa: {  	v9 =	vadd.f32 v8, v9;
	v7 =	vld [tilespmem:s5+$0xFFFFF850];
	v10 =	vadd.f32 v12, v10;
	v12 =	vmul.f32 v19, v14  }
0x1fb: {  	v18 =	vmul.f32 v6, v11;
	v13 =	vadd.f32 v13, v5;
	v8 =	vld [tilespmem:s5+$0xFFFFF840];
	v14 =	vmul.f32 v16, v11  }
0x1fc: {  	v15 =	vadd.f32 v15, v9;
	v5 =	vld [tilespmem:s5+$0xFFFFF830];
	v10 =	vadd.f32 v12, v10;
	v11 =	vmul.f32 v17, v11  }
0x1fd: {  	s8 =	sshra.s32 s7, $0x2;
	v24 =	vadd.f32 v18, v13;
	v9 =	vld [tilespmem:s5+$0xFFFFF820];
	v6 =	vmov v20  }
0x1fe: {  	v20 =	vadd.f32 v14, v15;
	v17 =	vld [tilespmem:s8+$0x19CF8];
	v12 =	vadd.f32 v11, v10  }
0x1ff: {  	v11 =	vld [tilespmem:s8+$0x19D78]  }
0x200: {  	v10 =	vld [tilespmem:s5+$0xFFFFF810]  }
.Ltmp4:
0x201: {  	v13 =	vld [tilespmem:s5+$0xFFFFF800];
	(pc) =	sbr.rel @p3 .LBB2_5-.Ltmp4, $4  }
0x202: {  	v16 =	vld [tilespmem:s5+$0xFFFFF7F0]  }
0x203: {  	v18 =	vld [tilespmem:s5+$0xFFFFF7E0]  }
0x204: {  	v11 =	vadd.f32 v11, v17;
	v21 =	vld [tilespmem:s5+$0xFFFFF7D0]  }
0x205: {  	s7 =	sadd.s32 $0x40, s7;
	v22 =	vld [tilespmem:s5+$0xFFFFF7C0]  }
0x206: {  	v14 =	vld [tilespmem:s5+$0xFFFFF780];
	_ =	sdelay $0x1  }
0x207: {  	v11 =	vmax.f32 v11, $0.0e+00;
	v15 =	vld [tilespmem:s5+$0xFFFFF790]  }
0x208: {  	v17 =	vbroadcast v11, $0x0  }
0x209: {  	v19 =	vld [tilespmem:s5+$0xFFFFF7A0]  }
0x20a: {  	v23 =	vbroadcast v11, $0x1;
	v14 =	vmul.f32 v17, v14  }
0x20b: {  	v25 =	vld [tilespmem:s5+$0xFFFFF7B0]  }
0x20c: {  	v26 =	vbroadcast v11, $0x2;
	v15 =	vmul.f32 v15, v23;
	v14 =	vadd.f32 v14, v24;
	_ =	sdelay $0x1  }
0x20d: {  	v34 =	vbroadcast v11, $0x3;
	v35 =	vmul.f32 v19, v26;
	v14 =	vadd.f32 v15, v14;
	_ =	sdelay $0x1  }
0x20e: {  	v36 =	vbroadcast v11, $0x4;
	v37 =	vmul.f32 v25, v34;
	v14 =	vadd.f32 v35, v14;
	_ =	sdelay $0x1  }
0x20f: {  	v38 =	vbroadcast v11, $0x5;
	v39 =	vmul.f32 v22, v36;
	v14 =	vadd.f32 v37, v14;
	_ =	sdelay $0x1  }
0x210: {  	v40 =	vbroadcast v11, $0x6;
	v41 =	vmul.f32 v21, v38;
	v14 =	vadd.f32 v39, v14;
	_ =	sdelay $0x1  }
0x211: {  	v42 =	vld [tilespmem:s5+$0xFFFFFF80];
	v27 =	vbroadcast v11, $0x7;
	v43 =	vmul.f32 v18, v40;
	v14 =	vadd.f32 v41, v14;
	_ =	sdelay $0x1  }
0x212: {  	v28 =	vld [tilespmem:s5+$0xFFFFFF90];
	v44 =	vbroadcast v11, $0x8;
	v45 =	vmul.f32 v16, v27;
	v14 =	vadd.f32 v43, v14;
	_ =	sdelay $0x1  }
0x213: {  	v29 =	vld [tilespmem:s5+$0xFFFFFFA0];
	v46 =	vbroadcast v11, $0x9;
	v13 =	vmul.f32 v13, v44;
	v14 =	vadd.f32 v45, v14  }
0x214: {  	v47 =	vmul.f32 v17, v42  }
0x215: {  	v30 =	vld [tilespmem:s5+$0xFFFFFFB0];
	v21 =	vbroadcast v11, $0xA;
	v10 =	vmul.f32 v10, v46;
	v13 =	vadd.f32 v13, v14  }
0x216: {  	v48 =	vmul.f32 v28, v23;
	v15 =	vadd.f32 v47, v20  }
0x217: {  	v49 =	vld [tilespmem:s5+$0xFFFFFFC0];
	v9 =	vmul.f32 v9, v21;
	v20 =	vbroadcast v11, $0xB;
	v10 =	vadd.f32 v10, v13  }
0x218: {  	v50 =	vmul.f32 v29, v26;
	v14 =	vadd.f32 v48, v15  }
0x219: {  	v51 =	vld [tilespmem:s5+$0xFFFFFFD0];
	v5 =	vmul.f32 v5, v20;
	v15 =	vbroadcast v11, $0xC;
	v9 =	vadd.f32 v9, v10  }
0x21a: {  	v52 =	vmul.f32 v30, v34;
	v13 =	vadd.f32 v50, v14  }
0x21b: {  	v53 =	vld [tilespmem:s5+$0xFFFFFFE0];
	v14 =	vbroadcast v11, $0xD;
	v8 =	vmul.f32 v8, v15;
	v5 =	vadd.f32 v5, v9  }
0x21c: {  	v54 =	vld [tilespmem:s5+$0x780];
	v28 =	vmul.f32 v49, v36;
	v10 =	vadd.f32 v52, v13  }
0x21d: {  	v31 =	vld [tilespmem:s5+$0xFFFFFFF0];
	v13 =	vbroadcast v11, $0xE;
	v7 =	vmul.f32 v7, v14;
	v5 =	vadd.f32 v8, v5  }
0x21e: {  	v55 =	vld [tilespmem:s5+$0x790];
	v29 =	vmul.f32 v51, v38;
	v10 =	vadd.f32 v28, v10  }
0x21f: {  	v56 =	vld [tilespmem:s5+$0x0];
	v11 =	vbroadcast v11, $0xF;
	v4 =	vmul.f32 v4, v13;
	v5 =	vadd.f32 v7, v5  }
0x220: {  	v57 =	vld [tilespmem:s5+$0x7A0];
	v30 =	vmul.f32 v53, v40;
	v10 =	vadd.f32 v29, v10  }
0x221: {  	v58 =	vld [tilespmem:s5+$0x10];
	v9 =	vmul.f32 v54, v17;
	v59 =	vmul.f32 v6, v11;
	v4 =	vadd.f32 v4, v5  }
0x222: {  	v60 =	vld [tilespmem:s5+$0x7B0];
	v61 =	vmul.f32 v31, v27;
	v10 =	vadd.f32 v30, v10  }
0x223: {  	v62 =	vld [tilespmem:s5+$0x20];
	v9 =	vadd.f32 v9, v12;
	v8 =	vmul.f32 v55, v23;
	v4 =	vadd.f32 v59, v4  }
0x224: {  	v63 =	vld [tilespmem:s5+$0x7C0];
	v28 =	vmul.f32 v56, v44;
	v10 =	vadd.f32 v61, v10  }
0x225: {  	v8 =	vadd.f32 v8, v9;
	v7 =	vmul.f32 v57, v26;
	v30 =	vld [tilespmem:s5+$0x30];
	v3 =	vadd.f32 v4, v3  }
0x226: {  	v31 =	vld [tilespmem:s5+$0x7D0];
	v17 =	vmul.f32 v58, v46;
	v10 =	vadd.f32 v28, v10  }
0x227: {  	v32 =	vld [tilespmem:s5+$0x40];
	v6 =	vmul.f32 v60, v34;
	v7 =	vadd.f32 v7, v8;
	v3 =	vsub.f32 $0.0e+00, v3  }
0x228: {  	v33 =	vld [tilespmem:s5+$0x7E0];
	v12 =	vmul.f32 v62, v21;
	v10 =	vadd.f32 v17, v10  }
0x229: {  	v34 =	vld [tilespmem:s5+$0x50];
	v5 =	vmul.f32 v63, v36;
	v6 =	vadd.f32 v6, v7;
	v3 =	vmul.f32 $1.442695020e+00, v3  }
0x22a: {  	v35 =	vld [tilespmem:s5+$0x7F0];
	v9 =	vmul.f32 v30, v20;
	v10 =	vadd.f32 v12, v10  }
0x22b: {  	v36 =	vld [tilespmem:s5+$0x60];
	v5 =	vadd.f32 v5, v6;
	v4 =	vmul.f32 v31, v38;
	(erf) = vpow2.f32 v3  }
0x22c: {  	v37 =	vld [tilespmem:s5+$0x800];
	v8 =	vmul.f32 v32, v15;
	v9 =	vadd.f32 v9, v10  }
0x22d: {  	v39 =	vld [tilespmem:s5+$0x70];
	v38 =	vmul.f32 v33, v40;
	v4 =	vadd.f32 v4, v5  }
0x22e: {  	v7 =	vmul.f32 v34, v14;
	v40 =	vld [tilespmem:s5+$0x810];
	v8 =	vadd.f32 v8, v9  }
0x22f: {  	v41 =	vmul.f32 v35, v27;
	v4 =	vadd.f32 v38, v4  }
0x230: {  	v42 =	vld [tilespmem:s5+$0x820];
	v6 =	vmul.f32 v36, v13;
	v7 =	vadd.f32 v7, v8  }
0x231: {  	v4 =	vadd.f32 v41, v4;
	v3 =	vmul.f32 v37, v44  }
0x232: {  	v43 =	vld [tilespmem:s5+$0x830];
	v44 =	vmul.f32 v39, v11;
	v6 =	vadd.f32 v6, v7  }
0x233: {  	v45 =	vmul.f32 v40, v46;
	v3 =	vadd.f32 v3, v4  }
0x234: {  	v46 =	vld [tilespmem:s5+$0x840];
	v6 =	vadd.f32 v44, v6;
	v47 =	vpop (erf)  }
0x235: {  	v48 =	vmul.f32 v42, v21;
	v3 =	vadd.f32 v45, v3;
	v8 =	vadd.f32 $1.000000000e+00, v47  }
0x236: {  	v49 =	vld [tilespmem:s5+$0x850];
	v2 =	vadd.f32 v6, v2  }
0x237: {  	v50 =	vmul.f32 v43, v20;
	v3 =	vadd.f32 v48, v3;
	(erf) = vrcp.f32 v8  }
0x238: {  	v51 =	vld [tilespmem:s5+$0x860];
	v2 =	vsub.f32 $0.0e+00, v2  }
0x239: {  	v52 =	vmul.f32 v46, v15;
	v3 =	vadd.f32 v50, v3  }
0x23a: {  	v53 =	vld [tilespmem:s5+$0x870];
	v2 =	vmul.f32 $1.442695020e+00, v2  }
0x23b: {  	v54 =	vmul.f32 v49, v14;
	v3 =	vadd.f32 v52, v3  }
0x23c: {  	(erf) = vpow2.f32 v2  }
0x23d: {  	v56 =	vmul.f32 v51, v13;
	v55 =	vadd.f32 v54, v3;
	_ =	sdelay $0x1  }
0x23e: {  	v57 =	vmul.f32 v53, v11;
	v2 =	vadd.f32 v56, v55  }
0x23f: {  	v58 =	vpop (erf)  }
0x240: {  	v2 =	vadd.f32 v57, v2;
	v1 =	vmul.f32 v58, v1;
	_ =	sdelay $0x1  }
0x241: {  	v1 =	vadd.f32 v1, v2;
	_ =	sdelay $0x1  }
0x242: {  	v59 =	vpop (erf);
	v1 =	vmul.f32 $-2.000000000e+00, v1  }
0x243: {  	v2 =	vadd.f32 $1.000000000e+00, v59  }
0x244: {  	v1 =	vmul.f32 $1.442695020e+00, v1  }
0x245: {  	(erf) = vrcp.f32 v2  }
0x246: {  	(erf) = vpow2.f32 v1;
	_ =	sdelay $0x7  }
0x247: {  	v60 =	vpop (erf)  }
0x248: {  	v61 =	vpop (erf)  }
0x249: {  	v2 =	vadd.f32 $1.000000000e+00, v61;
	_ =	sdelay $0x1  }
0x24a: {  	(erf) = vrcp.f32 v2;
	_ =	sdelay $0x8  }
0x24b: {  	v62 =	vld [tilespmem:s0+$0x19C78];
	v2 =	vpop (erf)  }
0x24c: {  	v2 =	vadd.f32 v2, v2;
	_ =	sdelay $0x1  }
0x24d: {  	p3 =	seq.s32 @!p1 s30, s31;
	v63 =	vsub.f32 $1.000000000e+00, v60;
	v2 =	vadd.f32 $-1.000000000e+00, v2  }
0x24e: {  	p3 =	por p1, !p3  }
.Ltmp5:
0x24f: {  	v1 =	vmul.f32 v62, v60;
	v2 =	vmul.f32 v2, v63;
	(pc) =	sbr.rel @!p3 .LBB2_8-.Ltmp5, $4  }
0x250: {  	_ = 	snop  }
0x251: {  	v1 =	vadd.f32 v1, v2  }
0x252: {  	[tilespmem:$0x19E78] =	vst v0  }
0x253: {  	[tilespmem:$0x19DF8] =	vst v1  }
0x254: {  	s5 =	sadd.s32 s0, s29  }
0x255: {  	[spmem:s5] =	stream.linear.scatter [tilespmem:s26], [sflag:$0x3], $0x10, $0x38;
	[tilespmem:$0x1CB78] =	vst v63  }
0x256: {  	_ =	swait.ge [sflag:s6], $0x10  }
0x257: {  	[sflag:s6] =	ssyncset.done $0x0  }
0x258: {  	s7 =	simm.s32 @!p2 $0x19E78;
	s5 =	sadd.s32 @!p2 $0x80, s29;
	[sflag:s6] =	ssyncadd.s32 $0xFFFFFFF0  }
0x259: {  	[spmem:s5] =	stream.linear.scatter @!p2 [tilespmem:s7], [sflag:$0x3], $0x10, $0x38;
	[tilespmem:$0x1CB78] =	vst v63  }
.Ltmp6:
0x25a: {  	_ = 	snop;
	(pc) =	sbr.rel .LBB2_8-.Ltmp6, $4  }
0x25b: {  	s5 =	simm.s32 @!p2 $0x3  }
0x25c: {  	_ =	swait.ge @!p2 [sflag:s5], $0x10  }
0x25d: {  	[sflag:s5] =	ssyncset.done @!p2 $0x0  }
0x25e: {  	[sflag:s5] =	ssyncadd.s32 @!p2 $0xFFFFFFF0  }
.LBB2_9:
0x25f: {  	s1 =	simm.s32 $0x19F78;
	s0 =	rddreg [dreg:$0x9]  }
0x260: {  	[tilespmem:s1], [sflag:$0x3] =	stream.linear.gather [spmem:s0], $0x15F8, $0x38;
	[tilespmem:$0x1CB78] =	vst v63  }
0x261: {  	s0 =	simm.s32 $0x3  }
0x262: {  	_ =	swait.ge [sflag:s0], $0x15F8  }
0x263: {  	s3 =	sld [smem:$0x7F8]  }
0x264: {  	[sflag:s0] =	ssyncset.done $0x0  }
0x265: {  	s2 =	simm.s32 $0x0;
	[sflag:s0] =	ssyncadd.s32 $0xFFFFEA08  }
0x266: {  	[hbm4b:s3+s2] =	stream.linear.scatter [tilespmem:s1], [sflag:$0x1], $0x15F8, $0x38;
	[tilespmem:$0x1CB78] =	vst v63  }
0x267: {  	s4 =	rddreg [dreg:$0xa];
	s3 =	simm.s32 $0x1B570  }
0x268: {  	[tilespmem:s3], [sflag:$0x3] =	stream.linear.gather [spmem:s4], $0x15F8, $0x38;
	[tilespmem:$0x1CB78] =	vst v63  }
0x269: {  	_ =	swait.ge [sflag:s0], $0x15F8  }
0x26a: {  	[sflag:s0] =	ssyncset.done $0x0  }
0x26b: {  	s4 =	simm.s32 $0x1;
	[sflag:s0] =	ssyncadd.s32 $0xFFFFEA08  }
0x26c: {  	_ =	swait.ge [sflag:s4], $0x15F8  }
0x26d: {  	s5 =	sld [smem:$0x7F9]  }
0x26e: {  	[sflag:s4] =	ssyncset.done $0x0  }
0x26f: {  	[sflag:s4] =	ssyncadd.s32 $0xFFFFEA08  }
0x270: {  	[hbm4b:s5+s2] =	stream.linear.scatter [tilespmem:s3], [sflag:$0x2], $0x15F8, $0x38;
	[tilespmem:$0x1CB78] =	vst v63  }
0x271: {  	s26 =	rddreg [dreg:$0xb]  }
0x272: {  	[tilespmem:s1], [sflag:$0x3] =	stream.linear.gather [spmem:s26], $0x15F8, $0x38;
	[tilespmem:$0x1CB78] =	vst v63  }
0x273: {  	_ =	swait.ge [sflag:s0], $0x15F8  }
0x274: {  	[sflag:s0] =	ssyncset.done $0x0  }
0x275: {  	s5 =	simm.s32 $0x2;
	[sflag:s0] =	ssyncadd.s32 $0xFFFFEA08  }
0x276: {  	_ =	swait.ge [sflag:s5], $0x15F8  }
0x277: {  	s6 =	sld [smem:$0x7FA]  }
0x278: {  	[sflag:s5] =	ssyncset.done $0x0  }
0x279: {  	[sflag:s5] =	ssyncadd.s32 $0xFFFFEA08  }
0x27a: {  	[hbm4b:s6+s2] =	stream.linear.scatter [tilespmem:s1], [sflag:$0x1], $0x15F8, $0x38;
	[tilespmem:$0x1CB78] =	vst v63  }
0x27b: {  	s28 =	rddreg [dreg:$0xc]  }
0x27c: {  	[tilespmem:s3], [sflag:$0x3] =	stream.linear.gather [spmem:s28], $0x15F8, $0x38;
	[tilespmem:$0x1CB78] =	vst v63  }
0x27d: {  	_ =	swait.ge [sflag:s0], $0x15F8  }
0x27e: {  	[sflag:s0] =	ssyncset.done $0x0  }
0x27f: {  	[sflag:s0] =	ssyncadd.s32 $0xFFFFEA08  }
0x280: {  	_ =	swait.ge [sflag:s4], $0x15F8  }
0x281: {  	s29 =	sld [smem:$0x7FB]  }
0x282: {  	[sflag:s4] =	ssyncset.done $0x0  }
0x283: {  	[sflag:s4] =	ssyncadd.s32 $0xFFFFEA08  }
0x284: {  	[hbm4b:s29+s2] =	stream.linear.scatter [tilespmem:s3], [sflag:$0x2], $0x15F8, $0x38;
	[tilespmem:$0x1CB78] =	vst v63  }
0x285: {  	s30 =	rddreg [dreg:$0xd]  }
0x286: {  	[tilespmem:s1], [sflag:$0x3] =	stream.linear.gather [spmem:s30], $0x15F8, $0x38;
	[tilespmem:$0x1CB78] =	vst v63  }
0x287: {  	_ =	swait.ge [sflag:s0], $0x15F8  }
0x288: {  	[sflag:s0] =	ssyncset.done $0x0  }
0x289: {  	[sflag:s0] =	ssyncadd.s32 $0xFFFFEA08  }
0x28a: {  	_ =	swait.ge [sflag:s5], $0x15F8  }
0x28b: {  	s31 =	sld [smem:$0x7FC]  }
0x28c: {  	[sflag:s5] =	ssyncset.done $0x0  }
0x28d: {  	[sflag:s5] =	ssyncadd.s32 $0xFFFFEA08  }
0x28e: {  	[hbm4b:s31+s2] =	stream.linear.scatter [tilespmem:s1], [sflag:$0x1], $0x15F8, $0x38;
	[tilespmem:$0x1CB78] =	vst v63  }
0x28f: {  	s7 =	rddreg [dreg:$0xe]  }
0x290: {  	[tilespmem:s3], [sflag:$0x3] =	stream.linear.gather [spmem:s7], $0x15F8, $0x38;
	[tilespmem:$0x1CB78] =	vst v63  }
0x291: {  	_ =	swait.ge [sflag:s0], $0x15F8  }
0x292: {  	[sflag:s0] =	ssyncset.done $0x0  }
0x293: {  	[sflag:s0] =	ssyncadd.s32 $0xFFFFEA08  }
0x294: {  	_ =	swait.ge [sflag:s4], $0x15F8  }
0x295: {  	s8 =	sld [smem:$0x7FD]  }
0x296: {  	[sflag:s4] =	ssyncset.done $0x0  }
0x297: {  	[sflag:s4] =	ssyncadd.s32 $0xFFFFEA08  }
0x298: {  	[hbm4b:s8+s2] =	stream.linear.scatter [tilespmem:s3], [sflag:$0x2], $0x15F8, $0x38;
	[tilespmem:$0x1CB78] =	vst v63  }
0x299: {  	s9 =	rddreg [dreg:$0xf]  }
0x29a: {  	[tilespmem:s1], [sflag:$0x3] =	stream.linear.gather [spmem:s9], $0x15F8, $0x38;
	[tilespmem:$0x1CB78] =	vst v63  }
0x29b: {  	_ =	swait.ge [sflag:s0], $0x15F8  }
0x29c: {  	[sflag:s0] =	ssyncset.done $0x0  }
0x29d: {  	[sflag:s0] =	ssyncadd.s32 $0xFFFFEA08  }
0x29e: {  	_ =	swait.ge [sflag:s5], $0x15F8  }
0x29f: {  	[sflag:s5] =	ssyncset.done $0x0  }
0x2a0: {  	s10 =	rddreg [dreg:$0x1f];
	[sflag:s5] =	ssyncadd.s32 $0xFFFFEA08  }
0x2a1: {  	[hbm4b:s10+s2] =	stream.linear.scatter [tilespmem:s1], [sflag:$0x1], $0x15F8, $0x38;
	[tilespmem:$0x1CB78] =	vst v63  }
0x2a2: {  	s11 =	rddreg [dreg:$0x10]  }
0x2a3: {  	[tilespmem:s3], [sflag:$0x3] =	stream.linear.gather [spmem:s11], $0x15F8, $0x38;
	[tilespmem:$0x1CB78] =	vst v63  }
0x2a4: {  	_ =	swait.ge [sflag:s0], $0x15F8  }
0x2a5: {  	[sflag:s0] =	ssyncset.done $0x0  }
0x2a6: {  	[sflag:s0] =	ssyncadd.s32 $0xFFFFEA08  }
0x2a7: {  	_ =	swait.ge [sflag:s4], $0x15F8  }
0x2a8: {  	[sflag:s4] =	ssyncset.done $0x0  }
0x2a9: {  	s12 =	rddreg [dreg:$0x1e];
	[sflag:s4] =	ssyncadd.s32 $0xFFFFEA08  }
0x2aa: {  	[hbm4b:s12+s2] =	stream.linear.scatter [tilespmem:s3], [sflag:$0x2], $0x15F8, $0x38;
	[tilespmem:$0x1CB78] =	vst v63  }
0x2ab: {  	s13 =	rddreg [dreg:$0x11]  }
0x2ac: {  	[tilespmem:s1], [sflag:$0x3] =	stream.linear.gather [spmem:s13], $0x15F8, $0x38;
	[tilespmem:$0x1CB78] =	vst v63  }
0x2ad: {  	_ =	swait.ge [sflag:s0], $0x15F8  }
0x2ae: {  	[sflag:s0] =	ssyncset.done $0x0  }
0x2af: {  	[sflag:s0] =	ssyncadd.s32 $0xFFFFEA08  }
0x2b0: {  	_ =	swait.ge [sflag:s5], $0x15F8  }
0x2b1: {  	[sflag:s5] =	ssyncset.done $0x0  }
0x2b2: {  	s16 =	rddreg [dreg:$0x1d];
	[sflag:s5] =	ssyncadd.s32 $0xFFFFEA08  }
0x2b3: {  	[hbm4b:s16+s2] =	stream.linear.scatter [tilespmem:s1], [sflag:$0x1], $0x15F8, $0x38;
	[tilespmem:$0x1CB78] =	vst v63  }
0x2b4: {  	s18 =	rddreg [dreg:$0x12]  }
0x2b5: {  	[tilespmem:s3], [sflag:$0x3] =	stream.linear.gather [spmem:s18], $0x15F8, $0x38;
	[tilespmem:$0x1CB78] =	vst v63  }
0x2b6: {  	_ =	swait.ge [sflag:s0], $0x15F8  }
0x2b7: {  	[sflag:s0] =	ssyncset.done $0x0  }
0x2b8: {  	[sflag:s0] =	ssyncadd.s32 $0xFFFFEA08  }
0x2b9: {  	_ =	swait.ge [sflag:s4], $0x15F8  }
0x2ba: {  	[sflag:s4] =	ssyncset.done $0x0  }
0x2bb: {  	s19 =	rddreg [dreg:$0x1c];
	[sflag:s4] =	ssyncadd.s32 $0xFFFFEA08  }
0x2bc: {  	[hbm4b:s19+s2] =	stream.linear.scatter [tilespmem:s3], [sflag:$0x2], $0x15F8, $0x38;
	[tilespmem:$0x1CB78] =	vst v63  }
0x2bd: {  	s20 =	rddreg [dreg:$0x13]  }
0x2be: {  	[tilespmem:s1], [sflag:$0x3] =	stream.linear.gather [spmem:s20], $0x15F8, $0x38;
	[tilespmem:$0x1CB78] =	vst v63  }
0x2bf: {  	_ =	swait.ge [sflag:s0], $0x15F8  }
0x2c0: {  	[sflag:s0] =	ssyncset.done $0x0  }
0x2c1: {  	[sflag:s0] =	ssyncadd.s32 $0xFFFFEA08  }
0x2c2: {  	_ =	swait.ge [sflag:s5], $0x15F8  }
0x2c3: {  	[sflag:s5] =	ssyncset.done $0x0  }
0x2c4: {  	s23 =	rddreg [dreg:$0x1b];
	[sflag:s5] =	ssyncadd.s32 $0xFFFFEA08  }
0x2c5: {  	[hbm4b:s23+s2] =	stream.linear.scatter [tilespmem:s1], [sflag:$0x1], $0x15F8, $0x38;
	[tilespmem:$0x1CB78] =	vst v63  }
0x2c6: {  	s24 =	rddreg [dreg:$0x14]  }
0x2c7: {  	[tilespmem:s3], [sflag:$0x3] =	stream.linear.gather [spmem:s24], $0x15F8, $0x38;
	[tilespmem:$0x1CB78] =	vst v63  }
0x2c8: {  	_ =	swait.ge [sflag:s0], $0x15F8  }
0x2c9: {  	[sflag:s0] =	ssyncset.done $0x0  }
0x2ca: {  	[sflag:s0] =	ssyncadd.s32 $0xFFFFEA08  }
0x2cb: {  	_ =	swait.ge [sflag:s4], $0x15F8  }
0x2cc: {  	[sflag:s4] =	ssyncset.done $0x0  }
0x2cd: {  	s25 =	rddreg [dreg:$0x1a];
	[sflag:s4] =	ssyncadd.s32 $0xFFFFEA08  }
0x2ce: {  	[hbm4b:s25+s2] =	stream.linear.scatter [tilespmem:s3], [sflag:$0x2], $0x15F8, $0x38;
	[tilespmem:$0x1CB78] =	vst v63  }
0x2cf: {  	s26 =	rddreg [dreg:$0x15]  }
0x2d0: {  	[tilespmem:s1], [sflag:$0x3] =	stream.linear.gather [spmem:s26], $0x15F8, $0x38;
	[tilespmem:$0x1CB78] =	vst v63  }
0x2d1: {  	_ =	swait.ge [sflag:s0], $0x15F8  }
0x2d2: {  	[sflag:s0] =	ssyncset.done $0x0  }
0x2d3: {  	[sflag:s0] =	ssyncadd.s32 $0xFFFFEA08  }
0x2d4: {  	_ =	swait.ge [sflag:s5], $0x15F8  }
0x2d5: {  	[sflag:s5] =	ssyncset.done $0x0  }
0x2d6: {  	[sflag:s5] =	ssyncadd.s32 $0xFFFFEA08  }
0x2d7: {  	[hbm4b:s22+s2] =	stream.linear.scatter [tilespmem:s1], [sflag:$0x1], $0x15F8, $0x38;
	[tilespmem:$0x1CB78] =	vst v63  }
0x2d8: {  	s28 =	rddreg [dreg:$0x16]  }
0x2d9: {  	[tilespmem:s3], [sflag:$0x3] =	stream.linear.gather [spmem:s28], $0x15F8, $0x38;
	[tilespmem:$0x1CB78] =	vst v63  }
0x2da: {  	_ =	swait.ge [sflag:s0], $0x15F8  }
0x2db: {  	[sflag:s0] =	ssyncset.done $0x0  }
0x2dc: {  	[sflag:s0] =	ssyncadd.s32 $0xFFFFEA08  }
0x2dd: {  	_ =	swait.ge [sflag:s4], $0x15F8  }
0x2de: {  	[sflag:s4] =	ssyncset.done $0x0  }
0x2df: {  	[sflag:s4] =	ssyncadd.s32 $0xFFFFEA08  }
0x2e0: {  	[hbm4b:s21+s2] =	stream.linear.scatter [tilespmem:s3], [sflag:$0x2], $0x15F8, $0x38;
	[tilespmem:$0x1CB78] =	vst v63  }
0x2e1: {  	s29 =	rddreg [dreg:$0x17]  }
0x2e2: {  	[tilespmem:s1], [sflag:$0x3] =	stream.linear.gather [spmem:s29], $0x15F8, $0x38;
	[tilespmem:$0x1CB78] =	vst v63  }
0x2e3: {  	_ =	swait.ge [sflag:s0], $0x15F8  }
0x2e4: {  	[sflag:s0] =	ssyncset.done $0x0  }
0x2e5: {  	[sflag:s0] =	ssyncadd.s32 $0xFFFFEA08  }
0x2e6: {  	_ =	swait.ge [sflag:s5], $0x15F8  }
0x2e7: {  	[sflag:s5] =	ssyncset.done $0x0  }
0x2e8: {  	[sflag:s5] =	ssyncadd.s32 $0xFFFFEA08  }
0x2e9: {  	[hbm4b:s17+s2] =	stream.linear.scatter [tilespmem:s1], [sflag:$0x1], $0x15F8, $0x38;
	[tilespmem:$0x1CB78] =	vst v63  }
0x2ea: {  	s30 =	rddreg [dreg:$0x18]  }
0x2eb: {  	[tilespmem:s3], [sflag:$0x3] =	stream.linear.gather [spmem:s30], $0x15F8, $0x38;
	[tilespmem:$0x1CB78] =	vst v63  }
0x2ec: {  	_ =	swait.ge [sflag:s0], $0x15F8  }
0x2ed: {  	[sflag:s0] =	ssyncset.done $0x0  }
0x2ee: {  	[sflag:s0] =	ssyncadd.s32 $0xFFFFEA08  }
0x2ef: {  	_ =	swait.ge [sflag:s4], $0x15F8  }
0x2f0: {  	[sflag:s4] =	ssyncset.done $0x0  }
0x2f1: {  	[sflag:s4] =	ssyncadd.s32 $0xFFFFEA08  }
0x2f2: {  	[hbm4b:s15+s2] =	stream.linear.scatter [tilespmem:s3], [sflag:$0x2], $0x15F8, $0x38;
	[tilespmem:$0x1CB78] =	vst v63  }
0x2f3: {  	_ =	swait.ge [sflag:s5], $0x15F8  }
0x2f4: {  	[sflag:s5] =	ssyncset.done $0x0  }
0x2f5: {  	s31 =	rddreg [dreg:$0x19];
	[sflag:s5] =	ssyncadd.s32 $0xFFFFEA08  }
0x2f6: {  	[tilespmem:s1], [sflag:$0x3] =	stream.linear.gather [spmem:s31], $0x10, $0x38;
	[tilespmem:$0x1CB78] =	vst v63  }
0x2f7: {  	_ =	swait.ge [sflag:s0], $0x10  }
0x2f8: {  	[sflag:s0] =	ssyncset.done $0x0  }
0x2f9: {  	[sflag:s0] =	ssyncadd.s32 $0xFFFFFFF0  }
0x2fa: {  	[hbm4b:s14+s2] =	stream.linear.scatter [tilespmem:s1], [sflag:$0x3], $0x10, $0x38;
	[tilespmem:$0x1CB78] =	vst v63  }
0x2fb: {  	_ =	swait.ge [sflag:s0], $0x10  }
0x2fc: {  	[sflag:s0] =	ssyncset.done $0x0  }
0x2fd: {  	[sflag:s0] =	ssyncadd.s32 $0xFFFFFFF0  }
0x2fe: {  	s5 =	rddreg [dreg:$0x8]  }
.LBB2_10:
0x2ff: {  	_ =	sfence.sel $0x180000  }
0x300: {  	[bflag:$0x0] =	sbarrier.arrive $0xFFFF  }
0x301: {  	_ =	strace $0x90000047  }
0x302: {  	s0 =	sadd.s32 @!p0 $0x100000, s5;
	[bflag:$0x2] =	sbarrier.arrive $0xFFFF  }
0x303: {  	[sflag:s0] =	ssyncadd.tile.s32 @!p0 $0x1;
	_ =	shalt  }
.Lfunc_end2:
_tile_overlayer_lowered:
.L_overlay_start_2:
0x304: {  	(tag) =	ssettag $0x2  }
0x305: {  	s0 =	rddreg [dreg:$0x0];
	s2 =	stileid.u32  }
0x306: {  	s1 =	rddreg [dreg:$0x1];
	p0 =	sne.s32 s2, $0x0  }
0x307: {  	s3 =	rddreg [dreg:$0x2];
	[bflag:$0x3] =	sbarrier.arrive $0xFFFF;
	s2 =	simm.s32 @!p0 $0x1C03  }
0x308: {  	[timem:s3], [sflag:s2] =	dma.local @!p0 [hbm:s0], s1  }
0x309: {  	s0 =	simm.s32 @!p0 $0x3  }
0x30a: {  	_ =	swait.ge @!p0 [sflag:s0], s1  }
0x30b: {  	s1 =	ssub.s32 @!p0 $0x0, s1;
	[sflag:s0] =	ssyncset.done @!p0 $0x0  }
0x30c: {  	[sflag:s0] =	ssyncadd.s32 @!p0 s1  }
0x30d: {  	[bflag:$0x3] =	sbarrier.arrive $0xFFFF  }
0x30e: {  	_ =	shalt  }

</sc_bundles>
